<compile_context>
chip_gen: v7x
topology: tpu7x:2x2x1
jax: 0.10.2.dev20260603
libtpu: 0.0.44.dev20260713+nightly
codegen_flags: <defaults>
</compile_context>

<pallas_src>
import functools

import jax
import jax.numpy as jnp
from jax import lax
from jax.experimental import pallas as pl
from jax.experimental.pallas import tpu as pltpu
from jax.experimental.pallas import tpu_sc as plsc

_N = 10000
_NP = 10240
_E = 320000
_CH = 128
_NCH = _E // _CH
_NC = 2
_NS = 16
_NW = _NC * _NS
_D = 128
_K2 = 16
_BM = 2048
_RPT = _NP // _NS

_NB = 80
_EP = _NW * _NB * _CH

_f32 = jnp.float32
_HIGH = jax.lax.Precision.HIGHEST


def _sc_mesh():
  return plsc.VectorSubcoreMesh(core_axis_name="c", subcore_axis_name="s")


def _make_segsum_kernel(k, stage_p, ch):
  stage_scratch = [pltpu.VMEM_SHARED((_NP, k), _f32)] if stage_p else []
  nb = _EP // (_NW * ch)

  @functools.partial(
      pl.kernel,
      out_type=jax.ShapeDtypeStruct((2 * _NP, k), _f32),
      mesh=_sc_mesh(),
      compiler_params=pltpu.CompilerParams(use_tc_tiling_on_sc=False),
      scratch_types=[
          pltpu.VMEM_SHARED((_NP, k), _f32),
          *stage_scratch,
          pltpu.VMEM((6, ch), jnp.int32),
          pltpu.VMEM((nb, ch), jnp.int32),
          pltpu.VMEM((4, ch, k), _f32),
          pltpu.SemaphoreType.DMA((6,)),
          pltpu.SemaphoreType.DMA((1,)),
          pltpu.SemaphoreType.DMA((4,)),
          pltpu.SemaphoreType.DMA((4,)),
      ],
  )
  def segsum_kernel(p, src2, dst2, zeros2, out, acc, *rest):
    if stage_p:
      pstage, srcv, dstv, rows, sr, si, sg, ss = rest
    else:
      srcv, dstv, rows, sr, si, sg, ss = rest
      pstage = p
    c = lax.axis_index("c")
    s = lax.axis_index("s")
    wid = s * _NC + c

    cd = pltpu.async_copy(dst2.at[wid], dstv, si.at[0])
    for j in range(5):
      pltpu.async_copy(src2.at[wid, j], srcv.at[j], sr.at[j])
    pltpu.sync_copy(zeros2.at[pl.ds(s * _RPT, _RPT)],
                    acc.at[pl.ds(s * _RPT, _RPT)])
    if stage_p:
      pltpu.sync_copy(p.at[pl.ds(s * _RPT, _RPT)],
                      pstage.at[pl.ds(s * _RPT, _RPT)])
    cd.wait()
    plsc.subcore_barrier()

    for j in range(3):
      pltpu.make_async_copy(src2.at[wid, 0], srcv.at[j], sr.at[j]).wait()
      pltpu.async_copy(pstage.at[srcv.at[j]], rows.at[j], sg.at[j])

    def body(t, carry):
      b = lax.rem(t, 4)

      @pl.when(t + 5 < nb)
      def _():
        jn = lax.rem(t + 5, 6)
        pltpu.async_copy(src2.at[wid, t + 5], srcv.at[jn], sr.at[jn])

      pltpu.make_async_copy(pstage.at[srcv.at[0]], rows.at[b], sg.at[b]).wait()
      pltpu.async_copy(rows.at[b], acc.at[dstv.at[t]], ss.at[b], add=True)

      @pl.when(t + 3 < nb)
      def _():
        bn = lax.rem(t + 3, 4)

        @pl.when(t >= 1)
        def _():
          pltpu.make_async_copy(rows.at[bn], acc.at[dstv.at[0]],
                                ss.at[bn]).wait()
        jn = lax.rem(t + 3, 6)
        pltpu.make_async_copy(src2.at[wid, 0], srcv.at[jn], sr.at[jn]).wait()
        pltpu.async_copy(pstage.at[srcv.at[jn]], rows.at[bn], sg.at[bn])
      return carry

    lax.fori_loop(0, nb, body, 0)
    for b in range(4):
      pltpu.make_async_copy(rows.at[b], acc.at[dstv.at[0]], ss.at[b]).wait()
    plsc.subcore_barrier()

    pltpu.sync_copy(acc.at[pl.ds(s * _RPT, _RPT)],
                    out.at[pl.ds(c * _NP + s * _RPT, _RPT)])

  return segsum_kernel


def _tc_first_body(do0_ref, do1_ref, di0_ref, di1_ref, x_ref, w_ref,
                   norm2_ref, out_ref):
  do = jnp.sum(do0_ref[...] + do1_ref[...], axis=-1) * (1.0 / _K2)
  di = jnp.sum(di0_ref[...] + di1_ref[...], axis=-1) * (1.0 / _K2)
  norm_o = lax.rsqrt(jnp.maximum(do, 1.0))
  norm2_ref[0, :] = norm_o
  norm2_ref[1, :] = lax.rsqrt(jnp.maximum(di, 1.0))
  t = jnp.dot(x_ref[...], w_ref[...], preferred_element_type=_f32,
              precision=_HIGH)
  out_ref[...] = t * norm_o[:, None]


def _tc_mid_body(norm2_ref, a0_ref, a1_ref, b_ref, w_ref, out_ref):
  norm_o = norm2_ref[0, :]
  norm_i = norm2_ref[1, :]
  agg = a0_ref[...] + a1_ref[...]
  h = jnp.maximum(agg * norm_i[:, None] + b_ref[0, :], 0.0)
  t = jnp.dot(h, w_ref[...], preferred_element_type=_f32, precision=_HIGH)
  out_ref[...] = t * norm_o[:, None]


def _tc_last_body(norm2_ref, a0_ref, a1_ref, b_ref, out_ref):
  norm_i = norm2_ref[1, :]
  agg = a0_ref[...] + a1_ref[...]
  out_ref[...] = agg * norm_i[:, None] + b_ref[0, :]


_GRID = (_NP // _BM,)


def _deg_spec():
  return pl.BlockSpec((2, _BM), lambda i: (0, i))


def _row_spec(kw):
  return pl.BlockSpec((_BM, kw), lambda i: (i, 0))


def _partial_specs(kw):
  return [pl.BlockSpec((_BM, kw), lambda i: (i, 0)),
          pl.BlockSpec((_BM, kw), lambda i: (i + _NP // _BM, 0))]


def _full_spec(shape):
  return pl.BlockSpec(shape, lambda i: tuple(0 for _ in shape))


def _tc_first(dego, degi, x, w):
  sp = _partial_specs(_K2)
  return pl.pallas_call(
      _tc_first_body,
      grid=_GRID,
      in_specs=[sp[0], sp[1], sp[0], sp[1], _row_spec(_D), _full_spec(w.shape)],
      out_specs=[pl.BlockSpec((2, _BM), lambda i: (0, i)),
                 _row_spec(w.shape[1])],
      out_shape=[jax.ShapeDtypeStruct((2, _NP), _f32),
                 jax.ShapeDtypeStruct((_NP, w.shape[1]), _f32)],
  )(dego, dego, degi, degi, x, w)


def _tc_mid(deg4, a, b, w):
  kin, kout = w.shape
  s0, s1 = _partial_specs(kin)
  return pl.pallas_call(
      _tc_mid_body,
      grid=_GRID,
      in_specs=[_deg_spec(), s0, s1, _full_spec((1, kin)), _full_spec(w.shape)],
      out_specs=_row_spec(kout),
      out_shape=jax.ShapeDtypeStruct((_NP, kout), _f32),
  )(deg4, a, a, b, w)


def _tc_last(deg4, a, b):
  kin = a.shape[1]
  s0, s1 = _partial_specs(kin)
  return pl.pallas_call(
      _tc_last_body,
      grid=_GRID,
      in_specs=[_deg_spec(), s0, s1, _full_spec((1, kin))],
      out_specs=_row_spec(kin),
      out_shape=jax.ShapeDtypeStruct((_NP, kin), _f32),
  )(deg4, a, a, b)


def kernel(x, edge_index, W1, b1, W2, b2, W3, b3, W4, b4):
  pad_idx = (_N + (jnp.arange(_EP - _E, dtype=jnp.int32) % (_NP - _N)))
  srcf = jnp.concatenate([edge_index[0].astype(jnp.int32), pad_idx])
  dstf = jnp.concatenate([edge_index[1].astype(jnp.int32), pad_idx])
  src_w = srcf.reshape(_NW, -1, 64)
  dst_w = dstf.reshape(_NW, -1, 64)
  src_n = srcf.reshape(_NW, -1, _CH)
  dst_n = dstf.reshape(_NW, -1, _CH)
  x_pad = jnp.pad(x, ((0, _NP - _N), (0, 0)))

  zeros_d = jnp.zeros((_NP, _D), _f32)
  zeros_k2 = jnp.zeros((_NP, _K2), _f32)

  W3p = jnp.pad(W3, ((0, 0), (0, _K2 - W3.shape[1])))
  b3p = jnp.pad(b3, (0, _K2 - b3.shape[0]))
  W4p = jnp.pad(W4, ((0, _K2 - W4.shape[0]), (0, 0)))

  seg_d = _make_segsum_kernel(_D, stage_p=False, ch=64)
  seg_k2 = _make_segsum_kernel(_K2, stage_p=True, ch=_CH)

  ones16 = jnp.ones((_NP, _K2), _f32)
  dego = seg_k2(ones16, dst_n, src_n, zeros_k2)
  degi = seg_k2(ones16, src_n, dst_n, zeros_k2)
  deg4, p1 = _tc_first(dego, degi, x_pad, W1)
  a1 = seg_d(p1, src_w, dst_w, zeros_d)
  p2 = _tc_mid(deg4, a1, b1.reshape(1, -1), W2)
  a2 = seg_d(p2, src_w, dst_w, zeros_d)
  p3 = _tc_mid(deg4, a2, b2.reshape(1, -1), W3p)
  a3 = seg_k2(p3, src_n, dst_n, zeros_k2)
  p4 = _tc_mid(deg4, a3, b3p.reshape(1, -1), W4p)
  a4 = seg_k2(p4, src_n, dst_n, zeros_k2)
  out = _tc_last(deg4, a4, b4.reshape(1, -1))

  return out[:_N]

# --- scband reference (transcript-rebuilt; emitter-appended) ---
"""Pipeline reference for scband-gcn-29841432772754 (READ-ONLY COPY).

The authoritative reference and input builder live on the scoring server;
editing this copy changes nothing except your own understanding.
"""

import jax, jax.numpy as jnp
import numpy as np

N = 10000
E = 320000
D_IN = 128
HIDDEN = 128
MID = 9
NUM_CLASSES = 16


def setup_inputs(seed: int = 0) -> dict:
    key = jax.random.key(seed)
    ks = jax.random.split(key, 12)
    x = jax.random.normal(ks[0], (N, D_IN), dtype=jnp.float32)
    edge_index = jax.random.randint(ks[1], (2, E), 0, N)
    W1 = jax.random.normal(ks[2], (D_IN, HIDDEN), dtype=jnp.float32) * (1.0 / np.sqrt(D_IN))
    b1 = jnp.zeros((HIDDEN,), dtype=jnp.float32)
    W2 = jax.random.normal(ks[3], (HIDDEN, HIDDEN), dtype=jnp.float32) * (1.0 / np.sqrt(HIDDEN))
    b2 = jnp.zeros((HIDDEN,), dtype=jnp.float32)
    W3 = jax.random.normal(ks[4], (HIDDEN, MID), dtype=jnp.float32) * (1.0 / np.sqrt(HIDDEN))
    b3 = jnp.zeros((MID,), dtype=jnp.float32)
    W4 = jax.random.normal(ks[5], (MID, NUM_CLASSES), dtype=jnp.float32) * (1.0 / np.sqrt(MID))
    b4 = jnp.zeros((NUM_CLASSES,), dtype=jnp.float32)
    return {"x": x, "edge_index": edge_index, "W1": W1, "b1": b1, "W2": W2, "b2": b2, "W3": W3, "b3": b3, "W4": W4, "b4": b4}


def _graph_conv(h, W, b, src, dst):
    # DGL GraphConv with norm='both': out = D_in^{-1/2} A D_out^{-1/2} h W + b
    ones = jnp.ones((E,), dtype=jnp.float32)
    deg_out = jax.ops.segment_sum(ones, src, num_segments=N)
    deg_in = jax.ops.segment_sum(ones, dst, num_segments=N)
    norm_out = jax.lax.rsqrt(jnp.clip(deg_out, 1.0, None))
    norm_in = jax.lax.rsqrt(jnp.clip(deg_in, 1.0, None))
    h = h * norm_out[:, None]
    msgs = jnp.take(h, src, axis=0)
    agg = jax.ops.segment_sum(msgs, dst, num_segments=N)
    agg = agg * norm_in[:, None]
    return agg @ W + b


def reference(x, edge_index, W1, b1, W2, b2, W3, b3, W4, b4):
    src = edge_index[0]
    dst = edge_index[1]
    h = jax.nn.relu(_graph_conv(x, W1, b1, src, dst))
    h = jax.nn.relu(_graph_conv(h, W2, b2, src, dst))
    h = jax.nn.relu(_graph_conv(h, W3, b3, src, dst))
    h = _graph_conv(h, W4, b4, src, dst)
    return h

if __name__ == "__main__":
    import jax
    _d = setup_inputs()
    print(jax.jit(kernel)(*tuple(_d.values())))

</pallas_src>

<mosaic_0001>
#map = affine_map<(d0, d1) -> (0, 0)>
#map1 = affine_map<(d0, d1) -> (0, 0, 0)>
module attributes {stable_mosaic.version = 14 : i64} {
  func.func @segsum_kernel(%arg0: i32, %arg1: i32, %arg2: memref<10240x16xf32, #tpu.memory_space<hbm>>, %arg3: memref<32x80x128xi32, #tpu.memory_space<hbm>>, %arg4: memref<32x80x128xi32, #tpu.memory_space<hbm>>, %arg5: memref<10240x16xf32, #tpu.memory_space<hbm>>, %arg6: memref<20480x16xf32, #tpu.memory_space<hbm>>, %arg7: memref<10240x16xf32, #tpu.memory_space<vmem_shared>>, %arg8: memref<10240x16xf32, #tpu.memory_space<vmem_shared>>, %arg9: memref<6x128xi32, #tpu.memory_space<vmem>>, %arg10: memref<80x128xi32, #tpu.memory_space<vmem>>, %arg11: memref<4x128x16xf32, #tpu.memory_space<vmem>>, %arg12: memref<6x!tpu.dma_semaphore, #tpu.memory_space<semaphore_mem>>, %arg13: memref<1x!tpu.dma_semaphore, #tpu.memory_space<semaphore_mem>>, %arg14: memref<4x!tpu.dma_semaphore, #tpu.memory_space<semaphore_mem>>, %arg15: memref<4x!tpu.dma_semaphore, #tpu.memory_space<semaphore_mem>>) attributes {dimension_semantics = [#tpu.dimension_semantics<core_parallel>, #tpu.dimension_semantics<subcore_parallel>], iteration_bounds = array<i64: 2, 16>, scalar_prefetch = 0 : i64, scratch_operands = 9 : i64, tpu.core_type = #tpu.core_type<sc_vector_subcore>, window_params = [{transform_indices = #map}, {transform_indices = #map1}, {transform_indices = #map1}, {transform_indices = #map}, {transform_indices = #map}]} {
    %mul3A = arith.constant 2 : i32
    %mul3A_0 = arith.muli %arg1, %mul3A : i32
    %add3A = arith.addi %mul3A_0, %arg0 : i32
    %dma_start3A = arith.constant 0 : i32
    %dma_start3A_1 = arith.constant 0 : i32
    %dma_start3A_2 = arith.constant 0 : i32
    %dma_start3A_3 = tpu.memref_slice %arg4[%add3A, %dma_start3A_1, %dma_start3A_2] : memref<32x80x128xi32, #tpu.memory_space<hbm>> -> memref<1x80x128xi32, #tpu.memory_space<hbm>>
    %dma_start3A_4 = tpu.memref_squeeze %dma_start3A_3 : memref<1x80x128xi32, #tpu.memory_space<hbm>> -> memref<80x128xi32, #tpu.memory_space<hbm>>
    %dma_start3A_5 = tpu.memref_slice %arg13[%dma_start3A] : memref<1x!tpu.dma_semaphore, #tpu.memory_space<semaphore_mem>> -> memref<1x!tpu.dma_semaphore, #tpu.memory_space<semaphore_mem>>
    %dma_start3A_6 = tpu.memref_squeeze %dma_start3A_5 : memref<1x!tpu.dma_semaphore, #tpu.memory_space<semaphore_mem>> -> memref<!tpu.dma_semaphore, #tpu.memory_space<semaphore_mem>>
    %dma_start3A_7 = arith.constant 0 : i32
    %dma_start3A_8 = arith.constant 0 : i32
    %dma_start3A_9 = tpu.memref_slice %arg4[%add3A, %dma_start3A_7, %dma_start3A_8] : memref<32x80x128xi32, #tpu.memory_space<hbm>> -> memref<1x80x128xi32, #tpu.memory_space<hbm>>
    %dma_start3A_10 = tpu.memref_squeeze %dma_start3A_9 : memref<1x80x128xi32, #tpu.memory_space<hbm>> -> memref<80x128xi32, #tpu.memory_space<hbm>>
    tpu.enqueue_dma source(%dma_start3A_10 : memref<80x128xi32, #tpu.memory_space<hbm>>) target(%arg10 : memref<80x128xi32, #tpu.memory_space<vmem>>) target_semaphore(%dma_start3A_6 : memref<!tpu.dma_semaphore, #tpu.memory_space<semaphore_mem>>)
    %dma_start3A_11 = arith.constant 0 : i32
    %dma_start3A_12 = arith.constant 0 : i32
    %dma_start3A_13 = arith.constant 0 : i32
    %dma_start3A_14 = arith.constant 0 : i32
    %dma_start3A_15 = tpu.memref_slice %arg9[%dma_start3A_12, %dma_start3A_14] : memref<6x128xi32, #tpu.memory_space<vmem>> -> memref<1x128xi32, #tpu.memory_space<vmem>>
    %dma_start3A_16 = tpu.memref_squeeze %dma_start3A_15 : memref<1x128xi32, #tpu.memory_space<vmem>> -> memref<128xi32, #tpu.memory_space<vmem>>
    %dma_start3A_17 = arith.constant 0 : i32
    %dma_start3A_18 = tpu.memref_slice %arg3[%add3A, %dma_start3A_11, %dma_start3A_17] : memref<32x80x128xi32, #tpu.memory_space<hbm>> -> memref<1x1x128xi32, #tpu.memory_space<hbm>>
    %dma_start3A_19 = tpu.memref_squeeze %dma_start3A_18 : memref<1x1x128xi32, #tpu.memory_space<hbm>> -> memref<128xi32, #tpu.memory_space<hbm>>
    %dma_start3A_20 = tpu.memref_slice %arg12[%dma_start3A_13] : memref<6x!tpu.dma_semaphore, #tpu.memory_space<semaphore_mem>> -> memref<1x!tpu.dma_semaphore, #tpu.memory_space<semaphore_mem>>
    %dma_start3A_21 = tpu.memref_squeeze %dma_start3A_20 : memref<1x!tpu.dma_semaphore, #tpu.memory_space<semaphore_mem>> -> memref<!tpu.dma_semaphore, #tpu.memory_space<semaphore_mem>>
    %dma_start3A_22 = arith.constant 0 : i32
    %dma_start3A_23 = tpu.memref_slice %arg9[%dma_start3A_12, %dma_start3A_22] : memref<6x128xi32, #tpu.memory_space<vmem>> -> memref<1x128xi32, #tpu.memory_space<vmem>>
    %dma_start3A_24 = tpu.memref_squeeze %dma_start3A_23 : memref<1x128xi32, #tpu.memory_space<vmem>> -> memref<128xi32, #tpu.memory_space<vmem>>
    %dma_start3A_25 = arith.constant 0 : i32
    %dma_start3A_26 = tpu.memref_slice %arg3[%add3A, %dma_start3A_11, %dma_start3A_25] : memref<32x80x128xi32, #tpu.memory_space<hbm>> -> memref<1x1x128xi32, #tpu.memory_space<hbm>>
    %dma_start3A_27 = tpu.memref_squeeze %dma_start3A_26 : memref<1x1x128xi32, #tpu.memory_space<hbm>> -> memref<128xi32, #tpu.memory_space<hbm>>
    tpu.enqueue_dma source(%dma_start3A_27 : memref<128xi32, #tpu.memory_space<hbm>>) target(%dma_start3A_24 : memref<128xi32, #tpu.memory_space<vmem>>) target_semaphore(%dma_start3A_21 : memref<!tpu.dma_semaphore, #tpu.memory_space<semaphore_mem>>)
    %dma_start3A_28 = arith.constant 1 : i32
    %dma_start3A_29 = arith.constant 1 : i32
    %dma_start3A_30 = arith.constant 1 : i32
    %dma_start3A_31 = arith.constant 0 : i32
    %dma_start3A_32 = tpu.memref_slice %arg9[%dma_start3A_29, %dma_start3A_31] : memref<6x128xi32, #tpu.memory_space<vmem>> -> memref<1x128xi32, #tpu.memory_space<vmem>>
    %dma_start3A_33 = tpu.memref_squeeze %dma_start3A_32 : memref<1x128xi32, #tpu.memory_space<vmem>> -> memref<128xi32, #tpu.memory_space<vmem>>
    %dma_start3A_34 = arith.constant 0 : i32
    %dma_start3A_35 = tpu.memref_slice %arg3[%add3A, %dma_start3A_28, %dma_start3A_34] : memref<32x80x128xi32, #tpu.memory_space<hbm>> -> memref<1x1x128xi32, #tpu.memory_space<hbm>>
    %dma_start3A_36 = tpu.memref_squeeze %dma_start3A_35 : memref<1x1x128xi32, #tpu.memory_space<hbm>> -> memref<128xi32, #tpu.memory_space<hbm>>
    %dma_start3A_37 = tpu.memref_slice %arg12[%dma_start3A_30] : memref<6x!tpu.dma_semaphore, #tpu.memory_space<semaphore_mem>> -> memref<1x!tpu.dma_semaphore, #tpu.memory_space<semaphore_mem>>
    %dma_start3A_38 = tpu.memref_squeeze %dma_start3A_37 : memref<1x!tpu.dma_semaphore, #tpu.memory_space<semaphore_mem>> -> memref<!tpu.dma_semaphore, #tpu.memory_space<semaphore_mem>>
    %dma_start3A_39 = arith.constant 0 : i32
    %dma_start3A_40 = tpu.memref_slice %arg9[%dma_start3A_29, %dma_start3A_39] : memref<6x128xi32, #tpu.memory_space<vmem>> -> memref<1x128xi32, #tpu.memory_space<vmem>>
    %dma_start3A_41 = tpu.memref_squeeze %dma_start3A_40 : memref<1x128xi32, #tpu.memory_space<vmem>> -> memref<128xi32, #tpu.memory_space<vmem>>
    %dma_start3A_42 = arith.constant 0 : i32
    %dma_start3A_43 = tpu.memref_slice %arg3[%add3A, %dma_start3A_28, %dma_start3A_42] : memref<32x80x128xi32, #tpu.memory_space<hbm>> -> memref<1x1x128xi32, #tpu.memory_space<hbm>>
    %dma_start3A_44 = tpu.memref_squeeze %dma_start3A_43 : memref<1x1x128xi32, #tpu.memory_space<hbm>> -> memref<128xi32, #tpu.memory_space<hbm>>
    tpu.enqueue_dma source(%dma_start3A_44 : memref<128xi32, #tpu.memory_space<hbm>>) target(%dma_start3A_41 : memref<128xi32, #tpu.memory_space<vmem>>) target_semaphore(%dma_start3A_38 : memref<!tpu.dma_semaphore, #tpu.memory_space<semaphore_mem>>)
    %dma_start3A_45 = arith.constant 2 : i32
    %dma_start3A_46 = arith.constant 2 : i32
    %dma_start3A_47 = arith.constant 2 : i32
    %dma_start3A_48 = arith.constant 0 : i32
    %dma_start3A_49 = tpu.memref_slice %arg9[%dma_start3A_46, %dma_start3A_48] : memref<6x128xi32, #tpu.memory_space<vmem>> -> memref<1x128xi32, #tpu.memory_space<vmem>>
    %dma_start3A_50 = tpu.memref_squeeze %dma_start3A_49 : memref<1x128xi32, #tpu.memory_space<vmem>> -> memref<128xi32, #tpu.memory_space<vmem>>
    %dma_start3A_51 = arith.constant 0 : i32
    %dma_start3A_52 = tpu.memref_slice %arg3[%add3A, %dma_start3A_45, %dma_start3A_51] : memref<32x80x128xi32, #tpu.memory_space<hbm>> -> memref<1x1x128xi32, #tpu.memory_space<hbm>>
    %dma_start3A_53 = tpu.memref_squeeze %dma_start3A_52 : memref<1x1x128xi32, #tpu.memory_space<hbm>> -> memref<128xi32, #tpu.memory_space<hbm>>
    %dma_start3A_54 = tpu.memref_slice %arg12[%dma_start3A_47] : memref<6x!tpu.dma_semaphore, #tpu.memory_space<semaphore_mem>> -> memref<1x!tpu.dma_semaphore, #tpu.memory_space<semaphore_mem>>
    %dma_start3A_55 = tpu.memref_squeeze %dma_start3A_54 : memref<1x!tpu.dma_semaphore, #tpu.memory_space<semaphore_mem>> -> memref<!tpu.dma_semaphore, #tpu.memory_space<semaphore_mem>>
    %dma_start3A_56 = arith.constant 0 : i32
    %dma_start3A_57 = tpu.memref_slice %arg9[%dma_start3A_46, %dma_start3A_56] : memref<6x128xi32, #tpu.memory_space<vmem>> -> memref<1x128xi32, #tpu.memory_space<vmem>>
    %dma_start3A_58 = tpu.memref_squeeze %dma_start3A_57 : memref<1x128xi32, #tpu.memory_space<vmem>> -> memref<128xi32, #tpu.memory_space<vmem>>
    %dma_start3A_59 = arith.constant 0 : i32
    %dma_start3A_60 = tpu.memref_slice %arg3[%add3A, %dma_start3A_45, %dma_start3A_59] : memref<32x80x128xi32, #tpu.memory_space<hbm>> -> memref<1x1x128xi32, #tpu.memory_space<hbm>>
    %dma_start3A_61 = tpu.memref_squeeze %dma_start3A_60 : memref<1x1x128xi32, #tpu.memory_space<hbm>> -> memref<128xi32, #tpu.memory_space<hbm>>
    tpu.enqueue_dma source(%dma_start3A_61 : memref<128xi32, #tpu.memory_space<hbm>>) target(%dma_start3A_58 : memref<128xi32, #tpu.memory_space<vmem>>) target_semaphore(%dma_start3A_55 : memref<!tpu.dma_semaphore, #tpu.memory_space<semaphore_mem>>)
    %dma_start3A_62 = arith.constant 3 : i32
    %dma_start3A_63 = arith.constant 3 : i32
    %dma_start3A_64 = arith.constant 3 : i32
    %dma_start3A_65 = arith.constant 0 : i32
    %dma_start3A_66 = tpu.memref_slice %arg9[%dma_start3A_63, %dma_start3A_65] : memref<6x128xi32, #tpu.memory_space<vmem>> -> memref<1x128xi32, #tpu.memory_space<vmem>>
    %dma_start3A_67 = tpu.memref_squeeze %dma_start3A_66 : memref<1x128xi32, #tpu.memory_space<vmem>> -> memref<128xi32, #tpu.memory_space<vmem>>
    %dma_start3A_68 = arith.constant 0 : i32
    %dma_start3A_69 = tpu.memref_slice %arg3[%add3A, %dma_start3A_62, %dma_start3A_68] : memref<32x80x128xi32, #tpu.memory_space<hbm>> -> memref<1x1x128xi32, #tpu.memory_space<hbm>>
    %dma_start3A_70 = tpu.memref_squeeze %dma_start3A_69 : memref<1x1x128xi32, #tpu.memory_space<hbm>> -> memref<128xi32, #tpu.memory_space<hbm>>
    %dma_start3A_71 = tpu.memref_slice %arg12[%dma_start3A_64] : memref<6x!tpu.dma_semaphore, #tpu.memory_space<semaphore_mem>> -> memref<1x!tpu.dma_semaphore, #tpu.memory_space<semaphore_mem>>
    %dma_start3A_72 = tpu.memref_squeeze %dma_start3A_71 : memref<1x!tpu.dma_semaphore, #tpu.memory_space<semaphore_mem>> -> memref<!tpu.dma_semaphore, #tpu.memory_space<semaphore_mem>>
    %dma_start3A_73 = arith.constant 0 : i32
    %dma_start3A_74 = tpu.memref_slice %arg9[%dma_start3A_63, %dma_start3A_73] : memref<6x128xi32, #tpu.memory_space<vmem>> -> memref<1x128xi32, #tpu.memory_space<vmem>>
    %dma_start3A_75 = tpu.memref_squeeze %dma_start3A_74 : memref<1x128xi32, #tpu.memory_space<vmem>> -> memref<128xi32, #tpu.memory_space<vmem>>
    %dma_start3A_76 = arith.constant 0 : i32
    %dma_start3A_77 = tpu.memref_slice %arg3[%add3A, %dma_start3A_62, %dma_start3A_76] : memref<32x80x128xi32, #tpu.memory_space<hbm>> -> memref<1x1x128xi32, #tpu.memory_space<hbm>>
    %dma_start3A_78 = tpu.memref_squeeze %dma_start3A_77 : memref<1x1x128xi32, #tpu.memory_space<hbm>> -> memref<128xi32, #tpu.memory_space<hbm>>
    tpu.enqueue_dma source(%dma_start3A_78 : memref<128xi32, #tpu.memory_space<hbm>>) target(%dma_start3A_75 : memref<128xi32, #tpu.memory_space<vmem>>) target_semaphore(%dma_start3A_72 : memref<!tpu.dma_semaphore, #tpu.memory_space<semaphore_mem>>)
    %dma_start3A_79 = arith.constant 4 : i32
    %dma_start3A_80 = arith.constant 4 : i32
    %dma_start3A_81 = arith.constant 4 : i32
    %dma_start3A_82 = arith.constant 0 : i32
    %dma_start3A_83 = tpu.memref_slice %arg9[%dma_start3A_80, %dma_start3A_82] : memref<6x128xi32, #tpu.memory_space<vmem>> -> memref<1x128xi32, #tpu.memory_space<vmem>>
    %dma_start3A_84 = tpu.memref_squeeze %dma_start3A_83 : memref<1x128xi32, #tpu.memory_space<vmem>> -> memref<128xi32, #tpu.memory_space<vmem>>
    %dma_start3A_85 = arith.constant 0 : i32
    %dma_start3A_86 = tpu.memref_slice %arg3[%add3A, %dma_start3A_79, %dma_start3A_85] : memref<32x80x128xi32, #tpu.memory_space<hbm>> -> memref<1x1x128xi32, #tpu.memory_space<hbm>>
    %dma_start3A_87 = tpu.memref_squeeze %dma_start3A_86 : memref<1x1x128xi32, #tpu.memory_space<hbm>> -> memref<128xi32, #tpu.memory_space<hbm>>
    %dma_start3A_88 = tpu.memref_slice %arg12[%dma_start3A_81] : memref<6x!tpu.dma_semaphore, #tpu.memory_space<semaphore_mem>> -> memref<1x!tpu.dma_semaphore, #tpu.memory_space<semaphore_mem>>
    %dma_start3A_89 = tpu.memref_squeeze %dma_start3A_88 : memref<1x!tpu.dma_semaphore, #tpu.memory_space<semaphore_mem>> -> memref<!tpu.dma_semaphore, #tpu.memory_space<semaphore_mem>>
    %dma_start3A_90 = arith.constant 0 : i32
    %dma_start3A_91 = tpu.memref_slice %arg9[%dma_start3A_80, %dma_start3A_90] : memref<6x128xi32, #tpu.memory_space<vmem>> -> memref<1x128xi32, #tpu.memory_space<vmem>>
    %dma_start3A_92 = tpu.memref_squeeze %dma_start3A_91 : memref<1x128xi32, #tpu.memory_space<vmem>> -> memref<128xi32, #tpu.memory_space<vmem>>
    %dma_start3A_93 = arith.constant 0 : i32
    %dma_start3A_94 = tpu.memref_slice %arg3[%add3A, %dma_start3A_79, %dma_start3A_93] : memref<32x80x128xi32, #tpu.memory_space<hbm>> -> memref<1x1x128xi32, #tpu.memory_space<hbm>>
    %dma_start3A_95 = tpu.memref_squeeze %dma_start3A_94 : memref<1x1x128xi32, #tpu.memory_space<hbm>> -> memref<128xi32, #tpu.memory_space<hbm>>
    tpu.enqueue_dma source(%dma_start3A_95 : memref<128xi32, #tpu.memory_space<hbm>>) target(%dma_start3A_92 : memref<128xi32, #tpu.memory_space<vmem>>) target_semaphore(%dma_start3A_89 : memref<!tpu.dma_semaphore, #tpu.memory_space<semaphore_mem>>)
    %mul3A_96 = arith.constant 640 : i32
    %mul3A_97 = arith.muli %arg1, %mul3A_96 : i32
    %mul3A_98 = arith.constant 640 : i32
    %mul3A_99 = arith.muli %arg1, %mul3A_98 : i32
    "tpu.region"() ({
      %run_scoped3A = tpu.sem_alloc : memref<!tpu.dma_semaphore, #tpu.memory_space<semaphore_mem>>
      %dma_start3A_283 = arith.constant 0 : i32
      %dma_start3A_284 = tpu.memref_slice %arg7[%mul3A_99, %dma_start3A_283] : memref<10240x16xf32, #tpu.memory_space<vmem_shared>> -> memref<640x16xf32, #tpu.memory_space<vmem_shared>>
      %dma_start3A_285 = arith.constant 0 : i32
      %dma_start3A_286 = tpu.memref_slice %arg5[%mul3A_97, %dma_start3A_285] : memref<10240x16xf32, #tpu.memory_space<hbm>> -> memref<640x16xf32, #tpu.memory_space<hbm>>
      tpu.enqueue_dma source(%dma_start3A_286 : memref<640x16xf32, #tpu.memory_space<hbm>>) target(%dma_start3A_284 : memref<640x16xf32, #tpu.memory_space<vmem_shared>>) target_semaphore(%run_scoped3A : memref<!tpu.dma_semaphore, #tpu.memory_space<semaphore_mem>>)
      %dma_wait3A_287 = arith.constant 0 : i32
      %dma_wait3A_288 = tpu.memref_slice %arg7[%mul3A_99, %dma_wait3A_287] : memref<10240x16xf32, #tpu.memory_space<vmem_shared>> -> memref<640x16xf32, #tpu.memory_space<vmem_shared>>
      %dma_wait3A_289 = arith.constant 0 : i32
      %dma_wait3A_290 = tpu.memref_slice %arg5[%mul3A_97, %dma_wait3A_289] : memref<10240x16xf32, #tpu.memory_space<hbm>> -> memref<640x16xf32, #tpu.memory_space<hbm>>
      tpu.wait_dma2 semaphore(%run_scoped3A : memref<!tpu.dma_semaphore, #tpu.memory_space<semaphore_mem>>) src(%dma_wait3A_290 : memref<640x16xf32, #tpu.memory_space<hbm>>) dst(%dma_wait3A_288 : memref<640x16xf32, #tpu.memory_space<vmem_shared>>)
      tpu.yield
    }) : () -> ()
    %mul3A_100 = arith.constant 640 : i32
    %mul3A_101 = arith.muli %arg1, %mul3A_100 : i32
    %mul3A_102 = arith.constant 640 : i32
    %mul3A_103 = arith.muli %arg1, %mul3A_102 : i32
    "tpu.region"() ({
      %run_scoped3A = tpu.sem_alloc : memref<!tpu.dma_semaphore, #tpu.memory_space<semaphore_mem>>
      %dma_start3A_283 = arith.constant 0 : i32
      %dma_start3A_284 = tpu.memref_slice %arg8[%mul3A_103, %dma_start3A_283] : memref<10240x16xf32, #tpu.memory_space<vmem_shared>> -> memref<640x16xf32, #tpu.memory_space<vmem_shared>>
      %dma_start3A_285 = arith.constant 0 : i32
      %dma_start3A_286 = tpu.memref_slice %arg2[%mul3A_101, %dma_start3A_285] : memref<10240x16xf32, #tpu.memory_space<hbm>> -> memref<640x16xf32, #tpu.memory_space<hbm>>
      tpu.enqueue_dma source(%dma_start3A_286 : memref<640x16xf32, #tpu.memory_space<hbm>>) target(%dma_start3A_284 : memref<640x16xf32, #tpu.memory_space<vmem_shared>>) target_semaphore(%run_scoped3A : memref<!tpu.dma_semaphore, #tpu.memory_space<semaphore_mem>>)
      %dma_wait3A_287 = arith.constant 0 : i32
      %dma_wait3A_288 = tpu.memref_slice %arg8[%mul3A_103, %dma_wait3A_287] : memref<10240x16xf32, #tpu.memory_space<vmem_shared>> -> memref<640x16xf32, #tpu.memory_space<vmem_shared>>
      %dma_wait3A_289 = arith.constant 0 : i32
      %dma_wait3A_290 = tpu.memref_slice %arg2[%mul3A_101, %dma_wait3A_289] : memref<10240x16xf32, #tpu.memory_space<hbm>> -> memref<640x16xf32, #tpu.memory_space<hbm>>
      tpu.wait_dma2 semaphore(%run_scoped3A : memref<!tpu.dma_semaphore, #tpu.memory_space<semaphore_mem>>) src(%dma_wait3A_290 : memref<640x16xf32, #tpu.memory_space<hbm>>) dst(%dma_wait3A_288 : memref<640x16xf32, #tpu.memory_space<vmem_shared>>)
      tpu.yield
    }) : () -> ()
    %dma_wait3A = arith.constant 0 : i32
    %dma_wait3A_104 = arith.constant 0 : i32
    %dma_wait3A_105 = arith.constant 0 : i32
    %dma_wait3A_106 = tpu.memref_slice %arg4[%add3A, %dma_wait3A_104, %dma_wait3A_105] : memref<32x80x128xi32, #tpu.memory_space<hbm>> -> memref<1x80x128xi32, #tpu.memory_space<hbm>>
    %dma_wait3A_107 = tpu.memref_squeeze %dma_wait3A_106 : memref<1x80x128xi32, #tpu.memory_space<hbm>> -> memref<80x128xi32, #tpu.memory_space<hbm>>
    %dma_wait3A_108 = tpu.memref_slice %arg13[%dma_wait3A] : memref<1x!tpu.dma_semaphore, #tpu.memory_space<semaphore_mem>> -> memref<1x!tpu.dma_semaphore, #tpu.memory_space<semaphore_mem>>
    %dma_wait3A_109 = tpu.memref_squeeze %dma_wait3A_108 : memref<1x!tpu.dma_semaphore, #tpu.memory_space<semaphore_mem>> -> memref<!tpu.dma_semaphore, #tpu.memory_space<semaphore_mem>>
    %dma_wait3A_110 = arith.constant 0 : i32
    %dma_wait3A_111 = arith.constant 0 : i32
    %dma_wait3A_112 = tpu.memref_slice %arg4[%add3A, %dma_wait3A_110, %dma_wait3A_111] : memref<32x80x128xi32, #tpu.memory_space<hbm>> -> memref<1x80x128xi32, #tpu.memory_space<hbm>>
    %dma_wait3A_113 = tpu.memref_squeeze %dma_wait3A_112 : memref<1x80x128xi32, #tpu.memory_space<hbm>> -> memref<80x128xi32, #tpu.memory_space<hbm>>
    tpu.wait_dma2 semaphore(%dma_wait3A_109 : memref<!tpu.dma_semaphore, #tpu.memory_space<semaphore_mem>>) src(%dma_wait3A_113 : memref<80x128xi32, #tpu.memory_space<hbm>>) dst(%arg10 : memref<80x128xi32, #tpu.memory_space<vmem>>)
    %barrier3A = arith.constant 0 : index
    tpu.barrier barrier_id(%barrier3A)
    %dma_wait3A_114 = arith.constant 0 : i32
    %dma_wait3A_115 = arith.constant 0 : i32
    %dma_wait3A_116 = arith.constant 0 : i32
    %dma_wait3A_117 = arith.constant 0 : i32
    %dma_wait3A_118 = tpu.memref_slice %arg9[%dma_wait3A_115, %dma_wait3A_117] : memref<6x128xi32, #tpu.memory_space<vmem>> -> memref<1x128xi32, #tpu.memory_space<vmem>>
    %dma_wait3A_119 = tpu.memref_squeeze %dma_wait3A_118 : memref<1x128xi32, #tpu.memory_space<vmem>> -> memref<128xi32, #tpu.memory_space<vmem>>
    %dma_wait3A_120 = arith.constant 0 : i32
    %dma_wait3A_121 = tpu.memref_slice %arg3[%add3A, %dma_wait3A_114, %dma_wait3A_120] : memref<32x80x128xi32, #tpu.memory_space<hbm>> -> memref<1x1x128xi32, #tpu.memory_space<hbm>>
    %dma_wait3A_122 = tpu.memref_squeeze %dma_wait3A_121 : memref<1x1x128xi32, #tpu.memory_space<hbm>> -> memref<128xi32, #tpu.memory_space<hbm>>
    %dma_wait3A_123 = tpu.memref_slice %arg12[%dma_wait3A_116] : memref<6x!tpu.dma_semaphore, #tpu.memory_space<semaphore_mem>> -> memref<1x!tpu.dma_semaphore, #tpu.memory_space<semaphore_mem>>
    %dma_wait3A_124 = tpu.memref_squeeze %dma_wait3A_123 : memref<1x!tpu.dma_semaphore, #tpu.memory_space<semaphore_mem>> -> memref<!tpu.dma_semaphore, #tpu.memory_space<semaphore_mem>>
    %dma_wait3A_125 = arith.constant 0 : i32
    %dma_wait3A_126 = tpu.memref_slice %arg9[%dma_wait3A_115, %dma_wait3A_125] : memref<6x128xi32, #tpu.memory_space<vmem>> -> memref<1x128xi32, #tpu.memory_space<vmem>>
    %dma_wait3A_127 = tpu.memref_squeeze %dma_wait3A_126 : memref<1x128xi32, #tpu.memory_space<vmem>> -> memref<128xi32, #tpu.memory_space<vmem>>
    %dma_wait3A_128 = arith.constant 0 : i32
    %dma_wait3A_129 = tpu.memref_slice %arg3[%add3A, %dma_wait3A_114, %dma_wait3A_128] : memref<32x80x128xi32, #tpu.memory_space<hbm>> -> memref<1x1x128xi32, #tpu.memory_space<hbm>>
    %dma_wait3A_130 = tpu.memref_squeeze %dma_wait3A_129 : memref<1x1x128xi32, #tpu.memory_space<hbm>> -> memref<128xi32, #tpu.memory_space<hbm>>
    tpu.wait_dma2 semaphore(%dma_wait3A_124 : memref<!tpu.dma_semaphore, #tpu.memory_space<semaphore_mem>>) src(%dma_wait3A_130 : memref<128xi32, #tpu.memory_space<hbm>>) dst(%dma_wait3A_127 : memref<128xi32, #tpu.memory_space<vmem>>)
    %dma_start3A_131 = arith.constant 0 : i32
    %dma_start3A_132 = arith.constant 0 : i32
    %dma_start3A_133 = arith.constant 0 : i32
    %dma_start3A_134 = arith.constant 0 : i32
    %dma_start3A_135 = arith.constant 0 : i32
    %dma_start3A_136 = tpu.memref_slice %arg11[%dma_start3A_132, %dma_start3A_134, %dma_start3A_135] : memref<4x128x16xf32, #tpu.memory_space<vmem>> -> memref<1x128x16xf32, #tpu.memory_space<vmem>>
    %dma_start3A_137 = tpu.memref_squeeze %dma_start3A_136 : memref<1x128x16xf32, #tpu.memory_space<vmem>> -> memref<128x16xf32, #tpu.memory_space<vmem>>
    %dma_start3A_138 = arith.constant 0 : i32
    %dma_start3A_139 = tpu.memref_slice %arg9[%dma_start3A_131, %dma_start3A_138] : memref<6x128xi32, #tpu.memory_space<vmem>> -> memref<1x128xi32, #tpu.memory_space<vmem>>
    %dma_start3A_140 = tpu.memref_squeeze %dma_start3A_139 : memref<1x128xi32, #tpu.memory_space<vmem>> -> memref<128xi32, #tpu.memory_space<vmem>>
    %dma_start3A_141 = arith.constant 0 : i32
    %dma_start3A_142 = arith.constant 0 : i32
    %dma_start3A_143 = tpu.memref_slice %arg8[%dma_start3A_141, %dma_start3A_142] : memref<10240x16xf32, #tpu.memory_space<vmem_shared>> -> memref<10240x16xf32, #tpu.memory_space<vmem_shared>>
    %dma_start3A_144 = tpu.memref_slice %arg14[%dma_start3A_133] : memref<4x!tpu.dma_semaphore, #tpu.memory_space<semaphore_mem>> -> memref<1x!tpu.dma_semaphore, #tpu.memory_space<semaphore_mem>>
    %dma_start3A_145 = tpu.memref_squeeze %dma_start3A_144 : memref<1x!tpu.dma_semaphore, #tpu.memory_space<semaphore_mem>> -> memref<!tpu.dma_semaphore, #tpu.memory_space<semaphore_mem>>
    tpu.enqueue_indirect_dma source(%dma_start3A_143 : memref<10240x16xf32, #tpu.memory_space<vmem_shared>>) target(%dma_start3A_137 : memref<128x16xf32, #tpu.memory_space<vmem>>) offsets(%dma_start3A_140 : memref<128xi32, #tpu.memory_space<vmem>>) semaphore(%dma_start3A_145 : memref<!tpu.dma_semaphore, #tpu.memory_space<semaphore_mem>>)
    %dma_wait3A_146 = arith.constant 0 : i32
    %dma_wait3A_147 = arith.constant 1 : i32
    %dma_wait3A_148 = arith.constant 1 : i32
    %dma_wait3A_149 = arith.constant 0 : i32
    %dma_wait3A_150 = tpu.memref_slice %arg9[%dma_wait3A_147, %dma_wait3A_149] : memref<6x128xi32, #tpu.memory_space<vmem>> -> memref<1x128xi32, #tpu.memory_space<vmem>>
    %dma_wait3A_151 = tpu.memref_squeeze %dma_wait3A_150 : memref<1x128xi32, #tpu.memory_space<vmem>> -> memref<128xi32, #tpu.memory_space<vmem>>
    %dma_wait3A_152 = arith.constant 0 : i32
    %dma_wait3A_153 = tpu.memref_slice %arg3[%add3A, %dma_wait3A_146, %dma_wait3A_152] : memref<32x80x128xi32, #tpu.memory_space<hbm>> -> memref<1x1x128xi32, #tpu.memory_space<hbm>>
    %dma_wait3A_154 = tpu.memref_squeeze %dma_wait3A_153 : memref<1x1x128xi32, #tpu.memory_space<hbm>> -> memref<128xi32, #tpu.memory_space<hbm>>
    %dma_wait3A_155 = tpu.memref_slice %arg12[%dma_wait3A_148] : memref<6x!tpu.dma_semaphore, #tpu.memory_space<semaphore_mem>> -> memref<1x!tpu.dma_semaphore, #tpu.memory_space<semaphore_mem>>
    %dma_wait3A_156 = tpu.memref_squeeze %dma_wait3A_155 : memref<1x!tpu.dma_semaphore, #tpu.memory_space<semaphore_mem>> -> memref<!tpu.dma_semaphore, #tpu.memory_space<semaphore_mem>>
    %dma_wait3A_157 = arith.constant 0 : i32
    %dma_wait3A_158 = tpu.memref_slice %arg9[%dma_wait3A_147, %dma_wait3A_157] : memref<6x128xi32, #tpu.memory_space<vmem>> -> memref<1x128xi32, #tpu.memory_space<vmem>>
    %dma_wait3A_159 = tpu.memref_squeeze %dma_wait3A_158 : memref<1x128xi32, #tpu.memory_space<vmem>> -> memref<128xi32, #tpu.memory_space<vmem>>
    %dma_wait3A_160 = arith.constant 0 : i32
    %dma_wait3A_161 = tpu.memref_slice %arg3[%add3A, %dma_wait3A_146, %dma_wait3A_160] : memref<32x80x128xi32, #tpu.memory_space<hbm>> -> memref<1x1x128xi32, #tpu.memory_space<hbm>>
    %dma_wait3A_162 = tpu.memref_squeeze %dma_wait3A_161 : memref<1x1x128xi32, #tpu.memory_space<hbm>> -> memref<128xi32, #tpu.memory_space<hbm>>
    tpu.wait_dma2 semaphore(%dma_wait3A_156 : memref<!tpu.dma_semaphore, #tpu.memory_space<semaphore_mem>>) src(%dma_wait3A_162 : memref<128xi32, #tpu.memory_space<hbm>>) dst(%dma_wait3A_159 : memref<128xi32, #tpu.memory_space<vmem>>)
    %dma_start3A_163 = arith.constant 1 : i32
    %dma_start3A_164 = arith.constant 1 : i32
    %dma_start3A_165 = arith.constant 1 : i32
    %dma_start3A_166 = arith.constant 0 : i32
    %dma_start3A_167 = arith.constant 0 : i32
    %dma_start3A_168 = tpu.memref_slice %arg11[%dma_start3A_164, %dma_start3A_166, %dma_start3A_167] : memref<4x128x16xf32, #tpu.memory_space<vmem>> -> memref<1x128x16xf32, #tpu.memory_space<vmem>>
    %dma_start3A_169 = tpu.memref_squeeze %dma_start3A_168 : memref<1x128x16xf32, #tpu.memory_space<vmem>> -> memref<128x16xf32, #tpu.memory_space<vmem>>
    %dma_start3A_170 = arith.constant 0 : i32
    %dma_start3A_171 = tpu.memref_slice %arg9[%dma_start3A_163, %dma_start3A_170] : memref<6x128xi32, #tpu.memory_space<vmem>> -> memref<1x128xi32, #tpu.memory_space<vmem>>
    %dma_start3A_172 = tpu.memref_squeeze %dma_start3A_171 : memref<1x128xi32, #tpu.memory_space<vmem>> -> memref<128xi32, #tpu.memory_space<vmem>>
    %dma_start3A_173 = arith.constant 0 : i32
    %dma_start3A_174 = arith.constant 0 : i32
    %dma_start3A_175 = tpu.memref_slice %arg8[%dma_start3A_173, %dma_start3A_174] : memref<10240x16xf32, #tpu.memory_space<vmem_shared>> -> memref<10240x16xf32, #tpu.memory_space<vmem_shared>>
    %dma_start3A_176 = tpu.memref_slice %arg14[%dma_start3A_165] : memref<4x!tpu.dma_semaphore, #tpu.memory_space<semaphore_mem>> -> memref<1x!tpu.dma_semaphore, #tpu.memory_space<semaphore_mem>>
    %dma_start3A_177 = tpu.memref_squeeze %dma_start3A_176 : memref<1x!tpu.dma_semaphore, #tpu.memory_space<semaphore_mem>> -> memref<!tpu.dma_semaphore, #tpu.memory_space<semaphore_mem>>
    tpu.enqueue_indirect_dma source(%dma_start3A_175 : memref<10240x16xf32, #tpu.memory_space<vmem_shared>>) target(%dma_start3A_169 : memref<128x16xf32, #tpu.memory_space<vmem>>) offsets(%dma_start3A_172 : memref<128xi32, #tpu.memory_space<vmem>>) semaphore(%dma_start3A_177 : memref<!tpu.dma_semaphore, #tpu.memory_space<semaphore_mem>>)
    %dma_wait3A_178 = arith.constant 0 : i32
    %dma_wait3A_179 = arith.constant 2 : i32
    %dma_wait3A_180 = arith.constant 2 : i32
    %dma_wait3A_181 = arith.constant 0 : i32
    %dma_wait3A_182 = tpu.memref_slice %arg9[%dma_wait3A_179, %dma_wait3A_181] : memref<6x128xi32, #tpu.memory_space<vmem>> -> memref<1x128xi32, #tpu.memory_space<vmem>>
    %dma_wait3A_183 = tpu.memref_squeeze %dma_wait3A_182 : memref<1x128xi32, #tpu.memory_space<vmem>> -> memref<128xi32, #tpu.memory_space<vmem>>
    %dma_wait3A_184 = arith.constant 0 : i32
    %dma_wait3A_185 = tpu.memref_slice %arg3[%add3A, %dma_wait3A_178, %dma_wait3A_184] : memref<32x80x128xi32, #tpu.memory_space<hbm>> -> memref<1x1x128xi32, #tpu.memory_space<hbm>>
    %dma_wait3A_186 = tpu.memref_squeeze %dma_wait3A_185 : memref<1x1x128xi32, #tpu.memory_space<hbm>> -> memref<128xi32, #tpu.memory_space<hbm>>
    %dma_wait3A_187 = tpu.memref_slice %arg12[%dma_wait3A_180] : memref<6x!tpu.dma_semaphore, #tpu.memory_space<semaphore_mem>> -> memref<1x!tpu.dma_semaphore, #tpu.memory_space<semaphore_mem>>
    %dma_wait3A_188 = tpu.memref_squeeze %dma_wait3A_187 : memref<1x!tpu.dma_semaphore, #tpu.memory_space<semaphore_mem>> -> memref<!tpu.dma_semaphore, #tpu.memory_space<semaphore_mem>>
    %dma_wait3A_189 = arith.constant 0 : i32
    %dma_wait3A_190 = tpu.memref_slice %arg9[%dma_wait3A_179, %dma_wait3A_189] : memref<6x128xi32, #tpu.memory_space<vmem>> -> memref<1x128xi32, #tpu.memory_space<vmem>>
    %dma_wait3A_191 = tpu.memref_squeeze %dma_wait3A_190 : memref<1x128xi32, #tpu.memory_space<vmem>> -> memref<128xi32, #tpu.memory_space<vmem>>
    %dma_wait3A_192 = arith.constant 0 : i32
    %dma_wait3A_193 = tpu.memref_slice %arg3[%add3A, %dma_wait3A_178, %dma_wait3A_192] : memref<32x80x128xi32, #tpu.memory_space<hbm>> -> memref<1x1x128xi32, #tpu.memory_space<hbm>>
    %dma_wait3A_194 = tpu.memref_squeeze %dma_wait3A_193 : memref<1x1x128xi32, #tpu.memory_space<hbm>> -> memref<128xi32, #tpu.memory_space<hbm>>
    tpu.wait_dma2 semaphore(%dma_wait3A_188 : memref<!tpu.dma_semaphore, #tpu.memory_space<semaphore_mem>>) src(%dma_wait3A_194 : memref<128xi32, #tpu.memory_space<hbm>>) dst(%dma_wait3A_191 : memref<128xi32, #tpu.memory_space<vmem>>)
    %dma_start3A_195 = arith.constant 2 : i32
    %dma_start3A_196 = arith.constant 2 : i32
    %dma_start3A_197 = arith.constant 2 : i32
    %dma_start3A_198 = arith.constant 0 : i32
    %dma_start3A_199 = arith.constant 0 : i32
    %dma_start3A_200 = tpu.memref_slice %arg11[%dma_start3A_196, %dma_start3A_198, %dma_start3A_199] : memref<4x128x16xf32, #tpu.memory_space<vmem>> -> memref<1x128x16xf32, #tpu.memory_space<vmem>>
    %dma_start3A_201 = tpu.memref_squeeze %dma_start3A_200 : memref<1x128x16xf32, #tpu.memory_space<vmem>> -> memref<128x16xf32, #tpu.memory_space<vmem>>
    %dma_start3A_202 = arith.constant 0 : i32
    %dma_start3A_203 = tpu.memref_slice %arg9[%dma_start3A_195, %dma_start3A_202] : memref<6x128xi32, #tpu.memory_space<vmem>> -> memref<1x128xi32, #tpu.memory_space<vmem>>
    %dma_start3A_204 = tpu.memref_squeeze %dma_start3A_203 : memref<1x128xi32, #tpu.memory_space<vmem>> -> memref<128xi32, #tpu.memory_space<vmem>>
    %dma_start3A_205 = arith.constant 0 : i32
    %dma_start3A_206 = arith.constant 0 : i32
    %dma_start3A_207 = tpu.memref_slice %arg8[%dma_start3A_205, %dma_start3A_206] : memref<10240x16xf32, #tpu.memory_space<vmem_shared>> -> memref<10240x16xf32, #tpu.memory_space<vmem_shared>>
    %dma_start3A_208 = tpu.memref_slice %arg14[%dma_start3A_197] : memref<4x!tpu.dma_semaphore, #tpu.memory_space<semaphore_mem>> -> memref<1x!tpu.dma_semaphore, #tpu.memory_space<semaphore_mem>>
    %dma_start3A_209 = tpu.memref_squeeze %dma_start3A_208 : memref<1x!tpu.dma_semaphore, #tpu.memory_space<semaphore_mem>> -> memref<!tpu.dma_semaphore, #tpu.memory_space<semaphore_mem>>
    tpu.enqueue_indirect_dma source(%dma_start3A_207 : memref<10240x16xf32, #tpu.memory_space<vmem_shared>>) target(%dma_start3A_201 : memref<128x16xf32, #tpu.memory_space<vmem>>) offsets(%dma_start3A_204 : memref<128xi32, #tpu.memory_space<vmem>>) semaphore(%dma_start3A_209 : memref<!tpu.dma_semaphore, #tpu.memory_space<semaphore_mem>>)
    %scan3A = arith.constant 0 : i32
    %scan3A_210 = arith.constant 0 : i32
    %scan3A_211 = arith.constant 80 : i32
    %scan3A_212 = arith.addi %scan3A_210, %scan3A_211 : i32
    %scan3A_213 = arith.constant 1 : i32
    scf.for %scan3A_283 = %scan3A_210 to %scan3A_212 step %scan3A_213  : i32 {
      %rem3A = arith.constant 4 : i32
      %rem3A_284 = arith.remsi %scan3A_283, %rem3A : i32
      %add3A_285 = arith.constant 5 : i32
      %add3A_286 = arith.addi %scan3A_283, %add3A_285 : i32
      %lt3A = arith.constant 80 : i32
      %lt3A_287 = arith.cmpi slt, %add3A_286, %lt3A : i32
      %convert_element_type3A = arith.extui %lt3A_287 : i1 to i32
      %cond3A = arith.constant 0 : i32
      %cond3A_288 = arith.cmpi ne, %convert_element_type3A, %cond3A : i32
      scf.if %cond3A_288 {
        %add3A_321 = arith.constant 5 : i32
        %add3A_322 = arith.addi %scan3A_283, %add3A_321 : i32
        %rem3A_323 = arith.constant 6 : i32
        %rem3A_324 = arith.remsi %add3A_322, %rem3A_323 : i32
        %add3A_325 = arith.constant 5 : i32
        %add3A_326 = arith.addi %scan3A_283, %add3A_325 : i32
        %dma_start3A_327 = arith.constant 0 : i32
        %dma_start3A_328 = tpu.memref_slice %arg9[%rem3A_324, %dma_start3A_327] : memref<6x128xi32, #tpu.memory_space<vmem>> -> memref<1x128xi32, #tpu.memory_space<vmem>>
        %dma_start3A_329 = tpu.memref_squeeze %dma_start3A_328 : memref<1x128xi32, #tpu.memory_space<vmem>> -> memref<128xi32, #tpu.memory_space<vmem>>
        %dma_start3A_330 = arith.constant 0 : i32
        %dma_start3A_331 = tpu.memref_slice %arg3[%add3A, %add3A_326, %dma_start3A_330] : memref<32x80x128xi32, #tpu.memory_space<hbm>> -> memref<1x1x128xi32, #tpu.memory_space<hbm>>
        %dma_start3A_332 = tpu.memref_squeeze %dma_start3A_331 : memref<1x1x128xi32, #tpu.memory_space<hbm>> -> memref<128xi32, #tpu.memory_space<hbm>>
        %dma_start3A_333 = tpu.memref_slice %arg12[%rem3A_324] : memref<6x!tpu.dma_semaphore, #tpu.memory_space<semaphore_mem>> -> memref<1x!tpu.dma_semaphore, #tpu.memory_space<semaphore_mem>>
        %dma_start3A_334 = tpu.memref_squeeze %dma_start3A_333 : memref<1x!tpu.dma_semaphore, #tpu.memory_space<semaphore_mem>> -> memref<!tpu.dma_semaphore, #tpu.memory_space<semaphore_mem>>
        %dma_start3A_335 = arith.constant 0 : i32
        %dma_start3A_336 = tpu.memref_slice %arg9[%rem3A_324, %dma_start3A_335] : memref<6x128xi32, #tpu.memory_space<vmem>> -> memref<1x128xi32, #tpu.memory_space<vmem>>
        %dma_start3A_337 = tpu.memref_squeeze %dma_start3A_336 : memref<1x128xi32, #tpu.memory_space<vmem>> -> memref<128xi32, #tpu.memory_space<vmem>>
        %dma_start3A_338 = arith.constant 0 : i32
        %dma_start3A_339 = tpu.memref_slice %arg3[%add3A, %add3A_326, %dma_start3A_338] : memref<32x80x128xi32, #tpu.memory_space<hbm>> -> memref<1x1x128xi32, #tpu.memory_space<hbm>>
        %dma_start3A_340 = tpu.memref_squeeze %dma_start3A_339 : memref<1x1x128xi32, #tpu.memory_space<hbm>> -> memref<128xi32, #tpu.memory_space<hbm>>
        tpu.enqueue_dma source(%dma_start3A_340 : memref<128xi32, #tpu.memory_space<hbm>>) target(%dma_start3A_337 : memref<128xi32, #tpu.memory_space<vmem>>) target_semaphore(%dma_start3A_334 : memref<!tpu.dma_semaphore, #tpu.memory_space<semaphore_mem>>)
      } else {
      }
      %dma_wait3A_289 = arith.constant 0 : i32
      %dma_wait3A_290 = arith.constant 0 : i32
      %dma_wait3A_291 = arith.constant 0 : i32
      %dma_wait3A_292 = tpu.memref_slice %arg11[%rem3A_284, %dma_wait3A_290, %dma_wait3A_291] : memref<4x128x16xf32, #tpu.memory_space<vmem>> -> memref<1x128x16xf32, #tpu.memory_space<vmem>>
      %dma_wait3A_293 = tpu.memref_squeeze %dma_wait3A_292 : memref<1x128x16xf32, #tpu.memory_space<vmem>> -> memref<128x16xf32, #tpu.memory_space<vmem>>
      %dma_wait3A_294 = arith.constant 0 : i32
      %dma_wait3A_295 = tpu.memref_slice %arg9[%dma_wait3A_289, %dma_wait3A_294] : memref<6x128xi32, #tpu.memory_space<vmem>> -> memref<1x128xi32, #tpu.memory_space<vmem>>
      %dma_wait3A_296 = tpu.memref_squeeze %dma_wait3A_295 : memref<1x128xi32, #tpu.memory_space<vmem>> -> memref<128xi32, #tpu.memory_space<vmem>>
      %dma_wait3A_297 = arith.constant 0 : i32
      %dma_wait3A_298 = arith.constant 0 : i32
      %dma_wait3A_299 = tpu.memref_slice %arg8[%dma_wait3A_297, %dma_wait3A_298] : memref<10240x16xf32, #tpu.memory_space<vmem_shared>> -> memref<10240x16xf32, #tpu.memory_space<vmem_shared>>
      %dma_wait3A_300 = tpu.memref_slice %arg14[%rem3A_284] : memref<4x!tpu.dma_semaphore, #tpu.memory_space<semaphore_mem>> -> memref<1x!tpu.dma_semaphore, #tpu.memory_space<semaphore_mem>>
      %dma_wait3A_301 = tpu.memref_squeeze %dma_wait3A_300 : memref<1x!tpu.dma_semaphore, #tpu.memory_space<semaphore_mem>> -> memref<!tpu.dma_semaphore, #tpu.memory_space<semaphore_mem>>
      tpu.wait_indirect_dma semaphore(%dma_wait3A_301 : memref<!tpu.dma_semaphore, #tpu.memory_space<semaphore_mem>>) src(%dma_wait3A_299 : memref<10240x16xf32, #tpu.memory_space<vmem_shared>>) dst(%dma_wait3A_293 : memref<128x16xf32, #tpu.memory_space<vmem>>)
      %dma_start3A_302 = arith.constant 0 : i32
      %dma_start3A_303 = arith.constant 0 : i32
      %dma_start3A_304 = tpu.memref_slice %arg11[%rem3A_284, %dma_start3A_302, %dma_start3A_303] : memref<4x128x16xf32, #tpu.memory_space<vmem>> -> memref<1x128x16xf32, #tpu.memory_space<vmem>>
      %dma_start3A_305 = tpu.memref_squeeze %dma_start3A_304 : memref<1x128x16xf32, #tpu.memory_space<vmem>> -> memref<128x16xf32, #tpu.memory_space<vmem>>
      %dma_start3A_306 = arith.constant 0 : i32
      %dma_start3A_307 = tpu.memref_slice %arg10[%scan3A_283, %dma_start3A_306] : memref<80x128xi32, #tpu.memory_space<vmem>> -> memref<1x128xi32, #tpu.memory_space<vmem>>
      %dma_start3A_308 = tpu.memref_squeeze %dma_start3A_307 : memref<1x128xi32, #tpu.memory_space<vmem>> -> memref<128xi32, #tpu.memory_space<vmem>>
      %dma_start3A_309 = arith.constant 0 : i32
      %dma_start3A_310 = arith.constant 0 : i32
      %dma_start3A_311 = tpu.memref_slice %arg7[%dma_start3A_309, %dma_start3A_310] : memref<10240x16xf32, #tpu.memory_space<vmem_shared>> -> memref<10240x16xf32, #tpu.memory_space<vmem_shared>>
      %dma_start3A_312 = tpu.memref_slice %arg15[%rem3A_284] : memref<4x!tpu.dma_semaphore, #tpu.memory_space<semaphore_mem>> -> memref<1x!tpu.dma_semaphore, #tpu.memory_space<semaphore_mem>>
      %dma_start3A_313 = tpu.memref_squeeze %dma_start3A_312 : memref<1x!tpu.dma_semaphore, #tpu.memory_space<semaphore_mem>> -> memref<!tpu.dma_semaphore, #tpu.memory_space<semaphore_mem>>
      tpu.enqueue_indirect_dma source(%dma_start3A_305 : memref<128x16xf32, #tpu.memory_space<vmem>>) target(%dma_start3A_311 : memref<10240x16xf32, #tpu.memory_space<vmem_shared>>) offsets(%dma_start3A_308 : memref<128xi32, #tpu.memory_space<vmem>>) semaphore(%dma_start3A_313 : memref<!tpu.dma_semaphore, #tpu.memory_space<semaphore_mem>>) {add = true}
      %add3A_314 = arith.constant 3 : i32
      %add3A_315 = arith.addi %scan3A_283, %add3A_314 : i32
      %lt3A_316 = arith.constant 80 : i32
      %lt3A_317 = arith.cmpi slt, %add3A_315, %lt3A_316 : i32
      %convert_element_type3A_318 = arith.extui %lt3A_317 : i1 to i32
      %cond3A_319 = arith.constant 0 : i32
      %cond3A_320 = arith.cmpi ne, %convert_element_type3A_318, %cond3A_319 : i32
      scf.if %cond3A_320 {
        %add3A_321 = arith.constant 3 : i32
        %add3A_322 = arith.addi %scan3A_283, %add3A_321 : i32
        %rem3A_323 = arith.constant 4 : i32
        %rem3A_324 = arith.remsi %add3A_322, %rem3A_323 : i32
        %ge3A = arith.constant 1 : i32
        %ge3A_325 = arith.cmpi sge, %scan3A_283, %ge3A : i32
        %convert_element_type3A_326 = arith.extui %ge3A_325 : i1 to i32
        %cond3A_327 = arith.constant 0 : i32
        %cond3A_328 = arith.cmpi ne, %convert_element_type3A_326, %cond3A_327 : i32
        scf.if %cond3A_328 {
          %dma_wait3A_360 = arith.constant 0 : i32
          %dma_wait3A_361 = arith.constant 0 : i32
          %dma_wait3A_362 = arith.constant 0 : i32
          %dma_wait3A_363 = tpu.memref_slice %arg11[%rem3A_324, %dma_wait3A_361, %dma_wait3A_362] : memref<4x128x16xf32, #tpu.memory_space<vmem>> -> memref<1x128x16xf32, #tpu.memory_space<vmem>>
          %dma_wait3A_364 = tpu.memref_squeeze %dma_wait3A_363 : memref<1x128x16xf32, #tpu.memory_space<vmem>> -> memref<128x16xf32, #tpu.memory_space<vmem>>
          %dma_wait3A_365 = arith.constant 0 : i32
          %dma_wait3A_366 = tpu.memref_slice %arg10[%dma_wait3A_360, %dma_wait3A_365] : memref<80x128xi32, #tpu.memory_space<vmem>> -> memref<1x128xi32, #tpu.memory_space<vmem>>
          %dma_wait3A_367 = tpu.memref_squeeze %dma_wait3A_366 : memref<1x128xi32, #tpu.memory_space<vmem>> -> memref<128xi32, #tpu.memory_space<vmem>>
          %dma_wait3A_368 = arith.constant 0 : i32
          %dma_wait3A_369 = arith.constant 0 : i32
          %dma_wait3A_370 = tpu.memref_slice %arg7[%dma_wait3A_368, %dma_wait3A_369] : memref<10240x16xf32, #tpu.memory_space<vmem_shared>> -> memref<10240x16xf32, #tpu.memory_space<vmem_shared>>
          %dma_wait3A_371 = tpu.memref_slice %arg15[%rem3A_324] : memref<4x!tpu.dma_semaphore, #tpu.memory_space<semaphore_mem>> -> memref<1x!tpu.dma_semaphore, #tpu.memory_space<semaphore_mem>>
          %dma_wait3A_372 = tpu.memref_squeeze %dma_wait3A_371 : memref<1x!tpu.dma_semaphore, #tpu.memory_space<semaphore_mem>> -> memref<!tpu.dma_semaphore, #tpu.memory_space<semaphore_mem>>
          tpu.wait_indirect_dma semaphore(%dma_wait3A_372 : memref<!tpu.dma_semaphore, #tpu.memory_space<semaphore_mem>>) src(%dma_wait3A_364 : memref<128x16xf32, #tpu.memory_space<vmem>>) dst(%dma_wait3A_370 : memref<10240x16xf32, #tpu.memory_space<vmem_shared>>)
        } else {
        }
        %add3A_329 = arith.constant 3 : i32
        %add3A_330 = arith.addi %scan3A_283, %add3A_329 : i32
        %rem3A_331 = arith.constant 6 : i32
        %rem3A_332 = arith.remsi %add3A_330, %rem3A_331 : i32
        %dma_wait3A_333 = arith.constant 0 : i32
        %dma_wait3A_334 = arith.constant 0 : i32
        %dma_wait3A_335 = tpu.memref_slice %arg9[%rem3A_332, %dma_wait3A_334] : memref<6x128xi32, #tpu.memory_space<vmem>> -> memref<1x128xi32, #tpu.memory_space<vmem>>
        %dma_wait3A_336 = tpu.memref_squeeze %dma_wait3A_335 : memref<1x128xi32, #tpu.memory_space<vmem>> -> memref<128xi32, #tpu.memory_space<vmem>>
        %dma_wait3A_337 = arith.constant 0 : i32
        %dma_wait3A_338 = tpu.memref_slice %arg3[%add3A, %dma_wait3A_333, %dma_wait3A_337] : memref<32x80x128xi32, #tpu.memory_space<hbm>> -> memref<1x1x128xi32, #tpu.memory_space<hbm>>
        %dma_wait3A_339 = tpu.memref_squeeze %dma_wait3A_338 : memref<1x1x128xi32, #tpu.memory_space<hbm>> -> memref<128xi32, #tpu.memory_space<hbm>>
        %dma_wait3A_340 = tpu.memref_slice %arg12[%rem3A_332] : memref<6x!tpu.dma_semaphore, #tpu.memory_space<semaphore_mem>> -> memref<1x!tpu.dma_semaphore, #tpu.memory_space<semaphore_mem>>
        %dma_wait3A_341 = tpu.memref_squeeze %dma_wait3A_340 : memref<1x!tpu.dma_semaphore, #tpu.memory_space<semaphore_mem>> -> memref<!tpu.dma_semaphore, #tpu.memory_space<semaphore_mem>>
        %dma_wait3A_342 = arith.constant 0 : i32
        %dma_wait3A_343 = tpu.memref_slice %arg9[%rem3A_332, %dma_wait3A_342] : memref<6x128xi32, #tpu.memory_space<vmem>> -> memref<1x128xi32, #tpu.memory_space<vmem>>
        %dma_wait3A_344 = tpu.memref_squeeze %dma_wait3A_343 : memref<1x128xi32, #tpu.memory_space<vmem>> -> memref<128xi32, #tpu.memory_space<vmem>>
        %dma_wait3A_345 = arith.constant 0 : i32
        %dma_wait3A_346 = tpu.memref_slice %arg3[%add3A, %dma_wait3A_333, %dma_wait3A_345] : memref<32x80x128xi32, #tpu.memory_space<hbm>> -> memref<1x1x128xi32, #tpu.memory_space<hbm>>
        %dma_wait3A_347 = tpu.memref_squeeze %dma_wait3A_346 : memref<1x1x128xi32, #tpu.memory_space<hbm>> -> memref<128xi32, #tpu.memory_space<hbm>>
        tpu.wait_dma2 semaphore(%dma_wait3A_341 : memref<!tpu.dma_semaphore, #tpu.memory_space<semaphore_mem>>) src(%dma_wait3A_347 : memref<128xi32, #tpu.memory_space<hbm>>) dst(%dma_wait3A_344 : memref<128xi32, #tpu.memory_space<vmem>>)
        %dma_start3A_348 = arith.constant 0 : i32
        %dma_start3A_349 = arith.constant 0 : i32
        %dma_start3A_350 = tpu.memref_slice %arg11[%rem3A_324, %dma_start3A_348, %dma_start3A_349] : memref<4x128x16xf32, #tpu.memory_space<vmem>> -> memref<1x128x16xf32, #tpu.memory_space<vmem>>
        %dma_start3A_351 = tpu.memref_squeeze %dma_start3A_350 : memref<1x128x16xf32, #tpu.memory_space<vmem>> -> memref<128x16xf32, #tpu.memory_space<vmem>>
        %dma_start3A_352 = arith.constant 0 : i32
        %dma_start3A_353 = tpu.memref_slice %arg9[%rem3A_332, %dma_start3A_352] : memref<6x128xi32, #tpu.memory_space<vmem>> -> memref<1x128xi32, #tpu.memory_space<vmem>>
        %dma_start3A_354 = tpu.memref_squeeze %dma_start3A_353 : memref<1x128xi32, #tpu.memory_space<vmem>> -> memref<128xi32, #tpu.memory_space<vmem>>
        %dma_start3A_355 = arith.constant 0 : i32
        %dma_start3A_356 = arith.constant 0 : i32
        %dma_start3A_357 = tpu.memref_slice %arg8[%dma_start3A_355, %dma_start3A_356] : memref<10240x16xf32, #tpu.memory_space<vmem_shared>> -> memref<10240x16xf32, #tpu.memory_space<vmem_shared>>
        %dma_start3A_358 = tpu.memref_slice %arg14[%rem3A_324] : memref<4x!tpu.dma_semaphore, #tpu.memory_space<semaphore_mem>> -> memref<1x!tpu.dma_semaphore, #tpu.memory_space<semaphore_mem>>
        %dma_start3A_359 = tpu.memref_squeeze %dma_start3A_358 : memref<1x!tpu.dma_semaphore, #tpu.memory_space<semaphore_mem>> -> memref<!tpu.dma_semaphore, #tpu.memory_space<semaphore_mem>>
        tpu.enqueue_indirect_dma source(%dma_start3A_357 : memref<10240x16xf32, #tpu.memory_space<vmem_shared>>) target(%dma_start3A_351 : memref<128x16xf32, #tpu.memory_space<vmem>>) offsets(%dma_start3A_354 : memref<128xi32, #tpu.memory_space<vmem>>) semaphore(%dma_start3A_359 : memref<!tpu.dma_semaphore, #tpu.memory_space<semaphore_mem>>)
      } else {
      }
    }
    %scan3A_214 = arith.constant 80 : i32
    %dma_wait3A_215 = arith.constant 0 : i32
    %dma_wait3A_216 = arith.constant 0 : i32
    %dma_wait3A_217 = arith.constant 0 : i32
    %dma_wait3A_218 = arith.constant 0 : i32
    %dma_wait3A_219 = arith.constant 0 : i32
    %dma_wait3A_220 = tpu.memref_slice %arg11[%dma_wait3A_215, %dma_wait3A_218, %dma_wait3A_219] : memref<4x128x16xf32, #tpu.memory_space<vmem>> -> memref<1x128x16xf32, #tpu.memory_space<vmem>>
    %dma_wait3A_221 = tpu.memref_squeeze %dma_wait3A_220 : memref<1x128x16xf32, #tpu.memory_space<vmem>> -> memref<128x16xf32, #tpu.memory_space<vmem>>
    %dma_wait3A_222 = arith.constant 0 : i32
    %dma_wait3A_223 = tpu.memref_slice %arg10[%dma_wait3A_216, %dma_wait3A_222] : memref<80x128xi32, #tpu.memory_space<vmem>> -> memref<1x128xi32, #tpu.memory_space<vmem>>
    %dma_wait3A_224 = tpu.memref_squeeze %dma_wait3A_223 : memref<1x128xi32, #tpu.memory_space<vmem>> -> memref<128xi32, #tpu.memory_space<vmem>>
    %dma_wait3A_225 = arith.constant 0 : i32
    %dma_wait3A_226 = arith.constant 0 : i32
    %dma_wait3A_227 = tpu.memref_slice %arg7[%dma_wait3A_225, %dma_wait3A_226] : memref<10240x16xf32, #tpu.memory_space<vmem_shared>> -> memref<10240x16xf32, #tpu.memory_space<vmem_shared>>
    %dma_wait3A_228 = tpu.memref_slice %arg15[%dma_wait3A_217] : memref<4x!tpu.dma_semaphore, #tpu.memory_space<semaphore_mem>> -> memref<1x!tpu.dma_semaphore, #tpu.memory_space<semaphore_mem>>
    %dma_wait3A_229 = tpu.memref_squeeze %dma_wait3A_228 : memref<1x!tpu.dma_semaphore, #tpu.memory_space<semaphore_mem>> -> memref<!tpu.dma_semaphore, #tpu.memory_space<semaphore_mem>>
    tpu.wait_indirect_dma semaphore(%dma_wait3A_229 : memref<!tpu.dma_semaphore, #tpu.memory_space<semaphore_mem>>) src(%dma_wait3A_221 : memref<128x16xf32, #tpu.memory_space<vmem>>) dst(%dma_wait3A_227 : memref<10240x16xf32, #tpu.memory_space<vmem_shared>>)
    %dma_wait3A_230 = arith.constant 1 : i32
    %dma_wait3A_231 = arith.constant 0 : i32
    %dma_wait3A_232 = arith.constant 1 : i32
    %dma_wait3A_233 = arith.constant 0 : i32
    %dma_wait3A_234 = arith.constant 0 : i32
    %dma_wait3A_235 = tpu.memref_slice %arg11[%dma_wait3A_230, %dma_wait3A_233, %dma_wait3A_234] : memref<4x128x16xf32, #tpu.memory_space<vmem>> -> memref<1x128x16xf32, #tpu.memory_space<vmem>>
    %dma_wait3A_236 = tpu.memref_squeeze %dma_wait3A_235 : memref<1x128x16xf32, #tpu.memory_space<vmem>> -> memref<128x16xf32, #tpu.memory_space<vmem>>
    %dma_wait3A_237 = arith.constant 0 : i32
    %dma_wait3A_238 = tpu.memref_slice %arg10[%dma_wait3A_231, %dma_wait3A_237] : memref<80x128xi32, #tpu.memory_space<vmem>> -> memref<1x128xi32, #tpu.memory_space<vmem>>
    %dma_wait3A_239 = tpu.memref_squeeze %dma_wait3A_238 : memref<1x128xi32, #tpu.memory_space<vmem>> -> memref<128xi32, #tpu.memory_space<vmem>>
    %dma_wait3A_240 = arith.constant 0 : i32
    %dma_wait3A_241 = arith.constant 0 : i32
    %dma_wait3A_242 = tpu.memref_slice %arg7[%dma_wait3A_240, %dma_wait3A_241] : memref<10240x16xf32, #tpu.memory_space<vmem_shared>> -> memref<10240x16xf32, #tpu.memory_space<vmem_shared>>
    %dma_wait3A_243 = tpu.memref_slice %arg15[%dma_wait3A_232] : memref<4x!tpu.dma_semaphore, #tpu.memory_space<semaphore_mem>> -> memref<1x!tpu.dma_semaphore, #tpu.memory_space<semaphore_mem>>
    %dma_wait3A_244 = tpu.memref_squeeze %dma_wait3A_243 : memref<1x!tpu.dma_semaphore, #tpu.memory_space<semaphore_mem>> -> memref<!tpu.dma_semaphore, #tpu.memory_space<semaphore_mem>>
    tpu.wait_indirect_dma semaphore(%dma_wait3A_244 : memref<!tpu.dma_semaphore, #tpu.memory_space<semaphore_mem>>) src(%dma_wait3A_236 : memref<128x16xf32, #tpu.memory_space<vmem>>) dst(%dma_wait3A_242 : memref<10240x16xf32, #tpu.memory_space<vmem_shared>>)
    %dma_wait3A_245 = arith.constant 2 : i32
    %dma_wait3A_246 = arith.constant 0 : i32
    %dma_wait3A_247 = arith.constant 2 : i32
    %dma_wait3A_248 = arith.constant 0 : i32
    %dma_wait3A_249 = arith.constant 0 : i32
    %dma_wait3A_250 = tpu.memref_slice %arg11[%dma_wait3A_245, %dma_wait3A_248, %dma_wait3A_249] : memref<4x128x16xf32, #tpu.memory_space<vmem>> -> memref<1x128x16xf32, #tpu.memory_space<vmem>>
    %dma_wait3A_251 = tpu.memref_squeeze %dma_wait3A_250 : memref<1x128x16xf32, #tpu.memory_space<vmem>> -> memref<128x16xf32, #tpu.memory_space<vmem>>
    %dma_wait3A_252 = arith.constant 0 : i32
    %dma_wait3A_253 = tpu.memref_slice %arg10[%dma_wait3A_246, %dma_wait3A_252] : memref<80x128xi32, #tpu.memory_space<vmem>> -> memref<1x128xi32, #tpu.memory_space<vmem>>
    %dma_wait3A_254 = tpu.memref_squeeze %dma_wait3A_253 : memref<1x128xi32, #tpu.memory_space<vmem>> -> memref<128xi32, #tpu.memory_space<vmem>>
    %dma_wait3A_255 = arith.constant 0 : i32
    %dma_wait3A_256 = arith.constant 0 : i32
    %dma_wait3A_257 = tpu.memref_slice %arg7[%dma_wait3A_255, %dma_wait3A_256] : memref<10240x16xf32, #tpu.memory_space<vmem_shared>> -> memref<10240x16xf32, #tpu.memory_space<vmem_shared>>
    %dma_wait3A_258 = tpu.memref_slice %arg15[%dma_wait3A_247] : memref<4x!tpu.dma_semaphore, #tpu.memory_space<semaphore_mem>> -> memref<1x!tpu.dma_semaphore, #tpu.memory_space<semaphore_mem>>
    %dma_wait3A_259 = tpu.memref_squeeze %dma_wait3A_258 : memref<1x!tpu.dma_semaphore, #tpu.memory_space<semaphore_mem>> -> memref<!tpu.dma_semaphore, #tpu.memory_space<semaphore_mem>>
    tpu.wait_indirect_dma semaphore(%dma_wait3A_259 : memref<!tpu.dma_semaphore, #tpu.memory_space<semaphore_mem>>) src(%dma_wait3A_251 : memref<128x16xf32, #tpu.memory_space<vmem>>) dst(%dma_wait3A_257 : memref<10240x16xf32, #tpu.memory_space<vmem_shared>>)
    %dma_wait3A_260 = arith.constant 3 : i32
    %dma_wait3A_261 = arith.constant 0 : i32
    %dma_wait3A_262 = arith.constant 3 : i32
    %dma_wait3A_263 = arith.constant 0 : i32
    %dma_wait3A_264 = arith.constant 0 : i32
    %dma_wait3A_265 = tpu.memref_slice %arg11[%dma_wait3A_260, %dma_wait3A_263, %dma_wait3A_264] : memref<4x128x16xf32, #tpu.memory_space<vmem>> -> memref<1x128x16xf32, #tpu.memory_space<vmem>>
    %dma_wait3A_266 = tpu.memref_squeeze %dma_wait3A_265 : memref<1x128x16xf32, #tpu.memory_space<vmem>> -> memref<128x16xf32, #tpu.memory_space<vmem>>
    %dma_wait3A_267 = arith.constant 0 : i32
    %dma_wait3A_268 = tpu.memref_slice %arg10[%dma_wait3A_261, %dma_wait3A_267] : memref<80x128xi32, #tpu.memory_space<vmem>> -> memref<1x128xi32, #tpu.memory_space<vmem>>
    %dma_wait3A_269 = tpu.memref_squeeze %dma_wait3A_268 : memref<1x128xi32, #tpu.memory_space<vmem>> -> memref<128xi32, #tpu.memory_space<vmem>>
    %dma_wait3A_270 = arith.constant 0 : i32
    %dma_wait3A_271 = arith.constant 0 : i32
    %dma_wait3A_272 = tpu.memref_slice %arg7[%dma_wait3A_270, %dma_wait3A_271] : memref<10240x16xf32, #tpu.memory_space<vmem_shared>> -> memref<10240x16xf32, #tpu.memory_space<vmem_shared>>
    %dma_wait3A_273 = tpu.memref_slice %arg15[%dma_wait3A_262] : memref<4x!tpu.dma_semaphore, #tpu.memory_space<semaphore_mem>> -> memref<1x!tpu.dma_semaphore, #tpu.memory_space<semaphore_mem>>
    %dma_wait3A_274 = tpu.memref_squeeze %dma_wait3A_273 : memref<1x!tpu.dma_semaphore, #tpu.memory_space<semaphore_mem>> -> memref<!tpu.dma_semaphore, #tpu.memory_space<semaphore_mem>>
    tpu.wait_indirect_dma semaphore(%dma_wait3A_274 : memref<!tpu.dma_semaphore, #tpu.memory_space<semaphore_mem>>) src(%dma_wait3A_266 : memref<128x16xf32, #tpu.memory_space<vmem>>) dst(%dma_wait3A_272 : memref<10240x16xf32, #tpu.memory_space<vmem_shared>>)
    %barrier3A_275 = arith.constant 0 : index
    tpu.barrier barrier_id(%barrier3A_275)
    %mul3A_276 = arith.constant 640 : i32
    %mul3A_277 = arith.muli %arg1, %mul3A_276 : i32
    %mul3A_278 = arith.constant 10240 : i32
    %mul3A_279 = arith.muli %arg0, %mul3A_278 : i32
    %mul3A_280 = arith.constant 640 : i32
    %mul3A_281 = arith.muli %arg1, %mul3A_280 : i32
    %add3A_282 = arith.addi %mul3A_279, %mul3A_281 : i32
    "tpu.region"() ({
      %run_scoped3A = tpu.sem_alloc : memref<!tpu.dma_semaphore, #tpu.memory_space<semaphore_mem>>
      %dma_start3A_283 = arith.constant 0 : i32
      %dma_start3A_284 = tpu.memref_slice %arg6[%add3A_282, %dma_start3A_283] : memref<20480x16xf32, #tpu.memory_space<hbm>> -> memref<640x16xf32, #tpu.memory_space<hbm>>
      %dma_start3A_285 = arith.constant 0 : i32
      %dma_start3A_286 = tpu.memref_slice %arg7[%mul3A_277, %dma_start3A_285] : memref<10240x16xf32, #tpu.memory_space<vmem_shared>> -> memref<640x16xf32, #tpu.memory_space<vmem_shared>>
      tpu.enqueue_dma source(%dma_start3A_286 : memref<640x16xf32, #tpu.memory_space<vmem_shared>>) target(%dma_start3A_284 : memref<640x16xf32, #tpu.memory_space<hbm>>) target_semaphore(%run_scoped3A : memref<!tpu.dma_semaphore, #tpu.memory_space<semaphore_mem>>)
      %dma_wait3A_287 = arith.constant 0 : i32
      %dma_wait3A_288 = tpu.memref_slice %arg6[%add3A_282, %dma_wait3A_287] : memref<20480x16xf32, #tpu.memory_space<hbm>> -> memref<640x16xf32, #tpu.memory_space<hbm>>
      %dma_wait3A_289 = arith.constant 0 : i32
      %dma_wait3A_290 = tpu.memref_slice %arg7[%mul3A_277, %dma_wait3A_289] : memref<10240x16xf32, #tpu.memory_space<vmem_shared>> -> memref<640x16xf32, #tpu.memory_space<vmem_shared>>
      tpu.wait_dma2 semaphore(%run_scoped3A : memref<!tpu.dma_semaphore, #tpu.memory_space<semaphore_mem>>) src(%dma_wait3A_290 : memref<640x16xf32, #tpu.memory_space<vmem_shared>>) dst(%dma_wait3A_288 : memref<640x16xf32, #tpu.memory_space<hbm>>)
      tpu.yield
    }) : () -> ()
    return
  }
}

#map = affine_map<(d0, d1) -> (0, 0)>
#map1 = affine_map<(d0, d1) -> (0, 0, 0)>
module attributes {stable_mosaic.version = 14 : i64} {
  func.func @segsum_kernel(%arg0: i32, %arg1: i32, %arg2: memref<10240x16xf32, #tpu.memory_space<hbm>>, %arg3: memref<32x80x128xi32, #tpu.memory_space<hbm>>, %arg4: memref<32x80x128xi32, #tpu.memory_space<hbm>>, %arg5: memref<10240x16xf32, #tpu.memory_space<hbm>>, %arg6: memref<20480x16xf32, #tpu.memory_space<hbm>>, %arg7: memref<10240x16xf32, #tpu.memory_space<vmem_shared>>, %arg8: memref<10240x16xf32, #tpu.memory_space<vmem_shared>>, %arg9: memref<6x128xi32, #tpu.memory_space<vmem>>, %arg10: memref<80x128xi32, #tpu.memory_space<vmem>>, %arg11: memref<4x128x16xf32, #tpu.memory_space<vmem>>, %arg12: memref<6x!tpu.dma_semaphore, #tpu.memory_space<semaphore_mem>>, %arg13: memref<1x!tpu.dma_semaphore, #tpu.memory_space<semaphore_mem>>, %arg14: memref<4x!tpu.dma_semaphore, #tpu.memory_space<semaphore_mem>>, %arg15: memref<4x!tpu.dma_semaphore, #tpu.memory_space<semaphore_mem>>) attributes {dimension_semantics = [#tpu.dimension_semantics<core_parallel>, #tpu.dimension_semantics<subcore_parallel>], iteration_bounds = array<i64: 2, 16>, scalar_prefetch = 0 : i64, scratch_operands = 9 : i64, tpu.core_type = #tpu.core_type<sc_vector_subcore>, window_params = [{transform_indices = #map}, {transform_indices = #map1}, {transform_indices = #map1}, {transform_indices = #map}, {transform_indices = #map}]} {
    %mul3A = arith.constant 2 : i32
    %mul3A_0 = arith.muli %arg1, %mul3A : i32
    %add3A = arith.addi %mul3A_0, %arg0 : i32
    %dma_start3A = arith.constant 0 : i32
    %dma_start3A_1 = arith.constant 0 : i32
    %dma_start3A_2 = arith.constant 0 : i32
    %dma_start3A_3 = tpu.memref_slice %arg4[%add3A, %dma_start3A_1, %dma_start3A_2] : memref<32x80x128xi32, #tpu.memory_space<hbm>> -> memref<1x80x128xi32, #tpu.memory_space<hbm>>
    %dma_start3A_4 = tpu.memref_squeeze %dma_start3A_3 : memref<1x80x128xi32, #tpu.memory_space<hbm>> -> memref<80x128xi32, #tpu.memory_space<hbm>>
    %dma_start3A_5 = tpu.memref_slice %arg13[%dma_start3A] : memref<1x!tpu.dma_semaphore, #tpu.memory_space<semaphore_mem>> -> memref<1x!tpu.dma_semaphore, #tpu.memory_space<semaphore_mem>>
    %dma_start3A_6 = tpu.memref_squeeze %dma_start3A_5 : memref<1x!tpu.dma_semaphore, #tpu.memory_space<semaphore_mem>> -> memref<!tpu.dma_semaphore, #tpu.memory_space<semaphore_mem>>
    %dma_start3A_7 = arith.constant 0 : i32
    %dma_start3A_8 = arith.constant 0 : i32
    %dma_start3A_9 = tpu.memref_slice %arg4[%add3A, %dma_start3A_7, %dma_start3A_8] : memref<32x80x128xi32, #tpu.memory_space<hbm>> -> memref<1x80x128xi32, #tpu.memory_space<hbm>>
    %dma_start3A_10 = tpu.memref_squeeze %dma_start3A_9 : memref<1x80x128xi32, #tpu.memory_space<hbm>> -> memref<80x128xi32, #tpu.memory_space<hbm>>
    tpu.enqueue_dma source(%dma_start3A_10 : memref<80x128xi32, #tpu.memory_space<hbm>>) target(%arg10 : memref<80x128xi32, #tpu.memory_space<vmem>>) target_semaphore(%dma_start3A_6 : memref<!tpu.dma_semaphore, #tpu.memory_space<semaphore_mem>>)
    %dma_start3A_11 = arith.constant 0 : i32
    %dma_start3A_12 = arith.constant 0 : i32
    %dma_start3A_13 = arith.constant 0 : i32
    %dma_start3A_14 = arith.constant 0 : i32
    %dma_start3A_15 = tpu.memref_slice %arg9[%dma_start3A_12, %dma_start3A_14] : memref<6x128xi32, #tpu.memory_space<vmem>> -> memref<1x128xi32, #tpu.memory_space<vmem>>
    %dma_start3A_16 = tpu.memref_squeeze %dma_start3A_15 : memref<1x128xi32, #tpu.memory_space<vmem>> -> memref<128xi32, #tpu.memory_space<vmem>>
    %dma_start3A_17 = arith.constant 0 : i32
    %dma_start3A_18 = tpu.memref_slice %arg3[%add3A, %dma_start3A_11, %dma_start3A_17] : memref<32x80x128xi32, #tpu.memory_space<hbm>> -> memref<1x1x128xi32, #tpu.memory_space<hbm>>
    %dma_start3A_19 = tpu.memref_squeeze %dma_start3A_18 : memref<1x1x128xi32, #tpu.memory_space<hbm>> -> memref<128xi32, #tpu.memory_space<hbm>>
    %dma_start3A_20 = tpu.memref_slice %arg12[%dma_start3A_13] : memref<6x!tpu.dma_semaphore, #tpu.memory_space<semaphore_mem>> -> memref<1x!tpu.dma_semaphore, #tpu.memory_space<semaphore_mem>>
    %dma_start3A_21 = tpu.memref_squeeze %dma_start3A_20 : memref<1x!tpu.dma_semaphore, #tpu.memory_space<semaphore_mem>> -> memref<!tpu.dma_semaphore, #tpu.memory_space<semaphore_mem>>
    %dma_start3A_22 = arith.constant 0 : i32
    %dma_start3A_23 = tpu.memref_slice %arg9[%dma_start3A_12, %dma_start3A_22] : memref<6x128xi32, #tpu.memory_space<vmem>> -> memref<1x128xi32, #tpu.memory_space<vmem>>
    %dma_start3A_24 = tpu.memref_squeeze %dma_start3A_23 : memref<1x128xi32, #tpu.memory_space<vmem>> -> memref<128xi32, #tpu.memory_space<vmem>>
    %dma_start3A_25 = arith.constant 0 : i32
    %dma_start3A_26 = tpu.memref_slice %arg3[%add3A, %dma_start3A_11, %dma_start3A_25] : memref<32x80x128xi32, #tpu.memory_space<hbm>> -> memref<1x1x128xi32, #tpu.memory_space<hbm>>
    %dma_start3A_27 = tpu.memref_squeeze %dma_start3A_26 : memref<1x1x128xi32, #tpu.memory_space<hbm>> -> memref<128xi32, #tpu.memory_space<hbm>>
    tpu.enqueue_dma source(%dma_start3A_27 : memref<128xi32, #tpu.memory_space<hbm>>) target(%dma_start3A_24 : memref<128xi32, #tpu.memory_space<vmem>>) target_semaphore(%dma_start3A_21 : memref<!tpu.dma_semaphore, #tpu.memory_space<semaphore_mem>>)
    %dma_start3A_28 = arith.constant 1 : i32
    %dma_start3A_29 = arith.constant 1 : i32
    %dma_start3A_30 = arith.constant 1 : i32
    %dma_start3A_31 = arith.constant 0 : i32
    %dma_start3A_32 = tpu.memref_slice %arg9[%dma_start3A_29, %dma_start3A_31] : memref<6x128xi32, #tpu.memory_space<vmem>> -> memref<1x128xi32, #tpu.memory_space<vmem>>
    %dma_start3A_33 = tpu.memref_squeeze %dma_start3A_32 : memref<1x128xi32, #tpu.memory_space<vmem>> -> memref<128xi32, #tpu.memory_space<vmem>>
    %dma_start3A_34 = arith.constant 0 : i32
    %dma_start3A_35 = tpu.memref_slice %arg3[%add3A, %dma_start3A_28, %dma_start3A_34] : memref<32x80x128xi32, #tpu.memory_space<hbm>> -> memref<1x1x128xi32, #tpu.memory_space<hbm>>
    %dma_start3A_36 = tpu.memref_squeeze %dma_start3A_35 : memref<1x1x128xi32, #tpu.memory_space<hbm>> -> memref<128xi32, #tpu.memory_space<hbm>>
    %dma_start3A_37 = tpu.memref_slice %arg12[%dma_start3A_30] : memref<6x!tpu.dma_semaphore, #tpu.memory_space<semaphore_mem>> -> memref<1x!tpu.dma_semaphore, #tpu.memory_space<semaphore_mem>>
    %dma_start3A_38 = tpu.memref_squeeze %dma_start3A_37 : memref<1x!tpu.dma_semaphore, #tpu.memory_space<semaphore_mem>> -> memref<!tpu.dma_semaphore, #tpu.memory_space<semaphore_mem>>
    %dma_start3A_39 = arith.constant 0 : i32
    %dma_start3A_40 = tpu.memref_slice %arg9[%dma_start3A_29, %dma_start3A_39] : memref<6x128xi32, #tpu.memory_space<vmem>> -> memref<1x128xi32, #tpu.memory_space<vmem>>
    %dma_start3A_41 = tpu.memref_squeeze %dma_start3A_40 : memref<1x128xi32, #tpu.memory_space<vmem>> -> memref<128xi32, #tpu.memory_space<vmem>>
    %dma_start3A_42 = arith.constant 0 : i32
    %dma_start3A_43 = tpu.memref_slice %arg3[%add3A, %dma_start3A_28, %dma_start3A_42] : memref<32x80x128xi32, #tpu.memory_space<hbm>> -> memref<1x1x128xi32, #tpu.memory_space<hbm>>
    %dma_start3A_44 = tpu.memref_squeeze %dma_start3A_43 : memref<1x1x128xi32, #tpu.memory_space<hbm>> -> memref<128xi32, #tpu.memory_space<hbm>>
    tpu.enqueue_dma source(%dma_start3A_44 : memref<128xi32, #tpu.memory_space<hbm>>) target(%dma_start3A_41 : memref<128xi32, #tpu.memory_space<vmem>>) target_semaphore(%dma_start3A_38 : memref<!tpu.dma_semaphore, #tpu.memory_space<semaphore_mem>>)
    %dma_start3A_45 = arith.constant 2 : i32
    %dma_start3A_46 = arith.constant 2 : i32
    %dma_start3A_47 = arith.constant 2 : i32
    %dma_start3A_48 = arith.constant 0 : i32
    %dma_start3A_49 = tpu.memref_slice %arg9[%dma_start3A_46, %dma_start3A_48] : memref<6x128xi32, #tpu.memory_space<vmem>> -> memref<1x128xi32, #tpu.memory_space<vmem>>
    %dma_start3A_50 = tpu.memref_squeeze %dma_start3A_49 : memref<1x128xi32, #tpu.memory_space<vmem>> -> memref<128xi32, #tpu.memory_space<vmem>>
    %dma_start3A_51 = arith.constant 0 : i32
    %dma_start3A_52 = tpu.memref_slice %arg3[%add3A, %dma_start3A_45, %dma_start3A_51] : memref<32x80x128xi32, #tpu.memory_space<hbm>> -> memref<1x1x128xi32, #tpu.memory_space<hbm>>
    %dma_start3A_53 = tpu.memref_squeeze %dma_start3A_52 : memref<1x1x128xi32, #tpu.memory_space<hbm>> -> memref<128xi32, #tpu.memory_space<hbm>>
    %dma_start3A_54 = tpu.memref_slice %arg12[%dma_start3A_47] : memref<6x!tpu.dma_semaphore, #tpu.memory_space<semaphore_mem>> -> memref<1x!tpu.dma_semaphore, #tpu.memory_space<semaphore_mem>>
    %dma_start3A_55 = tpu.memref_squeeze %dma_start3A_54 : memref<1x!tpu.dma_semaphore, #tpu.memory_space<semaphore_mem>> -> memref<!tpu.dma_semaphore, #tpu.memory_space<semaphore_mem>>
    %dma_start3A_56 = arith.constant 0 : i32
    %dma_start3A_57 = tpu.memref_slice %arg9[%dma_start3A_46, %dma_start3A_56] : memref<6x128xi32, #tpu.memory_space<vmem>> -> memref<1x128xi32, #tpu.memory_space<vmem>>
    %dma_start3A_58 = tpu.memref_squeeze %dma_start3A_57 : memref<1x128xi32, #tpu.memory_space<vmem>> -> memref<128xi32, #tpu.memory_space<vmem>>
    %dma_start3A_59 = arith.constant 0 : i32
    %dma_start3A_60 = tpu.memref_slice %arg3[%add3A, %dma_start3A_45, %dma_start3A_59] : memref<32x80x128xi32, #tpu.memory_space<hbm>> -> memref<1x1x128xi32, #tpu.memory_space<hbm>>
    %dma_start3A_61 = tpu.memref_squeeze %dma_start3A_60 : memref<1x1x128xi32, #tpu.memory_space<hbm>> -> memref<128xi32, #tpu.memory_space<hbm>>
    tpu.enqueue_dma source(%dma_start3A_61 : memref<128xi32, #tpu.memory_space<hbm>>) target(%dma_start3A_58 : memref<128xi32, #tpu.memory_space<vmem>>) target_semaphore(%dma_start3A_55 : memref<!tpu.dma_semaphore, #tpu.memory_space<semaphore_mem>>)
    %dma_start3A_62 = arith.constant 3 : i32
    %dma_start3A_63 = arith.constant 3 : i32
    %dma_start3A_64 = arith.constant 3 : i32
    %dma_start3A_65 = arith.constant 0 : i32
    %dma_start3A_66 = tpu.memref_slice %arg9[%dma_start3A_63, %dma_start3A_65] : memref<6x128xi32, #tpu.memory_space<vmem>> -> memref<1x128xi32, #tpu.memory_space<vmem>>
    %dma_start3A_67 = tpu.memref_squeeze %dma_start3A_66 : memref<1x128xi32, #tpu.memory_space<vmem>> -> memref<128xi32, #tpu.memory_space<vmem>>
    %dma_start3A_68 = arith.constant 0 : i32
    %dma_start3A_69 = tpu.memref_slice %arg3[%add3A, %dma_start3A_62, %dma_start3A_68] : memref<32x80x128xi32, #tpu.memory_space<hbm>> -> memref<1x1x128xi32, #tpu.memory_space<hbm>>
    %dma_start3A_70 = tpu.memref_squeeze %dma_start3A_69 : memref<1x1x128xi32, #tpu.memory_space<hbm>> -> memref<128xi32, #tpu.memory_space<hbm>>
    %dma_start3A_71 = tpu.memref_slice %arg12[%dma_start3A_64] : memref<6x!tpu.dma_semaphore, #tpu.memory_space<semaphore_mem>> -> memref<1x!tpu.dma_semaphore, #tpu.memory_space<semaphore_mem>>
    %dma_start3A_72 = tpu.memref_squeeze %dma_start3A_71 : memref<1x!tpu.dma_semaphore, #tpu.memory_space<semaphore_mem>> -> memref<!tpu.dma_semaphore, #tpu.memory_space<semaphore_mem>>
    %dma_start3A_73 = arith.constant 0 : i32
    %dma_start3A_74 = tpu.memref_slice %arg9[%dma_start3A_63, %dma_start3A_73] : memref<6x128xi32, #tpu.memory_space<vmem>> -> memref<1x128xi32, #tpu.memory_space<vmem>>
    %dma_start3A_75 = tpu.memref_squeeze %dma_start3A_74 : memref<1x128xi32, #tpu.memory_space<vmem>> -> memref<128xi32, #tpu.memory_space<vmem>>
    %dma_start3A_76 = arith.constant 0 : i32
    %dma_start3A_77 = tpu.memref_slice %arg3[%add3A, %dma_start3A_62, %dma_start3A_76] : memref<32x80x128xi32, #tpu.memory_space<hbm>> -> memref<1x1x128xi32, #tpu.memory_space<hbm>>
    %dma_start3A_78 = tpu.memref_squeeze %dma_start3A_77 : memref<1x1x128xi32, #tpu.memory_space<hbm>> -> memref<128xi32, #tpu.memory_space<hbm>>
    tpu.enqueue_dma source(%dma_start3A_78 : memref<128xi32, #tpu.memory_space<hbm>>) target(%dma_start3A_75 : memref<128xi32, #tpu.memory_space<vmem>>) target_semaphore(%dma_start3A_72 : memref<!tpu.dma_semaphore, #tpu.memory_space<semaphore_mem>>)
    %dma_start3A_79 = arith.constant 4 : i32
    %dma_start3A_80 = arith.constant 4 : i32
    %dma_start3A_81 = arith.constant 4 : i32
    %dma_start3A_82 = arith.constant 0 : i32
    %dma_start3A_83 = tpu.memref_slice %arg9[%dma_start3A_80, %dma_start3A_82] : memref<6x128xi32, #tpu.memory_space<vmem>> -> memref<1x128xi32, #tpu.memory_space<vmem>>
    %dma_start3A_84 = tpu.memref_squeeze %dma_start3A_83 : memref<1x128xi32, #tpu.memory_space<vmem>> -> memref<128xi32, #tpu.memory_space<vmem>>
    %dma_start3A_85 = arith.constant 0 : i32
    %dma_start3A_86 = tpu.memref_slice %arg3[%add3A, %dma_start3A_79, %dma_start3A_85] : memref<32x80x128xi32, #tpu.memory_space<hbm>> -> memref<1x1x128xi32, #tpu.memory_space<hbm>>
    %dma_start3A_87 = tpu.memref_squeeze %dma_start3A_86 : memref<1x1x128xi32, #tpu.memory_space<hbm>> -> memref<128xi32, #tpu.memory_space<hbm>>
    %dma_start3A_88 = tpu.memref_slice %arg12[%dma_start3A_81] : memref<6x!tpu.dma_semaphore, #tpu.memory_space<semaphore_mem>> -> memref<1x!tpu.dma_semaphore, #tpu.memory_space<semaphore_mem>>
    %dma_start3A_89 = tpu.memref_squeeze %dma_start3A_88 : memref<1x!tpu.dma_semaphore, #tpu.memory_space<semaphore_mem>> -> memref<!tpu.dma_semaphore, #tpu.memory_space<semaphore_mem>>
    %dma_start3A_90 = arith.constant 0 : i32
    %dma_start3A_91 = tpu.memref_slice %arg9[%dma_start3A_80, %dma_start3A_90] : memref<6x128xi32, #tpu.memory_space<vmem>> -> memref<1x128xi32, #tpu.memory_space<vmem>>
    %dma_start3A_92 = tpu.memref_squeeze %dma_start3A_91 : memref<1x128xi32, #tpu.memory_space<vmem>> -> memref<128xi32, #tpu.memory_space<vmem>>
    %dma_start3A_93 = arith.constant 0 : i32
    %dma_start3A_94 = tpu.memref_slice %arg3[%add3A, %dma_start3A_79, %dma_start3A_93] : memref<32x80x128xi32, #tpu.memory_space<hbm>> -> memref<1x1x128xi32, #tpu.memory_space<hbm>>
    %dma_start3A_95 = tpu.memref_squeeze %dma_start3A_94 : memref<1x1x128xi32, #tpu.memory_space<hbm>> -> memref<128xi32, #tpu.memory_space<hbm>>
    tpu.enqueue_dma source(%dma_start3A_95 : memref<128xi32, #tpu.memory_space<hbm>>) target(%dma_start3A_92 : memref<128xi32, #tpu.memory_space<vmem>>) target_semaphore(%dma_start3A_89 : memref<!tpu.dma_semaphore, #tpu.memory_space<semaphore_mem>>)
    %mul3A_96 = arith.constant 640 : i32
    %mul3A_97 = arith.muli %arg1, %mul3A_96 : i32
    %mul3A_98 = arith.constant 640 : i32
    %mul3A_99 = arith.muli %arg1, %mul3A_98 : i32
    "tpu.region"() ({
      %run_scoped3A = tpu.sem_alloc : memref<!tpu.dma_semaphore, #tpu.memory_space<semaphore_mem>>
      %dma_start3A_283 = arith.constant 0 : i32
      %dma_start3A_284 = tpu.memref_slice %arg7[%mul3A_99, %dma_start3A_283] : memref<10240x16xf32, #tpu.memory_space<vmem_shared>> -> memref<640x16xf32, #tpu.memory_space<vmem_shared>>
      %dma_start3A_285 = arith.constant 0 : i32
      %dma_start3A_286 = tpu.memref_slice %arg5[%mul3A_97, %dma_start3A_285] : memref<10240x16xf32, #tpu.memory_space<hbm>> -> memref<640x16xf32, #tpu.memory_space<hbm>>
      tpu.enqueue_dma source(%dma_start3A_286 : memref<640x16xf32, #tpu.memory_space<hbm>>) target(%dma_start3A_284 : memref<640x16xf32, #tpu.memory_space<vmem_shared>>) target_semaphore(%run_scoped3A : memref<!tpu.dma_semaphore, #tpu.memory_space<semaphore_mem>>)
      %dma_wait3A_287 = arith.constant 0 : i32
      %dma_wait3A_288 = tpu.memref_slice %arg7[%mul3A_99, %dma_wait3A_287] : memref<10240x16xf32, #tpu.memory_space<vmem_shared>> -> memref<640x16xf32, #tpu.memory_space<vmem_shared>>
      %dma_wait3A_289 = arith.constant 0 : i32
      %dma_wait3A_290 = tpu.memref_slice %arg5[%mul3A_97, %dma_wait3A_289] : memref<10240x16xf32, #tpu.memory_space<hbm>> -> memref<640x16xf32, #tpu.memory_space<hbm>>
      tpu.wait_dma2 semaphore(%run_scoped3A : memref<!tpu.dma_semaphore, #tpu.memory_space<semaphore_mem>>) src(%dma_wait3A_290 : memref<640x16xf32, #tpu.memory_space<hbm>>) dst(%dma_wait3A_288 : memref<640x16xf32, #tpu.memory_space<vmem_shared>>)
      tpu.yield
    }) : () -> ()
    %mul3A_100 = arith.constant 640 : i32
    %mul3A_101 = arith.muli %arg1, %mul3A_100 : i32
    %mul3A_102 = arith.constant 640 : i32
    %mul3A_103 = arith.muli %arg1, %mul3A_102 : i32
    "tpu.region"() ({
      %run_scoped3A = tpu.sem_alloc : memref<!tpu.dma_semaphore, #tpu.memory_space<semaphore_mem>>
      %dma_start3A_283 = arith.constant 0 : i32
      %dma_start3A_284 = tpu.memref_slice %arg8[%mul3A_103, %dma_start3A_283] : memref<10240x16xf32, #tpu.memory_space<vmem_shared>> -> memref<640x16xf32, #tpu.memory_space<vmem_shared>>
      %dma_start3A_285 = arith.constant 0 : i32
      %dma_start3A_286 = tpu.memref_slice %arg2[%mul3A_101, %dma_start3A_285] : memref<10240x16xf32, #tpu.memory_space<hbm>> -> memref<640x16xf32, #tpu.memory_space<hbm>>
      tpu.enqueue_dma source(%dma_start3A_286 : memref<640x16xf32, #tpu.memory_space<hbm>>) target(%dma_start3A_284 : memref<640x16xf32, #tpu.memory_space<vmem_shared>>) target_semaphore(%run_scoped3A : memref<!tpu.dma_semaphore, #tpu.memory_space<semaphore_mem>>)
      %dma_wait3A_287 = arith.constant 0 : i32
      %dma_wait3A_288 = tpu.memref_slice %arg8[%mul3A_103, %dma_wait3A_287] : memref<10240x16xf32, #tpu.memory_space<vmem_shared>> -> memref<640x16xf32, #tpu.memory_space<vmem_shared>>
      %dma_wait3A_289 = arith.constant 0 : i32
      %dma_wait3A_290 = tpu.memref_slice %arg2[%mul3A_101, %dma_wait3A_289] : memref<10240x16xf32, #tpu.memory_space<hbm>> -> memref<640x16xf32, #tpu.memory_space<hbm>>
      tpu.wait_dma2 semaphore(%run_scoped3A : memref<!tpu.dma_semaphore, #tpu.memory_space<semaphore_mem>>) src(%dma_wait3A_290 : memref<640x16xf32, #tpu.memory_space<hbm>>) dst(%dma_wait3A_288 : memref<640x16xf32, #tpu.memory_space<vmem_shared>>)
      tpu.yield
    }) : () -> ()
    %dma_wait3A = arith.constant 0 : i32
    %dma_wait3A_104 = arith.constant 0 : i32
    %dma_wait3A_105 = arith.constant 0 : i32
    %dma_wait3A_106 = tpu.memref_slice %arg4[%add3A, %dma_wait3A_104, %dma_wait3A_105] : memref<32x80x128xi32, #tpu.memory_space<hbm>> -> memref<1x80x128xi32, #tpu.memory_space<hbm>>
    %dma_wait3A_107 = tpu.memref_squeeze %dma_wait3A_106 : memref<1x80x128xi32, #tpu.memory_space<hbm>> -> memref<80x128xi32, #tpu.memory_space<hbm>>
    %dma_wait3A_108 = tpu.memref_slice %arg13[%dma_wait3A] : memref<1x!tpu.dma_semaphore, #tpu.memory_space<semaphore_mem>> -> memref<1x!tpu.dma_semaphore, #tpu.memory_space<semaphore_mem>>
    %dma_wait3A_109 = tpu.memref_squeeze %dma_wait3A_108 : memref<1x!tpu.dma_semaphore, #tpu.memory_space<semaphore_mem>> -> memref<!tpu.dma_semaphore, #tpu.memory_space<semaphore_mem>>
    %dma_wait3A_110 = arith.constant 0 : i32
    %dma_wait3A_111 = arith.constant 0 : i32
    %dma_wait3A_112 = tpu.memref_slice %arg4[%add3A, %dma_wait3A_110, %dma_wait3A_111] : memref<32x80x128xi32, #tpu.memory_space<hbm>> -> memref<1x80x128xi32, #tpu.memory_space<hbm>>
    %dma_wait3A_113 = tpu.memref_squeeze %dma_wait3A_112 : memref<1x80x128xi32, #tpu.memory_space<hbm>> -> memref<80x128xi32, #tpu.memory_space<hbm>>
    tpu.wait_dma2 semaphore(%dma_wait3A_109 : memref<!tpu.dma_semaphore, #tpu.memory_space<semaphore_mem>>) src(%dma_wait3A_113 : memref<80x128xi32, #tpu.memory_space<hbm>>) dst(%arg10 : memref<80x128xi32, #tpu.memory_space<vmem>>)
    %barrier3A = arith.constant 0 : index
    tpu.barrier barrier_id(%barrier3A)
    %dma_wait3A_114 = arith.constant 0 : i32
    %dma_wait3A_115 = arith.constant 0 : i32
    %dma_wait3A_116 = arith.constant 0 : i32
    %dma_wait3A_117 = arith.constant 0 : i32
    %dma_wait3A_118 = tpu.memref_slice %arg9[%dma_wait3A_115, %dma_wait3A_117] : memref<6x128xi32, #tpu.memory_space<vmem>> -> memref<1x128xi32, #tpu.memory_space<vmem>>
    %dma_wait3A_119 = tpu.memref_squeeze %dma_wait3A_118 : memref<1x128xi32, #tpu.memory_space<vmem>> -> memref<128xi32, #tpu.memory_space<vmem>>
    %dma_wait3A_120 = arith.constant 0 : i32
    %dma_wait3A_121 = tpu.memref_slice %arg3[%add3A, %dma_wait3A_114, %dma_wait3A_120] : memref<32x80x128xi32, #tpu.memory_space<hbm>> -> memref<1x1x128xi32, #tpu.memory_space<hbm>>
    %dma_wait3A_122 = tpu.memref_squeeze %dma_wait3A_121 : memref<1x1x128xi32, #tpu.memory_space<hbm>> -> memref<128xi32, #tpu.memory_space<hbm>>
    %dma_wait3A_123 = tpu.memref_slice %arg12[%dma_wait3A_116] : memref<6x!tpu.dma_semaphore, #tpu.memory_space<semaphore_mem>> -> memref<1x!tpu.dma_semaphore, #tpu.memory_space<semaphore_mem>>
    %dma_wait3A_124 = tpu.memref_squeeze %dma_wait3A_123 : memref<1x!tpu.dma_semaphore, #tpu.memory_space<semaphore_mem>> -> memref<!tpu.dma_semaphore, #tpu.memory_space<semaphore_mem>>
    %dma_wait3A_125 = arith.constant 0 : i32
    %dma_wait3A_126 = tpu.memref_slice %arg9[%dma_wait3A_115, %dma_wait3A_125] : memref<6x128xi32, #tpu.memory_space<vmem>> -> memref<1x128xi32, #tpu.memory_space<vmem>>
    %dma_wait3A_127 = tpu.memref_squeeze %dma_wait3A_126 : memref<1x128xi32, #tpu.memory_space<vmem>> -> memref<128xi32, #tpu.memory_space<vmem>>
    %dma_wait3A_128 = arith.constant 0 : i32
    %dma_wait3A_129 = tpu.memref_slice %arg3[%add3A, %dma_wait3A_114, %dma_wait3A_128] : memref<32x80x128xi32, #tpu.memory_space<hbm>> -> memref<1x1x128xi32, #tpu.memory_space<hbm>>
    %dma_wait3A_130 = tpu.memref_squeeze %dma_wait3A_129 : memref<1x1x128xi32, #tpu.memory_space<hbm>> -> memref<128xi32, #tpu.memory_space<hbm>>
    tpu.wait_dma2 semaphore(%dma_wait3A_124 : memref<!tpu.dma_semaphore, #tpu.memory_space<semaphore_mem>>) src(%dma_wait3A_130 : memref<128xi32, #tpu.memory_space<hbm>>) dst(%dma_wait3A_127 : memref<128xi32, #tpu.memory_space<vmem>>)
    %dma_start3A_131 = arith.constant 0 : i32
    %dma_start3A_132 = arith.constant 0 : i32
    %dma_start3A_133 = arith.constant 0 : i32
    %dma_start3A_134 = arith.constant 0 : i32
    %dma_start3A_135 = arith.constant 0 : i32
    %dma_start3A_136 = tpu.memref_slice %arg11[%dma_start3A_132, %dma_start3A_134, %dma_start3A_135] : memref<4x128x16xf32, #tpu.memory_space<vmem>> -> memref<1x128x16xf32, #tpu.memory_space<vmem>>
    %dma_start3A_137 = tpu.memref_squeeze %dma_start3A_136 : memref<1x128x16xf32, #tpu.memory_space<vmem>> -> memref<128x16xf32, #tpu.memory_space<vmem>>
    %dma_start3A_138 = arith.constant 0 : i32
    %dma_start3A_139 = tpu.memref_slice %arg9[%dma_start3A_131, %dma_start3A_138] : memref<6x128xi32, #tpu.memory_space<vmem>> -> memref<1x128xi32, #tpu.memory_space<vmem>>
    %dma_start3A_140 = tpu.memref_squeeze %dma_start3A_139 : memref<1x128xi32, #tpu.memory_space<vmem>> -> memref<128xi32, #tpu.memory_space<vmem>>
    %dma_start3A_141 = arith.constant 0 : i32
    %dma_start3A_142 = arith.constant 0 : i32
    %dma_start3A_143 = tpu.memref_slice %arg8[%dma_start3A_141, %dma_start3A_142] : memref<10240x16xf32, #tpu.memory_space<vmem_shared>> -> memref<10240x16xf32, #tpu.memory_space<vmem_shared>>
    %dma_start3A_144 = tpu.memref_slice %arg14[%dma_start3A_133] : memref<4x!tpu.dma_semaphore, #tpu.memory_space<semaphore_mem>> -> memref<1x!tpu.dma_semaphore, #tpu.memory_space<semaphore_mem>>
    %dma_start3A_145 = tpu.memref_squeeze %dma_start3A_144 : memref<1x!tpu.dma_semaphore, #tpu.memory_space<semaphore_mem>> -> memref<!tpu.dma_semaphore, #tpu.memory_space<semaphore_mem>>
    tpu.enqueue_indirect_dma source(%dma_start3A_143 : memref<10240x16xf32, #tpu.memory_space<vmem_shared>>) target(%dma_start3A_137 : memref<128x16xf32, #tpu.memory_space<vmem>>) offsets(%dma_start3A_140 : memref<128xi32, #tpu.memory_space<vmem>>) semaphore(%dma_start3A_145 : memref<!tpu.dma_semaphore, #tpu.memory_space<semaphore_mem>>)
    %dma_wait3A_146 = arith.constant 0 : i32
    %dma_wait3A_147 = arith.constant 1 : i32
    %dma_wait3A_148 = arith.constant 1 : i32
    %dma_wait3A_149 = arith.constant 0 : i32
    %dma_wait3A_150 = tpu.memref_slice %arg9[%dma_wait3A_147, %dma_wait3A_149] : memref<6x128xi32, #tpu.memory_space<vmem>> -> memref<1x128xi32, #tpu.memory_space<vmem>>
    %dma_wait3A_151 = tpu.memref_squeeze %dma_wait3A_150 : memref<1x128xi32, #tpu.memory_space<vmem>> -> memref<128xi32, #tpu.memory_space<vmem>>
    %dma_wait3A_152 = arith.constant 0 : i32
    %dma_wait3A_153 = tpu.memref_slice %arg3[%add3A, %dma_wait3A_146, %dma_wait3A_152] : memref<32x80x128xi32, #tpu.memory_space<hbm>> -> memref<1x1x128xi32, #tpu.memory_space<hbm>>
    %dma_wait3A_154 = tpu.memref_squeeze %dma_wait3A_153 : memref<1x1x128xi32, #tpu.memory_space<hbm>> -> memref<128xi32, #tpu.memory_space<hbm>>
    %dma_wait3A_155 = tpu.memref_slice %arg12[%dma_wait3A_148] : memref<6x!tpu.dma_semaphore, #tpu.memory_space<semaphore_mem>> -> memref<1x!tpu.dma_semaphore, #tpu.memory_space<semaphore_mem>>
    %dma_wait3A_156 = tpu.memref_squeeze %dma_wait3A_155 : memref<1x!tpu.dma_semaphore, #tpu.memory_space<semaphore_mem>> -> memref<!tpu.dma_semaphore, #tpu.memory_space<semaphore_mem>>
    %dma_wait3A_157 = arith.constant 0 : i32
    %dma_wait3A_158 = tpu.memref_slice %arg9[%dma_wait3A_147, %dma_wait3A_157] : memref<6x128xi32, #tpu.memory_space<vmem>> -> memref<1x128xi32, #tpu.memory_space<vmem>>
    %dma_wait3A_159 = tpu.memref_squeeze %dma_wait3A_158 : memref<1x128xi32, #tpu.memory_space<vmem>> -> memref<128xi32, #tpu.memory_space<vmem>>
    %dma_wait3A_160 = arith.constant 0 : i32
    %dma_wait3A_161 = tpu.memref_slice %arg3[%add3A, %dma_wait3A_146, %dma_wait3A_160] : memref<32x80x128xi32, #tpu.memory_space<hbm>> -> memref<1x1x128xi32, #tpu.memory_space<hbm>>
    %dma_wait3A_162 = tpu.memref_squeeze %dma_wait3A_161 : memref<1x1x128xi32, #tpu.memory_space<hbm>> -> memref<128xi32, #tpu.memory_space<hbm>>
    tpu.wait_dma2 semaphore(%dma_wait3A_156 : memref<!tpu.dma_semaphore, #tpu.memory_space<semaphore_mem>>) src(%dma_wait3A_162 : memref<128xi32, #tpu.memory_space<hbm>>) dst(%dma_wait3A_159 : memref<128xi32, #tpu.memory_space<vmem>>)
    %dma_start3A_163 = arith.constant 1 : i32
    %dma_start3A_164 = arith.constant 1 : i32
    %dma_start3A_165 = arith.constant 1 : i32
    %dma_start3A_166 = arith.constant 0 : i32
    %dma_start3A_167 = arith.constant 0 : i32
    %dma_start3A_168 = tpu.memref_slice %arg11[%dma_start3A_164, %dma_start3A_166, %dma_start3A_167] : memref<4x128x16xf32, #tpu.memory_space<vmem>> -> memref<1x128x16xf32, #tpu.memory_space<vmem>>
    %dma_start3A_169 = tpu.memref_squeeze %dma_start3A_168 : memref<1x128x16xf32, #tpu.memory_space<vmem>> -> memref<128x16xf32, #tpu.memory_space<vmem>>
    %dma_start3A_170 = arith.constant 0 : i32
    %dma_start3A_171 = tpu.memref_slice %arg9[%dma_start3A_163, %dma_start3A_170] : memref<6x128xi32, #tpu.memory_space<vmem>> -> memref<1x128xi32, #tpu.memory_space<vmem>>
    %dma_start3A_172 = tpu.memref_squeeze %dma_start3A_171 : memref<1x128xi32, #tpu.memory_space<vmem>> -> memref<128xi32, #tpu.memory_space<vmem>>
    %dma_start3A_173 = arith.constant 0 : i32
    %dma_start3A_174 = arith.constant 0 : i32
    %dma_start3A_175 = tpu.memref_slice %arg8[%dma_start3A_173, %dma_start3A_174] : memref<10240x16xf32, #tpu.memory_space<vmem_shared>> -> memref<10240x16xf32, #tpu.memory_space<vmem_shared>>
    %dma_start3A_176 = tpu.memref_slice %arg14[%dma_start3A_165] : memref<4x!tpu.dma_semaphore, #tpu.memory_space<semaphore_mem>> -> memref<1x!tpu.dma_semaphore, #tpu.memory_space<semaphore_mem>>
    %dma_start3A_177 = tpu.memref_squeeze %dma_start3A_176 : memref<1x!tpu.dma_semaphore, #tpu.memory_space<semaphore_mem>> -> memref<!tpu.dma_semaphore, #tpu.memory_space<semaphore_mem>>
    tpu.enqueue_indirect_dma source(%dma_start3A_175 : memref<10240x16xf32, #tpu.memory_space<vmem_shared>>) target(%dma_start3A_169 : memref<128x16xf32, #tpu.memory_space<vmem>>) offsets(%dma_start3A_172 : memref<128xi32, #tpu.memory_space<vmem>>) semaphore(%dma_start3A_177 : memref<!tpu.dma_semaphore, #tpu.memory_space<semaphore_mem>>)
    %dma_wait3A_178 = arith.constant 0 : i32
    %dma_wait3A_179 = arith.constant 2 : i32
    %dma_wait3A_180 = arith.constant 2 : i32
    %dma_wait3A_181 = arith.constant 0 : i32
    %dma_wait3A_182 = tpu.memref_slice %arg9[%dma_wait3A_179, %dma_wait3A_181] : memref<6x128xi32, #tpu.memory_space<vmem>> -> memref<1x128xi32, #tpu.memory_space<vmem>>
    %dma_wait3A_183 = tpu.memref_squeeze %dma_wait3A_182 : memref<1x128xi32, #tpu.memory_space<vmem>> -> memref<128xi32, #tpu.memory_space<vmem>>
    %dma_wait3A_184 = arith.constant 0 : i32
    %dma_wait3A_185 = tpu.memref_slice %arg3[%add3A, %dma_wait3A_178, %dma_wait3A_184] : memref<32x80x128xi32, #tpu.memory_space<hbm>> -> memref<1x1x128xi32, #tpu.memory_space<hbm>>
    %dma_wait3A_186 = tpu.memref_squeeze %dma_wait3A_185 : memref<1x1x128xi32, #tpu.memory_space<hbm>> -> memref<128xi32, #tpu.memory_space<hbm>>
    %dma_wait3A_187 = tpu.memref_slice %arg12[%dma_wait3A_180] : memref<6x!tpu.dma_semaphore, #tpu.memory_space<semaphore_mem>> -> memref<1x!tpu.dma_semaphore, #tpu.memory_space<semaphore_mem>>
    %dma_wait3A_188 = tpu.memref_squeeze %dma_wait3A_187 : memref<1x!tpu.dma_semaphore, #tpu.memory_space<semaphore_mem>> -> memref<!tpu.dma_semaphore, #tpu.memory_space<semaphore_mem>>
    %dma_wait3A_189 = arith.constant 0 : i32
    %dma_wait3A_190 = tpu.memref_slice %arg9[%dma_wait3A_179, %dma_wait3A_189] : memref<6x128xi32, #tpu.memory_space<vmem>> -> memref<1x128xi32, #tpu.memory_space<vmem>>
    %dma_wait3A_191 = tpu.memref_squeeze %dma_wait3A_190 : memref<1x128xi32, #tpu.memory_space<vmem>> -> memref<128xi32, #tpu.memory_space<vmem>>
    %dma_wait3A_192 = arith.constant 0 : i32
    %dma_wait3A_193 = tpu.memref_slice %arg3[%add3A, %dma_wait3A_178, %dma_wait3A_192] : memref<32x80x128xi32, #tpu.memory_space<hbm>> -> memref<1x1x128xi32, #tpu.memory_space<hbm>>
    %dma_wait3A_194 = tpu.memref_squeeze %dma_wait3A_193 : memref<1x1x128xi32, #tpu.memory_space<hbm>> -> memref<128xi32, #tpu.memory_space<hbm>>
    tpu.wait_dma2 semaphore(%dma_wait3A_188 : memref<!tpu.dma_semaphore, #tpu.memory_space<semaphore_mem>>) src(%dma_wait3A_194 : memref<128xi32, #tpu.memory_space<hbm>>) dst(%dma_wait3A_191 : memref<128xi32, #tpu.memory_space<vmem>>)
    %dma_start3A_195 = arith.constant 2 : i32
    %dma_start3A_196 = arith.constant 2 : i32
    %dma_start3A_197 = arith.constant 2 : i32
    %dma_start3A_198 = arith.constant 0 : i32
    %dma_start3A_199 = arith.constant 0 : i32
    %dma_start3A_200 = tpu.memref_slice %arg11[%dma_start3A_196, %dma_start3A_198, %dma_start3A_199] : memref<4x128x16xf32, #tpu.memory_space<vmem>> -> memref<1x128x16xf32, #tpu.memory_space<vmem>>
    %dma_start3A_201 = tpu.memref_squeeze %dma_start3A_200 : memref<1x128x16xf32, #tpu.memory_space<vmem>> -> memref<128x16xf32, #tpu.memory_space<vmem>>
    %dma_start3A_202 = arith.constant 0 : i32
    %dma_start3A_203 = tpu.memref_slice %arg9[%dma_start3A_195, %dma_start3A_202] : memref<6x128xi32, #tpu.memory_space<vmem>> -> memref<1x128xi32, #tpu.memory_space<vmem>>
    %dma_start3A_204 = tpu.memref_squeeze %dma_start3A_203 : memref<1x128xi32, #tpu.memory_space<vmem>> -> memref<128xi32, #tpu.memory_space<vmem>>
    %dma_start3A_205 = arith.constant 0 : i32
    %dma_start3A_206 = arith.constant 0 : i32
    %dma_start3A_207 = tpu.memref_slice %arg8[%dma_start3A_205, %dma_start3A_206] : memref<10240x16xf32, #tpu.memory_space<vmem_shared>> -> memref<10240x16xf32, #tpu.memory_space<vmem_shared>>
    %dma_start3A_208 = tpu.memref_slice %arg14[%dma_start3A_197] : memref<4x!tpu.dma_semaphore, #tpu.memory_space<semaphore_mem>> -> memref<1x!tpu.dma_semaphore, #tpu.memory_space<semaphore_mem>>
    %dma_start3A_209 = tpu.memref_squeeze %dma_start3A_208 : memref<1x!tpu.dma_semaphore, #tpu.memory_space<semaphore_mem>> -> memref<!tpu.dma_semaphore, #tpu.memory_space<semaphore_mem>>
    tpu.enqueue_indirect_dma source(%dma_start3A_207 : memref<10240x16xf32, #tpu.memory_space<vmem_shared>>) target(%dma_start3A_201 : memref<128x16xf32, #tpu.memory_space<vmem>>) offsets(%dma_start3A_204 : memref<128xi32, #tpu.memory_space<vmem>>) semaphore(%dma_start3A_209 : memref<!tpu.dma_semaphore, #tpu.memory_space<semaphore_mem>>)
    %scan3A = arith.constant 0 : i32
    %scan3A_210 = arith.constant 0 : i32
    %scan3A_211 = arith.constant 80 : i32
    %scan3A_212 = arith.addi %scan3A_210, %scan3A_211 : i32
    %scan3A_213 = arith.constant 1 : i32
    scf.for %scan3A_283 = %scan3A_210 to %scan3A_212 step %scan3A_213  : i32 {
      %rem3A = arith.constant 4 : i32
      %rem3A_284 = arith.remsi %scan3A_283, %rem3A : i32
      %add3A_285 = arith.constant 5 : i32
      %add3A_286 = arith.addi %scan3A_283, %add3A_285 : i32
      %lt3A = arith.constant 80 : i32
      %lt3A_287 = arith.cmpi slt, %add3A_286, %lt3A : i32
      %convert_element_type3A = arith.extui %lt3A_287 : i1 to i32
      %cond3A = arith.constant 0 : i32
      %cond3A_288 = arith.cmpi ne, %convert_element_type3A, %cond3A : i32
      scf.if %cond3A_288 {
        %add3A_321 = arith.constant 5 : i32
        %add3A_322 = arith.addi %scan3A_283, %add3A_321 : i32
        %rem3A_323 = arith.constant 6 : i32
        %rem3A_324 = arith.remsi %add3A_322, %rem3A_323 : i32
        %add3A_325 = arith.constant 5 : i32
        %add3A_326 = arith.addi %scan3A_283, %add3A_325 : i32
        %dma_start3A_327 = arith.constant 0 : i32
        %dma_start3A_328 = tpu.memref_slice %arg9[%rem3A_324, %dma_start3A_327] : memref<6x128xi32, #tpu.memory_space<vmem>> -> memref<1x128xi32, #tpu.memory_space<vmem>>
        %dma_start3A_329 = tpu.memref_squeeze %dma_start3A_328 : memref<1x128xi32, #tpu.memory_space<vmem>> -> memref<128xi32, #tpu.memory_space<vmem>>
        %dma_start3A_330 = arith.constant 0 : i32
        %dma_start3A_331 = tpu.memref_slice %arg3[%add3A, %add3A_326, %dma_start3A_330] : memref<32x80x128xi32, #tpu.memory_space<hbm>> -> memref<1x1x128xi32, #tpu.memory_space<hbm>>
        %dma_start3A_332 = tpu.memref_squeeze %dma_start3A_331 : memref<1x1x128xi32, #tpu.memory_space<hbm>> -> memref<128xi32, #tpu.memory_space<hbm>>
        %dma_start3A_333 = tpu.memref_slice %arg12[%rem3A_324] : memref<6x!tpu.dma_semaphore, #tpu.memory_space<semaphore_mem>> -> memref<1x!tpu.dma_semaphore, #tpu.memory_space<semaphore_mem>>
        %dma_start3A_334 = tpu.memref_squeeze %dma_start3A_333 : memref<1x!tpu.dma_semaphore, #tpu.memory_space<semaphore_mem>> -> memref<!tpu.dma_semaphore, #tpu.memory_space<semaphore_mem>>
        %dma_start3A_335 = arith.constant 0 : i32
        %dma_start3A_336 = tpu.memref_slice %arg9[%rem3A_324, %dma_start3A_335] : memref<6x128xi32, #tpu.memory_space<vmem>> -> memref<1x128xi32, #tpu.memory_space<vmem>>
        %dma_start3A_337 = tpu.memref_squeeze %dma_start3A_336 : memref<1x128xi32, #tpu.memory_space<vmem>> -> memref<128xi32, #tpu.memory_space<vmem>>
        %dma_start3A_338 = arith.constant 0 : i32
        %dma_start3A_339 = tpu.memref_slice %arg3[%add3A, %add3A_326, %dma_start3A_338] : memref<32x80x128xi32, #tpu.memory_space<hbm>> -> memref<1x1x128xi32, #tpu.memory_space<hbm>>
        %dma_start3A_340 = tpu.memref_squeeze %dma_start3A_339 : memref<1x1x128xi32, #tpu.memory_space<hbm>> -> memref<128xi32, #tpu.memory_space<hbm>>
        tpu.enqueue_dma source(%dma_start3A_340 : memref<128xi32, #tpu.memory_space<hbm>>) target(%dma_start3A_337 : memref<128xi32, #tpu.memory_space<vmem>>) target_semaphore(%dma_start3A_334 : memref<!tpu.dma_semaphore, #tpu.memory_space<semaphore_mem>>)
      } else {
      }
      %dma_wait3A_289 = arith.constant 0 : i32
      %dma_wait3A_290 = arith.constant 0 : i32
      %dma_wait3A_291 = arith.constant 0 : i32
      %dma_wait3A_292 = tpu.memref_slice %arg11[%rem3A_284, %dma_wait3A_290, %dma_wait3A_291] : memref<4x128x16xf32, #tpu.memory_space<vmem>> -> memref<1x128x16xf32, #tpu.memory_space<vmem>>
      %dma_wait3A_293 = tpu.memref_squeeze %dma_wait3A_292 : memref<1x128x16xf32, #tpu.memory_space<vmem>> -> memref<128x16xf32, #tpu.memory_space<vmem>>
      %dma_wait3A_294 = arith.constant 0 : i32
      %dma_wait3A_295 = tpu.memref_slice %arg9[%dma_wait3A_289, %dma_wait3A_294] : memref<6x128xi32, #tpu.memory_space<vmem>> -> memref<1x128xi32, #tpu.memory_space<vmem>>
      %dma_wait3A_296 = tpu.memref_squeeze %dma_wait3A_295 : memref<1x128xi32, #tpu.memory_space<vmem>> -> memref<128xi32, #tpu.memory_space<vmem>>
      %dma_wait3A_297 = arith.constant 0 : i32
      %dma_wait3A_298 = arith.constant 0 : i32
      %dma_wait3A_299 = tpu.memref_slice %arg8[%dma_wait3A_297, %dma_wait3A_298] : memref<10240x16xf32, #tpu.memory_space<vmem_shared>> -> memref<10240x16xf32, #tpu.memory_space<vmem_shared>>
      %dma_wait3A_300 = tpu.memref_slice %arg14[%rem3A_284] : memref<4x!tpu.dma_semaphore, #tpu.memory_space<semaphore_mem>> -> memref<1x!tpu.dma_semaphore, #tpu.memory_space<semaphore_mem>>
      %dma_wait3A_301 = tpu.memref_squeeze %dma_wait3A_300 : memref<1x!tpu.dma_semaphore, #tpu.memory_space<semaphore_mem>> -> memref<!tpu.dma_semaphore, #tpu.memory_space<semaphore_mem>>
      tpu.wait_indirect_dma semaphore(%dma_wait3A_301 : memref<!tpu.dma_semaphore, #tpu.memory_space<semaphore_mem>>) src(%dma_wait3A_299 : memref<10240x16xf32, #tpu.memory_space<vmem_shared>>) dst(%dma_wait3A_293 : memref<128x16xf32, #tpu.memory_space<vmem>>)
      %dma_start3A_302 = arith.constant 0 : i32
      %dma_start3A_303 = arith.constant 0 : i32
      %dma_start3A_304 = tpu.memref_slice %arg11[%rem3A_284, %dma_start3A_302, %dma_start3A_303] : memref<4x128x16xf32, #tpu.memory_space<vmem>> -> memref<1x128x16xf32, #tpu.memory_space<vmem>>
      %dma_start3A_305 = tpu.memref_squeeze %dma_start3A_304 : memref<1x128x16xf32, #tpu.memory_space<vmem>> -> memref<128x16xf32, #tpu.memory_space<vmem>>
      %dma_start3A_306 = arith.constant 0 : i32
      %dma_start3A_307 = tpu.memref_slice %arg10[%scan3A_283, %dma_start3A_306] : memref<80x128xi32, #tpu.memory_space<vmem>> -> memref<1x128xi32, #tpu.memory_space<vmem>>
      %dma_start3A_308 = tpu.memref_squeeze %dma_start3A_307 : memref<1x128xi32, #tpu.memory_space<vmem>> -> memref<128xi32, #tpu.memory_space<vmem>>
      %dma_start3A_309 = arith.constant 0 : i32
      %dma_start3A_310 = arith.constant 0 : i32
      %dma_start3A_311 = tpu.memref_slice %arg7[%dma_start3A_309, %dma_start3A_310] : memref<10240x16xf32, #tpu.memory_space<vmem_shared>> -> memref<10240x16xf32, #tpu.memory_space<vmem_shared>>
      %dma_start3A_312 = tpu.memref_slice %arg15[%rem3A_284] : memref<4x!tpu.dma_semaphore, #tpu.memory_space<semaphore_mem>> -> memref<1x!tpu.dma_semaphore, #tpu.memory_space<semaphore_mem>>
      %dma_start3A_313 = tpu.memref_squeeze %dma_start3A_312 : memref<1x!tpu.dma_semaphore, #tpu.memory_space<semaphore_mem>> -> memref<!tpu.dma_semaphore, #tpu.memory_space<semaphore_mem>>
      tpu.enqueue_indirect_dma source(%dma_start3A_305 : memref<128x16xf32, #tpu.memory_space<vmem>>) target(%dma_start3A_311 : memref<10240x16xf32, #tpu.memory_space<vmem_shared>>) offsets(%dma_start3A_308 : memref<128xi32, #tpu.memory_space<vmem>>) semaphore(%dma_start3A_313 : memref<!tpu.dma_semaphore, #tpu.memory_space<semaphore_mem>>) {add = true}
      %add3A_314 = arith.constant 3 : i32
      %add3A_315 = arith.addi %scan3A_283, %add3A_314 : i32
      %lt3A_316 = arith.constant 80 : i32
      %lt3A_317 = arith.cmpi slt, %add3A_315, %lt3A_316 : i32
      %convert_element_type3A_318 = arith.extui %lt3A_317 : i1 to i32
      %cond3A_319 = arith.constant 0 : i32
      %cond3A_320 = arith.cmpi ne, %convert_element_type3A_318, %cond3A_319 : i32
      scf.if %cond3A_320 {
        %add3A_321 = arith.constant 3 : i32
        %add3A_322 = arith.addi %scan3A_283, %add3A_321 : i32
        %rem3A_323 = arith.constant 4 : i32
        %rem3A_324 = arith.remsi %add3A_322, %rem3A_323 : i32
        %ge3A = arith.constant 1 : i32
        %ge3A_325 = arith.cmpi sge, %scan3A_283, %ge3A : i32
        %convert_element_type3A_326 = arith.extui %ge3A_325 : i1 to i32
        %cond3A_327 = arith.constant 0 : i32
        %cond3A_328 = arith.cmpi ne, %convert_element_type3A_326, %cond3A_327 : i32
        scf.if %cond3A_328 {
          %dma_wait3A_360 = arith.constant 0 : i32
          %dma_wait3A_361 = arith.constant 0 : i32
          %dma_wait3A_362 = arith.constant 0 : i32
          %dma_wait3A_363 = tpu.memref_slice %arg11[%rem3A_324, %dma_wait3A_361, %dma_wait3A_362] : memref<4x128x16xf32, #tpu.memory_space<vmem>> -> memref<1x128x16xf32, #tpu.memory_space<vmem>>
          %dma_wait3A_364 = tpu.memref_squeeze %dma_wait3A_363 : memref<1x128x16xf32, #tpu.memory_space<vmem>> -> memref<128x16xf32, #tpu.memory_space<vmem>>
          %dma_wait3A_365 = arith.constant 0 : i32
          %dma_wait3A_366 = tpu.memref_slice %arg10[%dma_wait3A_360, %dma_wait3A_365] : memref<80x128xi32, #tpu.memory_space<vmem>> -> memref<1x128xi32, #tpu.memory_space<vmem>>
          %dma_wait3A_367 = tpu.memref_squeeze %dma_wait3A_366 : memref<1x128xi32, #tpu.memory_space<vmem>> -> memref<128xi32, #tpu.memory_space<vmem>>
          %dma_wait3A_368 = arith.constant 0 : i32
          %dma_wait3A_369 = arith.constant 0 : i32
          %dma_wait3A_370 = tpu.memref_slice %arg7[%dma_wait3A_368, %dma_wait3A_369] : memref<10240x16xf32, #tpu.memory_space<vmem_shared>> -> memref<10240x16xf32, #tpu.memory_space<vmem_shared>>
          %dma_wait3A_371 = tpu.memref_slice %arg15[%rem3A_324] : memref<4x!tpu.dma_semaphore, #tpu.memory_space<semaphore_mem>> -> memref<1x!tpu.dma_semaphore, #tpu.memory_space<semaphore_mem>>
          %dma_wait3A_372 = tpu.memref_squeeze %dma_wait3A_371 : memref<1x!tpu.dma_semaphore, #tpu.memory_space<semaphore_mem>> -> memref<!tpu.dma_semaphore, #tpu.memory_space<semaphore_mem>>
          tpu.wait_indirect_dma semaphore(%dma_wait3A_372 : memref<!tpu.dma_semaphore, #tpu.memory_space<semaphore_mem>>) src(%dma_wait3A_364 : memref<128x16xf32, #tpu.memory_space<vmem>>) dst(%dma_wait3A_370 : memref<10240x16xf32, #tpu.memory_space<vmem_shared>>)
        } else {
        }
        %add3A_329 = arith.constant 3 : i32
        %add3A_330 = arith.addi %scan3A_283, %add3A_329 : i32
        %rem3A_331 = arith.constant 6 : i32
        %rem3A_332 = arith.remsi %add3A_330, %rem3A_331 : i32
        %dma_wait3A_333 = arith.constant 0 : i32
        %dma_wait3A_334 = arith.constant 0 : i32
        %dma_wait3A_335 = tpu.memref_slice %arg9[%rem3A_332, %dma_wait3A_334] : memref<6x128xi32, #tpu.memory_space<vmem>> -> memref<1x128xi32, #tpu.memory_space<vmem>>
        %dma_wait3A_336 = tpu.memref_squeeze %dma_wait3A_335 : memref<1x128xi32, #tpu.memory_space<vmem>> -> memref<128xi32, #tpu.memory_space<vmem>>
        %dma_wait3A_337 = arith.constant 0 : i32
        %dma_wait3A_338 = tpu.memref_slice %arg3[%add3A, %dma_wait3A_333, %dma_wait3A_337] : memref<32x80x128xi32, #tpu.memory_space<hbm>> -> memref<1x1x128xi32, #tpu.memory_space<hbm>>
        %dma_wait3A_339 = tpu.memref_squeeze %dma_wait3A_338 : memref<1x1x128xi32, #tpu.memory_space<hbm>> -> memref<128xi32, #tpu.memory_space<hbm>>
        %dma_wait3A_340 = tpu.memref_slice %arg12[%rem3A_332] : memref<6x!tpu.dma_semaphore, #tpu.memory_space<semaphore_mem>> -> memref<1x!tpu.dma_semaphore, #tpu.memory_space<semaphore_mem>>
        %dma_wait3A_341 = tpu.memref_squeeze %dma_wait3A_340 : memref<1x!tpu.dma_semaphore, #tpu.memory_space<semaphore_mem>> -> memref<!tpu.dma_semaphore, #tpu.memory_space<semaphore_mem>>
        %dma_wait3A_342 = arith.constant 0 : i32
        %dma_wait3A_343 = tpu.memref_slice %arg9[%rem3A_332, %dma_wait3A_342] : memref<6x128xi32, #tpu.memory_space<vmem>> -> memref<1x128xi32, #tpu.memory_space<vmem>>
        %dma_wait3A_344 = tpu.memref_squeeze %dma_wait3A_343 : memref<1x128xi32, #tpu.memory_space<vmem>> -> memref<128xi32, #tpu.memory_space<vmem>>
        %dma_wait3A_345 = arith.constant 0 : i32
        %dma_wait3A_346 = tpu.memref_slice %arg3[%add3A, %dma_wait3A_333, %dma_wait3A_345] : memref<32x80x128xi32, #tpu.memory_space<hbm>> -> memref<1x1x128xi32, #tpu.memory_space<hbm>>
        %dma_wait3A_347 = tpu.memref_squeeze %dma_wait3A_346 : memref<1x1x128xi32, #tpu.memory_space<hbm>> -> memref<128xi32, #tpu.memory_space<hbm>>
        tpu.wait_dma2 semaphore(%dma_wait3A_341 : memref<!tpu.dma_semaphore, #tpu.memory_space<semaphore_mem>>) src(%dma_wait3A_347 : memref<128xi32, #tpu.memory_space<hbm>>) dst(%dma_wait3A_344 : memref<128xi32, #tpu.memory_space<vmem>>)
        %dma_start3A_348 = arith.constant 0 : i32
        %dma_start3A_349 = arith.constant 0 : i32
        %dma_start3A_350 = tpu.memref_slice %arg11[%rem3A_324, %dma_start3A_348, %dma_start3A_349] : memref<4x128x16xf32, #tpu.memory_space<vmem>> -> memref<1x128x16xf32, #tpu.memory_space<vmem>>
        %dma_start3A_351 = tpu.memref_squeeze %dma_start3A_350 : memref<1x128x16xf32, #tpu.memory_space<vmem>> -> memref<128x16xf32, #tpu.memory_space<vmem>>
        %dma_start3A_352 = arith.constant 0 : i32
        %dma_start3A_353 = tpu.memref_slice %arg9[%rem3A_332, %dma_start3A_352] : memref<6x128xi32, #tpu.memory_space<vmem>> -> memref<1x128xi32, #tpu.memory_space<vmem>>
        %dma_start3A_354 = tpu.memref_squeeze %dma_start3A_353 : memref<1x128xi32, #tpu.memory_space<vmem>> -> memref<128xi32, #tpu.memory_space<vmem>>
        %dma_start3A_355 = arith.constant 0 : i32
        %dma_start3A_356 = arith.constant 0 : i32
        %dma_start3A_357 = tpu.memref_slice %arg8[%dma_start3A_355, %dma_start3A_356] : memref<10240x16xf32, #tpu.memory_space<vmem_shared>> -> memref<10240x16xf32, #tpu.memory_space<vmem_shared>>
        %dma_start3A_358 = tpu.memref_slice %arg14[%rem3A_324] : memref<4x!tpu.dma_semaphore, #tpu.memory_space<semaphore_mem>> -> memref<1x!tpu.dma_semaphore, #tpu.memory_space<semaphore_mem>>
        %dma_start3A_359 = tpu.memref_squeeze %dma_start3A_358 : memref<1x!tpu.dma_semaphore, #tpu.memory_space<semaphore_mem>> -> memref<!tpu.dma_semaphore, #tpu.memory_space<semaphore_mem>>
        tpu.enqueue_indirect_dma source(%dma_start3A_357 : memref<10240x16xf32, #tpu.memory_space<vmem_shared>>) target(%dma_start3A_351 : memref<128x16xf32, #tpu.memory_space<vmem>>) offsets(%dma_start3A_354 : memref<128xi32, #tpu.memory_space<vmem>>) semaphore(%dma_start3A_359 : memref<!tpu.dma_semaphore, #tpu.memory_space<semaphore_mem>>)
      } else {
      }
    }
    %scan3A_214 = arith.constant 80 : i32
    %dma_wait3A_215 = arith.constant 0 : i32
    %dma_wait3A_216 = arith.constant 0 : i32
    %dma_wait3A_217 = arith.constant 0 : i32
    %dma_wait3A_218 = arith.constant 0 : i32
    %dma_wait3A_219 = arith.constant 0 : i32
    %dma_wait3A_220 = tpu.memref_slice %arg11[%dma_wait3A_215, %dma_wait3A_218, %dma_wait3A_219] : memref<4x128x16xf32, #tpu.memory_space<vmem>> -> memref<1x128x16xf32, #tpu.memory_space<vmem>>
    %dma_wait3A_221 = tpu.memref_squeeze %dma_wait3A_220 : memref<1x128x16xf32, #tpu.memory_space<vmem>> -> memref<128x16xf32, #tpu.memory_space<vmem>>
    %dma_wait3A_222 = arith.constant 0 : i32
    %dma_wait3A_223 = tpu.memref_slice %arg10[%dma_wait3A_216, %dma_wait3A_222] : memref<80x128xi32, #tpu.memory_space<vmem>> -> memref<1x128xi32, #tpu.memory_space<vmem>>
    %dma_wait3A_224 = tpu.memref_squeeze %dma_wait3A_223 : memref<1x128xi32, #tpu.memory_space<vmem>> -> memref<128xi32, #tpu.memory_space<vmem>>
    %dma_wait3A_225 = arith.constant 0 : i32
    %dma_wait3A_226 = arith.constant 0 : i32
    %dma_wait3A_227 = tpu.memref_slice %arg7[%dma_wait3A_225, %dma_wait3A_226] : memref<10240x16xf32, #tpu.memory_space<vmem_shared>> -> memref<10240x16xf32, #tpu.memory_space<vmem_shared>>
    %dma_wait3A_228 = tpu.memref_slice %arg15[%dma_wait3A_217] : memref<4x!tpu.dma_semaphore, #tpu.memory_space<semaphore_mem>> -> memref<1x!tpu.dma_semaphore, #tpu.memory_space<semaphore_mem>>
    %dma_wait3A_229 = tpu.memref_squeeze %dma_wait3A_228 : memref<1x!tpu.dma_semaphore, #tpu.memory_space<semaphore_mem>> -> memref<!tpu.dma_semaphore, #tpu.memory_space<semaphore_mem>>
    tpu.wait_indirect_dma semaphore(%dma_wait3A_229 : memref<!tpu.dma_semaphore, #tpu.memory_space<semaphore_mem>>) src(%dma_wait3A_221 : memref<128x16xf32, #tpu.memory_space<vmem>>) dst(%dma_wait3A_227 : memref<10240x16xf32, #tpu.memory_space<vmem_shared>>)
    %dma_wait3A_230 = arith.constant 1 : i32
    %dma_wait3A_231 = arith.constant 0 : i32
    %dma_wait3A_232 = arith.constant 1 : i32
    %dma_wait3A_233 = arith.constant 0 : i32
    %dma_wait3A_234 = arith.constant 0 : i32
    %dma_wait3A_235 = tpu.memref_slice %arg11[%dma_wait3A_230, %dma_wait3A_233, %dma_wait3A_234] : memref<4x128x16xf32, #tpu.memory_space<vmem>> -> memref<1x128x16xf32, #tpu.memory_space<vmem>>
    %dma_wait3A_236 = tpu.memref_squeeze %dma_wait3A_235 : memref<1x128x16xf32, #tpu.memory_space<vmem>> -> memref<128x16xf32, #tpu.memory_space<vmem>>
    %dma_wait3A_237 = arith.constant 0 : i32
    %dma_wait3A_238 = tpu.memref_slice %arg10[%dma_wait3A_231, %dma_wait3A_237] : memref<80x128xi32, #tpu.memory_space<vmem>> -> memref<1x128xi32, #tpu.memory_space<vmem>>
    %dma_wait3A_239 = tpu.memref_squeeze %dma_wait3A_238 : memref<1x128xi32, #tpu.memory_space<vmem>> -> memref<128xi32, #tpu.memory_space<vmem>>
    %dma_wait3A_240 = arith.constant 0 : i32
    %dma_wait3A_241 = arith.constant 0 : i32
    %dma_wait3A_242 = tpu.memref_slice %arg7[%dma_wait3A_240, %dma_wait3A_241] : memref<10240x16xf32, #tpu.memory_space<vmem_shared>> -> memref<10240x16xf32, #tpu.memory_space<vmem_shared>>
    %dma_wait3A_243 = tpu.memref_slice %arg15[%dma_wait3A_232] : memref<4x!tpu.dma_semaphore, #tpu.memory_space<semaphore_mem>> -> memref<1x!tpu.dma_semaphore, #tpu.memory_space<semaphore_mem>>
    %dma_wait3A_244 = tpu.memref_squeeze %dma_wait3A_243 : memref<1x!tpu.dma_semaphore, #tpu.memory_space<semaphore_mem>> -> memref<!tpu.dma_semaphore, #tpu.memory_space<semaphore_mem>>
    tpu.wait_indirect_dma semaphore(%dma_wait3A_244 : memref<!tpu.dma_semaphore, #tpu.memory_space<semaphore_mem>>) src(%dma_wait3A_236 : memref<128x16xf32, #tpu.memory_space<vmem>>) dst(%dma_wait3A_242 : memref<10240x16xf32, #tpu.memory_space<vmem_shared>>)
    %dma_wait3A_245 = arith.constant 2 : i32
    %dma_wait3A_246 = arith.constant 0 : i32
    %dma_wait3A_247 = arith.constant 2 : i32
    %dma_wait3A_248 = arith.constant 0 : i32
    %dma_wait3A_249 = arith.constant 0 : i32
    %dma_wait3A_250 = tpu.memref_slice %arg11[%dma_wait3A_245, %dma_wait3A_248, %dma_wait3A_249] : memref<4x128x16xf32, #tpu.memory_space<vmem>> -> memref<1x128x16xf32, #tpu.memory_space<vmem>>
    %dma_wait3A_251 = tpu.memref_squeeze %dma_wait3A_250 : memref<1x128x16xf32, #tpu.memory_space<vmem>> -> memref<128x16xf32, #tpu.memory_space<vmem>>
    %dma_wait3A_252 = arith.constant 0 : i32
    %dma_wait3A_253 = tpu.memref_slice %arg10[%dma_wait3A_246, %dma_wait3A_252] : memref<80x128xi32, #tpu.memory_space<vmem>> -> memref<1x128xi32, #tpu.memory_space<vmem>>
    %dma_wait3A_254 = tpu.memref_squeeze %dma_wait3A_253 : memref<1x128xi32, #tpu.memory_space<vmem>> -> memref<128xi32, #tpu.memory_space<vmem>>
    %dma_wait3A_255 = arith.constant 0 : i32
    %dma_wait3A_256 = arith.constant 0 : i32
    %dma_wait3A_257 = tpu.memref_slice %arg7[%dma_wait3A_255, %dma_wait3A_256] : memref<10240x16xf32, #tpu.memory_space<vmem_shared>> -> memref<10240x16xf32, #tpu.memory_space<vmem_shared>>
    %dma_wait3A_258 = tpu.memref_slice %arg15[%dma_wait3A_247] : memref<4x!tpu.dma_semaphore, #tpu.memory_space<semaphore_mem>> -> memref<1x!tpu.dma_semaphore, #tpu.memory_space<semaphore_mem>>
    %dma_wait3A_259 = tpu.memref_squeeze %dma_wait3A_258 : memref<1x!tpu.dma_semaphore, #tpu.memory_space<semaphore_mem>> -> memref<!tpu.dma_semaphore, #tpu.memory_space<semaphore_mem>>
    tpu.wait_indirect_dma semaphore(%dma_wait3A_259 : memref<!tpu.dma_semaphore, #tpu.memory_space<semaphore_mem>>) src(%dma_wait3A_251 : memref<128x16xf32, #tpu.memory_space<vmem>>) dst(%dma_wait3A_257 : memref<10240x16xf32, #tpu.memory_space<vmem_shared>>)
    %dma_wait3A_260 = arith.constant 3 : i32
    %dma_wait3A_261 = arith.constant 0 : i32
    %dma_wait3A_262 = arith.constant 3 : i32
    %dma_wait3A_263 = arith.constant 0 : i32
    %dma_wait3A_264 = arith.constant 0 : i32
    %dma_wait3A_265 = tpu.memref_slice %arg11[%dma_wait3A_260, %dma_wait3A_263, %dma_wait3A_264] : memref<4x128x16xf32, #tpu.memory_space<vmem>> -> memref<1x128x16xf32, #tpu.memory_space<vmem>>
    %dma_wait3A_266 = tpu.memref_squeeze %dma_wait3A_265 : memref<1x128x16xf32, #tpu.memory_space<vmem>> -> memref<128x16xf32, #tpu.memory_space<vmem>>
    %dma_wait3A_267 = arith.constant 0 : i32
    %dma_wait3A_268 = tpu.memref_slice %arg10[%dma_wait3A_261, %dma_wait3A_267] : memref<80x128xi32, #tpu.memory_space<vmem>> -> memref<1x128xi32, #tpu.memory_space<vmem>>
    %dma_wait3A_269 = tpu.memref_squeeze %dma_wait3A_268 : memref<1x128xi32, #tpu.memory_space<vmem>> -> memref<128xi32, #tpu.memory_space<vmem>>
    %dma_wait3A_270 = arith.constant 0 : i32
    %dma_wait3A_271 = arith.constant 0 : i32
    %dma_wait3A_272 = tpu.memref_slice %arg7[%dma_wait3A_270, %dma_wait3A_271] : memref<10240x16xf32, #tpu.memory_space<vmem_shared>> -> memref<10240x16xf32, #tpu.memory_space<vmem_shared>>
    %dma_wait3A_273 = tpu.memref_slice %arg15[%dma_wait3A_262] : memref<4x!tpu.dma_semaphore, #tpu.memory_space<semaphore_mem>> -> memref<1x!tpu.dma_semaphore, #tpu.memory_space<semaphore_mem>>
    %dma_wait3A_274 = tpu.memref_squeeze %dma_wait3A_273 : memref<1x!tpu.dma_semaphore, #tpu.memory_space<semaphore_mem>> -> memref<!tpu.dma_semaphore, #tpu.memory_space<semaphore_mem>>
    tpu.wait_indirect_dma semaphore(%dma_wait3A_274 : memref<!tpu.dma_semaphore, #tpu.memory_space<semaphore_mem>>) src(%dma_wait3A_266 : memref<128x16xf32, #tpu.memory_space<vmem>>) dst(%dma_wait3A_272 : memref<10240x16xf32, #tpu.memory_space<vmem_shared>>)
    %barrier3A_275 = arith.constant 0 : index
    tpu.barrier barrier_id(%barrier3A_275)
    %mul3A_276 = arith.constant 640 : i32
    %mul3A_277 = arith.muli %arg1, %mul3A_276 : i32
    %mul3A_278 = arith.constant 10240 : i32
    %mul3A_279 = arith.muli %arg0, %mul3A_278 : i32
    %mul3A_280 = arith.constant 640 : i32
    %mul3A_281 = arith.muli %arg1, %mul3A_280 : i32
    %add3A_282 = arith.addi %mul3A_279, %mul3A_281 : i32
    "tpu.region"() ({
      %run_scoped3A = tpu.sem_alloc : memref<!tpu.dma_semaphore, #tpu.memory_space<semaphore_mem>>
      %dma_start3A_283 = arith.constant 0 : i32
      %dma_start3A_284 = tpu.memref_slice %arg6[%add3A_282, %dma_start3A_283] : memref<20480x16xf32, #tpu.memory_space<hbm>> -> memref<640x16xf32, #tpu.memory_space<hbm>>
      %dma_start3A_285 = arith.constant 0 : i32
      %dma_start3A_286 = tpu.memref_slice %arg7[%mul3A_277, %dma_start3A_285] : memref<10240x16xf32, #tpu.memory_space<vmem_shared>> -> memref<640x16xf32, #tpu.memory_space<vmem_shared>>
      tpu.enqueue_dma source(%dma_start3A_286 : memref<640x16xf32, #tpu.memory_space<vmem_shared>>) target(%dma_start3A_284 : memref<640x16xf32, #tpu.memory_space<hbm>>) target_semaphore(%run_scoped3A : memref<!tpu.dma_semaphore, #tpu.memory_space<semaphore_mem>>)
      %dma_wait3A_287 = arith.constant 0 : i32
      %dma_wait3A_288 = tpu.memref_slice %arg6[%add3A_282, %dma_wait3A_287] : memref<20480x16xf32, #tpu.memory_space<hbm>> -> memref<640x16xf32, #tpu.memory_space<hbm>>
      %dma_wait3A_289 = arith.constant 0 : i32
      %dma_wait3A_290 = tpu.memref_slice %arg7[%mul3A_277, %dma_wait3A_289] : memref<10240x16xf32, #tpu.memory_space<vmem_shared>> -> memref<640x16xf32, #tpu.memory_space<vmem_shared>>
      tpu.wait_dma2 semaphore(%run_scoped3A : memref<!tpu.dma_semaphore, #tpu.memory_space<semaphore_mem>>) src(%dma_wait3A_290 : memref<640x16xf32, #tpu.memory_space<vmem_shared>>) dst(%dma_wait3A_288 : memref<640x16xf32, #tpu.memory_space<hbm>>)
      tpu.yield
    }) : () -> ()
    return
  }
}

#map = affine_map<(d0, d1) -> (0, 0)>
#map1 = affine_map<(d0, d1) -> (0, 0, 0)>
module attributes {stable_mosaic.version = 14 : i64} {
  func.func @segsum_kernel(%arg0: i32, %arg1: i32, %arg2: memref<10240x128xf32, #tpu.memory_space<hbm>>, %arg3: memref<32x160x64xi32, #tpu.memory_space<hbm>>, %arg4: memref<32x160x64xi32, #tpu.memory_space<hbm>>, %arg5: memref<10240x128xf32, #tpu.memory_space<hbm>>, %arg6: memref<20480x128xf32, #tpu.memory_space<hbm>>, %arg7: memref<10240x128xf32, #tpu.memory_space<vmem_shared>>, %arg8: memref<6x64xi32, #tpu.memory_space<vmem>>, %arg9: memref<160x64xi32, #tpu.memory_space<vmem>>, %arg10: memref<4x64x128xf32, #tpu.memory_space<vmem>>, %arg11: memref<6x!tpu.dma_semaphore, #tpu.memory_space<semaphore_mem>>, %arg12: memref<1x!tpu.dma_semaphore, #tpu.memory_space<semaphore_mem>>, %arg13: memref<4x!tpu.dma_semaphore, #tpu.memory_space<semaphore_mem>>, %arg14: memref<4x!tpu.dma_semaphore, #tpu.memory_space<semaphore_mem>>) attributes {dimension_semantics = [#tpu.dimension_semantics<core_parallel>, #tpu.dimension_semantics<subcore_parallel>], iteration_bounds = array<i64: 2, 16>, scalar_prefetch = 0 : i64, scratch_operands = 8 : i64, tpu.core_type = #tpu.core_type<sc_vector_subcore>, window_params = [{transform_indices = #map}, {transform_indices = #map1}, {transform_indices = #map1}, {transform_indices = #map}, {transform_indices = #map}]} {
    %mul3A = arith.constant 2 : i32
    %mul3A_0 = arith.muli %arg1, %mul3A : i32
    %add3A = arith.addi %mul3A_0, %arg0 : i32
    %dma_start3A = arith.constant 0 : i32
    %dma_start3A_1 = arith.constant 0 : i32
    %dma_start3A_2 = arith.constant 0 : i32
    %dma_start3A_3 = tpu.memref_slice %arg4[%add3A, %dma_start3A_1, %dma_start3A_2] : memref<32x160x64xi32, #tpu.memory_space<hbm>> -> memref<1x160x64xi32, #tpu.memory_space<hbm>>
    %dma_start3A_4 = tpu.memref_squeeze %dma_start3A_3 : memref<1x160x64xi32, #tpu.memory_space<hbm>> -> memref<160x64xi32, #tpu.memory_space<hbm>>
    %dma_start3A_5 = tpu.memref_slice %arg12[%dma_start3A] : memref<1x!tpu.dma_semaphore, #tpu.memory_space<semaphore_mem>> -> memref<1x!tpu.dma_semaphore, #tpu.memory_space<semaphore_mem>>
    %dma_start3A_6 = tpu.memref_squeeze %dma_start3A_5 : memref<1x!tpu.dma_semaphore, #tpu.memory_space<semaphore_mem>> -> memref<!tpu.dma_semaphore, #tpu.memory_space<semaphore_mem>>
    %dma_start3A_7 = arith.constant 0 : i32
    %dma_start3A_8 = arith.constant 0 : i32
    %dma_start3A_9 = tpu.memref_slice %arg4[%add3A, %dma_start3A_7, %dma_start3A_8] : memref<32x160x64xi32, #tpu.memory_space<hbm>> -> memref<1x160x64xi32, #tpu.memory_space<hbm>>
    %dma_start3A_10 = tpu.memref_squeeze %dma_start3A_9 : memref<1x160x64xi32, #tpu.memory_space<hbm>> -> memref<160x64xi32, #tpu.memory_space<hbm>>
    tpu.enqueue_dma source(%dma_start3A_10 : memref<160x64xi32, #tpu.memory_space<hbm>>) target(%arg9 : memref<160x64xi32, #tpu.memory_space<vmem>>) target_semaphore(%dma_start3A_6 : memref<!tpu.dma_semaphore, #tpu.memory_space<semaphore_mem>>)
    %dma_start3A_11 = arith.constant 0 : i32
    %dma_start3A_12 = arith.constant 0 : i32
    %dma_start3A_13 = arith.constant 0 : i32
    %dma_start3A_14 = arith.constant 0 : i32
    %dma_start3A_15 = tpu.memref_slice %arg8[%dma_start3A_12, %dma_start3A_14] : memref<6x64xi32, #tpu.memory_space<vmem>> -> memref<1x64xi32, #tpu.memory_space<vmem>>
    %dma_start3A_16 = tpu.memref_squeeze %dma_start3A_15 : memref<1x64xi32, #tpu.memory_space<vmem>> -> memref<64xi32, #tpu.memory_space<vmem>>
    %dma_start3A_17 = arith.constant 0 : i32
    %dma_start3A_18 = tpu.memref_slice %arg3[%add3A, %dma_start3A_11, %dma_start3A_17] : memref<32x160x64xi32, #tpu.memory_space<hbm>> -> memref<1x1x64xi32, #tpu.memory_space<hbm>>
    %dma_start3A_19 = tpu.memref_squeeze %dma_start3A_18 : memref<1x1x64xi32, #tpu.memory_space<hbm>> -> memref<64xi32, #tpu.memory_space<hbm>>
    %dma_start3A_20 = tpu.memref_slice %arg11[%dma_start3A_13] : memref<6x!tpu.dma_semaphore, #tpu.memory_space<semaphore_mem>> -> memref<1x!tpu.dma_semaphore, #tpu.memory_space<semaphore_mem>>
    %dma_start3A_21 = tpu.memref_squeeze %dma_start3A_20 : memref<1x!tpu.dma_semaphore, #tpu.memory_space<semaphore_mem>> -> memref<!tpu.dma_semaphore, #tpu.memory_space<semaphore_mem>>
    %dma_start3A_22 = arith.constant 0 : i32
    %dma_start3A_23 = tpu.memref_slice %arg8[%dma_start3A_12, %dma_start3A_22] : memref<6x64xi32, #tpu.memory_space<vmem>> -> memref<1x64xi32, #tpu.memory_space<vmem>>
    %dma_start3A_24 = tpu.memref_squeeze %dma_start3A_23 : memref<1x64xi32, #tpu.memory_space<vmem>> -> memref<64xi32, #tpu.memory_space<vmem>>
    %dma_start3A_25 = arith.constant 0 : i32
    %dma_start3A_26 = tpu.memref_slice %arg3[%add3A, %dma_start3A_11, %dma_start3A_25] : memref<32x160x64xi32, #tpu.memory_space<hbm>> -> memref<1x1x64xi32, #tpu.memory_space<hbm>>
    %dma_start3A_27 = tpu.memref_squeeze %dma_start3A_26 : memref<1x1x64xi32, #tpu.memory_space<hbm>> -> memref<64xi32, #tpu.memory_space<hbm>>
    tpu.enqueue_dma source(%dma_start3A_27 : memref<64xi32, #tpu.memory_space<hbm>>) target(%dma_start3A_24 : memref<64xi32, #tpu.memory_space<vmem>>) target_semaphore(%dma_start3A_21 : memref<!tpu.dma_semaphore, #tpu.memory_space<semaphore_mem>>)
    %dma_start3A_28 = arith.constant 1 : i32
    %dma_start3A_29 = arith.constant 1 : i32
    %dma_start3A_30 = arith.constant 1 : i32
    %dma_start3A_31 = arith.constant 0 : i32
    %dma_start3A_32 = tpu.memref_slice %arg8[%dma_start3A_29, %dma_start3A_31] : memref<6x64xi32, #tpu.memory_space<vmem>> -> memref<1x64xi32, #tpu.memory_space<vmem>>
    %dma_start3A_33 = tpu.memref_squeeze %dma_start3A_32 : memref<1x64xi32, #tpu.memory_space<vmem>> -> memref<64xi32, #tpu.memory_space<vmem>>
    %dma_start3A_34 = arith.constant 0 : i32
    %dma_start3A_35 = tpu.memref_slice %arg3[%add3A, %dma_start3A_28, %dma_start3A_34] : memref<32x160x64xi32, #tpu.memory_space<hbm>> -> memref<1x1x64xi32, #tpu.memory_space<hbm>>
    %dma_start3A_36 = tpu.memref_squeeze %dma_start3A_35 : memref<1x1x64xi32, #tpu.memory_space<hbm>> -> memref<64xi32, #tpu.memory_space<hbm>>
    %dma_start3A_37 = tpu.memref_slice %arg11[%dma_start3A_30] : memref<6x!tpu.dma_semaphore, #tpu.memory_space<semaphore_mem>> -> memref<1x!tpu.dma_semaphore, #tpu.memory_space<semaphore_mem>>
    %dma_start3A_38 = tpu.memref_squeeze %dma_start3A_37 : memref<1x!tpu.dma_semaphore, #tpu.memory_space<semaphore_mem>> -> memref<!tpu.dma_semaphore, #tpu.memory_space<semaphore_mem>>
    %dma_start3A_39 = arith.constant 0 : i32
    %dma_start3A_40 = tpu.memref_slice %arg8[%dma_start3A_29, %dma_start3A_39] : memref<6x64xi32, #tpu.memory_space<vmem>> -> memref<1x64xi32, #tpu.memory_space<vmem>>
    %dma_start3A_41 = tpu.memref_squeeze %dma_start3A_40 : memref<1x64xi32, #tpu.memory_space<vmem>> -> memref<64xi32, #tpu.memory_space<vmem>>
    %dma_start3A_42 = arith.constant 0 : i32
    %dma_start3A_43 = tpu.memref_slice %arg3[%add3A, %dma_start3A_28, %dma_start3A_42] : memref<32x160x64xi32, #tpu.memory_space<hbm>> -> memref<1x1x64xi32, #tpu.memory_space<hbm>>
    %dma_start3A_44 = tpu.memref_squeeze %dma_start3A_43 : memref<1x1x64xi32, #tpu.memory_space<hbm>> -> memref<64xi32, #tpu.memory_space<hbm>>
    tpu.enqueue_dma source(%dma_start3A_44 : memref<64xi32, #tpu.memory_space<hbm>>) target(%dma_start3A_41 : memref<64xi32, #tpu.memory_space<vmem>>) target_semaphore(%dma_start3A_38 : memref<!tpu.dma_semaphore, #tpu.memory_space<semaphore_mem>>)
    %dma_start3A_45 = arith.constant 2 : i32
    %dma_start3A_46 = arith.constant 2 : i32
    %dma_start3A_47 = arith.constant 2 : i32
    %dma_start3A_48 = arith.constant 0 : i32
    %dma_start3A_49 = tpu.memref_slice %arg8[%dma_start3A_46, %dma_start3A_48] : memref<6x64xi32, #tpu.memory_space<vmem>> -> memref<1x64xi32, #tpu.memory_space<vmem>>
    %dma_start3A_50 = tpu.memref_squeeze %dma_start3A_49 : memref<1x64xi32, #tpu.memory_space<vmem>> -> memref<64xi32, #tpu.memory_space<vmem>>
    %dma_start3A_51 = arith.constant 0 : i32
    %dma_start3A_52 = tpu.memref_slice %arg3[%add3A, %dma_start3A_45, %dma_start3A_51] : memref<32x160x64xi32, #tpu.memory_space<hbm>> -> memref<1x1x64xi32, #tpu.memory_space<hbm>>
    %dma_start3A_53 = tpu.memref_squeeze %dma_start3A_52 : memref<1x1x64xi32, #tpu.memory_space<hbm>> -> memref<64xi32, #tpu.memory_space<hbm>>
    %dma_start3A_54 = tpu.memref_slice %arg11[%dma_start3A_47] : memref<6x!tpu.dma_semaphore, #tpu.memory_space<semaphore_mem>> -> memref<1x!tpu.dma_semaphore, #tpu.memory_space<semaphore_mem>>
    %dma_start3A_55 = tpu.memref_squeeze %dma_start3A_54 : memref<1x!tpu.dma_semaphore, #tpu.memory_space<semaphore_mem>> -> memref<!tpu.dma_semaphore, #tpu.memory_space<semaphore_mem>>
    %dma_start3A_56 = arith.constant 0 : i32
    %dma_start3A_57 = tpu.memref_slice %arg8[%dma_start3A_46, %dma_start3A_56] : memref<6x64xi32, #tpu.memory_space<vmem>> -> memref<1x64xi32, #tpu.memory_space<vmem>>
    %dma_start3A_58 = tpu.memref_squeeze %dma_start3A_57 : memref<1x64xi32, #tpu.memory_space<vmem>> -> memref<64xi32, #tpu.memory_space<vmem>>
    %dma_start3A_59 = arith.constant 0 : i32
    %dma_start3A_60 = tpu.memref_slice %arg3[%add3A, %dma_start3A_45, %dma_start3A_59] : memref<32x160x64xi32, #tpu.memory_space<hbm>> -> memref<1x1x64xi32, #tpu.memory_space<hbm>>
    %dma_start3A_61 = tpu.memref_squeeze %dma_start3A_60 : memref<1x1x64xi32, #tpu.memory_space<hbm>> -> memref<64xi32, #tpu.memory_space<hbm>>
    tpu.enqueue_dma source(%dma_start3A_61 : memref<64xi32, #tpu.memory_space<hbm>>) target(%dma_start3A_58 : memref<64xi32, #tpu.memory_space<vmem>>) target_semaphore(%dma_start3A_55 : memref<!tpu.dma_semaphore, #tpu.memory_space<semaphore_mem>>)
    %dma_start3A_62 = arith.constant 3 : i32
    %dma_start3A_63 = arith.constant 3 : i32
    %dma_start3A_64 = arith.constant 3 : i32
    %dma_start3A_65 = arith.constant 0 : i32
    %dma_start3A_66 = tpu.memref_slice %arg8[%dma_start3A_63, %dma_start3A_65] : memref<6x64xi32, #tpu.memory_space<vmem>> -> memref<1x64xi32, #tpu.memory_space<vmem>>
    %dma_start3A_67 = tpu.memref_squeeze %dma_start3A_66 : memref<1x64xi32, #tpu.memory_space<vmem>> -> memref<64xi32, #tpu.memory_space<vmem>>
    %dma_start3A_68 = arith.constant 0 : i32
    %dma_start3A_69 = tpu.memref_slice %arg3[%add3A, %dma_start3A_62, %dma_start3A_68] : memref<32x160x64xi32, #tpu.memory_space<hbm>> -> memref<1x1x64xi32, #tpu.memory_space<hbm>>
    %dma_start3A_70 = tpu.memref_squeeze %dma_start3A_69 : memref<1x1x64xi32, #tpu.memory_space<hbm>> -> memref<64xi32, #tpu.memory_space<hbm>>
    %dma_start3A_71 = tpu.memref_slice %arg11[%dma_start3A_64] : memref<6x!tpu.dma_semaphore, #tpu.memory_space<semaphore_mem>> -> memref<1x!tpu.dma_semaphore, #tpu.memory_space<semaphore_mem>>
    %dma_start3A_72 = tpu.memref_squeeze %dma_start3A_71 : memref<1x!tpu.dma_semaphore, #tpu.memory_space<semaphore_mem>> -> memref<!tpu.dma_semaphore, #tpu.memory_space<semaphore_mem>>
    %dma_start3A_73 = arith.constant 0 : i32
    %dma_start3A_74 = tpu.memref_slice %arg8[%dma_start3A_63, %dma_start3A_73] : memref<6x64xi32, #tpu.memory_space<vmem>> -> memref<1x64xi32, #tpu.memory_space<vmem>>
    %dma_start3A_75 = tpu.memref_squeeze %dma_start3A_74 : memref<1x64xi32, #tpu.memory_space<vmem>> -> memref<64xi32, #tpu.memory_space<vmem>>
    %dma_start3A_76 = arith.constant 0 : i32
    %dma_start3A_77 = tpu.memref_slice %arg3[%add3A, %dma_start3A_62, %dma_start3A_76] : memref<32x160x64xi32, #tpu.memory_space<hbm>> -> memref<1x1x64xi32, #tpu.memory_space<hbm>>
    %dma_start3A_78 = tpu.memref_squeeze %dma_start3A_77 : memref<1x1x64xi32, #tpu.memory_space<hbm>> -> memref<64xi32, #tpu.memory_space<hbm>>
    tpu.enqueue_dma source(%dma_start3A_78 : memref<64xi32, #tpu.memory_space<hbm>>) target(%dma_start3A_75 : memref<64xi32, #tpu.memory_space<vmem>>) target_semaphore(%dma_start3A_72 : memref<!tpu.dma_semaphore, #tpu.memory_space<semaphore_mem>>)
    %dma_start3A_79 = arith.constant 4 : i32
    %dma_start3A_80 = arith.constant 4 : i32
    %dma_start3A_81 = arith.constant 4 : i32
    %dma_start3A_82 = arith.constant 0 : i32
    %dma_start3A_83 = tpu.memref_slice %arg8[%dma_start3A_80, %dma_start3A_82] : memref<6x64xi32, #tpu.memory_space<vmem>> -> memref<1x64xi32, #tpu.memory_space<vmem>>
    %dma_start3A_84 = tpu.memref_squeeze %dma_start3A_83 : memref<1x64xi32, #tpu.memory_space<vmem>> -> memref<64xi32, #tpu.memory_space<vmem>>
    %dma_start3A_85 = arith.constant 0 : i32
    %dma_start3A_86 = tpu.memref_slice %arg3[%add3A, %dma_start3A_79, %dma_start3A_85] : memref<32x160x64xi32, #tpu.memory_space<hbm>> -> memref<1x1x64xi32, #tpu.memory_space<hbm>>
    %dma_start3A_87 = tpu.memref_squeeze %dma_start3A_86 : memref<1x1x64xi32, #tpu.memory_space<hbm>> -> memref<64xi32, #tpu.memory_space<hbm>>
    %dma_start3A_88 = tpu.memref_slice %arg11[%dma_start3A_81] : memref<6x!tpu.dma_semaphore, #tpu.memory_space<semaphore_mem>> -> memref<1x!tpu.dma_semaphore, #tpu.memory_space<semaphore_mem>>
    %dma_start3A_89 = tpu.memref_squeeze %dma_start3A_88 : memref<1x!tpu.dma_semaphore, #tpu.memory_space<semaphore_mem>> -> memref<!tpu.dma_semaphore, #tpu.memory_space<semaphore_mem>>
    %dma_start3A_90 = arith.constant 0 : i32
    %dma_start3A_91 = tpu.memref_slice %arg8[%dma_start3A_80, %dma_start3A_90] : memref<6x64xi32, #tpu.memory_space<vmem>> -> memref<1x64xi32, #tpu.memory_space<vmem>>
    %dma_start3A_92 = tpu.memref_squeeze %dma_start3A_91 : memref<1x64xi32, #tpu.memory_space<vmem>> -> memref<64xi32, #tpu.memory_space<vmem>>
    %dma_start3A_93 = arith.constant 0 : i32
    %dma_start3A_94 = tpu.memref_slice %arg3[%add3A, %dma_start3A_79, %dma_start3A_93] : memref<32x160x64xi32, #tpu.memory_space<hbm>> -> memref<1x1x64xi32, #tpu.memory_space<hbm>>
    %dma_start3A_95 = tpu.memref_squeeze %dma_start3A_94 : memref<1x1x64xi32, #tpu.memory_space<hbm>> -> memref<64xi32, #tpu.memory_space<hbm>>
    tpu.enqueue_dma source(%dma_start3A_95 : memref<64xi32, #tpu.memory_space<hbm>>) target(%dma_start3A_92 : memref<64xi32, #tpu.memory_space<vmem>>) target_semaphore(%dma_start3A_89 : memref<!tpu.dma_semaphore, #tpu.memory_space<semaphore_mem>>)
    %mul3A_96 = arith.constant 640 : i32
    %mul3A_97 = arith.muli %arg1, %mul3A_96 : i32
    %mul3A_98 = arith.constant 640 : i32
    %mul3A_99 = arith.muli %arg1, %mul3A_98 : i32
    "tpu.region"() ({
      %run_scoped3A = tpu.sem_alloc : memref<!tpu.dma_semaphore, #tpu.memory_space<semaphore_mem>>
      %dma_start3A_279 = arith.constant 0 : i32
      %dma_start3A_280 = tpu.memref_slice %arg7[%mul3A_99, %dma_start3A_279] : memref<10240x128xf32, #tpu.memory_space<vmem_shared>> -> memref<640x128xf32, #tpu.memory_space<vmem_shared>>
      %dma_start3A_281 = arith.constant 0 : i32
      %dma_start3A_282 = tpu.memref_slice %arg5[%mul3A_97, %dma_start3A_281] : memref<10240x128xf32, #tpu.memory_space<hbm>> -> memref<640x128xf32, #tpu.memory_space<hbm>>
      tpu.enqueue_dma source(%dma_start3A_282 : memref<640x128xf32, #tpu.memory_space<hbm>>) target(%dma_start3A_280 : memref<640x128xf32, #tpu.memory_space<vmem_shared>>) target_semaphore(%run_scoped3A : memref<!tpu.dma_semaphore, #tpu.memory_space<semaphore_mem>>)
      %dma_wait3A_283 = arith.constant 0 : i32
      %dma_wait3A_284 = tpu.memref_slice %arg7[%mul3A_99, %dma_wait3A_283] : memref<10240x128xf32, #tpu.memory_space<vmem_shared>> -> memref<640x128xf32, #tpu.memory_space<vmem_shared>>
      %dma_wait3A_285 = arith.constant 0 : i32
      %dma_wait3A_286 = tpu.memref_slice %arg5[%mul3A_97, %dma_wait3A_285] : memref<10240x128xf32, #tpu.memory_space<hbm>> -> memref<640x128xf32, #tpu.memory_space<hbm>>
      tpu.wait_dma2 semaphore(%run_scoped3A : memref<!tpu.dma_semaphore, #tpu.memory_space<semaphore_mem>>) src(%dma_wait3A_286 : memref<640x128xf32, #tpu.memory_space<hbm>>) dst(%dma_wait3A_284 : memref<640x128xf32, #tpu.memory_space<vmem_shared>>)
      tpu.yield
    }) : () -> ()
    %dma_wait3A = arith.constant 0 : i32
    %dma_wait3A_100 = arith.constant 0 : i32
    %dma_wait3A_101 = arith.constant 0 : i32
    %dma_wait3A_102 = tpu.memref_slice %arg4[%add3A, %dma_wait3A_100, %dma_wait3A_101] : memref<32x160x64xi32, #tpu.memory_space<hbm>> -> memref<1x160x64xi32, #tpu.memory_space<hbm>>
    %dma_wait3A_103 = tpu.memref_squeeze %dma_wait3A_102 : memref<1x160x64xi32, #tpu.memory_space<hbm>> -> memref<160x64xi32, #tpu.memory_space<hbm>>
    %dma_wait3A_104 = tpu.memref_slice %arg12[%dma_wait3A] : memref<1x!tpu.dma_semaphore, #tpu.memory_space<semaphore_mem>> -> memref<1x!tpu.dma_semaphore, #tpu.memory_space<semaphore_mem>>
    %dma_wait3A_105 = tpu.memref_squeeze %dma_wait3A_104 : memref<1x!tpu.dma_semaphore, #tpu.memory_space<semaphore_mem>> -> memref<!tpu.dma_semaphore, #tpu.memory_space<semaphore_mem>>
    %dma_wait3A_106 = arith.constant 0 : i32
    %dma_wait3A_107 = arith.constant 0 : i32
    %dma_wait3A_108 = tpu.memref_slice %arg4[%add3A, %dma_wait3A_106, %dma_wait3A_107] : memref<32x160x64xi32, #tpu.memory_space<hbm>> -> memref<1x160x64xi32, #tpu.memory_space<hbm>>
    %dma_wait3A_109 = tpu.memref_squeeze %dma_wait3A_108 : memref<1x160x64xi32, #tpu.memory_space<hbm>> -> memref<160x64xi32, #tpu.memory_space<hbm>>
    tpu.wait_dma2 semaphore(%dma_wait3A_105 : memref<!tpu.dma_semaphore, #tpu.memory_space<semaphore_mem>>) src(%dma_wait3A_109 : memref<160x64xi32, #tpu.memory_space<hbm>>) dst(%arg9 : memref<160x64xi32, #tpu.memory_space<vmem>>)
    %barrier3A = arith.constant 0 : index
    tpu.barrier barrier_id(%barrier3A)
    %dma_wait3A_110 = arith.constant 0 : i32
    %dma_wait3A_111 = arith.constant 0 : i32
    %dma_wait3A_112 = arith.constant 0 : i32
    %dma_wait3A_113 = arith.constant 0 : i32
    %dma_wait3A_114 = tpu.memref_slice %arg8[%dma_wait3A_111, %dma_wait3A_113] : memref<6x64xi32, #tpu.memory_space<vmem>> -> memref<1x64xi32, #tpu.memory_space<vmem>>
    %dma_wait3A_115 = tpu.memref_squeeze %dma_wait3A_114 : memref<1x64xi32, #tpu.memory_space<vmem>> -> memref<64xi32, #tpu.memory_space<vmem>>
    %dma_wait3A_116 = arith.constant 0 : i32
    %dma_wait3A_117 = tpu.memref_slice %arg3[%add3A, %dma_wait3A_110, %dma_wait3A_116] : memref<32x160x64xi32, #tpu.memory_space<hbm>> -> memref<1x1x64xi32, #tpu.memory_space<hbm>>
    %dma_wait3A_118 = tpu.memref_squeeze %dma_wait3A_117 : memref<1x1x64xi32, #tpu.memory_space<hbm>> -> memref<64xi32, #tpu.memory_space<hbm>>
    %dma_wait3A_119 = tpu.memref_slice %arg11[%dma_wait3A_112] : memref<6x!tpu.dma_semaphore, #tpu.memory_space<semaphore_mem>> -> memref<1x!tpu.dma_semaphore, #tpu.memory_space<semaphore_mem>>
    %dma_wait3A_120 = tpu.memref_squeeze %dma_wait3A_119 : memref<1x!tpu.dma_semaphore, #tpu.memory_space<semaphore_mem>> -> memref<!tpu.dma_semaphore, #tpu.memory_space<semaphore_mem>>
    %dma_wait3A_121 = arith.constant 0 : i32
    %dma_wait3A_122 = tpu.memref_slice %arg8[%dma_wait3A_111, %dma_wait3A_121] : memref<6x64xi32, #tpu.memory_space<vmem>> -> memref<1x64xi32, #tpu.memory_space<vmem>>
    %dma_wait3A_123 = tpu.memref_squeeze %dma_wait3A_122 : memref<1x64xi32, #tpu.memory_space<vmem>> -> memref<64xi32, #tpu.memory_space<vmem>>
    %dma_wait3A_124 = arith.constant 0 : i32
    %dma_wait3A_125 = tpu.memref_slice %arg3[%add3A, %dma_wait3A_110, %dma_wait3A_124] : memref<32x160x64xi32, #tpu.memory_space<hbm>> -> memref<1x1x64xi32, #tpu.memory_space<hbm>>
    %dma_wait3A_126 = tpu.memref_squeeze %dma_wait3A_125 : memref<1x1x64xi32, #tpu.memory_space<hbm>> -> memref<64xi32, #tpu.memory_space<hbm>>
    tpu.wait_dma2 semaphore(%dma_wait3A_120 : memref<!tpu.dma_semaphore, #tpu.memory_space<semaphore_mem>>) src(%dma_wait3A_126 : memref<64xi32, #tpu.memory_space<hbm>>) dst(%dma_wait3A_123 : memref<64xi32, #tpu.memory_space<vmem>>)
    %dma_start3A_127 = arith.constant 0 : i32
    %dma_start3A_128 = arith.constant 0 : i32
    %dma_start3A_129 = arith.constant 0 : i32
    %dma_start3A_130 = arith.constant 0 : i32
    %dma_start3A_131 = arith.constant 0 : i32
    %dma_start3A_132 = tpu.memref_slice %arg10[%dma_start3A_128, %dma_start3A_130, %dma_start3A_131] : memref<4x64x128xf32, #tpu.memory_space<vmem>> -> memref<1x64x128xf32, #tpu.memory_space<vmem>>
    %dma_start3A_133 = tpu.memref_squeeze %dma_start3A_132 : memref<1x64x128xf32, #tpu.memory_space<vmem>> -> memref<64x128xf32, #tpu.memory_space<vmem>>
    %dma_start3A_134 = arith.constant 0 : i32
    %dma_start3A_135 = tpu.memref_slice %arg8[%dma_start3A_127, %dma_start3A_134] : memref<6x64xi32, #tpu.memory_space<vmem>> -> memref<1x64xi32, #tpu.memory_space<vmem>>
    %dma_start3A_136 = tpu.memref_squeeze %dma_start3A_135 : memref<1x64xi32, #tpu.memory_space<vmem>> -> memref<64xi32, #tpu.memory_space<vmem>>
    %dma_start3A_137 = arith.constant 0 : i32
    %dma_start3A_138 = arith.constant 0 : i32
    %dma_start3A_139 = tpu.memref_slice %arg2[%dma_start3A_137, %dma_start3A_138] : memref<10240x128xf32, #tpu.memory_space<hbm>> -> memref<10240x128xf32, #tpu.memory_space<hbm>>
    %dma_start3A_140 = tpu.memref_slice %arg13[%dma_start3A_129] : memref<4x!tpu.dma_semaphore, #tpu.memory_space<semaphore_mem>> -> memref<1x!tpu.dma_semaphore, #tpu.memory_space<semaphore_mem>>
    %dma_start3A_141 = tpu.memref_squeeze %dma_start3A_140 : memref<1x!tpu.dma_semaphore, #tpu.memory_space<semaphore_mem>> -> memref<!tpu.dma_semaphore, #tpu.memory_space<semaphore_mem>>
    tpu.enqueue_indirect_dma source(%dma_start3A_139 : memref<10240x128xf32, #tpu.memory_space<hbm>>) target(%dma_start3A_133 : memref<64x128xf32, #tpu.memory_space<vmem>>) offsets(%dma_start3A_136 : memref<64xi32, #tpu.memory_space<vmem>>) semaphore(%dma_start3A_141 : memref<!tpu.dma_semaphore, #tpu.memory_space<semaphore_mem>>)
    %dma_wait3A_142 = arith.constant 0 : i32
    %dma_wait3A_143 = arith.constant 1 : i32
    %dma_wait3A_144 = arith.constant 1 : i32
    %dma_wait3A_145 = arith.constant 0 : i32
    %dma_wait3A_146 = tpu.memref_slice %arg8[%dma_wait3A_143, %dma_wait3A_145] : memref<6x64xi32, #tpu.memory_space<vmem>> -> memref<1x64xi32, #tpu.memory_space<vmem>>
    %dma_wait3A_147 = tpu.memref_squeeze %dma_wait3A_146 : memref<1x64xi32, #tpu.memory_space<vmem>> -> memref<64xi32, #tpu.memory_space<vmem>>
    %dma_wait3A_148 = arith.constant 0 : i32
    %dma_wait3A_149 = tpu.memref_slice %arg3[%add3A, %dma_wait3A_142, %dma_wait3A_148] : memref<32x160x64xi32, #tpu.memory_space<hbm>> -> memref<1x1x64xi32, #tpu.memory_space<hbm>>
    %dma_wait3A_150 = tpu.memref_squeeze %dma_wait3A_149 : memref<1x1x64xi32, #tpu.memory_space<hbm>> -> memref<64xi32, #tpu.memory_space<hbm>>
    %dma_wait3A_151 = tpu.memref_slice %arg11[%dma_wait3A_144] : memref<6x!tpu.dma_semaphore, #tpu.memory_space<semaphore_mem>> -> memref<1x!tpu.dma_semaphore, #tpu.memory_space<semaphore_mem>>
    %dma_wait3A_152 = tpu.memref_squeeze %dma_wait3A_151 : memref<1x!tpu.dma_semaphore, #tpu.memory_space<semaphore_mem>> -> memref<!tpu.dma_semaphore, #tpu.memory_space<semaphore_mem>>
    %dma_wait3A_153 = arith.constant 0 : i32
    %dma_wait3A_154 = tpu.memref_slice %arg8[%dma_wait3A_143, %dma_wait3A_153] : memref<6x64xi32, #tpu.memory_space<vmem>> -> memref<1x64xi32, #tpu.memory_space<vmem>>
    %dma_wait3A_155 = tpu.memref_squeeze %dma_wait3A_154 : memref<1x64xi32, #tpu.memory_space<vmem>> -> memref<64xi32, #tpu.memory_space<vmem>>
    %dma_wait3A_156 = arith.constant 0 : i32
    %dma_wait3A_157 = tpu.memref_slice %arg3[%add3A, %dma_wait3A_142, %dma_wait3A_156] : memref<32x160x64xi32, #tpu.memory_space<hbm>> -> memref<1x1x64xi32, #tpu.memory_space<hbm>>
    %dma_wait3A_158 = tpu.memref_squeeze %dma_wait3A_157 : memref<1x1x64xi32, #tpu.memory_space<hbm>> -> memref<64xi32, #tpu.memory_space<hbm>>
    tpu.wait_dma2 semaphore(%dma_wait3A_152 : memref<!tpu.dma_semaphore, #tpu.memory_space<semaphore_mem>>) src(%dma_wait3A_158 : memref<64xi32, #tpu.memory_space<hbm>>) dst(%dma_wait3A_155 : memref<64xi32, #tpu.memory_space<vmem>>)
    %dma_start3A_159 = arith.constant 1 : i32
    %dma_start3A_160 = arith.constant 1 : i32
    %dma_start3A_161 = arith.constant 1 : i32
    %dma_start3A_162 = arith.constant 0 : i32
    %dma_start3A_163 = arith.constant 0 : i32
    %dma_start3A_164 = tpu.memref_slice %arg10[%dma_start3A_160, %dma_start3A_162, %dma_start3A_163] : memref<4x64x128xf32, #tpu.memory_space<vmem>> -> memref<1x64x128xf32, #tpu.memory_space<vmem>>
    %dma_start3A_165 = tpu.memref_squeeze %dma_start3A_164 : memref<1x64x128xf32, #tpu.memory_space<vmem>> -> memref<64x128xf32, #tpu.memory_space<vmem>>
    %dma_start3A_166 = arith.constant 0 : i32
    %dma_start3A_167 = tpu.memref_slice %arg8[%dma_start3A_159, %dma_start3A_166] : memref<6x64xi32, #tpu.memory_space<vmem>> -> memref<1x64xi32, #tpu.memory_space<vmem>>
    %dma_start3A_168 = tpu.memref_squeeze %dma_start3A_167 : memref<1x64xi32, #tpu.memory_space<vmem>> -> memref<64xi32, #tpu.memory_space<vmem>>
    %dma_start3A_169 = arith.constant 0 : i32
    %dma_start3A_170 = arith.constant 0 : i32
    %dma_start3A_171 = tpu.memref_slice %arg2[%dma_start3A_169, %dma_start3A_170] : memref<10240x128xf32, #tpu.memory_space<hbm>> -> memref<10240x128xf32, #tpu.memory_space<hbm>>
    %dma_start3A_172 = tpu.memref_slice %arg13[%dma_start3A_161] : memref<4x!tpu.dma_semaphore, #tpu.memory_space<semaphore_mem>> -> memref<1x!tpu.dma_semaphore, #tpu.memory_space<semaphore_mem>>
    %dma_start3A_173 = tpu.memref_squeeze %dma_start3A_172 : memref<1x!tpu.dma_semaphore, #tpu.memory_space<semaphore_mem>> -> memref<!tpu.dma_semaphore, #tpu.memory_space<semaphore_mem>>
    tpu.enqueue_indirect_dma source(%dma_start3A_171 : memref<10240x128xf32, #tpu.memory_space<hbm>>) target(%dma_start3A_165 : memref<64x128xf32, #tpu.memory_space<vmem>>) offsets(%dma_start3A_168 : memref<64xi32, #tpu.memory_space<vmem>>) semaphore(%dma_start3A_173 : memref<!tpu.dma_semaphore, #tpu.memory_space<semaphore_mem>>)
    %dma_wait3A_174 = arith.constant 0 : i32
    %dma_wait3A_175 = arith.constant 2 : i32
    %dma_wait3A_176 = arith.constant 2 : i32
    %dma_wait3A_177 = arith.constant 0 : i32
    %dma_wait3A_178 = tpu.memref_slice %arg8[%dma_wait3A_175, %dma_wait3A_177] : memref<6x64xi32, #tpu.memory_space<vmem>> -> memref<1x64xi32, #tpu.memory_space<vmem>>
    %dma_wait3A_179 = tpu.memref_squeeze %dma_wait3A_178 : memref<1x64xi32, #tpu.memory_space<vmem>> -> memref<64xi32, #tpu.memory_space<vmem>>
    %dma_wait3A_180 = arith.constant 0 : i32
    %dma_wait3A_181 = tpu.memref_slice %arg3[%add3A, %dma_wait3A_174, %dma_wait3A_180] : memref<32x160x64xi32, #tpu.memory_space<hbm>> -> memref<1x1x64xi32, #tpu.memory_space<hbm>>
    %dma_wait3A_182 = tpu.memref_squeeze %dma_wait3A_181 : memref<1x1x64xi32, #tpu.memory_space<hbm>> -> memref<64xi32, #tpu.memory_space<hbm>>
    %dma_wait3A_183 = tpu.memref_slice %arg11[%dma_wait3A_176] : memref<6x!tpu.dma_semaphore, #tpu.memory_space<semaphore_mem>> -> memref<1x!tpu.dma_semaphore, #tpu.memory_space<semaphore_mem>>
    %dma_wait3A_184 = tpu.memref_squeeze %dma_wait3A_183 : memref<1x!tpu.dma_semaphore, #tpu.memory_space<semaphore_mem>> -> memref<!tpu.dma_semaphore, #tpu.memory_space<semaphore_mem>>
    %dma_wait3A_185 = arith.constant 0 : i32
    %dma_wait3A_186 = tpu.memref_slice %arg8[%dma_wait3A_175, %dma_wait3A_185] : memref<6x64xi32, #tpu.memory_space<vmem>> -> memref<1x64xi32, #tpu.memory_space<vmem>>
    %dma_wait3A_187 = tpu.memref_squeeze %dma_wait3A_186 : memref<1x64xi32, #tpu.memory_space<vmem>> -> memref<64xi32, #tpu.memory_space<vmem>>
    %dma_wait3A_188 = arith.constant 0 : i32
    %dma_wait3A_189 = tpu.memref_slice %arg3[%add3A, %dma_wait3A_174, %dma_wait3A_188] : memref<32x160x64xi32, #tpu.memory_space<hbm>> -> memref<1x1x64xi32, #tpu.memory_space<hbm>>
    %dma_wait3A_190 = tpu.memref_squeeze %dma_wait3A_189 : memref<1x1x64xi32, #tpu.memory_space<hbm>> -> memref<64xi32, #tpu.memory_space<hbm>>
    tpu.wait_dma2 semaphore(%dma_wait3A_184 : memref<!tpu.dma_semaphore, #tpu.memory_space<semaphore_mem>>) src(%dma_wait3A_190 : memref<64xi32, #tpu.memory_space<hbm>>) dst(%dma_wait3A_187 : memref<64xi32, #tpu.memory_space<vmem>>)
    %dma_start3A_191 = arith.constant 2 : i32
    %dma_start3A_192 = arith.constant 2 : i32
    %dma_start3A_193 = arith.constant 2 : i32
    %dma_start3A_194 = arith.constant 0 : i32
    %dma_start3A_195 = arith.constant 0 : i32
    %dma_start3A_196 = tpu.memref_slice %arg10[%dma_start3A_192, %dma_start3A_194, %dma_start3A_195] : memref<4x64x128xf32, #tpu.memory_space<vmem>> -> memref<1x64x128xf32, #tpu.memory_space<vmem>>
    %dma_start3A_197 = tpu.memref_squeeze %dma_start3A_196 : memref<1x64x128xf32, #tpu.memory_space<vmem>> -> memref<64x128xf32, #tpu.memory_space<vmem>>
    %dma_start3A_198 = arith.constant 0 : i32
    %dma_start3A_199 = tpu.memref_slice %arg8[%dma_start3A_191, %dma_start3A_198] : memref<6x64xi32, #tpu.memory_space<vmem>> -> memref<1x64xi32, #tpu.memory_space<vmem>>
    %dma_start3A_200 = tpu.memref_squeeze %dma_start3A_199 : memref<1x64xi32, #tpu.memory_space<vmem>> -> memref<64xi32, #tpu.memory_space<vmem>>
    %dma_start3A_201 = arith.constant 0 : i32
    %dma_start3A_202 = arith.constant 0 : i32
    %dma_start3A_203 = tpu.memref_slice %arg2[%dma_start3A_201, %dma_start3A_202] : memref<10240x128xf32, #tpu.memory_space<hbm>> -> memref<10240x128xf32, #tpu.memory_space<hbm>>
    %dma_start3A_204 = tpu.memref_slice %arg13[%dma_start3A_193] : memref<4x!tpu.dma_semaphore, #tpu.memory_space<semaphore_mem>> -> memref<1x!tpu.dma_semaphore, #tpu.memory_space<semaphore_mem>>
    %dma_start3A_205 = tpu.memref_squeeze %dma_start3A_204 : memref<1x!tpu.dma_semaphore, #tpu.memory_space<semaphore_mem>> -> memref<!tpu.dma_semaphore, #tpu.memory_space<semaphore_mem>>
    tpu.enqueue_indirect_dma source(%dma_start3A_203 : memref<10240x128xf32, #tpu.memory_space<hbm>>) target(%dma_start3A_197 : memref<64x128xf32, #tpu.memory_space<vmem>>) offsets(%dma_start3A_200 : memref<64xi32, #tpu.memory_space<vmem>>) semaphore(%dma_start3A_205 : memref<!tpu.dma_semaphore, #tpu.memory_space<semaphore_mem>>)
    %scan3A = arith.constant 0 : i32
    %scan3A_206 = arith.constant 0 : i32
    %scan3A_207 = arith.constant 160 : i32
    %scan3A_208 = arith.addi %scan3A_206, %scan3A_207 : i32
    %scan3A_209 = arith.constant 1 : i32
    scf.for %scan3A_279 = %scan3A_206 to %scan3A_208 step %scan3A_209  : i32 {
      %rem3A = arith.constant 4 : i32
      %rem3A_280 = arith.remsi %scan3A_279, %rem3A : i32
      %add3A_281 = arith.constant 5 : i32
      %add3A_282 = arith.addi %scan3A_279, %add3A_281 : i32
      %lt3A = arith.constant 160 : i32
      %lt3A_283 = arith.cmpi slt, %add3A_282, %lt3A : i32
      %convert_element_type3A = arith.extui %lt3A_283 : i1 to i32
      %cond3A = arith.constant 0 : i32
      %cond3A_284 = arith.cmpi ne, %convert_element_type3A, %cond3A : i32
      scf.if %cond3A_284 {
        %add3A_317 = arith.constant 5 : i32
        %add3A_318 = arith.addi %scan3A_279, %add3A_317 : i32
        %rem3A_319 = arith.constant 6 : i32
        %rem3A_320 = arith.remsi %add3A_318, %rem3A_319 : i32
        %add3A_321 = arith.constant 5 : i32
        %add3A_322 = arith.addi %scan3A_279, %add3A_321 : i32
        %dma_start3A_323 = arith.constant 0 : i32
        %dma_start3A_324 = tpu.memref_slice %arg8[%rem3A_320, %dma_start3A_323] : memref<6x64xi32, #tpu.memory_space<vmem>> -> memref<1x64xi32, #tpu.memory_space<vmem>>
        %dma_start3A_325 = tpu.memref_squeeze %dma_start3A_324 : memref<1x64xi32, #tpu.memory_space<vmem>> -> memref<64xi32, #tpu.memory_space<vmem>>
        %dma_start3A_326 = arith.constant 0 : i32
        %dma_start3A_327 = tpu.memref_slice %arg3[%add3A, %add3A_322, %dma_start3A_326] : memref<32x160x64xi32, #tpu.memory_space<hbm>> -> memref<1x1x64xi32, #tpu.memory_space<hbm>>
        %dma_start3A_328 = tpu.memref_squeeze %dma_start3A_327 : memref<1x1x64xi32, #tpu.memory_space<hbm>> -> memref<64xi32, #tpu.memory_space<hbm>>
        %dma_start3A_329 = tpu.memref_slice %arg11[%rem3A_320] : memref<6x!tpu.dma_semaphore, #tpu.memory_space<semaphore_mem>> -> memref<1x!tpu.dma_semaphore, #tpu.memory_space<semaphore_mem>>
        %dma_start3A_330 = tpu.memref_squeeze %dma_start3A_329 : memref<1x!tpu.dma_semaphore, #tpu.memory_space<semaphore_mem>> -> memref<!tpu.dma_semaphore, #tpu.memory_space<semaphore_mem>>
        %dma_start3A_331 = arith.constant 0 : i32
        %dma_start3A_332 = tpu.memref_slice %arg8[%rem3A_320, %dma_start3A_331] : memref<6x64xi32, #tpu.memory_space<vmem>> -> memref<1x64xi32, #tpu.memory_space<vmem>>
        %dma_start3A_333 = tpu.memref_squeeze %dma_start3A_332 : memref<1x64xi32, #tpu.memory_space<vmem>> -> memref<64xi32, #tpu.memory_space<vmem>>
        %dma_start3A_334 = arith.constant 0 : i32
        %dma_start3A_335 = tpu.memref_slice %arg3[%add3A, %add3A_322, %dma_start3A_334] : memref<32x160x64xi32, #tpu.memory_space<hbm>> -> memref<1x1x64xi32, #tpu.memory_space<hbm>>
        %dma_start3A_336 = tpu.memref_squeeze %dma_start3A_335 : memref<1x1x64xi32, #tpu.memory_space<hbm>> -> memref<64xi32, #tpu.memory_space<hbm>>
        tpu.enqueue_dma source(%dma_start3A_336 : memref<64xi32, #tpu.memory_space<hbm>>) target(%dma_start3A_333 : memref<64xi32, #tpu.memory_space<vmem>>) target_semaphore(%dma_start3A_330 : memref<!tpu.dma_semaphore, #tpu.memory_space<semaphore_mem>>)
      } else {
      }
      %dma_wait3A_285 = arith.constant 0 : i32
      %dma_wait3A_286 = arith.constant 0 : i32
      %dma_wait3A_287 = arith.constant 0 : i32
      %dma_wait3A_288 = tpu.memref_slice %arg10[%rem3A_280, %dma_wait3A_286, %dma_wait3A_287] : memref<4x64x128xf32, #tpu.memory_space<vmem>> -> memref<1x64x128xf32, #tpu.memory_space<vmem>>
      %dma_wait3A_289 = tpu.memref_squeeze %dma_wait3A_288 : memref<1x64x128xf32, #tpu.memory_space<vmem>> -> memref<64x128xf32, #tpu.memory_space<vmem>>
      %dma_wait3A_290 = arith.constant 0 : i32
      %dma_wait3A_291 = tpu.memref_slice %arg8[%dma_wait3A_285, %dma_wait3A_290] : memref<6x64xi32, #tpu.memory_space<vmem>> -> memref<1x64xi32, #tpu.memory_space<vmem>>
      %dma_wait3A_292 = tpu.memref_squeeze %dma_wait3A_291 : memref<1x64xi32, #tpu.memory_space<vmem>> -> memref<64xi32, #tpu.memory_space<vmem>>
      %dma_wait3A_293 = arith.constant 0 : i32
      %dma_wait3A_294 = arith.constant 0 : i32
      %dma_wait3A_295 = tpu.memref_slice %arg2[%dma_wait3A_293, %dma_wait3A_294] : memref<10240x128xf32, #tpu.memory_space<hbm>> -> memref<10240x128xf32, #tpu.memory_space<hbm>>
      %dma_wait3A_296 = tpu.memref_slice %arg13[%rem3A_280] : memref<4x!tpu.dma_semaphore, #tpu.memory_space<semaphore_mem>> -> memref<1x!tpu.dma_semaphore, #tpu.memory_space<semaphore_mem>>
      %dma_wait3A_297 = tpu.memref_squeeze %dma_wait3A_296 : memref<1x!tpu.dma_semaphore, #tpu.memory_space<semaphore_mem>> -> memref<!tpu.dma_semaphore, #tpu.memory_space<semaphore_mem>>
      tpu.wait_indirect_dma semaphore(%dma_wait3A_297 : memref<!tpu.dma_semaphore, #tpu.memory_space<semaphore_mem>>) src(%dma_wait3A_295 : memref<10240x128xf32, #tpu.memory_space<hbm>>) dst(%dma_wait3A_289 : memref<64x128xf32, #tpu.memory_space<vmem>>)
      %dma_start3A_298 = arith.constant 0 : i32
      %dma_start3A_299 = arith.constant 0 : i32
      %dma_start3A_300 = tpu.memref_slice %arg10[%rem3A_280, %dma_start3A_298, %dma_start3A_299] : memref<4x64x128xf32, #tpu.memory_space<vmem>> -> memref<1x64x128xf32, #tpu.memory_space<vmem>>
      %dma_start3A_301 = tpu.memref_squeeze %dma_start3A_300 : memref<1x64x128xf32, #tpu.memory_space<vmem>> -> memref<64x128xf32, #tpu.memory_space<vmem>>
      %dma_start3A_302 = arith.constant 0 : i32
      %dma_start3A_303 = tpu.memref_slice %arg9[%scan3A_279, %dma_start3A_302] : memref<160x64xi32, #tpu.memory_space<vmem>> -> memref<1x64xi32, #tpu.memory_space<vmem>>
      %dma_start3A_304 = tpu.memref_squeeze %dma_start3A_303 : memref<1x64xi32, #tpu.memory_space<vmem>> -> memref<64xi32, #tpu.memory_space<vmem>>
      %dma_start3A_305 = arith.constant 0 : i32
      %dma_start3A_306 = arith.constant 0 : i32
      %dma_start3A_307 = tpu.memref_slice %arg7[%dma_start3A_305, %dma_start3A_306] : memref<10240x128xf32, #tpu.memory_space<vmem_shared>> -> memref<10240x128xf32, #tpu.memory_space<vmem_shared>>
      %dma_start3A_308 = tpu.memref_slice %arg14[%rem3A_280] : memref<4x!tpu.dma_semaphore, #tpu.memory_space<semaphore_mem>> -> memref<1x!tpu.dma_semaphore, #tpu.memory_space<semaphore_mem>>
      %dma_start3A_309 = tpu.memref_squeeze %dma_start3A_308 : memref<1x!tpu.dma_semaphore, #tpu.memory_space<semaphore_mem>> -> memref<!tpu.dma_semaphore, #tpu.memory_space<semaphore_mem>>
      tpu.enqueue_indirect_dma source(%dma_start3A_301 : memref<64x128xf32, #tpu.memory_space<vmem>>) target(%dma_start3A_307 : memref<10240x128xf32, #tpu.memory_space<vmem_shared>>) offsets(%dma_start3A_304 : memref<64xi32, #tpu.memory_space<vmem>>) semaphore(%dma_start3A_309 : memref<!tpu.dma_semaphore, #tpu.memory_space<semaphore_mem>>) {add = true}
      %add3A_310 = arith.constant 3 : i32
      %add3A_311 = arith.addi %scan3A_279, %add3A_310 : i32
      %lt3A_312 = arith.constant 160 : i32
      %lt3A_313 = arith.cmpi slt, %add3A_311, %lt3A_312 : i32
      %convert_element_type3A_314 = arith.extui %lt3A_313 : i1 to i32
      %cond3A_315 = arith.constant 0 : i32
      %cond3A_316 = arith.cmpi ne, %convert_element_type3A_314, %cond3A_315 : i32
      scf.if %cond3A_316 {
        %add3A_317 = arith.constant 3 : i32
        %add3A_318 = arith.addi %scan3A_279, %add3A_317 : i32
        %rem3A_319 = arith.constant 4 : i32
        %rem3A_320 = arith.remsi %add3A_318, %rem3A_319 : i32
        %ge3A = arith.constant 1 : i32
        %ge3A_321 = arith.cmpi sge, %scan3A_279, %ge3A : i32
        %convert_element_type3A_322 = arith.extui %ge3A_321 : i1 to i32
        %cond3A_323 = arith.constant 0 : i32
        %cond3A_324 = arith.cmpi ne, %convert_element_type3A_322, %cond3A_323 : i32
        scf.if %cond3A_324 {
          %dma_wait3A_356 = arith.constant 0 : i32
          %dma_wait3A_357 = arith.constant 0 : i32
          %dma_wait3A_358 = arith.constant 0 : i32
          %dma_wait3A_359 = tpu.memref_slice %arg10[%rem3A_320, %dma_wait3A_357, %dma_wait3A_358] : memref<4x64x128xf32, #tpu.memory_space<vmem>> -> memref<1x64x128xf32, #tpu.memory_space<vmem>>
          %dma_wait3A_360 = tpu.memref_squeeze %dma_wait3A_359 : memref<1x64x128xf32, #tpu.memory_space<vmem>> -> memref<64x128xf32, #tpu.memory_space<vmem>>
          %dma_wait3A_361 = arith.constant 0 : i32
          %dma_wait3A_362 = tpu.memref_slice %arg9[%dma_wait3A_356, %dma_wait3A_361] : memref<160x64xi32, #tpu.memory_space<vmem>> -> memref<1x64xi32, #tpu.memory_space<vmem>>
          %dma_wait3A_363 = tpu.memref_squeeze %dma_wait3A_362 : memref<1x64xi32, #tpu.memory_space<vmem>> -> memref<64xi32, #tpu.memory_space<vmem>>
          %dma_wait3A_364 = arith.constant 0 : i32
          %dma_wait3A_365 = arith.constant 0 : i32
          %dma_wait3A_366 = tpu.memref_slice %arg7[%dma_wait3A_364, %dma_wait3A_365] : memref<10240x128xf32, #tpu.memory_space<vmem_shared>> -> memref<10240x128xf32, #tpu.memory_space<vmem_shared>>
          %dma_wait3A_367 = tpu.memref_slice %arg14[%rem3A_320] : memref<4x!tpu.dma_semaphore, #tpu.memory_space<semaphore_mem>> -> memref<1x!tpu.dma_semaphore, #tpu.memory_space<semaphore_mem>>
          %dma_wait3A_368 = tpu.memref_squeeze %dma_wait3A_367 : memref<1x!tpu.dma_semaphore, #tpu.memory_space<semaphore_mem>> -> memref<!tpu.dma_semaphore, #tpu.memory_space<semaphore_mem>>
          tpu.wait_indirect_dma semaphore(%dma_wait3A_368 : memref<!tpu.dma_semaphore, #tpu.memory_space<semaphore_mem>>) src(%dma_wait3A_360 : memref<64x128xf32, #tpu.memory_space<vmem>>) dst(%dma_wait3A_366 : memref<10240x128xf32, #tpu.memory_space<vmem_shared>>)
        } else {
        }
        %add3A_325 = arith.constant 3 : i32
        %add3A_326 = arith.addi %scan3A_279, %add3A_325 : i32
        %rem3A_327 = arith.constant 6 : i32
        %rem3A_328 = arith.remsi %add3A_326, %rem3A_327 : i32
        %dma_wait3A_329 = arith.constant 0 : i32
        %dma_wait3A_330 = arith.constant 0 : i32
        %dma_wait3A_331 = tpu.memref_slice %arg8[%rem3A_328, %dma_wait3A_330] : memref<6x64xi32, #tpu.memory_space<vmem>> -> memref<1x64xi32, #tpu.memory_space<vmem>>
        %dma_wait3A_332 = tpu.memref_squeeze %dma_wait3A_331 : memref<1x64xi32, #tpu.memory_space<vmem>> -> memref<64xi32, #tpu.memory_space<vmem>>
        %dma_wait3A_333 = arith.constant 0 : i32
        %dma_wait3A_334 = tpu.memref_slice %arg3[%add3A, %dma_wait3A_329, %dma_wait3A_333] : memref<32x160x64xi32, #tpu.memory_space<hbm>> -> memref<1x1x64xi32, #tpu.memory_space<hbm>>
        %dma_wait3A_335 = tpu.memref_squeeze %dma_wait3A_334 : memref<1x1x64xi32, #tpu.memory_space<hbm>> -> memref<64xi32, #tpu.memory_space<hbm>>
        %dma_wait3A_336 = tpu.memref_slice %arg11[%rem3A_328] : memref<6x!tpu.dma_semaphore, #tpu.memory_space<semaphore_mem>> -> memref<1x!tpu.dma_semaphore, #tpu.memory_space<semaphore_mem>>
        %dma_wait3A_337 = tpu.memref_squeeze %dma_wait3A_336 : memref<1x!tpu.dma_semaphore, #tpu.memory_space<semaphore_mem>> -> memref<!tpu.dma_semaphore, #tpu.memory_space<semaphore_mem>>
        %dma_wait3A_338 = arith.constant 0 : i32
        %dma_wait3A_339 = tpu.memref_slice %arg8[%rem3A_328, %dma_wait3A_338] : memref<6x64xi32, #tpu.memory_space<vmem>> -> memref<1x64xi32, #tpu.memory_space<vmem>>
        %dma_wait3A_340 = tpu.memref_squeeze %dma_wait3A_339 : memref<1x64xi32, #tpu.memory_space<vmem>> -> memref<64xi32, #tpu.memory_space<vmem>>
        %dma_wait3A_341 = arith.constant 0 : i32
        %dma_wait3A_342 = tpu.memref_slice %arg3[%add3A, %dma_wait3A_329, %dma_wait3A_341] : memref<32x160x64xi32, #tpu.memory_space<hbm>> -> memref<1x1x64xi32, #tpu.memory_space<hbm>>
        %dma_wait3A_343 = tpu.memref_squeeze %dma_wait3A_342 : memref<1x1x64xi32, #tpu.memory_space<hbm>> -> memref<64xi32, #tpu.memory_space<hbm>>
        tpu.wait_dma2 semaphore(%dma_wait3A_337 : memref<!tpu.dma_semaphore, #tpu.memory_space<semaphore_mem>>) src(%dma_wait3A_343 : memref<64xi32, #tpu.memory_space<hbm>>) dst(%dma_wait3A_340 : memref<64xi32, #tpu.memory_space<vmem>>)
        %dma_start3A_344 = arith.constant 0 : i32
        %dma_start3A_345 = arith.constant 0 : i32
        %dma_start3A_346 = tpu.memref_slice %arg10[%rem3A_320, %dma_start3A_344, %dma_start3A_345] : memref<4x64x128xf32, #tpu.memory_space<vmem>> -> memref<1x64x128xf32, #tpu.memory_space<vmem>>
        %dma_start3A_347 = tpu.memref_squeeze %dma_start3A_346 : memref<1x64x128xf32, #tpu.memory_space<vmem>> -> memref<64x128xf32, #tpu.memory_space<vmem>>
        %dma_start3A_348 = arith.constant 0 : i32
        %dma_start3A_349 = tpu.memref_slice %arg8[%rem3A_328, %dma_start3A_348] : memref<6x64xi32, #tpu.memory_space<vmem>> -> memref<1x64xi32, #tpu.memory_space<vmem>>
        %dma_start3A_350 = tpu.memref_squeeze %dma_start3A_349 : memref<1x64xi32, #tpu.memory_space<vmem>> -> memref<64xi32, #tpu.memory_space<vmem>>
        %dma_start3A_351 = arith.constant 0 : i32
        %dma_start3A_352 = arith.constant 0 : i32
        %dma_start3A_353 = tpu.memref_slice %arg2[%dma_start3A_351, %dma_start3A_352] : memref<10240x128xf32, #tpu.memory_space<hbm>> -> memref<10240x128xf32, #tpu.memory_space<hbm>>
        %dma_start3A_354 = tpu.memref_slice %arg13[%rem3A_320] : memref<4x!tpu.dma_semaphore, #tpu.memory_space<semaphore_mem>> -> memref<1x!tpu.dma_semaphore, #tpu.memory_space<semaphore_mem>>
        %dma_start3A_355 = tpu.memref_squeeze %dma_start3A_354 : memref<1x!tpu.dma_semaphore, #tpu.memory_space<semaphore_mem>> -> memref<!tpu.dma_semaphore, #tpu.memory_space<semaphore_mem>>
        tpu.enqueue_indirect_dma source(%dma_start3A_353 : memref<10240x128xf32, #tpu.memory_space<hbm>>) target(%dma_start3A_347 : memref<64x128xf32, #tpu.memory_space<vmem>>) offsets(%dma_start3A_350 : memref<64xi32, #tpu.memory_space<vmem>>) semaphore(%dma_start3A_355 : memref<!tpu.dma_semaphore, #tpu.memory_space<semaphore_mem>>)
      } else {
      }
    }
    %scan3A_210 = arith.constant 160 : i32
    %dma_wait3A_211 = arith.constant 0 : i32
    %dma_wait3A_212 = arith.constant 0 : i32
    %dma_wait3A_213 = arith.constant 0 : i32
    %dma_wait3A_214 = arith.constant 0 : i32
    %dma_wait3A_215 = arith.constant 0 : i32
    %dma_wait3A_216 = tpu.memref_slice %arg10[%dma_wait3A_211, %dma_wait3A_214, %dma_wait3A_215] : memref<4x64x128xf32, #tpu.memory_space<vmem>> -> memref<1x64x128xf32, #tpu.memory_space<vmem>>
    %dma_wait3A_217 = tpu.memref_squeeze %dma_wait3A_216 : memref<1x64x128xf32, #tpu.memory_space<vmem>> -> memref<64x128xf32, #tpu.memory_space<vmem>>
    %dma_wait3A_218 = arith.constant 0 : i32
    %dma_wait3A_219 = tpu.memref_slice %arg9[%dma_wait3A_212, %dma_wait3A_218] : memref<160x64xi32, #tpu.memory_space<vmem>> -> memref<1x64xi32, #tpu.memory_space<vmem>>
    %dma_wait3A_220 = tpu.memref_squeeze %dma_wait3A_219 : memref<1x64xi32, #tpu.memory_space<vmem>> -> memref<64xi32, #tpu.memory_space<vmem>>
    %dma_wait3A_221 = arith.constant 0 : i32
    %dma_wait3A_222 = arith.constant 0 : i32
    %dma_wait3A_223 = tpu.memref_slice %arg7[%dma_wait3A_221, %dma_wait3A_222] : memref<10240x128xf32, #tpu.memory_space<vmem_shared>> -> memref<10240x128xf32, #tpu.memory_space<vmem_shared>>
    %dma_wait3A_224 = tpu.memref_slice %arg14[%dma_wait3A_213] : memref<4x!tpu.dma_semaphore, #tpu.memory_space<semaphore_mem>> -> memref<1x!tpu.dma_semaphore, #tpu.memory_space<semaphore_mem>>
    %dma_wait3A_225 = tpu.memref_squeeze %dma_wait3A_224 : memref<1x!tpu.dma_semaphore, #tpu.memory_space<semaphore_mem>> -> memref<!tpu.dma_semaphore, #tpu.memory_space<semaphore_mem>>
    tpu.wait_indirect_dma semaphore(%dma_wait3A_225 : memref<!tpu.dma_semaphore, #tpu.memory_space<semaphore_mem>>) src(%dma_wait3A_217 : memref<64x128xf32, #tpu.memory_space<vmem>>) dst(%dma_wait3A_223 : memref<10240x128xf32, #tpu.memory_space<vmem_shared>>)
    %dma_wait3A_226 = arith.constant 1 : i32
    %dma_wait3A_227 = arith.constant 0 : i32
    %dma_wait3A_228 = arith.constant 1 : i32
    %dma_wait3A_229 = arith.constant 0 : i32
    %dma_wait3A_230 = arith.constant 0 : i32
    %dma_wait3A_231 = tpu.memref_slice %arg10[%dma_wait3A_226, %dma_wait3A_229, %dma_wait3A_230] : memref<4x64x128xf32, #tpu.memory_space<vmem>> -> memref<1x64x128xf32, #tpu.memory_space<vmem>>
    %dma_wait3A_232 = tpu.memref_squeeze %dma_wait3A_231 : memref<1x64x128xf32, #tpu.memory_space<vmem>> -> memref<64x128xf32, #tpu.memory_space<vmem>>
    %dma_wait3A_233 = arith.constant 0 : i32
    %dma_wait3A_234 = tpu.memref_slice %arg9[%dma_wait3A_227, %dma_wait3A_233] : memref<160x64xi32, #tpu.memory_space<vmem>> -> memref<1x64xi32, #tpu.memory_space<vmem>>
    %dma_wait3A_235 = tpu.memref_squeeze %dma_wait3A_234 : memref<1x64xi32, #tpu.memory_space<vmem>> -> memref<64xi32, #tpu.memory_space<vmem>>
    %dma_wait3A_236 = arith.constant 0 : i32
    %dma_wait3A_237 = arith.constant 0 : i32
    %dma_wait3A_238 = tpu.memref_slice %arg7[%dma_wait3A_236, %dma_wait3A_237] : memref<10240x128xf32, #tpu.memory_space<vmem_shared>> -> memref<10240x128xf32, #tpu.memory_space<vmem_shared>>
    %dma_wait3A_239 = tpu.memref_slice %arg14[%dma_wait3A_228] : memref<4x!tpu.dma_semaphore, #tpu.memory_space<semaphore_mem>> -> memref<1x!tpu.dma_semaphore, #tpu.memory_space<semaphore_mem>>
    %dma_wait3A_240 = tpu.memref_squeeze %dma_wait3A_239 : memref<1x!tpu.dma_semaphore, #tpu.memory_space<semaphore_mem>> -> memref<!tpu.dma_semaphore, #tpu.memory_space<semaphore_mem>>
    tpu.wait_indirect_dma semaphore(%dma_wait3A_240 : memref<!tpu.dma_semaphore, #tpu.memory_space<semaphore_mem>>) src(%dma_wait3A_232 : memref<64x128xf32, #tpu.memory_space<vmem>>) dst(%dma_wait3A_238 : memref<10240x128xf32, #tpu.memory_space<vmem_shared>>)
    %dma_wait3A_241 = arith.constant 2 : i32
    %dma_wait3A_242 = arith.constant 0 : i32
    %dma_wait3A_243 = arith.constant 2 : i32
    %dma_wait3A_244 = arith.constant 0 : i32
    %dma_wait3A_245 = arith.constant 0 : i32
    %dma_wait3A_246 = tpu.memref_slice %arg10[%dma_wait3A_241, %dma_wait3A_244, %dma_wait3A_245] : memref<4x64x128xf32, #tpu.memory_space<vmem>> -> memref<1x64x128xf32, #tpu.memory_space<vmem>>
    %dma_wait3A_247 = tpu.memref_squeeze %dma_wait3A_246 : memref<1x64x128xf32, #tpu.memory_space<vmem>> -> memref<64x128xf32, #tpu.memory_space<vmem>>
    %dma_wait3A_248 = arith.constant 0 : i32
    %dma_wait3A_249 = tpu.memref_slice %arg9[%dma_wait3A_242, %dma_wait3A_248] : memref<160x64xi32, #tpu.memory_space<vmem>> -> memref<1x64xi32, #tpu.memory_space<vmem>>
    %dma_wait3A_250 = tpu.memref_squeeze %dma_wait3A_249 : memref<1x64xi32, #tpu.memory_space<vmem>> -> memref<64xi32, #tpu.memory_space<vmem>>
    %dma_wait3A_251 = arith.constant 0 : i32
    %dma_wait3A_252 = arith.constant 0 : i32
    %dma_wait3A_253 = tpu.memref_slice %arg7[%dma_wait3A_251, %dma_wait3A_252] : memref<10240x128xf32, #tpu.memory_space<vmem_shared>> -> memref<10240x128xf32, #tpu.memory_space<vmem_shared>>
    %dma_wait3A_254 = tpu.memref_slice %arg14[%dma_wait3A_243] : memref<4x!tpu.dma_semaphore, #tpu.memory_space<semaphore_mem>> -> memref<1x!tpu.dma_semaphore, #tpu.memory_space<semaphore_mem>>
    %dma_wait3A_255 = tpu.memref_squeeze %dma_wait3A_254 : memref<1x!tpu.dma_semaphore, #tpu.memory_space<semaphore_mem>> -> memref<!tpu.dma_semaphore, #tpu.memory_space<semaphore_mem>>
    tpu.wait_indirect_dma semaphore(%dma_wait3A_255 : memref<!tpu.dma_semaphore, #tpu.memory_space<semaphore_mem>>) src(%dma_wait3A_247 : memref<64x128xf32, #tpu.memory_space<vmem>>) dst(%dma_wait3A_253 : memref<10240x128xf32, #tpu.memory_space<vmem_shared>>)
    %dma_wait3A_256 = arith.constant 3 : i32
    %dma_wait3A_257 = arith.constant 0 : i32
    %dma_wait3A_258 = arith.constant 3 : i32
    %dma_wait3A_259 = arith.constant 0 : i32
    %dma_wait3A_260 = arith.constant 0 : i32
    %dma_wait3A_261 = tpu.memref_slice %arg10[%dma_wait3A_256, %dma_wait3A_259, %dma_wait3A_260] : memref<4x64x128xf32, #tpu.memory_space<vmem>> -> memref<1x64x128xf32, #tpu.memory_space<vmem>>
    %dma_wait3A_262 = tpu.memref_squeeze %dma_wait3A_261 : memref<1x64x128xf32, #tpu.memory_space<vmem>> -> memref<64x128xf32, #tpu.memory_space<vmem>>
    %dma_wait3A_263 = arith.constant 0 : i32
    %dma_wait3A_264 = tpu.memref_slice %arg9[%dma_wait3A_257, %dma_wait3A_263] : memref<160x64xi32, #tpu.memory_space<vmem>> -> memref<1x64xi32, #tpu.memory_space<vmem>>
    %dma_wait3A_265 = tpu.memref_squeeze %dma_wait3A_264 : memref<1x64xi32, #tpu.memory_space<vmem>> -> memref<64xi32, #tpu.memory_space<vmem>>
    %dma_wait3A_266 = arith.constant 0 : i32
    %dma_wait3A_267 = arith.constant 0 : i32
    %dma_wait3A_268 = tpu.memref_slice %arg7[%dma_wait3A_266, %dma_wait3A_267] : memref<10240x128xf32, #tpu.memory_space<vmem_shared>> -> memref<10240x128xf32, #tpu.memory_space<vmem_shared>>
    %dma_wait3A_269 = tpu.memref_slice %arg14[%dma_wait3A_258] : memref<4x!tpu.dma_semaphore, #tpu.memory_space<semaphore_mem>> -> memref<1x!tpu.dma_semaphore, #tpu.memory_space<semaphore_mem>>
    %dma_wait3A_270 = tpu.memref_squeeze %dma_wait3A_269 : memref<1x!tpu.dma_semaphore, #tpu.memory_space<semaphore_mem>> -> memref<!tpu.dma_semaphore, #tpu.memory_space<semaphore_mem>>
    tpu.wait_indirect_dma semaphore(%dma_wait3A_270 : memref<!tpu.dma_semaphore, #tpu.memory_space<semaphore_mem>>) src(%dma_wait3A_262 : memref<64x128xf32, #tpu.memory_space<vmem>>) dst(%dma_wait3A_268 : memref<10240x128xf32, #tpu.memory_space<vmem_shared>>)
    %barrier3A_271 = arith.constant 0 : index
    tpu.barrier barrier_id(%barrier3A_271)
    %mul3A_272 = arith.constant 640 : i32
    %mul3A_273 = arith.muli %arg1, %mul3A_272 : i32
    %mul3A_274 = arith.constant 10240 : i32
    %mul3A_275 = arith.muli %arg0, %mul3A_274 : i32
    %mul3A_276 = arith.constant 640 : i32
    %mul3A_277 = arith.muli %arg1, %mul3A_276 : i32
    %add3A_278 = arith.addi %mul3A_275, %mul3A_277 : i32
    "tpu.region"() ({
      %run_scoped3A = tpu.sem_alloc : memref<!tpu.dma_semaphore, #tpu.memory_space<semaphore_mem>>
      %dma_start3A_279 = arith.constant 0 : i32
      %dma_start3A_280 = tpu.memref_slice %arg6[%add3A_278, %dma_start3A_279] : memref<20480x128xf32, #tpu.memory_space<hbm>> -> memref<640x128xf32, #tpu.memory_space<hbm>>
      %dma_start3A_281 = arith.constant 0 : i32
      %dma_start3A_282 = tpu.memref_slice %arg7[%mul3A_273, %dma_start3A_281] : memref<10240x128xf32, #tpu.memory_space<vmem_shared>> -> memref<640x128xf32, #tpu.memory_space<vmem_shared>>
      tpu.enqueue_dma source(%dma_start3A_282 : memref<640x128xf32, #tpu.memory_space<vmem_shared>>) target(%dma_start3A_280 : memref<640x128xf32, #tpu.memory_space<hbm>>) target_semaphore(%run_scoped3A : memref<!tpu.dma_semaphore, #tpu.memory_space<semaphore_mem>>)
      %dma_wait3A_283 = arith.constant 0 : i32
      %dma_wait3A_284 = tpu.memref_slice %arg6[%add3A_278, %dma_wait3A_283] : memref<20480x128xf32, #tpu.memory_space<hbm>> -> memref<640x128xf32, #tpu.memory_space<hbm>>
      %dma_wait3A_285 = arith.constant 0 : i32
      %dma_wait3A_286 = tpu.memref_slice %arg7[%mul3A_273, %dma_wait3A_285] : memref<10240x128xf32, #tpu.memory_space<vmem_shared>> -> memref<640x128xf32, #tpu.memory_space<vmem_shared>>
      tpu.wait_dma2 semaphore(%run_scoped3A : memref<!tpu.dma_semaphore, #tpu.memory_space<semaphore_mem>>) src(%dma_wait3A_286 : memref<640x128xf32, #tpu.memory_space<vmem_shared>>) dst(%dma_wait3A_284 : memref<640x128xf32, #tpu.memory_space<hbm>>)
      tpu.yield
    }) : () -> ()
    return
  }
}

#map = affine_map<(d0, d1) -> (0, 0)>
#map1 = affine_map<(d0, d1) -> (0, 0, 0)>
module attributes {stable_mosaic.version = 14 : i64} {
  func.func @segsum_kernel(%arg0: i32, %arg1: i32, %arg2: memref<10240x128xf32, #tpu.memory_space<hbm>>, %arg3: memref<32x160x64xi32, #tpu.memory_space<hbm>>, %arg4: memref<32x160x64xi32, #tpu.memory_space<hbm>>, %arg5: memref<10240x128xf32, #tpu.memory_space<hbm>>, %arg6: memref<20480x128xf32, #tpu.memory_space<hbm>>, %arg7: memref<10240x128xf32, #tpu.memory_space<vmem_shared>>, %arg8: memref<6x64xi32, #tpu.memory_space<vmem>>, %arg9: memref<160x64xi32, #tpu.memory_space<vmem>>, %arg10: memref<4x64x128xf32, #tpu.memory_space<vmem>>, %arg11: memref<6x!tpu.dma_semaphore, #tpu.memory_space<semaphore_mem>>, %arg12: memref<1x!tpu.dma_semaphore, #tpu.memory_space<semaphore_mem>>, %arg13: memref<4x!tpu.dma_semaphore, #tpu.memory_space<semaphore_mem>>, %arg14: memref<4x!tpu.dma_semaphore, #tpu.memory_space<semaphore_mem>>) attributes {dimension_semantics = [#tpu.dimension_semantics<core_parallel>, #tpu.dimension_semantics<subcore_parallel>], iteration_bounds = array<i64: 2, 16>, scalar_prefetch = 0 : i64, scratch_operands = 8 : i64, tpu.core_type = #tpu.core_type<sc_vector_subcore>, window_params = [{transform_indices = #map}, {transform_indices = #map1}, {transform_indices = #map1}, {transform_indices = #map}, {transform_indices = #map}]} {
    %mul3A = arith.constant 2 : i32
    %mul3A_0 = arith.muli %arg1, %mul3A : i32
    %add3A = arith.addi %mul3A_0, %arg0 : i32
    %dma_start3A = arith.constant 0 : i32
    %dma_start3A_1 = arith.constant 0 : i32
    %dma_start3A_2 = arith.constant 0 : i32
    %dma_start3A_3 = tpu.memref_slice %arg4[%add3A, %dma_start3A_1, %dma_start3A_2] : memref<32x160x64xi32, #tpu.memory_space<hbm>> -> memref<1x160x64xi32, #tpu.memory_space<hbm>>
    %dma_start3A_4 = tpu.memref_squeeze %dma_start3A_3 : memref<1x160x64xi32, #tpu.memory_space<hbm>> -> memref<160x64xi32, #tpu.memory_space<hbm>>
    %dma_start3A_5 = tpu.memref_slice %arg12[%dma_start3A] : memref<1x!tpu.dma_semaphore, #tpu.memory_space<semaphore_mem>> -> memref<1x!tpu.dma_semaphore, #tpu.memory_space<semaphore_mem>>
    %dma_start3A_6 = tpu.memref_squeeze %dma_start3A_5 : memref<1x!tpu.dma_semaphore, #tpu.memory_space<semaphore_mem>> -> memref<!tpu.dma_semaphore, #tpu.memory_space<semaphore_mem>>
    %dma_start3A_7 = arith.constant 0 : i32
    %dma_start3A_8 = arith.constant 0 : i32
    %dma_start3A_9 = tpu.memref_slice %arg4[%add3A, %dma_start3A_7, %dma_start3A_8] : memref<32x160x64xi32, #tpu.memory_space<hbm>> -> memref<1x160x64xi32, #tpu.memory_space<hbm>>
    %dma_start3A_10 = tpu.memref_squeeze %dma_start3A_9 : memref<1x160x64xi32, #tpu.memory_space<hbm>> -> memref<160x64xi32, #tpu.memory_space<hbm>>
    tpu.enqueue_dma source(%dma_start3A_10 : memref<160x64xi32, #tpu.memory_space<hbm>>) target(%arg9 : memref<160x64xi32, #tpu.memory_space<vmem>>) target_semaphore(%dma_start3A_6 : memref<!tpu.dma_semaphore, #tpu.memory_space<semaphore_mem>>)
    %dma_start3A_11 = arith.constant 0 : i32
    %dma_start3A_12 = arith.constant 0 : i32
    %dma_start3A_13 = arith.constant 0 : i32
    %dma_start3A_14 = arith.constant 0 : i32
    %dma_start3A_15 = tpu.memref_slice %arg8[%dma_start3A_12, %dma_start3A_14] : memref<6x64xi32, #tpu.memory_space<vmem>> -> memref<1x64xi32, #tpu.memory_space<vmem>>
    %dma_start3A_16 = tpu.memref_squeeze %dma_start3A_15 : memref<1x64xi32, #tpu.memory_space<vmem>> -> memref<64xi32, #tpu.memory_space<vmem>>
    %dma_start3A_17 = arith.constant 0 : i32
    %dma_start3A_18 = tpu.memref_slice %arg3[%add3A, %dma_start3A_11, %dma_start3A_17] : memref<32x160x64xi32, #tpu.memory_space<hbm>> -> memref<1x1x64xi32, #tpu.memory_space<hbm>>
    %dma_start3A_19 = tpu.memref_squeeze %dma_start3A_18 : memref<1x1x64xi32, #tpu.memory_space<hbm>> -> memref<64xi32, #tpu.memory_space<hbm>>
    %dma_start3A_20 = tpu.memref_slice %arg11[%dma_start3A_13] : memref<6x!tpu.dma_semaphore, #tpu.memory_space<semaphore_mem>> -> memref<1x!tpu.dma_semaphore, #tpu.memory_space<semaphore_mem>>
    %dma_start3A_21 = tpu.memref_squeeze %dma_start3A_20 : memref<1x!tpu.dma_semaphore, #tpu.memory_space<semaphore_mem>> -> memref<!tpu.dma_semaphore, #tpu.memory_space<semaphore_mem>>
    %dma_start3A_22 = arith.constant 0 : i32
    %dma_start3A_23 = tpu.memref_slice %arg8[%dma_start3A_12, %dma_start3A_22] : memref<6x64xi32, #tpu.memory_space<vmem>> -> memref<1x64xi32, #tpu.memory_space<vmem>>
    %dma_start3A_24 = tpu.memref_squeeze %dma_start3A_23 : memref<1x64xi32, #tpu.memory_space<vmem>> -> memref<64xi32, #tpu.memory_space<vmem>>
    %dma_start3A_25 = arith.constant 0 : i32
    %dma_start3A_26 = tpu.memref_slice %arg3[%add3A, %dma_start3A_11, %dma_start3A_25] : memref<32x160x64xi32, #tpu.memory_space<hbm>> -> memref<1x1x64xi32, #tpu.memory_space<hbm>>
    %dma_start3A_27 = tpu.memref_squeeze %dma_start3A_26 : memref<1x1x64xi32, #tpu.memory_space<hbm>> -> memref<64xi32, #tpu.memory_space<hbm>>
    tpu.enqueue_dma source(%dma_start3A_27 : memref<64xi32, #tpu.memory_space<hbm>>) target(%dma_start3A_24 : memref<64xi32, #tpu.memory_space<vmem>>) target_semaphore(%dma_start3A_21 : memref<!tpu.dma_semaphore, #tpu.memory_space<semaphore_mem>>)
    %dma_start3A_28 = arith.constant 1 : i32
    %dma_start3A_29 = arith.constant 1 : i32
    %dma_start3A_30 = arith.constant 1 : i32
    %dma_start3A_31 = arith.constant 0 : i32
    %dma_start3A_32 = tpu.memref_slice %arg8[%dma_start3A_29, %dma_start3A_31] : memref<6x64xi32, #tpu.memory_space<vmem>> -> memref<1x64xi32, #tpu.memory_space<vmem>>
    %dma_start3A_33 = tpu.memref_squeeze %dma_start3A_32 : memref<1x64xi32, #tpu.memory_space<vmem>> -> memref<64xi32, #tpu.memory_space<vmem>>
    %dma_start3A_34 = arith.constant 0 : i32
    %dma_start3A_35 = tpu.memref_slice %arg3[%add3A, %dma_start3A_28, %dma_start3A_34] : memref<32x160x64xi32, #tpu.memory_space<hbm>> -> memref<1x1x64xi32, #tpu.memory_space<hbm>>
    %dma_start3A_36 = tpu.memref_squeeze %dma_start3A_35 : memref<1x1x64xi32, #tpu.memory_space<hbm>> -> memref<64xi32, #tpu.memory_space<hbm>>
    %dma_start3A_37 = tpu.memref_slice %arg11[%dma_start3A_30] : memref<6x!tpu.dma_semaphore, #tpu.memory_space<semaphore_mem>> -> memref<1x!tpu.dma_semaphore, #tpu.memory_space<semaphore_mem>>
    %dma_start3A_38 = tpu.memref_squeeze %dma_start3A_37 : memref<1x!tpu.dma_semaphore, #tpu.memory_space<semaphore_mem>> -> memref<!tpu.dma_semaphore, #tpu.memory_space<semaphore_mem>>
    %dma_start3A_39 = arith.constant 0 : i32
    %dma_start3A_40 = tpu.memref_slice %arg8[%dma_start3A_29, %dma_start3A_39] : memref<6x64xi32, #tpu.memory_space<vmem>> -> memref<1x64xi32, #tpu.memory_space<vmem>>
    %dma_start3A_41 = tpu.memref_squeeze %dma_start3A_40 : memref<1x64xi32, #tpu.memory_space<vmem>> -> memref<64xi32, #tpu.memory_space<vmem>>
    %dma_start3A_42 = arith.constant 0 : i32
    %dma_start3A_43 = tpu.memref_slice %arg3[%add3A, %dma_start3A_28, %dma_start3A_42] : memref<32x160x64xi32, #tpu.memory_space<hbm>> -> memref<1x1x64xi32, #tpu.memory_space<hbm>>
    %dma_start3A_44 = tpu.memref_squeeze %dma_start3A_43 : memref<1x1x64xi32, #tpu.memory_space<hbm>> -> memref<64xi32, #tpu.memory_space<hbm>>
    tpu.enqueue_dma source(%dma_start3A_44 : memref<64xi32, #tpu.memory_space<hbm>>) target(%dma_start3A_41 : memref<64xi32, #tpu.memory_space<vmem>>) target_semaphore(%dma_start3A_38 : memref<!tpu.dma_semaphore, #tpu.memory_space<semaphore_mem>>)
    %dma_start3A_45 = arith.constant 2 : i32
    %dma_start3A_46 = arith.constant 2 : i32
    %dma_start3A_47 = arith.constant 2 : i32
    %dma_start3A_48 = arith.constant 0 : i32
    %dma_start3A_49 = tpu.memref_slice %arg8[%dma_start3A_46, %dma_start3A_48] : memref<6x64xi32, #tpu.memory_space<vmem>> -> memref<1x64xi32, #tpu.memory_space<vmem>>
    %dma_start3A_50 = tpu.memref_squeeze %dma_start3A_49 : memref<1x64xi32, #tpu.memory_space<vmem>> -> memref<64xi32, #tpu.memory_space<vmem>>
    %dma_start3A_51 = arith.constant 0 : i32
    %dma_start3A_52 = tpu.memref_slice %arg3[%add3A, %dma_start3A_45, %dma_start3A_51] : memref<32x160x64xi32, #tpu.memory_space<hbm>> -> memref<1x1x64xi32, #tpu.memory_space<hbm>>
    %dma_start3A_53 = tpu.memref_squeeze %dma_start3A_52 : memref<1x1x64xi32, #tpu.memory_space<hbm>> -> memref<64xi32, #tpu.memory_space<hbm>>
    %dma_start3A_54 = tpu.memref_slice %arg11[%dma_start3A_47] : memref<6x!tpu.dma_semaphore, #tpu.memory_space<semaphore_mem>> -> memref<1x!tpu.dma_semaphore, #tpu.memory_space<semaphore_mem>>
    %dma_start3A_55 = tpu.memref_squeeze %dma_start3A_54 : memref<1x!tpu.dma_semaphore, #tpu.memory_space<semaphore_mem>> -> memref<!tpu.dma_semaphore, #tpu.memory_space<semaphore_mem>>
    %dma_start3A_56 = arith.constant 0 : i32
    %dma_start3A_57 = tpu.memref_slice %arg8[%dma_start3A_46, %dma_start3A_56] : memref<6x64xi32, #tpu.memory_space<vmem>> -> memref<1x64xi32, #tpu.memory_space<vmem>>
    %dma_start3A_58 = tpu.memref_squeeze %dma_start3A_57 : memref<1x64xi32, #tpu.memory_space<vmem>> -> memref<64xi32, #tpu.memory_space<vmem>>
    %dma_start3A_59 = arith.constant 0 : i32
    %dma_start3A_60 = tpu.memref_slice %arg3[%add3A, %dma_start3A_45, %dma_start3A_59] : memref<32x160x64xi32, #tpu.memory_space<hbm>> -> memref<1x1x64xi32, #tpu.memory_space<hbm>>
    %dma_start3A_61 = tpu.memref_squeeze %dma_start3A_60 : memref<1x1x64xi32, #tpu.memory_space<hbm>> -> memref<64xi32, #tpu.memory_space<hbm>>
    tpu.enqueue_dma source(%dma_start3A_61 : memref<64xi32, #tpu.memory_space<hbm>>) target(%dma_start3A_58 : memref<64xi32, #tpu.memory_space<vmem>>) target_semaphore(%dma_start3A_55 : memref<!tpu.dma_semaphore, #tpu.memory_space<semaphore_mem>>)
    %dma_start3A_62 = arith.constant 3 : i32
    %dma_start3A_63 = arith.constant 3 : i32
    %dma_start3A_64 = arith.constant 3 : i32
    %dma_start3A_65 = arith.constant 0 : i32
    %dma_start3A_66 = tpu.memref_slice %arg8[%dma_start3A_63, %dma_start3A_65] : memref<6x64xi32, #tpu.memory_space<vmem>> -> memref<1x64xi32, #tpu.memory_space<vmem>>
    %dma_start3A_67 = tpu.memref_squeeze %dma_start3A_66 : memref<1x64xi32, #tpu.memory_space<vmem>> -> memref<64xi32, #tpu.memory_space<vmem>>
    %dma_start3A_68 = arith.constant 0 : i32
    %dma_start3A_69 = tpu.memref_slice %arg3[%add3A, %dma_start3A_62, %dma_start3A_68] : memref<32x160x64xi32, #tpu.memory_space<hbm>> -> memref<1x1x64xi32, #tpu.memory_space<hbm>>
    %dma_start3A_70 = tpu.memref_squeeze %dma_start3A_69 : memref<1x1x64xi32, #tpu.memory_space<hbm>> -> memref<64xi32, #tpu.memory_space<hbm>>
    %dma_start3A_71 = tpu.memref_slice %arg11[%dma_start3A_64] : memref<6x!tpu.dma_semaphore, #tpu.memory_space<semaphore_mem>> -> memref<1x!tpu.dma_semaphore, #tpu.memory_space<semaphore_mem>>
    %dma_start3A_72 = tpu.memref_squeeze %dma_start3A_71 : memref<1x!tpu.dma_semaphore, #tpu.memory_space<semaphore_mem>> -> memref<!tpu.dma_semaphore, #tpu.memory_space<semaphore_mem>>
    %dma_start3A_73 = arith.constant 0 : i32
    %dma_start3A_74 = tpu.memref_slice %arg8[%dma_start3A_63, %dma_start3A_73] : memref<6x64xi32, #tpu.memory_space<vmem>> -> memref<1x64xi32, #tpu.memory_space<vmem>>
    %dma_start3A_75 = tpu.memref_squeeze %dma_start3A_74 : memref<1x64xi32, #tpu.memory_space<vmem>> -> memref<64xi32, #tpu.memory_space<vmem>>
    %dma_start3A_76 = arith.constant 0 : i32
    %dma_start3A_77 = tpu.memref_slice %arg3[%add3A, %dma_start3A_62, %dma_start3A_76] : memref<32x160x64xi32, #tpu.memory_space<hbm>> -> memref<1x1x64xi32, #tpu.memory_space<hbm>>
    %dma_start3A_78 = tpu.memref_squeeze %dma_start3A_77 : memref<1x1x64xi32, #tpu.memory_space<hbm>> -> memref<64xi32, #tpu.memory_space<hbm>>
    tpu.enqueue_dma source(%dma_start3A_78 : memref<64xi32, #tpu.memory_space<hbm>>) target(%dma_start3A_75 : memref<64xi32, #tpu.memory_space<vmem>>) target_semaphore(%dma_start3A_72 : memref<!tpu.dma_semaphore, #tpu.memory_space<semaphore_mem>>)
    %dma_start3A_79 = arith.constant 4 : i32
    %dma_start3A_80 = arith.constant 4 : i32
    %dma_start3A_81 = arith.constant 4 : i32
    %dma_start3A_82 = arith.constant 0 : i32
    %dma_start3A_83 = tpu.memref_slice %arg8[%dma_start3A_80, %dma_start3A_82] : memref<6x64xi32, #tpu.memory_space<vmem>> -> memref<1x64xi32, #tpu.memory_space<vmem>>
    %dma_start3A_84 = tpu.memref_squeeze %dma_start3A_83 : memref<1x64xi32, #tpu.memory_space<vmem>> -> memref<64xi32, #tpu.memory_space<vmem>>
    %dma_start3A_85 = arith.constant 0 : i32
    %dma_start3A_86 = tpu.memref_slice %arg3[%add3A, %dma_start3A_79, %dma_start3A_85] : memref<32x160x64xi32, #tpu.memory_space<hbm>> -> memref<1x1x64xi32, #tpu.memory_space<hbm>>
    %dma_start3A_87 = tpu.memref_squeeze %dma_start3A_86 : memref<1x1x64xi32, #tpu.memory_space<hbm>> -> memref<64xi32, #tpu.memory_space<hbm>>
    %dma_start3A_88 = tpu.memref_slice %arg11[%dma_start3A_81] : memref<6x!tpu.dma_semaphore, #tpu.memory_space<semaphore_mem>> -> memref<1x!tpu.dma_semaphore, #tpu.memory_space<semaphore_mem>>
    %dma_start3A_89 = tpu.memref_squeeze %dma_start3A_88 : memref<1x!tpu.dma_semaphore, #tpu.memory_space<semaphore_mem>> -> memref<!tpu.dma_semaphore, #tpu.memory_space<semaphore_mem>>
    %dma_start3A_90 = arith.constant 0 : i32
    %dma_start3A_91 = tpu.memref_slice %arg8[%dma_start3A_80, %dma_start3A_90] : memref<6x64xi32, #tpu.memory_space<vmem>> -> memref<1x64xi32, #tpu.memory_space<vmem>>
    %dma_start3A_92 = tpu.memref_squeeze %dma_start3A_91 : memref<1x64xi32, #tpu.memory_space<vmem>> -> memref<64xi32, #tpu.memory_space<vmem>>
    %dma_start3A_93 = arith.constant 0 : i32
    %dma_start3A_94 = tpu.memref_slice %arg3[%add3A, %dma_start3A_79, %dma_start3A_93] : memref<32x160x64xi32, #tpu.memory_space<hbm>> -> memref<1x1x64xi32, #tpu.memory_space<hbm>>
    %dma_start3A_95 = tpu.memref_squeeze %dma_start3A_94 : memref<1x1x64xi32, #tpu.memory_space<hbm>> -> memref<64xi32, #tpu.memory_space<hbm>>
    tpu.enqueue_dma source(%dma_start3A_95 : memref<64xi32, #tpu.memory_space<hbm>>) target(%dma_start3A_92 : memref<64xi32, #tpu.memory_space<vmem>>) target_semaphore(%dma_start3A_89 : memref<!tpu.dma_semaphore, #tpu.memory_space<semaphore_mem>>)
    %mul3A_96 = arith.constant 640 : i32
    %mul3A_97 = arith.muli %arg1, %mul3A_96 : i32
    %mul3A_98 = arith.constant 640 : i32
    %mul3A_99 = arith.muli %arg1, %mul3A_98 : i32
    "tpu.region"() ({
      %run_scoped3A = tpu.sem_alloc : memref<!tpu.dma_semaphore, #tpu.memory_space<semaphore_mem>>
      %dma_start3A_279 = arith.constant 0 : i32
      %dma_start3A_280 = tpu.memref_slice %arg7[%mul3A_99, %dma_start3A_279] : memref<10240x128xf32, #tpu.memory_space<vmem_shared>> -> memref<640x128xf32, #tpu.memory_space<vmem_shared>>
      %dma_start3A_281 = arith.constant 0 : i32
      %dma_start3A_282 = tpu.memref_slice %arg5[%mul3A_97, %dma_start3A_281] : memref<10240x128xf32, #tpu.memory_space<hbm>> -> memref<640x128xf32, #tpu.memory_space<hbm>>
      tpu.enqueue_dma source(%dma_start3A_282 : memref<640x128xf32, #tpu.memory_space<hbm>>) target(%dma_start3A_280 : memref<640x128xf32, #tpu.memory_space<vmem_shared>>) target_semaphore(%run_scoped3A : memref<!tpu.dma_semaphore, #tpu.memory_space<semaphore_mem>>)
      %dma_wait3A_283 = arith.constant 0 : i32
      %dma_wait3A_284 = tpu.memref_slice %arg7[%mul3A_99, %dma_wait3A_283] : memref<10240x128xf32, #tpu.memory_space<vmem_shared>> -> memref<640x128xf32, #tpu.memory_space<vmem_shared>>
      %dma_wait3A_285 = arith.constant 0 : i32
      %dma_wait3A_286 = tpu.memref_slice %arg5[%mul3A_97, %dma_wait3A_285] : memref<10240x128xf32, #tpu.memory_space<hbm>> -> memref<640x128xf32, #tpu.memory_space<hbm>>
      tpu.wait_dma2 semaphore(%run_scoped3A : memref<!tpu.dma_semaphore, #tpu.memory_space<semaphore_mem>>) src(%dma_wait3A_286 : memref<640x128xf32, #tpu.memory_space<hbm>>) dst(%dma_wait3A_284 : memref<640x128xf32, #tpu.memory_space<vmem_shared>>)
      tpu.yield
    }) : () -> ()
    %dma_wait3A = arith.constant 0 : i32
    %dma_wait3A_100 = arith.constant 0 : i32
    %dma_wait3A_101 = arith.constant 0 : i32
    %dma_wait3A_102 = tpu.memref_slice %arg4[%add3A, %dma_wait3A_100, %dma_wait3A_101] : memref<32x160x64xi32, #tpu.memory_space<hbm>> -> memref<1x160x64xi32, #tpu.memory_space<hbm>>
    %dma_wait3A_103 = tpu.memref_squeeze %dma_wait3A_102 : memref<1x160x64xi32, #tpu.memory_space<hbm>> -> memref<160x64xi32, #tpu.memory_space<hbm>>
    %dma_wait3A_104 = tpu.memref_slice %arg12[%dma_wait3A] : memref<1x!tpu.dma_semaphore, #tpu.memory_space<semaphore_mem>> -> memref<1x!tpu.dma_semaphore, #tpu.memory_space<semaphore_mem>>
    %dma_wait3A_105 = tpu.memref_squeeze %dma_wait3A_104 : memref<1x!tpu.dma_semaphore, #tpu.memory_space<semaphore_mem>> -> memref<!tpu.dma_semaphore, #tpu.memory_space<semaphore_mem>>
    %dma_wait3A_106 = arith.constant 0 : i32
    %dma_wait3A_107 = arith.constant 0 : i32
    %dma_wait3A_108 = tpu.memref_slice %arg4[%add3A, %dma_wait3A_106, %dma_wait3A_107] : memref<32x160x64xi32, #tpu.memory_space<hbm>> -> memref<1x160x64xi32, #tpu.memory_space<hbm>>
    %dma_wait3A_109 = tpu.memref_squeeze %dma_wait3A_108 : memref<1x160x64xi32, #tpu.memory_space<hbm>> -> memref<160x64xi32, #tpu.memory_space<hbm>>
    tpu.wait_dma2 semaphore(%dma_wait3A_105 : memref<!tpu.dma_semaphore, #tpu.memory_space<semaphore_mem>>) src(%dma_wait3A_109 : memref<160x64xi32, #tpu.memory_space<hbm>>) dst(%arg9 : memref<160x64xi32, #tpu.memory_space<vmem>>)
    %barrier3A = arith.constant 0 : index
    tpu.barrier barrier_id(%barrier3A)
    %dma_wait3A_110 = arith.constant 0 : i32
    %dma_wait3A_111 = arith.constant 0 : i32
    %dma_wait3A_112 = arith.constant 0 : i32
    %dma_wait3A_113 = arith.constant 0 : i32
    %dma_wait3A_114 = tpu.memref_slice %arg8[%dma_wait3A_111, %dma_wait3A_113] : memref<6x64xi32, #tpu.memory_space<vmem>> -> memref<1x64xi32, #tpu.memory_space<vmem>>
    %dma_wait3A_115 = tpu.memref_squeeze %dma_wait3A_114 : memref<1x64xi32, #tpu.memory_space<vmem>> -> memref<64xi32, #tpu.memory_space<vmem>>
    %dma_wait3A_116 = arith.constant 0 : i32
    %dma_wait3A_117 = tpu.memref_slice %arg3[%add3A, %dma_wait3A_110, %dma_wait3A_116] : memref<32x160x64xi32, #tpu.memory_space<hbm>> -> memref<1x1x64xi32, #tpu.memory_space<hbm>>
    %dma_wait3A_118 = tpu.memref_squeeze %dma_wait3A_117 : memref<1x1x64xi32, #tpu.memory_space<hbm>> -> memref<64xi32, #tpu.memory_space<hbm>>
    %dma_wait3A_119 = tpu.memref_slice %arg11[%dma_wait3A_112] : memref<6x!tpu.dma_semaphore, #tpu.memory_space<semaphore_mem>> -> memref<1x!tpu.dma_semaphore, #tpu.memory_space<semaphore_mem>>
    %dma_wait3A_120 = tpu.memref_squeeze %dma_wait3A_119 : memref<1x!tpu.dma_semaphore, #tpu.memory_space<semaphore_mem>> -> memref<!tpu.dma_semaphore, #tpu.memory_space<semaphore_mem>>
    %dma_wait3A_121 = arith.constant 0 : i32
    %dma_wait3A_122 = tpu.memref_slice %arg8[%dma_wait3A_111, %dma_wait3A_121] : memref<6x64xi32, #tpu.memory_space<vmem>> -> memref<1x64xi32, #tpu.memory_space<vmem>>
    %dma_wait3A_123 = tpu.memref_squeeze %dma_wait3A_122 : memref<1x64xi32, #tpu.memory_space<vmem>> -> memref<64xi32, #tpu.memory_space<vmem>>
    %dma_wait3A_124 = arith.constant 0 : i32
    %dma_wait3A_125 = tpu.memref_slice %arg3[%add3A, %dma_wait3A_110, %dma_wait3A_124] : memref<32x160x64xi32, #tpu.memory_space<hbm>> -> memref<1x1x64xi32, #tpu.memory_space<hbm>>
    %dma_wait3A_126 = tpu.memref_squeeze %dma_wait3A_125 : memref<1x1x64xi32, #tpu.memory_space<hbm>> -> memref<64xi32, #tpu.memory_space<hbm>>
    tpu.wait_dma2 semaphore(%dma_wait3A_120 : memref<!tpu.dma_semaphore, #tpu.memory_space<semaphore_mem>>) src(%dma_wait3A_126 : memref<64xi32, #tpu.memory_space<hbm>>) dst(%dma_wait3A_123 : memref<64xi32, #tpu.memory_space<vmem>>)
    %dma_start3A_127 = arith.constant 0 : i32
    %dma_start3A_128 = arith.constant 0 : i32
    %dma_start3A_129 = arith.constant 0 : i32
    %dma_start3A_130 = arith.constant 0 : i32
    %dma_start3A_131 = arith.constant 0 : i32
    %dma_start3A_132 = tpu.memref_slice %arg10[%dma_start3A_128, %dma_start3A_130, %dma_start3A_131] : memref<4x64x128xf32, #tpu.memory_space<vmem>> -> memref<1x64x128xf32, #tpu.memory_space<vmem>>
    %dma_start3A_133 = tpu.memref_squeeze %dma_start3A_132 : memref<1x64x128xf32, #tpu.memory_space<vmem>> -> memref<64x128xf32, #tpu.memory_space<vmem>>
    %dma_start3A_134 = arith.constant 0 : i32
    %dma_start3A_135 = tpu.memref_slice %arg8[%dma_start3A_127, %dma_start3A_134] : memref<6x64xi32, #tpu.memory_space<vmem>> -> memref<1x64xi32, #tpu.memory_space<vmem>>
    %dma_start3A_136 = tpu.memref_squeeze %dma_start3A_135 : memref<1x64xi32, #tpu.memory_space<vmem>> -> memref<64xi32, #tpu.memory_space<vmem>>
    %dma_start3A_137 = arith.constant 0 : i32
    %dma_start3A_138 = arith.constant 0 : i32
    %dma_start3A_139 = tpu.memref_slice %arg2[%dma_start3A_137, %dma_start3A_138] : memref<10240x128xf32, #tpu.memory_space<hbm>> -> memref<10240x128xf32, #tpu.memory_space<hbm>>
    %dma_start3A_140 = tpu.memref_slice %arg13[%dma_start3A_129] : memref<4x!tpu.dma_semaphore, #tpu.memory_space<semaphore_mem>> -> memref<1x!tpu.dma_semaphore, #tpu.memory_space<semaphore_mem>>
    %dma_start3A_141 = tpu.memref_squeeze %dma_start3A_140 : memref<1x!tpu.dma_semaphore, #tpu.memory_space<semaphore_mem>> -> memref<!tpu.dma_semaphore, #tpu.memory_space<semaphore_mem>>
    tpu.enqueue_indirect_dma source(%dma_start3A_139 : memref<10240x128xf32, #tpu.memory_space<hbm>>) target(%dma_start3A_133 : memref<64x128xf32, #tpu.memory_space<vmem>>) offsets(%dma_start3A_136 : memref<64xi32, #tpu.memory_space<vmem>>) semaphore(%dma_start3A_141 : memref<!tpu.dma_semaphore, #tpu.memory_space<semaphore_mem>>)
    %dma_wait3A_142 = arith.constant 0 : i32
    %dma_wait3A_143 = arith.constant 1 : i32
    %dma_wait3A_144 = arith.constant 1 : i32
    %dma_wait3A_145 = arith.constant 0 : i32
    %dma_wait3A_146 = tpu.memref_slice %arg8[%dma_wait3A_143, %dma_wait3A_145] : memref<6x64xi32, #tpu.memory_space<vmem>> -> memref<1x64xi32, #tpu.memory_space<vmem>>
    %dma_wait3A_147 = tpu.memref_squeeze %dma_wait3A_146 : memref<1x64xi32, #tpu.memory_space<vmem>> -> memref<64xi32, #tpu.memory_space<vmem>>
    %dma_wait3A_148 = arith.constant 0 : i32
    %dma_wait3A_149 = tpu.memref_slice %arg3[%add3A, %dma_wait3A_142, %dma_wait3A_148] : memref<32x160x64xi32, #tpu.memory_space<hbm>> -> memref<1x1x64xi32, #tpu.memory_space<hbm>>
    %dma_wait3A_150 = tpu.memref_squeeze %dma_wait3A_149 : memref<1x1x64xi32, #tpu.memory_space<hbm>> -> memref<64xi32, #tpu.memory_space<hbm>>
    %dma_wait3A_151 = tpu.memref_slice %arg11[%dma_wait3A_144] : memref<6x!tpu.dma_semaphore, #tpu.memory_space<semaphore_mem>> -> memref<1x!tpu.dma_semaphore, #tpu.memory_space<semaphore_mem>>
    %dma_wait3A_152 = tpu.memref_squeeze %dma_wait3A_151 : memref<1x!tpu.dma_semaphore, #tpu.memory_space<semaphore_mem>> -> memref<!tpu.dma_semaphore, #tpu.memory_space<semaphore_mem>>
    %dma_wait3A_153 = arith.constant 0 : i32
    %dma_wait3A_154 = tpu.memref_slice %arg8[%dma_wait3A_143, %dma_wait3A_153] : memref<6x64xi32, #tpu.memory_space<vmem>> -> memref<1x64xi32, #tpu.memory_space<vmem>>
    %dma_wait3A_155 = tpu.memref_squeeze %dma_wait3A_154 : memref<1x64xi32, #tpu.memory_space<vmem>> -> memref<64xi32, #tpu.memory_space<vmem>>
    %dma_wait3A_156 = arith.constant 0 : i32
    %dma_wait3A_157 = tpu.memref_slice %arg3[%add3A, %dma_wait3A_142, %dma_wait3A_156] : memref<32x160x64xi32, #tpu.memory_space<hbm>> -> memref<1x1x64xi32, #tpu.memory_space<hbm>>
    %dma_wait3A_158 = tpu.memref_squeeze %dma_wait3A_157 : memref<1x1x64xi32, #tpu.memory_space<hbm>> -> memref<64xi32, #tpu.memory_space<hbm>>
    tpu.wait_dma2 semaphore(%dma_wait3A_152 : memref<!tpu.dma_semaphore, #tpu.memory_space<semaphore_mem>>) src(%dma_wait3A_158 : memref<64xi32, #tpu.memory_space<hbm>>) dst(%dma_wait3A_155 : memref<64xi32, #tpu.memory_space<vmem>>)
    %dma_start3A_159 = arith.constant 1 : i32
    %dma_start3A_160 = arith.constant 1 : i32
    %dma_start3A_161 = arith.constant 1 : i32
    %dma_start3A_162 = arith.constant 0 : i32
    %dma_start3A_163 = arith.constant 0 : i32
    %dma_start3A_164 = tpu.memref_slice %arg10[%dma_start3A_160, %dma_start3A_162, %dma_start3A_163] : memref<4x64x128xf32, #tpu.memory_space<vmem>> -> memref<1x64x128xf32, #tpu.memory_space<vmem>>
    %dma_start3A_165 = tpu.memref_squeeze %dma_start3A_164 : memref<1x64x128xf32, #tpu.memory_space<vmem>> -> memref<64x128xf32, #tpu.memory_space<vmem>>
    %dma_start3A_166 = arith.constant 0 : i32
    %dma_start3A_167 = tpu.memref_slice %arg8[%dma_start3A_159, %dma_start3A_166] : memref<6x64xi32, #tpu.memory_space<vmem>> -> memref<1x64xi32, #tpu.memory_space<vmem>>
    %dma_start3A_168 = tpu.memref_squeeze %dma_start3A_167 : memref<1x64xi32, #tpu.memory_space<vmem>> -> memref<64xi32, #tpu.memory_space<vmem>>
    %dma_start3A_169 = arith.constant 0 : i32
    %dma_start3A_170 = arith.constant 0 : i32
    %dma_start3A_171 = tpu.memref_slice %arg2[%dma_start3A_169, %dma_start3A_170] : memref<10240x128xf32, #tpu.memory_space<hbm>> -> memref<10240x128xf32, #tpu.memory_space<hbm>>
    %dma_start3A_172 = tpu.memref_slice %arg13[%dma_start3A_161] : memref<4x!tpu.dma_semaphore, #tpu.memory_space<semaphore_mem>> -> memref<1x!tpu.dma_semaphore, #tpu.memory_space<semaphore_mem>>
    %dma_start3A_173 = tpu.memref_squeeze %dma_start3A_172 : memref<1x!tpu.dma_semaphore, #tpu.memory_space<semaphore_mem>> -> memref<!tpu.dma_semaphore, #tpu.memory_space<semaphore_mem>>
    tpu.enqueue_indirect_dma source(%dma_start3A_171 : memref<10240x128xf32, #tpu.memory_space<hbm>>) target(%dma_start3A_165 : memref<64x128xf32, #tpu.memory_space<vmem>>) offsets(%dma_start3A_168 : memref<64xi32, #tpu.memory_space<vmem>>) semaphore(%dma_start3A_173 : memref<!tpu.dma_semaphore, #tpu.memory_space<semaphore_mem>>)
    %dma_wait3A_174 = arith.constant 0 : i32
    %dma_wait3A_175 = arith.constant 2 : i32
    %dma_wait3A_176 = arith.constant 2 : i32
    %dma_wait3A_177 = arith.constant 0 : i32
    %dma_wait3A_178 = tpu.memref_slice %arg8[%dma_wait3A_175, %dma_wait3A_177] : memref<6x64xi32, #tpu.memory_space<vmem>> -> memref<1x64xi32, #tpu.memory_space<vmem>>
    %dma_wait3A_179 = tpu.memref_squeeze %dma_wait3A_178 : memref<1x64xi32, #tpu.memory_space<vmem>> -> memref<64xi32, #tpu.memory_space<vmem>>
    %dma_wait3A_180 = arith.constant 0 : i32
    %dma_wait3A_181 = tpu.memref_slice %arg3[%add3A, %dma_wait3A_174, %dma_wait3A_180] : memref<32x160x64xi32, #tpu.memory_space<hbm>> -> memref<1x1x64xi32, #tpu.memory_space<hbm>>
    %dma_wait3A_182 = tpu.memref_squeeze %dma_wait3A_181 : memref<1x1x64xi32, #tpu.memory_space<hbm>> -> memref<64xi32, #tpu.memory_space<hbm>>
    %dma_wait3A_183 = tpu.memref_slice %arg11[%dma_wait3A_176] : memref<6x!tpu.dma_semaphore, #tpu.memory_space<semaphore_mem>> -> memref<1x!tpu.dma_semaphore, #tpu.memory_space<semaphore_mem>>
    %dma_wait3A_184 = tpu.memref_squeeze %dma_wait3A_183 : memref<1x!tpu.dma_semaphore, #tpu.memory_space<semaphore_mem>> -> memref<!tpu.dma_semaphore, #tpu.memory_space<semaphore_mem>>
    %dma_wait3A_185 = arith.constant 0 : i32
    %dma_wait3A_186 = tpu.memref_slice %arg8[%dma_wait3A_175, %dma_wait3A_185] : memref<6x64xi32, #tpu.memory_space<vmem>> -> memref<1x64xi32, #tpu.memory_space<vmem>>
    %dma_wait3A_187 = tpu.memref_squeeze %dma_wait3A_186 : memref<1x64xi32, #tpu.memory_space<vmem>> -> memref<64xi32, #tpu.memory_space<vmem>>
    %dma_wait3A_188 = arith.constant 0 : i32
    %dma_wait3A_189 = tpu.memref_slice %arg3[%add3A, %dma_wait3A_174, %dma_wait3A_188] : memref<32x160x64xi32, #tpu.memory_space<hbm>> -> memref<1x1x64xi32, #tpu.memory_space<hbm>>
    %dma_wait3A_190 = tpu.memref_squeeze %dma_wait3A_189 : memref<1x1x64xi32, #tpu.memory_space<hbm>> -> memref<64xi32, #tpu.memory_space<hbm>>
    tpu.wait_dma2 semaphore(%dma_wait3A_184 : memref<!tpu.dma_semaphore, #tpu.memory_space<semaphore_mem>>) src(%dma_wait3A_190 : memref<64xi32, #tpu.memory_space<hbm>>) dst(%dma_wait3A_187 : memref<64xi32, #tpu.memory_space<vmem>>)
    %dma_start3A_191 = arith.constant 2 : i32
    %dma_start3A_192 = arith.constant 2 : i32
    %dma_start3A_193 = arith.constant 2 : i32
    %dma_start3A_194 = arith.constant 0 : i32
    %dma_start3A_195 = arith.constant 0 : i32
    %dma_start3A_196 = tpu.memref_slice %arg10[%dma_start3A_192, %dma_start3A_194, %dma_start3A_195] : memref<4x64x128xf32, #tpu.memory_space<vmem>> -> memref<1x64x128xf32, #tpu.memory_space<vmem>>
    %dma_start3A_197 = tpu.memref_squeeze %dma_start3A_196 : memref<1x64x128xf32, #tpu.memory_space<vmem>> -> memref<64x128xf32, #tpu.memory_space<vmem>>
    %dma_start3A_198 = arith.constant 0 : i32
    %dma_start3A_199 = tpu.memref_slice %arg8[%dma_start3A_191, %dma_start3A_198] : memref<6x64xi32, #tpu.memory_space<vmem>> -> memref<1x64xi32, #tpu.memory_space<vmem>>
    %dma_start3A_200 = tpu.memref_squeeze %dma_start3A_199 : memref<1x64xi32, #tpu.memory_space<vmem>> -> memref<64xi32, #tpu.memory_space<vmem>>
    %dma_start3A_201 = arith.constant 0 : i32
    %dma_start3A_202 = arith.constant 0 : i32
    %dma_start3A_203 = tpu.memref_slice %arg2[%dma_start3A_201, %dma_start3A_202] : memref<10240x128xf32, #tpu.memory_space<hbm>> -> memref<10240x128xf32, #tpu.memory_space<hbm>>
    %dma_start3A_204 = tpu.memref_slice %arg13[%dma_start3A_193] : memref<4x!tpu.dma_semaphore, #tpu.memory_space<semaphore_mem>> -> memref<1x!tpu.dma_semaphore, #tpu.memory_space<semaphore_mem>>
    %dma_start3A_205 = tpu.memref_squeeze %dma_start3A_204 : memref<1x!tpu.dma_semaphore, #tpu.memory_space<semaphore_mem>> -> memref<!tpu.dma_semaphore, #tpu.memory_space<semaphore_mem>>
    tpu.enqueue_indirect_dma source(%dma_start3A_203 : memref<10240x128xf32, #tpu.memory_space<hbm>>) target(%dma_start3A_197 : memref<64x128xf32, #tpu.memory_space<vmem>>) offsets(%dma_start3A_200 : memref<64xi32, #tpu.memory_space<vmem>>) semaphore(%dma_start3A_205 : memref<!tpu.dma_semaphore, #tpu.memory_space<semaphore_mem>>)
    %scan3A = arith.constant 0 : i32
    %scan3A_206 = arith.constant 0 : i32
    %scan3A_207 = arith.constant 160 : i32
    %scan3A_208 = arith.addi %scan3A_206, %scan3A_207 : i32
    %scan3A_209 = arith.constant 1 : i32
    scf.for %scan3A_279 = %scan3A_206 to %scan3A_208 step %scan3A_209  : i32 {
      %rem3A = arith.constant 4 : i32
      %rem3A_280 = arith.remsi %scan3A_279, %rem3A : i32
      %add3A_281 = arith.constant 5 : i32
      %add3A_282 = arith.addi %scan3A_279, %add3A_281 : i32
      %lt3A = arith.constant 160 : i32
      %lt3A_283 = arith.cmpi slt, %add3A_282, %lt3A : i32
      %convert_element_type3A = arith.extui %lt3A_283 : i1 to i32
      %cond3A = arith.constant 0 : i32
      %cond3A_284 = arith.cmpi ne, %convert_element_type3A, %cond3A : i32
      scf.if %cond3A_284 {
        %add3A_317 = arith.constant 5 : i32
        %add3A_318 = arith.addi %scan3A_279, %add3A_317 : i32
        %rem3A_319 = arith.constant 6 : i32
        %rem3A_320 = arith.remsi %add3A_318, %rem3A_319 : i32
        %add3A_321 = arith.constant 5 : i32
        %add3A_322 = arith.addi %scan3A_279, %add3A_321 : i32
        %dma_start3A_323 = arith.constant 0 : i32
        %dma_start3A_324 = tpu.memref_slice %arg8[%rem3A_320, %dma_start3A_323] : memref<6x64xi32, #tpu.memory_space<vmem>> -> memref<1x64xi32, #tpu.memory_space<vmem>>
        %dma_start3A_325 = tpu.memref_squeeze %dma_start3A_324 : memref<1x64xi32, #tpu.memory_space<vmem>> -> memref<64xi32, #tpu.memory_space<vmem>>
        %dma_start3A_326 = arith.constant 0 : i32
        %dma_start3A_327 = tpu.memref_slice %arg3[%add3A, %add3A_322, %dma_start3A_326] : memref<32x160x64xi32, #tpu.memory_space<hbm>> -> memref<1x1x64xi32, #tpu.memory_space<hbm>>
        %dma_start3A_328 = tpu.memref_squeeze %dma_start3A_327 : memref<1x1x64xi32, #tpu.memory_space<hbm>> -> memref<64xi32, #tpu.memory_space<hbm>>
        %dma_start3A_329 = tpu.memref_slice %arg11[%rem3A_320] : memref<6x!tpu.dma_semaphore, #tpu.memory_space<semaphore_mem>> -> memref<1x!tpu.dma_semaphore, #tpu.memory_space<semaphore_mem>>
        %dma_start3A_330 = tpu.memref_squeeze %dma_start3A_329 : memref<1x!tpu.dma_semaphore, #tpu.memory_space<semaphore_mem>> -> memref<!tpu.dma_semaphore, #tpu.memory_space<semaphore_mem>>
        %dma_start3A_331 = arith.constant 0 : i32
        %dma_start3A_332 = tpu.memref_slice %arg8[%rem3A_320, %dma_start3A_331] : memref<6x64xi32, #tpu.memory_space<vmem>> -> memref<1x64xi32, #tpu.memory_space<vmem>>
        %dma_start3A_333 = tpu.memref_squeeze %dma_start3A_332 : memref<1x64xi32, #tpu.memory_space<vmem>> -> memref<64xi32, #tpu.memory_space<vmem>>
        %dma_start3A_334 = arith.constant 0 : i32
        %dma_start3A_335 = tpu.memref_slice %arg3[%add3A, %add3A_322, %dma_start3A_334] : memref<32x160x64xi32, #tpu.memory_space<hbm>> -> memref<1x1x64xi32, #tpu.memory_space<hbm>>
        %dma_start3A_336 = tpu.memref_squeeze %dma_start3A_335 : memref<1x1x64xi32, #tpu.memory_space<hbm>> -> memref<64xi32, #tpu.memory_space<hbm>>
        tpu.enqueue_dma source(%dma_start3A_336 : memref<64xi32, #tpu.memory_space<hbm>>) target(%dma_start3A_333 : memref<64xi32, #tpu.memory_space<vmem>>) target_semaphore(%dma_start3A_330 : memref<!tpu.dma_semaphore, #tpu.memory_space<semaphore_mem>>)
      } else {
      }
      %dma_wait3A_285 = arith.constant 0 : i32
      %dma_wait3A_286 = arith.constant 0 : i32
      %dma_wait3A_287 = arith.constant 0 : i32
      %dma_wait3A_288 = tpu.memref_slice %arg10[%rem3A_280, %dma_wait3A_286, %dma_wait3A_287] : memref<4x64x128xf32, #tpu.memory_space<vmem>> -> memref<1x64x128xf32, #tpu.memory_space<vmem>>
      %dma_wait3A_289 = tpu.memref_squeeze %dma_wait3A_288 : memref<1x64x128xf32, #tpu.memory_space<vmem>> -> memref<64x128xf32, #tpu.memory_space<vmem>>
      %dma_wait3A_290 = arith.constant 0 : i32
      %dma_wait3A_291 = tpu.memref_slice %arg8[%dma_wait3A_285, %dma_wait3A_290] : memref<6x64xi32, #tpu.memory_space<vmem>> -> memref<1x64xi32, #tpu.memory_space<vmem>>
      %dma_wait3A_292 = tpu.memref_squeeze %dma_wait3A_291 : memref<1x64xi32, #tpu.memory_space<vmem>> -> memref<64xi32, #tpu.memory_space<vmem>>
      %dma_wait3A_293 = arith.constant 0 : i32
      %dma_wait3A_294 = arith.constant 0 : i32
      %dma_wait3A_295 = tpu.memref_slice %arg2[%dma_wait3A_293, %dma_wait3A_294] : memref<10240x128xf32, #tpu.memory_space<hbm>> -> memref<10240x128xf32, #tpu.memory_space<hbm>>
      %dma_wait3A_296 = tpu.memref_slice %arg13[%rem3A_280] : memref<4x!tpu.dma_semaphore, #tpu.memory_space<semaphore_mem>> -> memref<1x!tpu.dma_semaphore, #tpu.memory_space<semaphore_mem>>
      %dma_wait3A_297 = tpu.memref_squeeze %dma_wait3A_296 : memref<1x!tpu.dma_semaphore, #tpu.memory_space<semaphore_mem>> -> memref<!tpu.dma_semaphore, #tpu.memory_space<semaphore_mem>>
      tpu.wait_indirect_dma semaphore(%dma_wait3A_297 : memref<!tpu.dma_semaphore, #tpu.memory_space<semaphore_mem>>) src(%dma_wait3A_295 : memref<10240x128xf32, #tpu.memory_space<hbm>>) dst(%dma_wait3A_289 : memref<64x128xf32, #tpu.memory_space<vmem>>)
      %dma_start3A_298 = arith.constant 0 : i32
      %dma_start3A_299 = arith.constant 0 : i32
      %dma_start3A_300 = tpu.memref_slice %arg10[%rem3A_280, %dma_start3A_298, %dma_start3A_299] : memref<4x64x128xf32, #tpu.memory_space<vmem>> -> memref<1x64x128xf32, #tpu.memory_space<vmem>>
      %dma_start3A_301 = tpu.memref_squeeze %dma_start3A_300 : memref<1x64x128xf32, #tpu.memory_space<vmem>> -> memref<64x128xf32, #tpu.memory_space<vmem>>
      %dma_start3A_302 = arith.constant 0 : i32
      %dma_start3A_303 = tpu.memref_slice %arg9[%scan3A_279, %dma_start3A_302] : memref<160x64xi32, #tpu.memory_space<vmem>> -> memref<1x64xi32, #tpu.memory_space<vmem>>
      %dma_start3A_304 = tpu.memref_squeeze %dma_start3A_303 : memref<1x64xi32, #tpu.memory_space<vmem>> -> memref<64xi32, #tpu.memory_space<vmem>>
      %dma_start3A_305 = arith.constant 0 : i32
      %dma_start3A_306 = arith.constant 0 : i32
      %dma_start3A_307 = tpu.memref_slice %arg7[%dma_start3A_305, %dma_start3A_306] : memref<10240x128xf32, #tpu.memory_space<vmem_shared>> -> memref<10240x128xf32, #tpu.memory_space<vmem_shared>>
      %dma_start3A_308 = tpu.memref_slice %arg14[%rem3A_280] : memref<4x!tpu.dma_semaphore, #tpu.memory_space<semaphore_mem>> -> memref<1x!tpu.dma_semaphore, #tpu.memory_space<semaphore_mem>>
      %dma_start3A_309 = tpu.memref_squeeze %dma_start3A_308 : memref<1x!tpu.dma_semaphore, #tpu.memory_space<semaphore_mem>> -> memref<!tpu.dma_semaphore, #tpu.memory_space<semaphore_mem>>
      tpu.enqueue_indirect_dma source(%dma_start3A_301 : memref<64x128xf32, #tpu.memory_space<vmem>>) target(%dma_start3A_307 : memref<10240x128xf32, #tpu.memory_space<vmem_shared>>) offsets(%dma_start3A_304 : memref<64xi32, #tpu.memory_space<vmem>>) semaphore(%dma_start3A_309 : memref<!tpu.dma_semaphore, #tpu.memory_space<semaphore_mem>>) {add = true}
      %add3A_310 = arith.constant 3 : i32
      %add3A_311 = arith.addi %scan3A_279, %add3A_310 : i32
      %lt3A_312 = arith.constant 160 : i32
      %lt3A_313 = arith.cmpi slt, %add3A_311, %lt3A_312 : i32
      %convert_element_type3A_314 = arith.extui %lt3A_313 : i1 to i32
      %cond3A_315 = arith.constant 0 : i32
      %cond3A_316 = arith.cmpi ne, %convert_element_type3A_314, %cond3A_315 : i32
      scf.if %cond3A_316 {
        %add3A_317 = arith.constant 3 : i32
        %add3A_318 = arith.addi %scan3A_279, %add3A_317 : i32
        %rem3A_319 = arith.constant 4 : i32
        %rem3A_320 = arith.remsi %add3A_318, %rem3A_319 : i32
        %ge3A = arith.constant 1 : i32
        %ge3A_321 = arith.cmpi sge, %scan3A_279, %ge3A : i32
        %convert_element_type3A_322 = arith.extui %ge3A_321 : i1 to i32
        %cond3A_323 = arith.constant 0 : i32
        %cond3A_324 = arith.cmpi ne, %convert_element_type3A_322, %cond3A_323 : i32
        scf.if %cond3A_324 {
          %dma_wait3A_356 = arith.constant 0 : i32
          %dma_wait3A_357 = arith.constant 0 : i32
          %dma_wait3A_358 = arith.constant 0 : i32
          %dma_wait3A_359 = tpu.memref_slice %arg10[%rem3A_320, %dma_wait3A_357, %dma_wait3A_358] : memref<4x64x128xf32, #tpu.memory_space<vmem>> -> memref<1x64x128xf32, #tpu.memory_space<vmem>>
          %dma_wait3A_360 = tpu.memref_squeeze %dma_wait3A_359 : memref<1x64x128xf32, #tpu.memory_space<vmem>> -> memref<64x128xf32, #tpu.memory_space<vmem>>
          %dma_wait3A_361 = arith.constant 0 : i32
          %dma_wait3A_362 = tpu.memref_slice %arg9[%dma_wait3A_356, %dma_wait3A_361] : memref<160x64xi32, #tpu.memory_space<vmem>> -> memref<1x64xi32, #tpu.memory_space<vmem>>
          %dma_wait3A_363 = tpu.memref_squeeze %dma_wait3A_362 : memref<1x64xi32, #tpu.memory_space<vmem>> -> memref<64xi32, #tpu.memory_space<vmem>>
          %dma_wait3A_364 = arith.constant 0 : i32
          %dma_wait3A_365 = arith.constant 0 : i32
          %dma_wait3A_366 = tpu.memref_slice %arg7[%dma_wait3A_364, %dma_wait3A_365] : memref<10240x128xf32, #tpu.memory_space<vmem_shared>> -> memref<10240x128xf32, #tpu.memory_space<vmem_shared>>
          %dma_wait3A_367 = tpu.memref_slice %arg14[%rem3A_320] : memref<4x!tpu.dma_semaphore, #tpu.memory_space<semaphore_mem>> -> memref<1x!tpu.dma_semaphore, #tpu.memory_space<semaphore_mem>>
          %dma_wait3A_368 = tpu.memref_squeeze %dma_wait3A_367 : memref<1x!tpu.dma_semaphore, #tpu.memory_space<semaphore_mem>> -> memref<!tpu.dma_semaphore, #tpu.memory_space<semaphore_mem>>
          tpu.wait_indirect_dma semaphore(%dma_wait3A_368 : memref<!tpu.dma_semaphore, #tpu.memory_space<semaphore_mem>>) src(%dma_wait3A_360 : memref<64x128xf32, #tpu.memory_space<vmem>>) dst(%dma_wait3A_366 : memref<10240x128xf32, #tpu.memory_space<vmem_shared>>)
        } else {
        }
        %add3A_325 = arith.constant 3 : i32
        %add3A_326 = arith.addi %scan3A_279, %add3A_325 : i32
        %rem3A_327 = arith.constant 6 : i32
        %rem3A_328 = arith.remsi %add3A_326, %rem3A_327 : i32
        %dma_wait3A_329 = arith.constant 0 : i32
        %dma_wait3A_330 = arith.constant 0 : i32
        %dma_wait3A_331 = tpu.memref_slice %arg8[%rem3A_328, %dma_wait3A_330] : memref<6x64xi32, #tpu.memory_space<vmem>> -> memref<1x64xi32, #tpu.memory_space<vmem>>
        %dma_wait3A_332 = tpu.memref_squeeze %dma_wait3A_331 : memref<1x64xi32, #tpu.memory_space<vmem>> -> memref<64xi32, #tpu.memory_space<vmem>>
        %dma_wait3A_333 = arith.constant 0 : i32
        %dma_wait3A_334 = tpu.memref_slice %arg3[%add3A, %dma_wait3A_329, %dma_wait3A_333] : memref<32x160x64xi32, #tpu.memory_space<hbm>> -> memref<1x1x64xi32, #tpu.memory_space<hbm>>
        %dma_wait3A_335 = tpu.memref_squeeze %dma_wait3A_334 : memref<1x1x64xi32, #tpu.memory_space<hbm>> -> memref<64xi32, #tpu.memory_space<hbm>>
        %dma_wait3A_336 = tpu.memref_slice %arg11[%rem3A_328] : memref<6x!tpu.dma_semaphore, #tpu.memory_space<semaphore_mem>> -> memref<1x!tpu.dma_semaphore, #tpu.memory_space<semaphore_mem>>
        %dma_wait3A_337 = tpu.memref_squeeze %dma_wait3A_336 : memref<1x!tpu.dma_semaphore, #tpu.memory_space<semaphore_mem>> -> memref<!tpu.dma_semaphore, #tpu.memory_space<semaphore_mem>>
        %dma_wait3A_338 = arith.constant 0 : i32
        %dma_wait3A_339 = tpu.memref_slice %arg8[%rem3A_328, %dma_wait3A_338] : memref<6x64xi32, #tpu.memory_space<vmem>> -> memref<1x64xi32, #tpu.memory_space<vmem>>
        %dma_wait3A_340 = tpu.memref_squeeze %dma_wait3A_339 : memref<1x64xi32, #tpu.memory_space<vmem>> -> memref<64xi32, #tpu.memory_space<vmem>>
        %dma_wait3A_341 = arith.constant 0 : i32
        %dma_wait3A_342 = tpu.memref_slice %arg3[%add3A, %dma_wait3A_329, %dma_wait3A_341] : memref<32x160x64xi32, #tpu.memory_space<hbm>> -> memref<1x1x64xi32, #tpu.memory_space<hbm>>
        %dma_wait3A_343 = tpu.memref_squeeze %dma_wait3A_342 : memref<1x1x64xi32, #tpu.memory_space<hbm>> -> memref<64xi32, #tpu.memory_space<hbm>>
        tpu.wait_dma2 semaphore(%dma_wait3A_337 : memref<!tpu.dma_semaphore, #tpu.memory_space<semaphore_mem>>) src(%dma_wait3A_343 : memref<64xi32, #tpu.memory_space<hbm>>) dst(%dma_wait3A_340 : memref<64xi32, #tpu.memory_space<vmem>>)
        %dma_start3A_344 = arith.constant 0 : i32
        %dma_start3A_345 = arith.constant 0 : i32
        %dma_start3A_346 = tpu.memref_slice %arg10[%rem3A_320, %dma_start3A_344, %dma_start3A_345] : memref<4x64x128xf32, #tpu.memory_space<vmem>> -> memref<1x64x128xf32, #tpu.memory_space<vmem>>
        %dma_start3A_347 = tpu.memref_squeeze %dma_start3A_346 : memref<1x64x128xf32, #tpu.memory_space<vmem>> -> memref<64x128xf32, #tpu.memory_space<vmem>>
        %dma_start3A_348 = arith.constant 0 : i32
        %dma_start3A_349 = tpu.memref_slice %arg8[%rem3A_328, %dma_start3A_348] : memref<6x64xi32, #tpu.memory_space<vmem>> -> memref<1x64xi32, #tpu.memory_space<vmem>>
        %dma_start3A_350 = tpu.memref_squeeze %dma_start3A_349 : memref<1x64xi32, #tpu.memory_space<vmem>> -> memref<64xi32, #tpu.memory_space<vmem>>
        %dma_start3A_351 = arith.constant 0 : i32
        %dma_start3A_352 = arith.constant 0 : i32
        %dma_start3A_353 = tpu.memref_slice %arg2[%dma_start3A_351, %dma_start3A_352] : memref<10240x128xf32, #tpu.memory_space<hbm>> -> memref<10240x128xf32, #tpu.memory_space<hbm>>
        %dma_start3A_354 = tpu.memref_slice %arg13[%rem3A_320] : memref<4x!tpu.dma_semaphore, #tpu.memory_space<semaphore_mem>> -> memref<1x!tpu.dma_semaphore, #tpu.memory_space<semaphore_mem>>
        %dma_start3A_355 = tpu.memref_squeeze %dma_start3A_354 : memref<1x!tpu.dma_semaphore, #tpu.memory_space<semaphore_mem>> -> memref<!tpu.dma_semaphore, #tpu.memory_space<semaphore_mem>>
        tpu.enqueue_indirect_dma source(%dma_start3A_353 : memref<10240x128xf32, #tpu.memory_space<hbm>>) target(%dma_start3A_347 : memref<64x128xf32, #tpu.memory_space<vmem>>) offsets(%dma_start3A_350 : memref<64xi32, #tpu.memory_space<vmem>>) semaphore(%dma_start3A_355 : memref<!tpu.dma_semaphore, #tpu.memory_space<semaphore_mem>>)
      } else {
      }
    }
    %scan3A_210 = arith.constant 160 : i32
    %dma_wait3A_211 = arith.constant 0 : i32
    %dma_wait3A_212 = arith.constant 0 : i32
    %dma_wait3A_213 = arith.constant 0 : i32
    %dma_wait3A_214 = arith.constant 0 : i32
    %dma_wait3A_215 = arith.constant 0 : i32
    %dma_wait3A_216 = tpu.memref_slice %arg10[%dma_wait3A_211, %dma_wait3A_214, %dma_wait3A_215] : memref<4x64x128xf32, #tpu.memory_space<vmem>> -> memref<1x64x128xf32, #tpu.memory_space<vmem>>
    %dma_wait3A_217 = tpu.memref_squeeze %dma_wait3A_216 : memref<1x64x128xf32, #tpu.memory_space<vmem>> -> memref<64x128xf32, #tpu.memory_space<vmem>>
    %dma_wait3A_218 = arith.constant 0 : i32
    %dma_wait3A_219 = tpu.memref_slice %arg9[%dma_wait3A_212, %dma_wait3A_218] : memref<160x64xi32, #tpu.memory_space<vmem>> -> memref<1x64xi32, #tpu.memory_space<vmem>>
    %dma_wait3A_220 = tpu.memref_squeeze %dma_wait3A_219 : memref<1x64xi32, #tpu.memory_space<vmem>> -> memref<64xi32, #tpu.memory_space<vmem>>
    %dma_wait3A_221 = arith.constant 0 : i32
    %dma_wait3A_222 = arith.constant 0 : i32
    %dma_wait3A_223 = tpu.memref_slice %arg7[%dma_wait3A_221, %dma_wait3A_222] : memref<10240x128xf32, #tpu.memory_space<vmem_shared>> -> memref<10240x128xf32, #tpu.memory_space<vmem_shared>>
    %dma_wait3A_224 = tpu.memref_slice %arg14[%dma_wait3A_213] : memref<4x!tpu.dma_semaphore, #tpu.memory_space<semaphore_mem>> -> memref<1x!tpu.dma_semaphore, #tpu.memory_space<semaphore_mem>>
    %dma_wait3A_225 = tpu.memref_squeeze %dma_wait3A_224 : memref<1x!tpu.dma_semaphore, #tpu.memory_space<semaphore_mem>> -> memref<!tpu.dma_semaphore, #tpu.memory_space<semaphore_mem>>
    tpu.wait_indirect_dma semaphore(%dma_wait3A_225 : memref<!tpu.dma_semaphore, #tpu.memory_space<semaphore_mem>>) src(%dma_wait3A_217 : memref<64x128xf32, #tpu.memory_space<vmem>>) dst(%dma_wait3A_223 : memref<10240x128xf32, #tpu.memory_space<vmem_shared>>)
    %dma_wait3A_226 = arith.constant 1 : i32
    %dma_wait3A_227 = arith.constant 0 : i32
    %dma_wait3A_228 = arith.constant 1 : i32
    %dma_wait3A_229 = arith.constant 0 : i32
    %dma_wait3A_230 = arith.constant 0 : i32
    %dma_wait3A_231 = tpu.memref_slice %arg10[%dma_wait3A_226, %dma_wait3A_229, %dma_wait3A_230] : memref<4x64x128xf32, #tpu.memory_space<vmem>> -> memref<1x64x128xf32, #tpu.memory_space<vmem>>
    %dma_wait3A_232 = tpu.memref_squeeze %dma_wait3A_231 : memref<1x64x128xf32, #tpu.memory_space<vmem>> -> memref<64x128xf32, #tpu.memory_space<vmem>>
    %dma_wait3A_233 = arith.constant 0 : i32
    %dma_wait3A_234 = tpu.memref_slice %arg9[%dma_wait3A_227, %dma_wait3A_233] : memref<160x64xi32, #tpu.memory_space<vmem>> -> memref<1x64xi32, #tpu.memory_space<vmem>>
    %dma_wait3A_235 = tpu.memref_squeeze %dma_wait3A_234 : memref<1x64xi32, #tpu.memory_space<vmem>> -> memref<64xi32, #tpu.memory_space<vmem>>
    %dma_wait3A_236 = arith.constant 0 : i32
    %dma_wait3A_237 = arith.constant 0 : i32
    %dma_wait3A_238 = tpu.memref_slice %arg7[%dma_wait3A_236, %dma_wait3A_237] : memref<10240x128xf32, #tpu.memory_space<vmem_shared>> -> memref<10240x128xf32, #tpu.memory_space<vmem_shared>>
    %dma_wait3A_239 = tpu.memref_slice %arg14[%dma_wait3A_228] : memref<4x!tpu.dma_semaphore, #tpu.memory_space<semaphore_mem>> -> memref<1x!tpu.dma_semaphore, #tpu.memory_space<semaphore_mem>>
    %dma_wait3A_240 = tpu.memref_squeeze %dma_wait3A_239 : memref<1x!tpu.dma_semaphore, #tpu.memory_space<semaphore_mem>> -> memref<!tpu.dma_semaphore, #tpu.memory_space<semaphore_mem>>
    tpu.wait_indirect_dma semaphore(%dma_wait3A_240 : memref<!tpu.dma_semaphore, #tpu.memory_space<semaphore_mem>>) src(%dma_wait3A_232 : memref<64x128xf32, #tpu.memory_space<vmem>>) dst(%dma_wait3A_238 : memref<10240x128xf32, #tpu.memory_space<vmem_shared>>)
    %dma_wait3A_241 = arith.constant 2 : i32
    %dma_wait3A_242 = arith.constant 0 : i32
    %dma_wait3A_243 = arith.constant 2 : i32
    %dma_wait3A_244 = arith.constant 0 : i32
    %dma_wait3A_245 = arith.constant 0 : i32
    %dma_wait3A_246 = tpu.memref_slice %arg10[%dma_wait3A_241, %dma_wait3A_244, %dma_wait3A_245] : memref<4x64x128xf32, #tpu.memory_space<vmem>> -> memref<1x64x128xf32, #tpu.memory_space<vmem>>
    %dma_wait3A_247 = tpu.memref_squeeze %dma_wait3A_246 : memref<1x64x128xf32, #tpu.memory_space<vmem>> -> memref<64x128xf32, #tpu.memory_space<vmem>>
    %dma_wait3A_248 = arith.constant 0 : i32
    %dma_wait3A_249 = tpu.memref_slice %arg9[%dma_wait3A_242, %dma_wait3A_248] : memref<160x64xi32, #tpu.memory_space<vmem>> -> memref<1x64xi32, #tpu.memory_space<vmem>>
    %dma_wait3A_250 = tpu.memref_squeeze %dma_wait3A_249 : memref<1x64xi32, #tpu.memory_space<vmem>> -> memref<64xi32, #tpu.memory_space<vmem>>
    %dma_wait3A_251 = arith.constant 0 : i32
    %dma_wait3A_252 = arith.constant 0 : i32
    %dma_wait3A_253 = tpu.memref_slice %arg7[%dma_wait3A_251, %dma_wait3A_252] : memref<10240x128xf32, #tpu.memory_space<vmem_shared>> -> memref<10240x128xf32, #tpu.memory_space<vmem_shared>>
    %dma_wait3A_254 = tpu.memref_slice %arg14[%dma_wait3A_243] : memref<4x!tpu.dma_semaphore, #tpu.memory_space<semaphore_mem>> -> memref<1x!tpu.dma_semaphore, #tpu.memory_space<semaphore_mem>>
    %dma_wait3A_255 = tpu.memref_squeeze %dma_wait3A_254 : memref<1x!tpu.dma_semaphore, #tpu.memory_space<semaphore_mem>> -> memref<!tpu.dma_semaphore, #tpu.memory_space<semaphore_mem>>
    tpu.wait_indirect_dma semaphore(%dma_wait3A_255 : memref<!tpu.dma_semaphore, #tpu.memory_space<semaphore_mem>>) src(%dma_wait3A_247 : memref<64x128xf32, #tpu.memory_space<vmem>>) dst(%dma_wait3A_253 : memref<10240x128xf32, #tpu.memory_space<vmem_shared>>)
    %dma_wait3A_256 = arith.constant 3 : i32
    %dma_wait3A_257 = arith.constant 0 : i32
    %dma_wait3A_258 = arith.constant 3 : i32
    %dma_wait3A_259 = arith.constant 0 : i32
    %dma_wait3A_260 = arith.constant 0 : i32
    %dma_wait3A_261 = tpu.memref_slice %arg10[%dma_wait3A_256, %dma_wait3A_259, %dma_wait3A_260] : memref<4x64x128xf32, #tpu.memory_space<vmem>> -> memref<1x64x128xf32, #tpu.memory_space<vmem>>
    %dma_wait3A_262 = tpu.memref_squeeze %dma_wait3A_261 : memref<1x64x128xf32, #tpu.memory_space<vmem>> -> memref<64x128xf32, #tpu.memory_space<vmem>>
    %dma_wait3A_263 = arith.constant 0 : i32
    %dma_wait3A_264 = tpu.memref_slice %arg9[%dma_wait3A_257, %dma_wait3A_263] : memref<160x64xi32, #tpu.memory_space<vmem>> -> memref<1x64xi32, #tpu.memory_space<vmem>>
    %dma_wait3A_265 = tpu.memref_squeeze %dma_wait3A_264 : memref<1x64xi32, #tpu.memory_space<vmem>> -> memref<64xi32, #tpu.memory_space<vmem>>
    %dma_wait3A_266 = arith.constant 0 : i32
    %dma_wait3A_267 = arith.constant 0 : i32
    %dma_wait3A_268 = tpu.memref_slice %arg7[%dma_wait3A_266, %dma_wait3A_267] : memref<10240x128xf32, #tpu.memory_space<vmem_shared>> -> memref<10240x128xf32, #tpu.memory_space<vmem_shared>>
    %dma_wait3A_269 = tpu.memref_slice %arg14[%dma_wait3A_258] : memref<4x!tpu.dma_semaphore, #tpu.memory_space<semaphore_mem>> -> memref<1x!tpu.dma_semaphore, #tpu.memory_space<semaphore_mem>>
    %dma_wait3A_270 = tpu.memref_squeeze %dma_wait3A_269 : memref<1x!tpu.dma_semaphore, #tpu.memory_space<semaphore_mem>> -> memref<!tpu.dma_semaphore, #tpu.memory_space<semaphore_mem>>
    tpu.wait_indirect_dma semaphore(%dma_wait3A_270 : memref<!tpu.dma_semaphore, #tpu.memory_space<semaphore_mem>>) src(%dma_wait3A_262 : memref<64x128xf32, #tpu.memory_space<vmem>>) dst(%dma_wait3A_268 : memref<10240x128xf32, #tpu.memory_space<vmem_shared>>)
    %barrier3A_271 = arith.constant 0 : index
    tpu.barrier barrier_id(%barrier3A_271)
    %mul3A_272 = arith.constant 640 : i32
    %mul3A_273 = arith.muli %arg1, %mul3A_272 : i32
    %mul3A_274 = arith.constant 10240 : i32
    %mul3A_275 = arith.muli %arg0, %mul3A_274 : i32
    %mul3A_276 = arith.constant 640 : i32
    %mul3A_277 = arith.muli %arg1, %mul3A_276 : i32
    %add3A_278 = arith.addi %mul3A_275, %mul3A_277 : i32
    "tpu.region"() ({
      %run_scoped3A = tpu.sem_alloc : memref<!tpu.dma_semaphore, #tpu.memory_space<semaphore_mem>>
      %dma_start3A_279 = arith.constant 0 : i32
      %dma_start3A_280 = tpu.memref_slice %arg6[%add3A_278, %dma_start3A_279] : memref<20480x128xf32, #tpu.memory_space<hbm>> -> memref<640x128xf32, #tpu.memory_space<hbm>>
      %dma_start3A_281 = arith.constant 0 : i32
      %dma_start3A_282 = tpu.memref_slice %arg7[%mul3A_273, %dma_start3A_281] : memref<10240x128xf32, #tpu.memory_space<vmem_shared>> -> memref<640x128xf32, #tpu.memory_space<vmem_shared>>
      tpu.enqueue_dma source(%dma_start3A_282 : memref<640x128xf32, #tpu.memory_space<vmem_shared>>) target(%dma_start3A_280 : memref<640x128xf32, #tpu.memory_space<hbm>>) target_semaphore(%run_scoped3A : memref<!tpu.dma_semaphore, #tpu.memory_space<semaphore_mem>>)
      %dma_wait3A_283 = arith.constant 0 : i32
      %dma_wait3A_284 = tpu.memref_slice %arg6[%add3A_278, %dma_wait3A_283] : memref<20480x128xf32, #tpu.memory_space<hbm>> -> memref<640x128xf32, #tpu.memory_space<hbm>>
      %dma_wait3A_285 = arith.constant 0 : i32
      %dma_wait3A_286 = tpu.memref_slice %arg7[%mul3A_273, %dma_wait3A_285] : memref<10240x128xf32, #tpu.memory_space<vmem_shared>> -> memref<640x128xf32, #tpu.memory_space<vmem_shared>>
      tpu.wait_dma2 semaphore(%run_scoped3A : memref<!tpu.dma_semaphore, #tpu.memory_space<semaphore_mem>>) src(%dma_wait3A_286 : memref<640x128xf32, #tpu.memory_space<vmem_shared>>) dst(%dma_wait3A_284 : memref<640x128xf32, #tpu.memory_space<hbm>>)
      tpu.yield
    }) : () -> ()
    return
  }
}

#map = affine_map<(d0, d1) -> (0, 0)>
#map1 = affine_map<(d0, d1) -> (0, 0, 0)>
module attributes {stable_mosaic.version = 14 : i64} {
  func.func @segsum_kernel(%arg0: i32, %arg1: i32, %arg2: memref<10240x16xf32, #tpu.memory_space<hbm>>, %arg3: memref<32x80x128xi32, #tpu.memory_space<hbm>>, %arg4: memref<32x80x128xi32, #tpu.memory_space<hbm>>, %arg5: memref<10240x16xf32, #tpu.memory_space<hbm>>, %arg6: memref<20480x16xf32, #tpu.memory_space<hbm>>, %arg7: memref<10240x16xf32, #tpu.memory_space<vmem_shared>>, %arg8: memref<10240x16xf32, #tpu.memory_space<vmem_shared>>, %arg9: memref<6x128xi32, #tpu.memory_space<vmem>>, %arg10: memref<80x128xi32, #tpu.memory_space<vmem>>, %arg11: memref<4x128x16xf32, #tpu.memory_space<vmem>>, %arg12: memref<6x!tpu.dma_semaphore, #tpu.memory_space<semaphore_mem>>, %arg13: memref<1x!tpu.dma_semaphore, #tpu.memory_space<semaphore_mem>>, %arg14: memref<4x!tpu.dma_semaphore, #tpu.memory_space<semaphore_mem>>, %arg15: memref<4x!tpu.dma_semaphore, #tpu.memory_space<semaphore_mem>>) attributes {dimension_semantics = [#tpu.dimension_semantics<core_parallel>, #tpu.dimension_semantics<subcore_parallel>], iteration_bounds = array<i64: 2, 16>, scalar_prefetch = 0 : i64, scratch_operands = 9 : i64, tpu.core_type = #tpu.core_type<sc_vector_subcore>, window_params = [{transform_indices = #map}, {transform_indices = #map1}, {transform_indices = #map1}, {transform_indices = #map}, {transform_indices = #map}]} {
    %mul3A = arith.constant 2 : i32
    %mul3A_0 = arith.muli %arg1, %mul3A : i32
    %add3A = arith.addi %mul3A_0, %arg0 : i32
    %dma_start3A = arith.constant 0 : i32
    %dma_start3A_1 = arith.constant 0 : i32
    %dma_start3A_2 = arith.constant 0 : i32
    %dma_start3A_3 = tpu.memref_slice %arg4[%add3A, %dma_start3A_1, %dma_start3A_2] : memref<32x80x128xi32, #tpu.memory_space<hbm>> -> memref<1x80x128xi32, #tpu.memory_space<hbm>>
    %dma_start3A_4 = tpu.memref_squeeze %dma_start3A_3 : memref<1x80x128xi32, #tpu.memory_space<hbm>> -> memref<80x128xi32, #tpu.memory_space<hbm>>
    %dma_start3A_5 = tpu.memref_slice %arg13[%dma_start3A] : memref<1x!tpu.dma_semaphore, #tpu.memory_space<semaphore_mem>> -> memref<1x!tpu.dma_semaphore, #tpu.memory_space<semaphore_mem>>
    %dma_start3A_6 = tpu.memref_squeeze %dma_start3A_5 : memref<1x!tpu.dma_semaphore, #tpu.memory_space<semaphore_mem>> -> memref<!tpu.dma_semaphore, #tpu.memory_space<semaphore_mem>>
    %dma_start3A_7 = arith.constant 0 : i32
    %dma_start3A_8 = arith.constant 0 : i32
    %dma_start3A_9 = tpu.memref_slice %arg4[%add3A, %dma_start3A_7, %dma_start3A_8] : memref<32x80x128xi32, #tpu.memory_space<hbm>> -> memref<1x80x128xi32, #tpu.memory_space<hbm>>
    %dma_start3A_10 = tpu.memref_squeeze %dma_start3A_9 : memref<1x80x128xi32, #tpu.memory_space<hbm>> -> memref<80x128xi32, #tpu.memory_space<hbm>>
    tpu.enqueue_dma source(%dma_start3A_10 : memref<80x128xi32, #tpu.memory_space<hbm>>) target(%arg10 : memref<80x128xi32, #tpu.memory_space<vmem>>) target_semaphore(%dma_start3A_6 : memref<!tpu.dma_semaphore, #tpu.memory_space<semaphore_mem>>)
    %dma_start3A_11 = arith.constant 0 : i32
    %dma_start3A_12 = arith.constant 0 : i32
    %dma_start3A_13 = arith.constant 0 : i32
    %dma_start3A_14 = arith.constant 0 : i32
    %dma_start3A_15 = tpu.memref_slice %arg9[%dma_start3A_12, %dma_start3A_14] : memref<6x128xi32, #tpu.memory_space<vmem>> -> memref<1x128xi32, #tpu.memory_space<vmem>>
    %dma_start3A_16 = tpu.memref_squeeze %dma_start3A_15 : memref<1x128xi32, #tpu.memory_space<vmem>> -> memref<128xi32, #tpu.memory_space<vmem>>
    %dma_start3A_17 = arith.constant 0 : i32
    %dma_start3A_18 = tpu.memref_slice %arg3[%add3A, %dma_start3A_11, %dma_start3A_17] : memref<32x80x128xi32, #tpu.memory_space<hbm>> -> memref<1x1x128xi32, #tpu.memory_space<hbm>>
    %dma_start3A_19 = tpu.memref_squeeze %dma_start3A_18 : memref<1x1x128xi32, #tpu.memory_space<hbm>> -> memref<128xi32, #tpu.memory_space<hbm>>
    %dma_start3A_20 = tpu.memref_slice %arg12[%dma_start3A_13] : memref<6x!tpu.dma_semaphore, #tpu.memory_space<semaphore_mem>> -> memref<1x!tpu.dma_semaphore, #tpu.memory_space<semaphore_mem>>
    %dma_start3A_21 = tpu.memref_squeeze %dma_start3A_20 : memref<1x!tpu.dma_semaphore, #tpu.memory_space<semaphore_mem>> -> memref<!tpu.dma_semaphore, #tpu.memory_space<semaphore_mem>>
    %dma_start3A_22 = arith.constant 0 : i32
    %dma_start3A_23 = tpu.memref_slice %arg9[%dma_start3A_12, %dma_start3A_22] : memref<6x128xi32, #tpu.memory_space<vmem>> -> memref<1x128xi32, #tpu.memory_space<vmem>>
    %dma_start3A_24 = tpu.memref_squeeze %dma_start3A_23 : memref<1x128xi32, #tpu.memory_space<vmem>> -> memref<128xi32, #tpu.memory_space<vmem>>
    %dma_start3A_25 = arith.constant 0 : i32
    %dma_start3A_26 = tpu.memref_slice %arg3[%add3A, %dma_start3A_11, %dma_start3A_25] : memref<32x80x128xi32, #tpu.memory_space<hbm>> -> memref<1x1x128xi32, #tpu.memory_space<hbm>>
    %dma_start3A_27 = tpu.memref_squeeze %dma_start3A_26 : memref<1x1x128xi32, #tpu.memory_space<hbm>> -> memref<128xi32, #tpu.memory_space<hbm>>
    tpu.enqueue_dma source(%dma_start3A_27 : memref<128xi32, #tpu.memory_space<hbm>>) target(%dma_start3A_24 : memref<128xi32, #tpu.memory_space<vmem>>) target_semaphore(%dma_start3A_21 : memref<!tpu.dma_semaphore, #tpu.memory_space<semaphore_mem>>)
    %dma_start3A_28 = arith.constant 1 : i32
    %dma_start3A_29 = arith.constant 1 : i32
    %dma_start3A_30 = arith.constant 1 : i32
    %dma_start3A_31 = arith.constant 0 : i32
    %dma_start3A_32 = tpu.memref_slice %arg9[%dma_start3A_29, %dma_start3A_31] : memref<6x128xi32, #tpu.memory_space<vmem>> -> memref<1x128xi32, #tpu.memory_space<vmem>>
    %dma_start3A_33 = tpu.memref_squeeze %dma_start3A_32 : memref<1x128xi32, #tpu.memory_space<vmem>> -> memref<128xi32, #tpu.memory_space<vmem>>
    %dma_start3A_34 = arith.constant 0 : i32
    %dma_start3A_35 = tpu.memref_slice %arg3[%add3A, %dma_start3A_28, %dma_start3A_34] : memref<32x80x128xi32, #tpu.memory_space<hbm>> -> memref<1x1x128xi32, #tpu.memory_space<hbm>>
    %dma_start3A_36 = tpu.memref_squeeze %dma_start3A_35 : memref<1x1x128xi32, #tpu.memory_space<hbm>> -> memref<128xi32, #tpu.memory_space<hbm>>
    %dma_start3A_37 = tpu.memref_slice %arg12[%dma_start3A_30] : memref<6x!tpu.dma_semaphore, #tpu.memory_space<semaphore_mem>> -> memref<1x!tpu.dma_semaphore, #tpu.memory_space<semaphore_mem>>
    %dma_start3A_38 = tpu.memref_squeeze %dma_start3A_37 : memref<1x!tpu.dma_semaphore, #tpu.memory_space<semaphore_mem>> -> memref<!tpu.dma_semaphore, #tpu.memory_space<semaphore_mem>>
    %dma_start3A_39 = arith.constant 0 : i32
    %dma_start3A_40 = tpu.memref_slice %arg9[%dma_start3A_29, %dma_start3A_39] : memref<6x128xi32, #tpu.memory_space<vmem>> -> memref<1x128xi32, #tpu.memory_space<vmem>>
    %dma_start3A_41 = tpu.memref_squeeze %dma_start3A_40 : memref<1x128xi32, #tpu.memory_space<vmem>> -> memref<128xi32, #tpu.memory_space<vmem>>
    %dma_start3A_42 = arith.constant 0 : i32
    %dma_start3A_43 = tpu.memref_slice %arg3[%add3A, %dma_start3A_28, %dma_start3A_42] : memref<32x80x128xi32, #tpu.memory_space<hbm>> -> memref<1x1x128xi32, #tpu.memory_space<hbm>>
    %dma_start3A_44 = tpu.memref_squeeze %dma_start3A_43 : memref<1x1x128xi32, #tpu.memory_space<hbm>> -> memref<128xi32, #tpu.memory_space<hbm>>
    tpu.enqueue_dma source(%dma_start3A_44 : memref<128xi32, #tpu.memory_space<hbm>>) target(%dma_start3A_41 : memref<128xi32, #tpu.memory_space<vmem>>) target_semaphore(%dma_start3A_38 : memref<!tpu.dma_semaphore, #tpu.memory_space<semaphore_mem>>)
    %dma_start3A_45 = arith.constant 2 : i32
    %dma_start3A_46 = arith.constant 2 : i32
    %dma_start3A_47 = arith.constant 2 : i32
    %dma_start3A_48 = arith.constant 0 : i32
    %dma_start3A_49 = tpu.memref_slice %arg9[%dma_start3A_46, %dma_start3A_48] : memref<6x128xi32, #tpu.memory_space<vmem>> -> memref<1x128xi32, #tpu.memory_space<vmem>>
    %dma_start3A_50 = tpu.memref_squeeze %dma_start3A_49 : memref<1x128xi32, #tpu.memory_space<vmem>> -> memref<128xi32, #tpu.memory_space<vmem>>
    %dma_start3A_51 = arith.constant 0 : i32
    %dma_start3A_52 = tpu.memref_slice %arg3[%add3A, %dma_start3A_45, %dma_start3A_51] : memref<32x80x128xi32, #tpu.memory_space<hbm>> -> memref<1x1x128xi32, #tpu.memory_space<hbm>>
    %dma_start3A_53 = tpu.memref_squeeze %dma_start3A_52 : memref<1x1x128xi32, #tpu.memory_space<hbm>> -> memref<128xi32, #tpu.memory_space<hbm>>
    %dma_start3A_54 = tpu.memref_slice %arg12[%dma_start3A_47] : memref<6x!tpu.dma_semaphore, #tpu.memory_space<semaphore_mem>> -> memref<1x!tpu.dma_semaphore, #tpu.memory_space<semaphore_mem>>
    %dma_start3A_55 = tpu.memref_squeeze %dma_start3A_54 : memref<1x!tpu.dma_semaphore, #tpu.memory_space<semaphore_mem>> -> memref<!tpu.dma_semaphore, #tpu.memory_space<semaphore_mem>>
    %dma_start3A_56 = arith.constant 0 : i32
    %dma_start3A_57 = tpu.memref_slice %arg9[%dma_start3A_46, %dma_start3A_56] : memref<6x128xi32, #tpu.memory_space<vmem>> -> memref<1x128xi32, #tpu.memory_space<vmem>>
    %dma_start3A_58 = tpu.memref_squeeze %dma_start3A_57 : memref<1x128xi32, #tpu.memory_space<vmem>> -> memref<128xi32, #tpu.memory_space<vmem>>
    %dma_start3A_59 = arith.constant 0 : i32
    %dma_start3A_60 = tpu.memref_slice %arg3[%add3A, %dma_start3A_45, %dma_start3A_59] : memref<32x80x128xi32, #tpu.memory_space<hbm>> -> memref<1x1x128xi32, #tpu.memory_space<hbm>>
    %dma_start3A_61 = tpu.memref_squeeze %dma_start3A_60 : memref<1x1x128xi32, #tpu.memory_space<hbm>> -> memref<128xi32, #tpu.memory_space<hbm>>
    tpu.enqueue_dma source(%dma_start3A_61 : memref<128xi32, #tpu.memory_space<hbm>>) target(%dma_start3A_58 : memref<128xi32, #tpu.memory_space<vmem>>) target_semaphore(%dma_start3A_55 : memref<!tpu.dma_semaphore, #tpu.memory_space<semaphore_mem>>)
    %dma_start3A_62 = arith.constant 3 : i32
    %dma_start3A_63 = arith.constant 3 : i32
    %dma_start3A_64 = arith.constant 3 : i32
    %dma_start3A_65 = arith.constant 0 : i32
    %dma_start3A_66 = tpu.memref_slice %arg9[%dma_start3A_63, %dma_start3A_65] : memref<6x128xi32, #tpu.memory_space<vmem>> -> memref<1x128xi32, #tpu.memory_space<vmem>>
    %dma_start3A_67 = tpu.memref_squeeze %dma_start3A_66 : memref<1x128xi32, #tpu.memory_space<vmem>> -> memref<128xi32, #tpu.memory_space<vmem>>
    %dma_start3A_68 = arith.constant 0 : i32
    %dma_start3A_69 = tpu.memref_slice %arg3[%add3A, %dma_start3A_62, %dma_start3A_68] : memref<32x80x128xi32, #tpu.memory_space<hbm>> -> memref<1x1x128xi32, #tpu.memory_space<hbm>>
    %dma_start3A_70 = tpu.memref_squeeze %dma_start3A_69 : memref<1x1x128xi32, #tpu.memory_space<hbm>> -> memref<128xi32, #tpu.memory_space<hbm>>
    %dma_start3A_71 = tpu.memref_slice %arg12[%dma_start3A_64] : memref<6x!tpu.dma_semaphore, #tpu.memory_space<semaphore_mem>> -> memref<1x!tpu.dma_semaphore, #tpu.memory_space<semaphore_mem>>
    %dma_start3A_72 = tpu.memref_squeeze %dma_start3A_71 : memref<1x!tpu.dma_semaphore, #tpu.memory_space<semaphore_mem>> -> memref<!tpu.dma_semaphore, #tpu.memory_space<semaphore_mem>>
    %dma_start3A_73 = arith.constant 0 : i32
    %dma_start3A_74 = tpu.memref_slice %arg9[%dma_start3A_63, %dma_start3A_73] : memref<6x128xi32, #tpu.memory_space<vmem>> -> memref<1x128xi32, #tpu.memory_space<vmem>>
    %dma_start3A_75 = tpu.memref_squeeze %dma_start3A_74 : memref<1x128xi32, #tpu.memory_space<vmem>> -> memref<128xi32, #tpu.memory_space<vmem>>
    %dma_start3A_76 = arith.constant 0 : i32
    %dma_start3A_77 = tpu.memref_slice %arg3[%add3A, %dma_start3A_62, %dma_start3A_76] : memref<32x80x128xi32, #tpu.memory_space<hbm>> -> memref<1x1x128xi32, #tpu.memory_space<hbm>>
    %dma_start3A_78 = tpu.memref_squeeze %dma_start3A_77 : memref<1x1x128xi32, #tpu.memory_space<hbm>> -> memref<128xi32, #tpu.memory_space<hbm>>
    tpu.enqueue_dma source(%dma_start3A_78 : memref<128xi32, #tpu.memory_space<hbm>>) target(%dma_start3A_75 : memref<128xi32, #tpu.memory_space<vmem>>) target_semaphore(%dma_start3A_72 : memref<!tpu.dma_semaphore, #tpu.memory_space<semaphore_mem>>)
    %dma_start3A_79 = arith.constant 4 : i32
    %dma_start3A_80 = arith.constant 4 : i32
    %dma_start3A_81 = arith.constant 4 : i32
    %dma_start3A_82 = arith.constant 0 : i32
    %dma_start3A_83 = tpu.memref_slice %arg9[%dma_start3A_80, %dma_start3A_82] : memref<6x128xi32, #tpu.memory_space<vmem>> -> memref<1x128xi32, #tpu.memory_space<vmem>>
    %dma_start3A_84 = tpu.memref_squeeze %dma_start3A_83 : memref<1x128xi32, #tpu.memory_space<vmem>> -> memref<128xi32, #tpu.memory_space<vmem>>
    %dma_start3A_85 = arith.constant 0 : i32
    %dma_start3A_86 = tpu.memref_slice %arg3[%add3A, %dma_start3A_79, %dma_start3A_85] : memref<32x80x128xi32, #tpu.memory_space<hbm>> -> memref<1x1x128xi32, #tpu.memory_space<hbm>>
    %dma_start3A_87 = tpu.memref_squeeze %dma_start3A_86 : memref<1x1x128xi32, #tpu.memory_space<hbm>> -> memref<128xi32, #tpu.memory_space<hbm>>
    %dma_start3A_88 = tpu.memref_slice %arg12[%dma_start3A_81] : memref<6x!tpu.dma_semaphore, #tpu.memory_space<semaphore_mem>> -> memref<1x!tpu.dma_semaphore, #tpu.memory_space<semaphore_mem>>
    %dma_start3A_89 = tpu.memref_squeeze %dma_start3A_88 : memref<1x!tpu.dma_semaphore, #tpu.memory_space<semaphore_mem>> -> memref<!tpu.dma_semaphore, #tpu.memory_space<semaphore_mem>>
    %dma_start3A_90 = arith.constant 0 : i32
    %dma_start3A_91 = tpu.memref_slice %arg9[%dma_start3A_80, %dma_start3A_90] : memref<6x128xi32, #tpu.memory_space<vmem>> -> memref<1x128xi32, #tpu.memory_space<vmem>>
    %dma_start3A_92 = tpu.memref_squeeze %dma_start3A_91 : memref<1x128xi32, #tpu.memory_space<vmem>> -> memref<128xi32, #tpu.memory_space<vmem>>
    %dma_start3A_93 = arith.constant 0 : i32
    %dma_start3A_94 = tpu.memref_slice %arg3[%add3A, %dma_start3A_79, %dma_start3A_93] : memref<32x80x128xi32, #tpu.memory_space<hbm>> -> memref<1x1x128xi32, #tpu.memory_space<hbm>>
    %dma_start3A_95 = tpu.memref_squeeze %dma_start3A_94 : memref<1x1x128xi32, #tpu.memory_space<hbm>> -> memref<128xi32, #tpu.memory_space<hbm>>
    tpu.enqueue_dma source(%dma_start3A_95 : memref<128xi32, #tpu.memory_space<hbm>>) target(%dma_start3A_92 : memref<128xi32, #tpu.memory_space<vmem>>) target_semaphore(%dma_start3A_89 : memref<!tpu.dma_semaphore, #tpu.memory_space<semaphore_mem>>)
    %mul3A_96 = arith.constant 640 : i32
    %mul3A_97 = arith.muli %arg1, %mul3A_96 : i32
    %mul3A_98 = arith.constant 640 : i32
    %mul3A_99 = arith.muli %arg1, %mul3A_98 : i32
    "tpu.region"() ({
      %run_scoped3A = tpu.sem_alloc : memref<!tpu.dma_semaphore, #tpu.memory_space<semaphore_mem>>
      %dma_start3A_283 = arith.constant 0 : i32
      %dma_start3A_284 = tpu.memref_slice %arg7[%mul3A_99, %dma_start3A_283] : memref<10240x16xf32, #tpu.memory_space<vmem_shared>> -> memref<640x16xf32, #tpu.memory_space<vmem_shared>>
      %dma_start3A_285 = arith.constant 0 : i32
      %dma_start3A_286 = tpu.memref_slice %arg5[%mul3A_97, %dma_start3A_285] : memref<10240x16xf32, #tpu.memory_space<hbm>> -> memref<640x16xf32, #tpu.memory_space<hbm>>
      tpu.enqueue_dma source(%dma_start3A_286 : memref<640x16xf32, #tpu.memory_space<hbm>>) target(%dma_start3A_284 : memref<640x16xf32, #tpu.memory_space<vmem_shared>>) target_semaphore(%run_scoped3A : memref<!tpu.dma_semaphore, #tpu.memory_space<semaphore_mem>>)
      %dma_wait3A_287 = arith.constant 0 : i32
      %dma_wait3A_288 = tpu.memref_slice %arg7[%mul3A_99, %dma_wait3A_287] : memref<10240x16xf32, #tpu.memory_space<vmem_shared>> -> memref<640x16xf32, #tpu.memory_space<vmem_shared>>
      %dma_wait3A_289 = arith.constant 0 : i32
      %dma_wait3A_290 = tpu.memref_slice %arg5[%mul3A_97, %dma_wait3A_289] : memref<10240x16xf32, #tpu.memory_space<hbm>> -> memref<640x16xf32, #tpu.memory_space<hbm>>
      tpu.wait_dma2 semaphore(%run_scoped3A : memref<!tpu.dma_semaphore, #tpu.memory_space<semaphore_mem>>) src(%dma_wait3A_290 : memref<640x16xf32, #tpu.memory_space<hbm>>) dst(%dma_wait3A_288 : memref<640x16xf32, #tpu.memory_space<vmem_shared>>)
      tpu.yield
    }) : () -> ()
    %mul3A_100 = arith.constant 640 : i32
    %mul3A_101 = arith.muli %arg1, %mul3A_100 : i32
    %mul3A_102 = arith.constant 640 : i32
    %mul3A_103 = arith.muli %arg1, %mul3A_102 : i32
    "tpu.region"() ({
      %run_scoped3A = tpu.sem_alloc : memref<!tpu.dma_semaphore, #tpu.memory_space<semaphore_mem>>
      %dma_start3A_283 = arith.constant 0 : i32
      %dma_start3A_284 = tpu.memref_slice %arg8[%mul3A_103, %dma_start3A_283] : memref<10240x16xf32, #tpu.memory_space<vmem_shared>> -> memref<640x16xf32, #tpu.memory_space<vmem_shared>>
      %dma_start3A_285 = arith.constant 0 : i32
      %dma_start3A_286 = tpu.memref_slice %arg2[%mul3A_101, %dma_start3A_285] : memref<10240x16xf32, #tpu.memory_space<hbm>> -> memref<640x16xf32, #tpu.memory_space<hbm>>
      tpu.enqueue_dma source(%dma_start3A_286 : memref<640x16xf32, #tpu.memory_space<hbm>>) target(%dma_start3A_284 : memref<640x16xf32, #tpu.memory_space<vmem_shared>>) target_semaphore(%run_scoped3A : memref<!tpu.dma_semaphore, #tpu.memory_space<semaphore_mem>>)
      %dma_wait3A_287 = arith.constant 0 : i32
      %dma_wait3A_288 = tpu.memref_slice %arg8[%mul3A_103, %dma_wait3A_287] : memref<10240x16xf32, #tpu.memory_space<vmem_shared>> -> memref<640x16xf32, #tpu.memory_space<vmem_shared>>
      %dma_wait3A_289 = arith.constant 0 : i32
      %dma_wait3A_290 = tpu.memref_slice %arg2[%mul3A_101, %dma_wait3A_289] : memref<10240x16xf32, #tpu.memory_space<hbm>> -> memref<640x16xf32, #tpu.memory_space<hbm>>
      tpu.wait_dma2 semaphore(%run_scoped3A : memref<!tpu.dma_semaphore, #tpu.memory_space<semaphore_mem>>) src(%dma_wait3A_290 : memref<640x16xf32, #tpu.memory_space<hbm>>) dst(%dma_wait3A_288 : memref<640x16xf32, #tpu.memory_space<vmem_shared>>)
      tpu.yield
    }) : () -> ()
    %dma_wait3A = arith.constant 0 : i32
    %dma_wait3A_104 = arith.constant 0 : i32
    %dma_wait3A_105 = arith.constant 0 : i32
    %dma_wait3A_106 = tpu.memref_slice %arg4[%add3A, %dma_wait3A_104, %dma_wait3A_105] : memref<32x80x128xi32, #tpu.memory_space<hbm>> -> memref<1x80x128xi32, #tpu.memory_space<hbm>>
    %dma_wait3A_107 = tpu.memref_squeeze %dma_wait3A_106 : memref<1x80x128xi32, #tpu.memory_space<hbm>> -> memref<80x128xi32, #tpu.memory_space<hbm>>
    %dma_wait3A_108 = tpu.memref_slice %arg13[%dma_wait3A] : memref<1x!tpu.dma_semaphore, #tpu.memory_space<semaphore_mem>> -> memref<1x!tpu.dma_semaphore, #tpu.memory_space<semaphore_mem>>
    %dma_wait3A_109 = tpu.memref_squeeze %dma_wait3A_108 : memref<1x!tpu.dma_semaphore, #tpu.memory_space<semaphore_mem>> -> memref<!tpu.dma_semaphore, #tpu.memory_space<semaphore_mem>>
    %dma_wait3A_110 = arith.constant 0 : i32
    %dma_wait3A_111 = arith.constant 0 : i32
    %dma_wait3A_112 = tpu.memref_slice %arg4[%add3A, %dma_wait3A_110, %dma_wait3A_111] : memref<32x80x128xi32, #tpu.memory_space<hbm>> -> memref<1x80x128xi32, #tpu.memory_space<hbm>>
    %dma_wait3A_113 = tpu.memref_squeeze %dma_wait3A_112 : memref<1x80x128xi32, #tpu.memory_space<hbm>> -> memref<80x128xi32, #tpu.memory_space<hbm>>
    tpu.wait_dma2 semaphore(%dma_wait3A_109 : memref<!tpu.dma_semaphore, #tpu.memory_space<semaphore_mem>>) src(%dma_wait3A_113 : memref<80x128xi32, #tpu.memory_space<hbm>>) dst(%arg10 : memref<80x128xi32, #tpu.memory_space<vmem>>)
    %barrier3A = arith.constant 0 : index
    tpu.barrier barrier_id(%barrier3A)
    %dma_wait3A_114 = arith.constant 0 : i32
    %dma_wait3A_115 = arith.constant 0 : i32
    %dma_wait3A_116 = arith.constant 0 : i32
    %dma_wait3A_117 = arith.constant 0 : i32
    %dma_wait3A_118 = tpu.memref_slice %arg9[%dma_wait3A_115, %dma_wait3A_117] : memref<6x128xi32, #tpu.memory_space<vmem>> -> memref<1x128xi32, #tpu.memory_space<vmem>>
    %dma_wait3A_119 = tpu.memref_squeeze %dma_wait3A_118 : memref<1x128xi32, #tpu.memory_space<vmem>> -> memref<128xi32, #tpu.memory_space<vmem>>
    %dma_wait3A_120 = arith.constant 0 : i32
    %dma_wait3A_121 = tpu.memref_slice %arg3[%add3A, %dma_wait3A_114, %dma_wait3A_120] : memref<32x80x128xi32, #tpu.memory_space<hbm>> -> memref<1x1x128xi32, #tpu.memory_space<hbm>>
    %dma_wait3A_122 = tpu.memref_squeeze %dma_wait3A_121 : memref<1x1x128xi32, #tpu.memory_space<hbm>> -> memref<128xi32, #tpu.memory_space<hbm>>
    %dma_wait3A_123 = tpu.memref_slice %arg12[%dma_wait3A_116] : memref<6x!tpu.dma_semaphore, #tpu.memory_space<semaphore_mem>> -> memref<1x!tpu.dma_semaphore, #tpu.memory_space<semaphore_mem>>
    %dma_wait3A_124 = tpu.memref_squeeze %dma_wait3A_123 : memref<1x!tpu.dma_semaphore, #tpu.memory_space<semaphore_mem>> -> memref<!tpu.dma_semaphore, #tpu.memory_space<semaphore_mem>>
    %dma_wait3A_125 = arith.constant 0 : i32
    %dma_wait3A_126 = tpu.memref_slice %arg9[%dma_wait3A_115, %dma_wait3A_125] : memref<6x128xi32, #tpu.memory_space<vmem>> -> memref<1x128xi32, #tpu.memory_space<vmem>>
    %dma_wait3A_127 = tpu.memref_squeeze %dma_wait3A_126 : memref<1x128xi32, #tpu.memory_space<vmem>> -> memref<128xi32, #tpu.memory_space<vmem>>
    %dma_wait3A_128 = arith.constant 0 : i32
    %dma_wait3A_129 = tpu.memref_slice %arg3[%add3A, %dma_wait3A_114, %dma_wait3A_128] : memref<32x80x128xi32, #tpu.memory_space<hbm>> -> memref<1x1x128xi32, #tpu.memory_space<hbm>>
    %dma_wait3A_130 = tpu.memref_squeeze %dma_wait3A_129 : memref<1x1x128xi32, #tpu.memory_space<hbm>> -> memref<128xi32, #tpu.memory_space<hbm>>
    tpu.wait_dma2 semaphore(%dma_wait3A_124 : memref<!tpu.dma_semaphore, #tpu.memory_space<semaphore_mem>>) src(%dma_wait3A_130 : memref<128xi32, #tpu.memory_space<hbm>>) dst(%dma_wait3A_127 : memref<128xi32, #tpu.memory_space<vmem>>)
    %dma_start3A_131 = arith.constant 0 : i32
    %dma_start3A_132 = arith.constant 0 : i32
    %dma_start3A_133 = arith.constant 0 : i32
    %dma_start3A_134 = arith.constant 0 : i32
    %dma_start3A_135 = arith.constant 0 : i32
    %dma_start3A_136 = tpu.memref_slice %arg11[%dma_start3A_132, %dma_start3A_134, %dma_start3A_135] : memref<4x128x16xf32, #tpu.memory_space<vmem>> -> memref<1x128x16xf32, #tpu.memory_space<vmem>>
    %dma_start3A_137 = tpu.memref_squeeze %dma_start3A_136 : memref<1x128x16xf32, #tpu.memory_space<vmem>> -> memref<128x16xf32, #tpu.memory_space<vmem>>
    %dma_start3A_138 = arith.constant 0 : i32
    %dma_start3A_139 = tpu.memref_slice %arg9[%dma_start3A_131, %dma_start3A_138] : memref<6x128xi32, #tpu.memory_space<vmem>> -> memref<1x128xi32, #tpu.memory_space<vmem>>
    %dma_start3A_140 = tpu.memref_squeeze %dma_start3A_139 : memref<1x128xi32, #tpu.memory_space<vmem>> -> memref<128xi32, #tpu.memory_space<vmem>>
    %dma_start3A_141 = arith.constant 0 : i32
    %dma_start3A_142 = arith.constant 0 : i32
    %dma_start3A_143 = tpu.memref_slice %arg8[%dma_start3A_141, %dma_start3A_142] : memref<10240x16xf32, #tpu.memory_space<vmem_shared>> -> memref<10240x16xf32, #tpu.memory_space<vmem_shared>>
    %dma_start3A_144 = tpu.memref_slice %arg14[%dma_start3A_133] : memref<4x!tpu.dma_semaphore, #tpu.memory_space<semaphore_mem>> -> memref<1x!tpu.dma_semaphore, #tpu.memory_space<semaphore_mem>>
    %dma_start3A_145 = tpu.memref_squeeze %dma_start3A_144 : memref<1x!tpu.dma_semaphore, #tpu.memory_space<semaphore_mem>> -> memref<!tpu.dma_semaphore, #tpu.memory_space<semaphore_mem>>
    tpu.enqueue_indirect_dma source(%dma_start3A_143 : memref<10240x16xf32, #tpu.memory_space<vmem_shared>>) target(%dma_start3A_137 : memref<128x16xf32, #tpu.memory_space<vmem>>) offsets(%dma_start3A_140 : memref<128xi32, #tpu.memory_space<vmem>>) semaphore(%dma_start3A_145 : memref<!tpu.dma_semaphore, #tpu.memory_space<semaphore_mem>>)
    %dma_wait3A_146 = arith.constant 0 : i32
    %dma_wait3A_147 = arith.constant 1 : i32
    %dma_wait3A_148 = arith.constant 1 : i32
    %dma_wait3A_149 = arith.constant 0 : i32
    %dma_wait3A_150 = tpu.memref_slice %arg9[%dma_wait3A_147, %dma_wait3A_149] : memref<6x128xi32, #tpu.memory_space<vmem>> -> memref<1x128xi32, #tpu.memory_space<vmem>>
    %dma_wait3A_151 = tpu.memref_squeeze %dma_wait3A_150 : memref<1x128xi32, #tpu.memory_space<vmem>> -> memref<128xi32, #tpu.memory_space<vmem>>
    %dma_wait3A_152 = arith.constant 0 : i32
    %dma_wait3A_153 = tpu.memref_slice %arg3[%add3A, %dma_wait3A_146, %dma_wait3A_152] : memref<32x80x128xi32, #tpu.memory_space<hbm>> -> memref<1x1x128xi32, #tpu.memory_space<hbm>>
    %dma_wait3A_154 = tpu.memref_squeeze %dma_wait3A_153 : memref<1x1x128xi32, #tpu.memory_space<hbm>> -> memref<128xi32, #tpu.memory_space<hbm>>
    %dma_wait3A_155 = tpu.memref_slice %arg12[%dma_wait3A_148] : memref<6x!tpu.dma_semaphore, #tpu.memory_space<semaphore_mem>> -> memref<1x!tpu.dma_semaphore, #tpu.memory_space<semaphore_mem>>
    %dma_wait3A_156 = tpu.memref_squeeze %dma_wait3A_155 : memref<1x!tpu.dma_semaphore, #tpu.memory_space<semaphore_mem>> -> memref<!tpu.dma_semaphore, #tpu.memory_space<semaphore_mem>>
    %dma_wait3A_157 = arith.constant 0 : i32
    %dma_wait3A_158 = tpu.memref_slice %arg9[%dma_wait3A_147, %dma_wait3A_157] : memref<6x128xi32, #tpu.memory_space<vmem>> -> memref<1x128xi32, #tpu.memory_space<vmem>>
    %dma_wait3A_159 = tpu.memref_squeeze %dma_wait3A_158 : memref<1x128xi32, #tpu.memory_space<vmem>> -> memref<128xi32, #tpu.memory_space<vmem>>
    %dma_wait3A_160 = arith.constant 0 : i32
    %dma_wait3A_161 = tpu.memref_slice %arg3[%add3A, %dma_wait3A_146, %dma_wait3A_160] : memref<32x80x128xi32, #tpu.memory_space<hbm>> -> memref<1x1x128xi32, #tpu.memory_space<hbm>>
    %dma_wait3A_162 = tpu.memref_squeeze %dma_wait3A_161 : memref<1x1x128xi32, #tpu.memory_space<hbm>> -> memref<128xi32, #tpu.memory_space<hbm>>
    tpu.wait_dma2 semaphore(%dma_wait3A_156 : memref<!tpu.dma_semaphore, #tpu.memory_space<semaphore_mem>>) src(%dma_wait3A_162 : memref<128xi32, #tpu.memory_space<hbm>>) dst(%dma_wait3A_159 : memref<128xi32, #tpu.memory_space<vmem>>)
    %dma_start3A_163 = arith.constant 1 : i32
    %dma_start3A_164 = arith.constant 1 : i32
    %dma_start3A_165 = arith.constant 1 : i32
    %dma_start3A_166 = arith.constant 0 : i32
    %dma_start3A_167 = arith.constant 0 : i32
    %dma_start3A_168 = tpu.memref_slice %arg11[%dma_start3A_164, %dma_start3A_166, %dma_start3A_167] : memref<4x128x16xf32, #tpu.memory_space<vmem>> -> memref<1x128x16xf32, #tpu.memory_space<vmem>>
    %dma_start3A_169 = tpu.memref_squeeze %dma_start3A_168 : memref<1x128x16xf32, #tpu.memory_space<vmem>> -> memref<128x16xf32, #tpu.memory_space<vmem>>
    %dma_start3A_170 = arith.constant 0 : i32
    %dma_start3A_171 = tpu.memref_slice %arg9[%dma_start3A_163, %dma_start3A_170] : memref<6x128xi32, #tpu.memory_space<vmem>> -> memref<1x128xi32, #tpu.memory_space<vmem>>
    %dma_start3A_172 = tpu.memref_squeeze %dma_start3A_171 : memref<1x128xi32, #tpu.memory_space<vmem>> -> memref<128xi32, #tpu.memory_space<vmem>>
    %dma_start3A_173 = arith.constant 0 : i32
    %dma_start3A_174 = arith.constant 0 : i32
    %dma_start3A_175 = tpu.memref_slice %arg8[%dma_start3A_173, %dma_start3A_174] : memref<10240x16xf32, #tpu.memory_space<vmem_shared>> -> memref<10240x16xf32, #tpu.memory_space<vmem_shared>>
    %dma_start3A_176 = tpu.memref_slice %arg14[%dma_start3A_165] : memref<4x!tpu.dma_semaphore, #tpu.memory_space<semaphore_mem>> -> memref<1x!tpu.dma_semaphore, #tpu.memory_space<semaphore_mem>>
    %dma_start3A_177 = tpu.memref_squeeze %dma_start3A_176 : memref<1x!tpu.dma_semaphore, #tpu.memory_space<semaphore_mem>> -> memref<!tpu.dma_semaphore, #tpu.memory_space<semaphore_mem>>
    tpu.enqueue_indirect_dma source(%dma_start3A_175 : memref<10240x16xf32, #tpu.memory_space<vmem_shared>>) target(%dma_start3A_169 : memref<128x16xf32, #tpu.memory_space<vmem>>) offsets(%dma_start3A_172 : memref<128xi32, #tpu.memory_space<vmem>>) semaphore(%dma_start3A_177 : memref<!tpu.dma_semaphore, #tpu.memory_space<semaphore_mem>>)
    %dma_wait3A_178 = arith.constant 0 : i32
    %dma_wait3A_179 = arith.constant 2 : i32
    %dma_wait3A_180 = arith.constant 2 : i32
    %dma_wait3A_181 = arith.constant 0 : i32
    %dma_wait3A_182 = tpu.memref_slice %arg9[%dma_wait3A_179, %dma_wait3A_181] : memref<6x128xi32, #tpu.memory_space<vmem>> -> memref<1x128xi32, #tpu.memory_space<vmem>>
    %dma_wait3A_183 = tpu.memref_squeeze %dma_wait3A_182 : memref<1x128xi32, #tpu.memory_space<vmem>> -> memref<128xi32, #tpu.memory_space<vmem>>
    %dma_wait3A_184 = arith.constant 0 : i32
    %dma_wait3A_185 = tpu.memref_slice %arg3[%add3A, %dma_wait3A_178, %dma_wait3A_184] : memref<32x80x128xi32, #tpu.memory_space<hbm>> -> memref<1x1x128xi32, #tpu.memory_space<hbm>>
    %dma_wait3A_186 = tpu.memref_squeeze %dma_wait3A_185 : memref<1x1x128xi32, #tpu.memory_space<hbm>> -> memref<128xi32, #tpu.memory_space<hbm>>
    %dma_wait3A_187 = tpu.memref_slice %arg12[%dma_wait3A_180] : memref<6x!tpu.dma_semaphore, #tpu.memory_space<semaphore_mem>> -> memref<1x!tpu.dma_semaphore, #tpu.memory_space<semaphore_mem>>
    %dma_wait3A_188 = tpu.memref_squeeze %dma_wait3A_187 : memref<1x!tpu.dma_semaphore, #tpu.memory_space<semaphore_mem>> -> memref<!tpu.dma_semaphore, #tpu.memory_space<semaphore_mem>>
    %dma_wait3A_189 = arith.constant 0 : i32
    %dma_wait3A_190 = tpu.memref_slice %arg9[%dma_wait3A_179, %dma_wait3A_189] : memref<6x128xi32, #tpu.memory_space<vmem>> -> memref<1x128xi32, #tpu.memory_space<vmem>>
    %dma_wait3A_191 = tpu.memref_squeeze %dma_wait3A_190 : memref<1x128xi32, #tpu.memory_space<vmem>> -> memref<128xi32, #tpu.memory_space<vmem>>
    %dma_wait3A_192 = arith.constant 0 : i32
    %dma_wait3A_193 = tpu.memref_slice %arg3[%add3A, %dma_wait3A_178, %dma_wait3A_192] : memref<32x80x128xi32, #tpu.memory_space<hbm>> -> memref<1x1x128xi32, #tpu.memory_space<hbm>>
    %dma_wait3A_194 = tpu.memref_squeeze %dma_wait3A_193 : memref<1x1x128xi32, #tpu.memory_space<hbm>> -> memref<128xi32, #tpu.memory_space<hbm>>
    tpu.wait_dma2 semaphore(%dma_wait3A_188 : memref<!tpu.dma_semaphore, #tpu.memory_space<semaphore_mem>>) src(%dma_wait3A_194 : memref<128xi32, #tpu.memory_space<hbm>>) dst(%dma_wait3A_191 : memref<128xi32, #tpu.memory_space<vmem>>)
    %dma_start3A_195 = arith.constant 2 : i32
    %dma_start3A_196 = arith.constant 2 : i32
    %dma_start3A_197 = arith.constant 2 : i32
    %dma_start3A_198 = arith.constant 0 : i32
    %dma_start3A_199 = arith.constant 0 : i32
    %dma_start3A_200 = tpu.memref_slice %arg11[%dma_start3A_196, %dma_start3A_198, %dma_start3A_199] : memref<4x128x16xf32, #tpu.memory_space<vmem>> -> memref<1x128x16xf32, #tpu.memory_space<vmem>>
    %dma_start3A_201 = tpu.memref_squeeze %dma_start3A_200 : memref<1x128x16xf32, #tpu.memory_space<vmem>> -> memref<128x16xf32, #tpu.memory_space<vmem>>
    %dma_start3A_202 = arith.constant 0 : i32
    %dma_start3A_203 = tpu.memref_slice %arg9[%dma_start3A_195, %dma_start3A_202] : memref<6x128xi32, #tpu.memory_space<vmem>> -> memref<1x128xi32, #tpu.memory_space<vmem>>
    %dma_start3A_204 = tpu.memref_squeeze %dma_start3A_203 : memref<1x128xi32, #tpu.memory_space<vmem>> -> memref<128xi32, #tpu.memory_space<vmem>>
    %dma_start3A_205 = arith.constant 0 : i32
    %dma_start3A_206 = arith.constant 0 : i32
    %dma_start3A_207 = tpu.memref_slice %arg8[%dma_start3A_205, %dma_start3A_206] : memref<10240x16xf32, #tpu.memory_space<vmem_shared>> -> memref<10240x16xf32, #tpu.memory_space<vmem_shared>>
    %dma_start3A_208 = tpu.memref_slice %arg14[%dma_start3A_197] : memref<4x!tpu.dma_semaphore, #tpu.memory_space<semaphore_mem>> -> memref<1x!tpu.dma_semaphore, #tpu.memory_space<semaphore_mem>>
    %dma_start3A_209 = tpu.memref_squeeze %dma_start3A_208 : memref<1x!tpu.dma_semaphore, #tpu.memory_space<semaphore_mem>> -> memref<!tpu.dma_semaphore, #tpu.memory_space<semaphore_mem>>
    tpu.enqueue_indirect_dma source(%dma_start3A_207 : memref<10240x16xf32, #tpu.memory_space<vmem_shared>>) target(%dma_start3A_201 : memref<128x16xf32, #tpu.memory_space<vmem>>) offsets(%dma_start3A_204 : memref<128xi32, #tpu.memory_space<vmem>>) semaphore(%dma_start3A_209 : memref<!tpu.dma_semaphore, #tpu.memory_space<semaphore_mem>>)
    %scan3A = arith.constant 0 : i32
    %scan3A_210 = arith.constant 0 : i32
    %scan3A_211 = arith.constant 80 : i32
    %scan3A_212 = arith.addi %scan3A_210, %scan3A_211 : i32
    %scan3A_213 = arith.constant 1 : i32
    scf.for %scan3A_283 = %scan3A_210 to %scan3A_212 step %scan3A_213  : i32 {
      %rem3A = arith.constant 4 : i32
      %rem3A_284 = arith.remsi %scan3A_283, %rem3A : i32
      %add3A_285 = arith.constant 5 : i32
      %add3A_286 = arith.addi %scan3A_283, %add3A_285 : i32
      %lt3A = arith.constant 80 : i32
      %lt3A_287 = arith.cmpi slt, %add3A_286, %lt3A : i32
      %convert_element_type3A = arith.extui %lt3A_287 : i1 to i32
      %cond3A = arith.constant 0 : i32
      %cond3A_288 = arith.cmpi ne, %convert_element_type3A, %cond3A : i32
      scf.if %cond3A_288 {
        %add3A_321 = arith.constant 5 : i32
        %add3A_322 = arith.addi %scan3A_283, %add3A_321 : i32
        %rem3A_323 = arith.constant 6 : i32
        %rem3A_324 = arith.remsi %add3A_322, %rem3A_323 : i32
        %add3A_325 = arith.constant 5 : i32
        %add3A_326 = arith.addi %scan3A_283, %add3A_325 : i32
        %dma_start3A_327 = arith.constant 0 : i32
        %dma_start3A_328 = tpu.memref_slice %arg9[%rem3A_324, %dma_start3A_327] : memref<6x128xi32, #tpu.memory_space<vmem>> -> memref<1x128xi32, #tpu.memory_space<vmem>>
        %dma_start3A_329 = tpu.memref_squeeze %dma_start3A_328 : memref<1x128xi32, #tpu.memory_space<vmem>> -> memref<128xi32, #tpu.memory_space<vmem>>
        %dma_start3A_330 = arith.constant 0 : i32
        %dma_start3A_331 = tpu.memref_slice %arg3[%add3A, %add3A_326, %dma_start3A_330] : memref<32x80x128xi32, #tpu.memory_space<hbm>> -> memref<1x1x128xi32, #tpu.memory_space<hbm>>
        %dma_start3A_332 = tpu.memref_squeeze %dma_start3A_331 : memref<1x1x128xi32, #tpu.memory_space<hbm>> -> memref<128xi32, #tpu.memory_space<hbm>>
        %dma_start3A_333 = tpu.memref_slice %arg12[%rem3A_324] : memref<6x!tpu.dma_semaphore, #tpu.memory_space<semaphore_mem>> -> memref<1x!tpu.dma_semaphore, #tpu.memory_space<semaphore_mem>>
        %dma_start3A_334 = tpu.memref_squeeze %dma_start3A_333 : memref<1x!tpu.dma_semaphore, #tpu.memory_space<semaphore_mem>> -> memref<!tpu.dma_semaphore, #tpu.memory_space<semaphore_mem>>
        %dma_start3A_335 = arith.constant 0 : i32
        %dma_start3A_336 = tpu.memref_slice %arg9[%rem3A_324, %dma_start3A_335] : memref<6x128xi32, #tpu.memory_space<vmem>> -> memref<1x128xi32, #tpu.memory_space<vmem>>
        %dma_start3A_337 = tpu.memref_squeeze %dma_start3A_336 : memref<1x128xi32, #tpu.memory_space<vmem>> -> memref<128xi32, #tpu.memory_space<vmem>>
        %dma_start3A_338 = arith.constant 0 : i32
        %dma_start3A_339 = tpu.memref_slice %arg3[%add3A, %add3A_326, %dma_start3A_338] : memref<32x80x128xi32, #tpu.memory_space<hbm>> -> memref<1x1x128xi32, #tpu.memory_space<hbm>>
        %dma_start3A_340 = tpu.memref_squeeze %dma_start3A_339 : memref<1x1x128xi32, #tpu.memory_space<hbm>> -> memref<128xi32, #tpu.memory_space<hbm>>
        tpu.enqueue_dma source(%dma_start3A_340 : memref<128xi32, #tpu.memory_space<hbm>>) target(%dma_start3A_337 : memref<128xi32, #tpu.memory_space<vmem>>) target_semaphore(%dma_start3A_334 : memref<!tpu.dma_semaphore, #tpu.memory_space<semaphore_mem>>)
      } else {
      }
      %dma_wait3A_289 = arith.constant 0 : i32
      %dma_wait3A_290 = arith.constant 0 : i32
      %dma_wait3A_291 = arith.constant 0 : i32
      %dma_wait3A_292 = tpu.memref_slice %arg11[%rem3A_284, %dma_wait3A_290, %dma_wait3A_291] : memref<4x128x16xf32, #tpu.memory_space<vmem>> -> memref<1x128x16xf32, #tpu.memory_space<vmem>>
      %dma_wait3A_293 = tpu.memref_squeeze %dma_wait3A_292 : memref<1x128x16xf32, #tpu.memory_space<vmem>> -> memref<128x16xf32, #tpu.memory_space<vmem>>
      %dma_wait3A_294 = arith.constant 0 : i32
      %dma_wait3A_295 = tpu.memref_slice %arg9[%dma_wait3A_289, %dma_wait3A_294] : memref<6x128xi32, #tpu.memory_space<vmem>> -> memref<1x128xi32, #tpu.memory_space<vmem>>
      %dma_wait3A_296 = tpu.memref_squeeze %dma_wait3A_295 : memref<1x128xi32, #tpu.memory_space<vmem>> -> memref<128xi32, #tpu.memory_space<vmem>>
      %dma_wait3A_297 = arith.constant 0 : i32
      %dma_wait3A_298 = arith.constant 0 : i32
      %dma_wait3A_299 = tpu.memref_slice %arg8[%dma_wait3A_297, %dma_wait3A_298] : memref<10240x16xf32, #tpu.memory_space<vmem_shared>> -> memref<10240x16xf32, #tpu.memory_space<vmem_shared>>
      %dma_wait3A_300 = tpu.memref_slice %arg14[%rem3A_284] : memref<4x!tpu.dma_semaphore, #tpu.memory_space<semaphore_mem>> -> memref<1x!tpu.dma_semaphore, #tpu.memory_space<semaphore_mem>>
      %dma_wait3A_301 = tpu.memref_squeeze %dma_wait3A_300 : memref<1x!tpu.dma_semaphore, #tpu.memory_space<semaphore_mem>> -> memref<!tpu.dma_semaphore, #tpu.memory_space<semaphore_mem>>
      tpu.wait_indirect_dma semaphore(%dma_wait3A_301 : memref<!tpu.dma_semaphore, #tpu.memory_space<semaphore_mem>>) src(%dma_wait3A_299 : memref<10240x16xf32, #tpu.memory_space<vmem_shared>>) dst(%dma_wait3A_293 : memref<128x16xf32, #tpu.memory_space<vmem>>)
      %dma_start3A_302 = arith.constant 0 : i32
      %dma_start3A_303 = arith.constant 0 : i32
      %dma_start3A_304 = tpu.memref_slice %arg11[%rem3A_284, %dma_start3A_302, %dma_start3A_303] : memref<4x128x16xf32, #tpu.memory_space<vmem>> -> memref<1x128x16xf32, #tpu.memory_space<vmem>>
      %dma_start3A_305 = tpu.memref_squeeze %dma_start3A_304 : memref<1x128x16xf32, #tpu.memory_space<vmem>> -> memref<128x16xf32, #tpu.memory_space<vmem>>
      %dma_start3A_306 = arith.constant 0 : i32
      %dma_start3A_307 = tpu.memref_slice %arg10[%scan3A_283, %dma_start3A_306] : memref<80x128xi32, #tpu.memory_space<vmem>> -> memref<1x128xi32, #tpu.memory_space<vmem>>
      %dma_start3A_308 = tpu.memref_squeeze %dma_start3A_307 : memref<1x128xi32, #tpu.memory_space<vmem>> -> memref<128xi32, #tpu.memory_space<vmem>>
      %dma_start3A_309 = arith.constant 0 : i32
      %dma_start3A_310 = arith.constant 0 : i32
      %dma_start3A_311 = tpu.memref_slice %arg7[%dma_start3A_309, %dma_start3A_310] : memref<10240x16xf32, #tpu.memory_space<vmem_shared>> -> memref<10240x16xf32, #tpu.memory_space<vmem_shared>>
      %dma_start3A_312 = tpu.memref_slice %arg15[%rem3A_284] : memref<4x!tpu.dma_semaphore, #tpu.memory_space<semaphore_mem>> -> memref<1x!tpu.dma_semaphore, #tpu.memory_space<semaphore_mem>>
      %dma_start3A_313 = tpu.memref_squeeze %dma_start3A_312 : memref<1x!tpu.dma_semaphore, #tpu.memory_space<semaphore_mem>> -> memref<!tpu.dma_semaphore, #tpu.memory_space<semaphore_mem>>
      tpu.enqueue_indirect_dma source(%dma_start3A_305 : memref<128x16xf32, #tpu.memory_space<vmem>>) target(%dma_start3A_311 : memref<10240x16xf32, #tpu.memory_space<vmem_shared>>) offsets(%dma_start3A_308 : memref<128xi32, #tpu.memory_space<vmem>>) semaphore(%dma_start3A_313 : memref<!tpu.dma_semaphore, #tpu.memory_space<semaphore_mem>>) {add = true}
      %add3A_314 = arith.constant 3 : i32
      %add3A_315 = arith.addi %scan3A_283, %add3A_314 : i32
      %lt3A_316 = arith.constant 80 : i32
      %lt3A_317 = arith.cmpi slt, %add3A_315, %lt3A_316 : i32
      %convert_element_type3A_318 = arith.extui %lt3A_317 : i1 to i32
      %cond3A_319 = arith.constant 0 : i32
      %cond3A_320 = arith.cmpi ne, %convert_element_type3A_318, %cond3A_319 : i32
      scf.if %cond3A_320 {
        %add3A_321 = arith.constant 3 : i32
        %add3A_322 = arith.addi %scan3A_283, %add3A_321 : i32
        %rem3A_323 = arith.constant 4 : i32
        %rem3A_324 = arith.remsi %add3A_322, %rem3A_323 : i32
        %ge3A = arith.constant 1 : i32
        %ge3A_325 = arith.cmpi sge, %scan3A_283, %ge3A : i32
        %convert_element_type3A_326 = arith.extui %ge3A_325 : i1 to i32
        %cond3A_327 = arith.constant 0 : i32
        %cond3A_328 = arith.cmpi ne, %convert_element_type3A_326, %cond3A_327 : i32
        scf.if %cond3A_328 {
          %dma_wait3A_360 = arith.constant 0 : i32
          %dma_wait3A_361 = arith.constant 0 : i32
          %dma_wait3A_362 = arith.constant 0 : i32
          %dma_wait3A_363 = tpu.memref_slice %arg11[%rem3A_324, %dma_wait3A_361, %dma_wait3A_362] : memref<4x128x16xf32, #tpu.memory_space<vmem>> -> memref<1x128x16xf32, #tpu.memory_space<vmem>>
          %dma_wait3A_364 = tpu.memref_squeeze %dma_wait3A_363 : memref<1x128x16xf32, #tpu.memory_space<vmem>> -> memref<128x16xf32, #tpu.memory_space<vmem>>
          %dma_wait3A_365 = arith.constant 0 : i32
          %dma_wait3A_366 = tpu.memref_slice %arg10[%dma_wait3A_360, %dma_wait3A_365] : memref<80x128xi32, #tpu.memory_space<vmem>> -> memref<1x128xi32, #tpu.memory_space<vmem>>
          %dma_wait3A_367 = tpu.memref_squeeze %dma_wait3A_366 : memref<1x128xi32, #tpu.memory_space<vmem>> -> memref<128xi32, #tpu.memory_space<vmem>>
          %dma_wait3A_368 = arith.constant 0 : i32
          %dma_wait3A_369 = arith.constant 0 : i32
          %dma_wait3A_370 = tpu.memref_slice %arg7[%dma_wait3A_368, %dma_wait3A_369] : memref<10240x16xf32, #tpu.memory_space<vmem_shared>> -> memref<10240x16xf32, #tpu.memory_space<vmem_shared>>
          %dma_wait3A_371 = tpu.memref_slice %arg15[%rem3A_324] : memref<4x!tpu.dma_semaphore, #tpu.memory_space<semaphore_mem>> -> memref<1x!tpu.dma_semaphore, #tpu.memory_space<semaphore_mem>>
          %dma_wait3A_372 = tpu.memref_squeeze %dma_wait3A_371 : memref<1x!tpu.dma_semaphore, #tpu.memory_space<semaphore_mem>> -> memref<!tpu.dma_semaphore, #tpu.memory_space<semaphore_mem>>
          tpu.wait_indirect_dma semaphore(%dma_wait3A_372 : memref<!tpu.dma_semaphore, #tpu.memory_space<semaphore_mem>>) src(%dma_wait3A_364 : memref<128x16xf32, #tpu.memory_space<vmem>>) dst(%dma_wait3A_370 : memref<10240x16xf32, #tpu.memory_space<vmem_shared>>)
        } else {
        }
        %add3A_329 = arith.constant 3 : i32
        %add3A_330 = arith.addi %scan3A_283, %add3A_329 : i32
        %rem3A_331 = arith.constant 6 : i32
        %rem3A_332 = arith.remsi %add3A_330, %rem3A_331 : i32
        %dma_wait3A_333 = arith.constant 0 : i32
        %dma_wait3A_334 = arith.constant 0 : i32
        %dma_wait3A_335 = tpu.memref_slice %arg9[%rem3A_332, %dma_wait3A_334] : memref<6x128xi32, #tpu.memory_space<vmem>> -> memref<1x128xi32, #tpu.memory_space<vmem>>
        %dma_wait3A_336 = tpu.memref_squeeze %dma_wait3A_335 : memref<1x128xi32, #tpu.memory_space<vmem>> -> memref<128xi32, #tpu.memory_space<vmem>>
        %dma_wait3A_337 = arith.constant 0 : i32
        %dma_wait3A_338 = tpu.memref_slice %arg3[%add3A, %dma_wait3A_333, %dma_wait3A_337] : memref<32x80x128xi32, #tpu.memory_space<hbm>> -> memref<1x1x128xi32, #tpu.memory_space<hbm>>
        %dma_wait3A_339 = tpu.memref_squeeze %dma_wait3A_338 : memref<1x1x128xi32, #tpu.memory_space<hbm>> -> memref<128xi32, #tpu.memory_space<hbm>>
        %dma_wait3A_340 = tpu.memref_slice %arg12[%rem3A_332] : memref<6x!tpu.dma_semaphore, #tpu.memory_space<semaphore_mem>> -> memref<1x!tpu.dma_semaphore, #tpu.memory_space<semaphore_mem>>
        %dma_wait3A_341 = tpu.memref_squeeze %dma_wait3A_340 : memref<1x!tpu.dma_semaphore, #tpu.memory_space<semaphore_mem>> -> memref<!tpu.dma_semaphore, #tpu.memory_space<semaphore_mem>>
        %dma_wait3A_342 = arith.constant 0 : i32
        %dma_wait3A_343 = tpu.memref_slice %arg9[%rem3A_332, %dma_wait3A_342] : memref<6x128xi32, #tpu.memory_space<vmem>> -> memref<1x128xi32, #tpu.memory_space<vmem>>
        %dma_wait3A_344 = tpu.memref_squeeze %dma_wait3A_343 : memref<1x128xi32, #tpu.memory_space<vmem>> -> memref<128xi32, #tpu.memory_space<vmem>>
        %dma_wait3A_345 = arith.constant 0 : i32
        %dma_wait3A_346 = tpu.memref_slice %arg3[%add3A, %dma_wait3A_333, %dma_wait3A_345] : memref<32x80x128xi32, #tpu.memory_space<hbm>> -> memref<1x1x128xi32, #tpu.memory_space<hbm>>
        %dma_wait3A_347 = tpu.memref_squeeze %dma_wait3A_346 : memref<1x1x128xi32, #tpu.memory_space<hbm>> -> memref<128xi32, #tpu.memory_space<hbm>>
        tpu.wait_dma2 semaphore(%dma_wait3A_341 : memref<!tpu.dma_semaphore, #tpu.memory_space<semaphore_mem>>) src(%dma_wait3A_347 : memref<128xi32, #tpu.memory_space<hbm>>) dst(%dma_wait3A_344 : memref<128xi32, #tpu.memory_space<vmem>>)
        %dma_start3A_348 = arith.constant 0 : i32
        %dma_start3A_349 = arith.constant 0 : i32
        %dma_start3A_350 = tpu.memref_slice %arg11[%rem3A_324, %dma_start3A_348, %dma_start3A_349] : memref<4x128x16xf32, #tpu.memory_space<vmem>> -> memref<1x128x16xf32, #tpu.memory_space<vmem>>
        %dma_start3A_351 = tpu.memref_squeeze %dma_start3A_350 : memref<1x128x16xf32, #tpu.memory_space<vmem>> -> memref<128x16xf32, #tpu.memory_space<vmem>>
        %dma_start3A_352 = arith.constant 0 : i32
        %dma_start3A_353 = tpu.memref_slice %arg9[%rem3A_332, %dma_start3A_352] : memref<6x128xi32, #tpu.memory_space<vmem>> -> memref<1x128xi32, #tpu.memory_space<vmem>>
        %dma_start3A_354 = tpu.memref_squeeze %dma_start3A_353 : memref<1x128xi32, #tpu.memory_space<vmem>> -> memref<128xi32, #tpu.memory_space<vmem>>
        %dma_start3A_355 = arith.constant 0 : i32
        %dma_start3A_356 = arith.constant 0 : i32
        %dma_start3A_357 = tpu.memref_slice %arg8[%dma_start3A_355, %dma_start3A_356] : memref<10240x16xf32, #tpu.memory_space<vmem_shared>> -> memref<10240x16xf32, #tpu.memory_space<vmem_shared>>
        %dma_start3A_358 = tpu.memref_slice %arg14[%rem3A_324] : memref<4x!tpu.dma_semaphore, #tpu.memory_space<semaphore_mem>> -> memref<1x!tpu.dma_semaphore, #tpu.memory_space<semaphore_mem>>
        %dma_start3A_359 = tpu.memref_squeeze %dma_start3A_358 : memref<1x!tpu.dma_semaphore, #tpu.memory_space<semaphore_mem>> -> memref<!tpu.dma_semaphore, #tpu.memory_space<semaphore_mem>>
        tpu.enqueue_indirect_dma source(%dma_start3A_357 : memref<10240x16xf32, #tpu.memory_space<vmem_shared>>) target(%dma_start3A_351 : memref<128x16xf32, #tpu.memory_space<vmem>>) offsets(%dma_start3A_354 : memref<128xi32, #tpu.memory_space<vmem>>) semaphore(%dma_start3A_359 : memref<!tpu.dma_semaphore, #tpu.memory_space<semaphore_mem>>)
      } else {
      }
    }
    %scan3A_214 = arith.constant 80 : i32
    %dma_wait3A_215 = arith.constant 0 : i32
    %dma_wait3A_216 = arith.constant 0 : i32
    %dma_wait3A_217 = arith.constant 0 : i32
    %dma_wait3A_218 = arith.constant 0 : i32
    %dma_wait3A_219 = arith.constant 0 : i32
    %dma_wait3A_220 = tpu.memref_slice %arg11[%dma_wait3A_215, %dma_wait3A_218, %dma_wait3A_219] : memref<4x128x16xf32, #tpu.memory_space<vmem>> -> memref<1x128x16xf32, #tpu.memory_space<vmem>>
    %dma_wait3A_221 = tpu.memref_squeeze %dma_wait3A_220 : memref<1x128x16xf32, #tpu.memory_space<vmem>> -> memref<128x16xf32, #tpu.memory_space<vmem>>
    %dma_wait3A_222 = arith.constant 0 : i32
    %dma_wait3A_223 = tpu.memref_slice %arg10[%dma_wait3A_216, %dma_wait3A_222] : memref<80x128xi32, #tpu.memory_space<vmem>> -> memref<1x128xi32, #tpu.memory_space<vmem>>
    %dma_wait3A_224 = tpu.memref_squeeze %dma_wait3A_223 : memref<1x128xi32, #tpu.memory_space<vmem>> -> memref<128xi32, #tpu.memory_space<vmem>>
    %dma_wait3A_225 = arith.constant 0 : i32
    %dma_wait3A_226 = arith.constant 0 : i32
    %dma_wait3A_227 = tpu.memref_slice %arg7[%dma_wait3A_225, %dma_wait3A_226] : memref<10240x16xf32, #tpu.memory_space<vmem_shared>> -> memref<10240x16xf32, #tpu.memory_space<vmem_shared>>
    %dma_wait3A_228 = tpu.memref_slice %arg15[%dma_wait3A_217] : memref<4x!tpu.dma_semaphore, #tpu.memory_space<semaphore_mem>> -> memref<1x!tpu.dma_semaphore, #tpu.memory_space<semaphore_mem>>
    %dma_wait3A_229 = tpu.memref_squeeze %dma_wait3A_228 : memref<1x!tpu.dma_semaphore, #tpu.memory_space<semaphore_mem>> -> memref<!tpu.dma_semaphore, #tpu.memory_space<semaphore_mem>>
    tpu.wait_indirect_dma semaphore(%dma_wait3A_229 : memref<!tpu.dma_semaphore, #tpu.memory_space<semaphore_mem>>) src(%dma_wait3A_221 : memref<128x16xf32, #tpu.memory_space<vmem>>) dst(%dma_wait3A_227 : memref<10240x16xf32, #tpu.memory_space<vmem_shared>>)
    %dma_wait3A_230 = arith.constant 1 : i32
    %dma_wait3A_231 = arith.constant 0 : i32
    %dma_wait3A_232 = arith.constant 1 : i32
    %dma_wait3A_233 = arith.constant 0 : i32
    %dma_wait3A_234 = arith.constant 0 : i32
    %dma_wait3A_235 = tpu.memref_slice %arg11[%dma_wait3A_230, %dma_wait3A_233, %dma_wait3A_234] : memref<4x128x16xf32, #tpu.memory_space<vmem>> -> memref<1x128x16xf32, #tpu.memory_space<vmem>>
    %dma_wait3A_236 = tpu.memref_squeeze %dma_wait3A_235 : memref<1x128x16xf32, #tpu.memory_space<vmem>> -> memref<128x16xf32, #tpu.memory_space<vmem>>
    %dma_wait3A_237 = arith.constant 0 : i32
    %dma_wait3A_238 = tpu.memref_slice %arg10[%dma_wait3A_231, %dma_wait3A_237] : memref<80x128xi32, #tpu.memory_space<vmem>> -> memref<1x128xi32, #tpu.memory_space<vmem>>
    %dma_wait3A_239 = tpu.memref_squeeze %dma_wait3A_238 : memref<1x128xi32, #tpu.memory_space<vmem>> -> memref<128xi32, #tpu.memory_space<vmem>>
    %dma_wait3A_240 = arith.constant 0 : i32
    %dma_wait3A_241 = arith.constant 0 : i32
    %dma_wait3A_242 = tpu.memref_slice %arg7[%dma_wait3A_240, %dma_wait3A_241] : memref<10240x16xf32, #tpu.memory_space<vmem_shared>> -> memref<10240x16xf32, #tpu.memory_space<vmem_shared>>
    %dma_wait3A_243 = tpu.memref_slice %arg15[%dma_wait3A_232] : memref<4x!tpu.dma_semaphore, #tpu.memory_space<semaphore_mem>> -> memref<1x!tpu.dma_semaphore, #tpu.memory_space<semaphore_mem>>
    %dma_wait3A_244 = tpu.memref_squeeze %dma_wait3A_243 : memref<1x!tpu.dma_semaphore, #tpu.memory_space<semaphore_mem>> -> memref<!tpu.dma_semaphore, #tpu.memory_space<semaphore_mem>>
    tpu.wait_indirect_dma semaphore(%dma_wait3A_244 : memref<!tpu.dma_semaphore, #tpu.memory_space<semaphore_mem>>) src(%dma_wait3A_236 : memref<128x16xf32, #tpu.memory_space<vmem>>) dst(%dma_wait3A_242 : memref<10240x16xf32, #tpu.memory_space<vmem_shared>>)
    %dma_wait3A_245 = arith.constant 2 : i32
    %dma_wait3A_246 = arith.constant 0 : i32
    %dma_wait3A_247 = arith.constant 2 : i32
    %dma_wait3A_248 = arith.constant 0 : i32
    %dma_wait3A_249 = arith.constant 0 : i32
    %dma_wait3A_250 = tpu.memref_slice %arg11[%dma_wait3A_245, %dma_wait3A_248, %dma_wait3A_249] : memref<4x128x16xf32, #tpu.memory_space<vmem>> -> memref<1x128x16xf32, #tpu.memory_space<vmem>>
    %dma_wait3A_251 = tpu.memref_squeeze %dma_wait3A_250 : memref<1x128x16xf32, #tpu.memory_space<vmem>> -> memref<128x16xf32, #tpu.memory_space<vmem>>
    %dma_wait3A_252 = arith.constant 0 : i32
    %dma_wait3A_253 = tpu.memref_slice %arg10[%dma_wait3A_246, %dma_wait3A_252] : memref<80x128xi32, #tpu.memory_space<vmem>> -> memref<1x128xi32, #tpu.memory_space<vmem>>
    %dma_wait3A_254 = tpu.memref_squeeze %dma_wait3A_253 : memref<1x128xi32, #tpu.memory_space<vmem>> -> memref<128xi32, #tpu.memory_space<vmem>>
    %dma_wait3A_255 = arith.constant 0 : i32
    %dma_wait3A_256 = arith.constant 0 : i32
    %dma_wait3A_257 = tpu.memref_slice %arg7[%dma_wait3A_255, %dma_wait3A_256] : memref<10240x16xf32, #tpu.memory_space<vmem_shared>> -> memref<10240x16xf32, #tpu.memory_space<vmem_shared>>
    %dma_wait3A_258 = tpu.memref_slice %arg15[%dma_wait3A_247] : memref<4x!tpu.dma_semaphore, #tpu.memory_space<semaphore_mem>> -> memref<1x!tpu.dma_semaphore, #tpu.memory_space<semaphore_mem>>
    %dma_wait3A_259 = tpu.memref_squeeze %dma_wait3A_258 : memref<1x!tpu.dma_semaphore, #tpu.memory_space<semaphore_mem>> -> memref<!tpu.dma_semaphore, #tpu.memory_space<semaphore_mem>>
    tpu.wait_indirect_dma semaphore(%dma_wait3A_259 : memref<!tpu.dma_semaphore, #tpu.memory_space<semaphore_mem>>) src(%dma_wait3A_251 : memref<128x16xf32, #tpu.memory_space<vmem>>) dst(%dma_wait3A_257 : memref<10240x16xf32, #tpu.memory_space<vmem_shared>>)
    %dma_wait3A_260 = arith.constant 3 : i32
    %dma_wait3A_261 = arith.constant 0 : i32
    %dma_wait3A_262 = arith.constant 3 : i32
    %dma_wait3A_263 = arith.constant 0 : i32
    %dma_wait3A_264 = arith.constant 0 : i32
    %dma_wait3A_265 = tpu.memref_slice %arg11[%dma_wait3A_260, %dma_wait3A_263, %dma_wait3A_264] : memref<4x128x16xf32, #tpu.memory_space<vmem>> -> memref<1x128x16xf32, #tpu.memory_space<vmem>>
    %dma_wait3A_266 = tpu.memref_squeeze %dma_wait3A_265 : memref<1x128x16xf32, #tpu.memory_space<vmem>> -> memref<128x16xf32, #tpu.memory_space<vmem>>
    %dma_wait3A_267 = arith.constant 0 : i32
    %dma_wait3A_268 = tpu.memref_slice %arg10[%dma_wait3A_261, %dma_wait3A_267] : memref<80x128xi32, #tpu.memory_space<vmem>> -> memref<1x128xi32, #tpu.memory_space<vmem>>
    %dma_wait3A_269 = tpu.memref_squeeze %dma_wait3A_268 : memref<1x128xi32, #tpu.memory_space<vmem>> -> memref<128xi32, #tpu.memory_space<vmem>>
    %dma_wait3A_270 = arith.constant 0 : i32
    %dma_wait3A_271 = arith.constant 0 : i32
    %dma_wait3A_272 = tpu.memref_slice %arg7[%dma_wait3A_270, %dma_wait3A_271] : memref<10240x16xf32, #tpu.memory_space<vmem_shared>> -> memref<10240x16xf32, #tpu.memory_space<vmem_shared>>
    %dma_wait3A_273 = tpu.memref_slice %arg15[%dma_wait3A_262] : memref<4x!tpu.dma_semaphore, #tpu.memory_space<semaphore_mem>> -> memref<1x!tpu.dma_semaphore, #tpu.memory_space<semaphore_mem>>
    %dma_wait3A_274 = tpu.memref_squeeze %dma_wait3A_273 : memref<1x!tpu.dma_semaphore, #tpu.memory_space<semaphore_mem>> -> memref<!tpu.dma_semaphore, #tpu.memory_space<semaphore_mem>>
    tpu.wait_indirect_dma semaphore(%dma_wait3A_274 : memref<!tpu.dma_semaphore, #tpu.memory_space<semaphore_mem>>) src(%dma_wait3A_266 : memref<128x16xf32, #tpu.memory_space<vmem>>) dst(%dma_wait3A_272 : memref<10240x16xf32, #tpu.memory_space<vmem_shared>>)
    %barrier3A_275 = arith.constant 0 : index
    tpu.barrier barrier_id(%barrier3A_275)
    %mul3A_276 = arith.constant 640 : i32
    %mul3A_277 = arith.muli %arg1, %mul3A_276 : i32
    %mul3A_278 = arith.constant 10240 : i32
    %mul3A_279 = arith.muli %arg0, %mul3A_278 : i32
    %mul3A_280 = arith.constant 640 : i32
    %mul3A_281 = arith.muli %arg1, %mul3A_280 : i32
    %add3A_282 = arith.addi %mul3A_279, %mul3A_281 : i32
    "tpu.region"() ({
      %run_scoped3A = tpu.sem_alloc : memref<!tpu.dma_semaphore, #tpu.memory_space<semaphore_mem>>
      %dma_start3A_283 = arith.constant 0 : i32
      %dma_start3A_284 = tpu.memref_slice %arg6[%add3A_282, %dma_start3A_283] : memref<20480x16xf32, #tpu.memory_space<hbm>> -> memref<640x16xf32, #tpu.memory_space<hbm>>
      %dma_start3A_285 = arith.constant 0 : i32
      %dma_start3A_286 = tpu.memref_slice %arg7[%mul3A_277, %dma_start3A_285] : memref<10240x16xf32, #tpu.memory_space<vmem_shared>> -> memref<640x16xf32, #tpu.memory_space<vmem_shared>>
      tpu.enqueue_dma source(%dma_start3A_286 : memref<640x16xf32, #tpu.memory_space<vmem_shared>>) target(%dma_start3A_284 : memref<640x16xf32, #tpu.memory_space<hbm>>) target_semaphore(%run_scoped3A : memref<!tpu.dma_semaphore, #tpu.memory_space<semaphore_mem>>)
      %dma_wait3A_287 = arith.constant 0 : i32
      %dma_wait3A_288 = tpu.memref_slice %arg6[%add3A_282, %dma_wait3A_287] : memref<20480x16xf32, #tpu.memory_space<hbm>> -> memref<640x16xf32, #tpu.memory_space<hbm>>
      %dma_wait3A_289 = arith.constant 0 : i32
      %dma_wait3A_290 = tpu.memref_slice %arg7[%mul3A_277, %dma_wait3A_289] : memref<10240x16xf32, #tpu.memory_space<vmem_shared>> -> memref<640x16xf32, #tpu.memory_space<vmem_shared>>
      tpu.wait_dma2 semaphore(%run_scoped3A : memref<!tpu.dma_semaphore, #tpu.memory_space<semaphore_mem>>) src(%dma_wait3A_290 : memref<640x16xf32, #tpu.memory_space<vmem_shared>>) dst(%dma_wait3A_288 : memref<640x16xf32, #tpu.memory_space<hbm>>)
      tpu.yield
    }) : () -> ()
    return
  }
}

#map = affine_map<(d0, d1) -> (0, 0)>
#map1 = affine_map<(d0, d1) -> (0, 0, 0)>
module attributes {stable_mosaic.version = 14 : i64} {
  func.func @segsum_kernel(%arg0: i32, %arg1: i32, %arg2: memref<10240x16xf32, #tpu.memory_space<hbm>>, %arg3: memref<32x80x128xi32, #tpu.memory_space<hbm>>, %arg4: memref<32x80x128xi32, #tpu.memory_space<hbm>>, %arg5: memref<10240x16xf32, #tpu.memory_space<hbm>>, %arg6: memref<20480x16xf32, #tpu.memory_space<hbm>>, %arg7: memref<10240x16xf32, #tpu.memory_space<vmem_shared>>, %arg8: memref<10240x16xf32, #tpu.memory_space<vmem_shared>>, %arg9: memref<6x128xi32, #tpu.memory_space<vmem>>, %arg10: memref<80x128xi32, #tpu.memory_space<vmem>>, %arg11: memref<4x128x16xf32, #tpu.memory_space<vmem>>, %arg12: memref<6x!tpu.dma_semaphore, #tpu.memory_space<semaphore_mem>>, %arg13: memref<1x!tpu.dma_semaphore, #tpu.memory_space<semaphore_mem>>, %arg14: memref<4x!tpu.dma_semaphore, #tpu.memory_space<semaphore_mem>>, %arg15: memref<4x!tpu.dma_semaphore, #tpu.memory_space<semaphore_mem>>) attributes {dimension_semantics = [#tpu.dimension_semantics<core_parallel>, #tpu.dimension_semantics<subcore_parallel>], iteration_bounds = array<i64: 2, 16>, scalar_prefetch = 0 : i64, scratch_operands = 9 : i64, tpu.core_type = #tpu.core_type<sc_vector_subcore>, window_params = [{transform_indices = #map}, {transform_indices = #map1}, {transform_indices = #map1}, {transform_indices = #map}, {transform_indices = #map}]} {
    %mul3A = arith.constant 2 : i32
    %mul3A_0 = arith.muli %arg1, %mul3A : i32
    %add3A = arith.addi %mul3A_0, %arg0 : i32
    %dma_start3A = arith.constant 0 : i32
    %dma_start3A_1 = arith.constant 0 : i32
    %dma_start3A_2 = arith.constant 0 : i32
    %dma_start3A_3 = tpu.memref_slice %arg4[%add3A, %dma_start3A_1, %dma_start3A_2] : memref<32x80x128xi32, #tpu.memory_space<hbm>> -> memref<1x80x128xi32, #tpu.memory_space<hbm>>
    %dma_start3A_4 = tpu.memref_squeeze %dma_start3A_3 : memref<1x80x128xi32, #tpu.memory_space<hbm>> -> memref<80x128xi32, #tpu.memory_space<hbm>>
    %dma_start3A_5 = tpu.memref_slice %arg13[%dma_start3A] : memref<1x!tpu.dma_semaphore, #tpu.memory_space<semaphore_mem>> -> memref<1x!tpu.dma_semaphore, #tpu.memory_space<semaphore_mem>>
    %dma_start3A_6 = tpu.memref_squeeze %dma_start3A_5 : memref<1x!tpu.dma_semaphore, #tpu.memory_space<semaphore_mem>> -> memref<!tpu.dma_semaphore, #tpu.memory_space<semaphore_mem>>
    %dma_start3A_7 = arith.constant 0 : i32
    %dma_start3A_8 = arith.constant 0 : i32
    %dma_start3A_9 = tpu.memref_slice %arg4[%add3A, %dma_start3A_7, %dma_start3A_8] : memref<32x80x128xi32, #tpu.memory_space<hbm>> -> memref<1x80x128xi32, #tpu.memory_space<hbm>>
    %dma_start3A_10 = tpu.memref_squeeze %dma_start3A_9 : memref<1x80x128xi32, #tpu.memory_space<hbm>> -> memref<80x128xi32, #tpu.memory_space<hbm>>
    tpu.enqueue_dma source(%dma_start3A_10 : memref<80x128xi32, #tpu.memory_space<hbm>>) target(%arg10 : memref<80x128xi32, #tpu.memory_space<vmem>>) target_semaphore(%dma_start3A_6 : memref<!tpu.dma_semaphore, #tpu.memory_space<semaphore_mem>>)
    %dma_start3A_11 = arith.constant 0 : i32
    %dma_start3A_12 = arith.constant 0 : i32
    %dma_start3A_13 = arith.constant 0 : i32
    %dma_start3A_14 = arith.constant 0 : i32
    %dma_start3A_15 = tpu.memref_slice %arg9[%dma_start3A_12, %dma_start3A_14] : memref<6x128xi32, #tpu.memory_space<vmem>> -> memref<1x128xi32, #tpu.memory_space<vmem>>
    %dma_start3A_16 = tpu.memref_squeeze %dma_start3A_15 : memref<1x128xi32, #tpu.memory_space<vmem>> -> memref<128xi32, #tpu.memory_space<vmem>>
    %dma_start3A_17 = arith.constant 0 : i32
    %dma_start3A_18 = tpu.memref_slice %arg3[%add3A, %dma_start3A_11, %dma_start3A_17] : memref<32x80x128xi32, #tpu.memory_space<hbm>> -> memref<1x1x128xi32, #tpu.memory_space<hbm>>
    %dma_start3A_19 = tpu.memref_squeeze %dma_start3A_18 : memref<1x1x128xi32, #tpu.memory_space<hbm>> -> memref<128xi32, #tpu.memory_space<hbm>>
    %dma_start3A_20 = tpu.memref_slice %arg12[%dma_start3A_13] : memref<6x!tpu.dma_semaphore, #tpu.memory_space<semaphore_mem>> -> memref<1x!tpu.dma_semaphore, #tpu.memory_space<semaphore_mem>>
    %dma_start3A_21 = tpu.memref_squeeze %dma_start3A_20 : memref<1x!tpu.dma_semaphore, #tpu.memory_space<semaphore_mem>> -> memref<!tpu.dma_semaphore, #tpu.memory_space<semaphore_mem>>
    %dma_start3A_22 = arith.constant 0 : i32
    %dma_start3A_23 = tpu.memref_slice %arg9[%dma_start3A_12, %dma_start3A_22] : memref<6x128xi32, #tpu.memory_space<vmem>> -> memref<1x128xi32, #tpu.memory_space<vmem>>
    %dma_start3A_24 = tpu.memref_squeeze %dma_start3A_23 : memref<1x128xi32, #tpu.memory_space<vmem>> -> memref<128xi32, #tpu.memory_space<vmem>>
    %dma_start3A_25 = arith.constant 0 : i32
    %dma_start3A_26 = tpu.memref_slice %arg3[%add3A, %dma_start3A_11, %dma_start3A_25] : memref<32x80x128xi32, #tpu.memory_space<hbm>> -> memref<1x1x128xi32, #tpu.memory_space<hbm>>
    %dma_start3A_27 = tpu.memref_squeeze %dma_start3A_26 : memref<1x1x128xi32, #tpu.memory_space<hbm>> -> memref<128xi32, #tpu.memory_space<hbm>>
    tpu.enqueue_dma source(%dma_start3A_27 : memref<128xi32, #tpu.memory_space<hbm>>) target(%dma_start3A_24 : memref<128xi32, #tpu.memory_space<vmem>>) target_semaphore(%dma_start3A_21 : memref<!tpu.dma_semaphore, #tpu.memory_space<semaphore_mem>>)
    %dma_start3A_28 = arith.constant 1 : i32
    %dma_start3A_29 = arith.constant 1 : i32
    %dma_start3A_30 = arith.constant 1 : i32
    %dma_start3A_31 = arith.constant 0 : i32
    %dma_start3A_32 = tpu.memref_slice %arg9[%dma_start3A_29, %dma_start3A_31] : memref<6x128xi32, #tpu.memory_space<vmem>> -> memref<1x128xi32, #tpu.memory_space<vmem>>
    %dma_start3A_33 = tpu.memref_squeeze %dma_start3A_32 : memref<1x128xi32, #tpu.memory_space<vmem>> -> memref<128xi32, #tpu.memory_space<vmem>>
    %dma_start3A_34 = arith.constant 0 : i32
    %dma_start3A_35 = tpu.memref_slice %arg3[%add3A, %dma_start3A_28, %dma_start3A_34] : memref<32x80x128xi32, #tpu.memory_space<hbm>> -> memref<1x1x128xi32, #tpu.memory_space<hbm>>
    %dma_start3A_36 = tpu.memref_squeeze %dma_start3A_35 : memref<1x1x128xi32, #tpu.memory_space<hbm>> -> memref<128xi32, #tpu.memory_space<hbm>>
    %dma_start3A_37 = tpu.memref_slice %arg12[%dma_start3A_30] : memref<6x!tpu.dma_semaphore, #tpu.memory_space<semaphore_mem>> -> memref<1x!tpu.dma_semaphore, #tpu.memory_space<semaphore_mem>>
    %dma_start3A_38 = tpu.memref_squeeze %dma_start3A_37 : memref<1x!tpu.dma_semaphore, #tpu.memory_space<semaphore_mem>> -> memref<!tpu.dma_semaphore, #tpu.memory_space<semaphore_mem>>
    %dma_start3A_39 = arith.constant 0 : i32
    %dma_start3A_40 = tpu.memref_slice %arg9[%dma_start3A_29, %dma_start3A_39] : memref<6x128xi32, #tpu.memory_space<vmem>> -> memref<1x128xi32, #tpu.memory_space<vmem>>
    %dma_start3A_41 = tpu.memref_squeeze %dma_start3A_40 : memref<1x128xi32, #tpu.memory_space<vmem>> -> memref<128xi32, #tpu.memory_space<vmem>>
    %dma_start3A_42 = arith.constant 0 : i32
    %dma_start3A_43 = tpu.memref_slice %arg3[%add3A, %dma_start3A_28, %dma_start3A_42] : memref<32x80x128xi32, #tpu.memory_space<hbm>> -> memref<1x1x128xi32, #tpu.memory_space<hbm>>
    %dma_start3A_44 = tpu.memref_squeeze %dma_start3A_43 : memref<1x1x128xi32, #tpu.memory_space<hbm>> -> memref<128xi32, #tpu.memory_space<hbm>>
    tpu.enqueue_dma source(%dma_start3A_44 : memref<128xi32, #tpu.memory_space<hbm>>) target(%dma_start3A_41 : memref<128xi32, #tpu.memory_space<vmem>>) target_semaphore(%dma_start3A_38 : memref<!tpu.dma_semaphore, #tpu.memory_space<semaphore_mem>>)
    %dma_start3A_45 = arith.constant 2 : i32
    %dma_start3A_46 = arith.constant 2 : i32
    %dma_start3A_47 = arith.constant 2 : i32
    %dma_start3A_48 = arith.constant 0 : i32
    %dma_start3A_49 = tpu.memref_slice %arg9[%dma_start3A_46, %dma_start3A_48] : memref<6x128xi32, #tpu.memory_space<vmem>> -> memref<1x128xi32, #tpu.memory_space<vmem>>
    %dma_start3A_50 = tpu.memref_squeeze %dma_start3A_49 : memref<1x128xi32, #tpu.memory_space<vmem>> -> memref<128xi32, #tpu.memory_space<vmem>>
    %dma_start3A_51 = arith.constant 0 : i32
    %dma_start3A_52 = tpu.memref_slice %arg3[%add3A, %dma_start3A_45, %dma_start3A_51] : memref<32x80x128xi32, #tpu.memory_space<hbm>> -> memref<1x1x128xi32, #tpu.memory_space<hbm>>
    %dma_start3A_53 = tpu.memref_squeeze %dma_start3A_52 : memref<1x1x128xi32, #tpu.memory_space<hbm>> -> memref<128xi32, #tpu.memory_space<hbm>>
    %dma_start3A_54 = tpu.memref_slice %arg12[%dma_start3A_47] : memref<6x!tpu.dma_semaphore, #tpu.memory_space<semaphore_mem>> -> memref<1x!tpu.dma_semaphore, #tpu.memory_space<semaphore_mem>>
    %dma_start3A_55 = tpu.memref_squeeze %dma_start3A_54 : memref<1x!tpu.dma_semaphore, #tpu.memory_space<semaphore_mem>> -> memref<!tpu.dma_semaphore, #tpu.memory_space<semaphore_mem>>
    %dma_start3A_56 = arith.constant 0 : i32
    %dma_start3A_57 = tpu.memref_slice %arg9[%dma_start3A_46, %dma_start3A_56] : memref<6x128xi32, #tpu.memory_space<vmem>> -> memref<1x128xi32, #tpu.memory_space<vmem>>
    %dma_start3A_58 = tpu.memref_squeeze %dma_start3A_57 : memref<1x128xi32, #tpu.memory_space<vmem>> -> memref<128xi32, #tpu.memory_space<vmem>>
    %dma_start3A_59 = arith.constant 0 : i32
    %dma_start3A_60 = tpu.memref_slice %arg3[%add3A, %dma_start3A_45, %dma_start3A_59] : memref<32x80x128xi32, #tpu.memory_space<hbm>> -> memref<1x1x128xi32, #tpu.memory_space<hbm>>
    %dma_start3A_61 = tpu.memref_squeeze %dma_start3A_60 : memref<1x1x128xi32, #tpu.memory_space<hbm>> -> memref<128xi32, #tpu.memory_space<hbm>>
    tpu.enqueue_dma source(%dma_start3A_61 : memref<128xi32, #tpu.memory_space<hbm>>) target(%dma_start3A_58 : memref<128xi32, #tpu.memory_space<vmem>>) target_semaphore(%dma_start3A_55 : memref<!tpu.dma_semaphore, #tpu.memory_space<semaphore_mem>>)
    %dma_start3A_62 = arith.constant 3 : i32
    %dma_start3A_63 = arith.constant 3 : i32
    %dma_start3A_64 = arith.constant 3 : i32
    %dma_start3A_65 = arith.constant 0 : i32
    %dma_start3A_66 = tpu.memref_slice %arg9[%dma_start3A_63, %dma_start3A_65] : memref<6x128xi32, #tpu.memory_space<vmem>> -> memref<1x128xi32, #tpu.memory_space<vmem>>
    %dma_start3A_67 = tpu.memref_squeeze %dma_start3A_66 : memref<1x128xi32, #tpu.memory_space<vmem>> -> memref<128xi32, #tpu.memory_space<vmem>>
    %dma_start3A_68 = arith.constant 0 : i32
    %dma_start3A_69 = tpu.memref_slice %arg3[%add3A, %dma_start3A_62, %dma_start3A_68] : memref<32x80x128xi32, #tpu.memory_space<hbm>> -> memref<1x1x128xi32, #tpu.memory_space<hbm>>
    %dma_start3A_70 = tpu.memref_squeeze %dma_start3A_69 : memref<1x1x128xi32, #tpu.memory_space<hbm>> -> memref<128xi32, #tpu.memory_space<hbm>>
    %dma_start3A_71 = tpu.memref_slice %arg12[%dma_start3A_64] : memref<6x!tpu.dma_semaphore, #tpu.memory_space<semaphore_mem>> -> memref<1x!tpu.dma_semaphore, #tpu.memory_space<semaphore_mem>>
    %dma_start3A_72 = tpu.memref_squeeze %dma_start3A_71 : memref<1x!tpu.dma_semaphore, #tpu.memory_space<semaphore_mem>> -> memref<!tpu.dma_semaphore, #tpu.memory_space<semaphore_mem>>
    %dma_start3A_73 = arith.constant 0 : i32
    %dma_start3A_74 = tpu.memref_slice %arg9[%dma_start3A_63, %dma_start3A_73] : memref<6x128xi32, #tpu.memory_space<vmem>> -> memref<1x128xi32, #tpu.memory_space<vmem>>
    %dma_start3A_75 = tpu.memref_squeeze %dma_start3A_74 : memref<1x128xi32, #tpu.memory_space<vmem>> -> memref<128xi32, #tpu.memory_space<vmem>>
    %dma_start3A_76 = arith.constant 0 : i32
    %dma_start3A_77 = tpu.memref_slice %arg3[%add3A, %dma_start3A_62, %dma_start3A_76] : memref<32x80x128xi32, #tpu.memory_space<hbm>> -> memref<1x1x128xi32, #tpu.memory_space<hbm>>
    %dma_start3A_78 = tpu.memref_squeeze %dma_start3A_77 : memref<1x1x128xi32, #tpu.memory_space<hbm>> -> memref<128xi32, #tpu.memory_space<hbm>>
    tpu.enqueue_dma source(%dma_start3A_78 : memref<128xi32, #tpu.memory_space<hbm>>) target(%dma_start3A_75 : memref<128xi32, #tpu.memory_space<vmem>>) target_semaphore(%dma_start3A_72 : memref<!tpu.dma_semaphore, #tpu.memory_space<semaphore_mem>>)
    %dma_start3A_79 = arith.constant 4 : i32
    %dma_start3A_80 = arith.constant 4 : i32
    %dma_start3A_81 = arith.constant 4 : i32
    %dma_start3A_82 = arith.constant 0 : i32
    %dma_start3A_83 = tpu.memref_slice %arg9[%dma_start3A_80, %dma_start3A_82] : memref<6x128xi32, #tpu.memory_space<vmem>> -> memref<1x128xi32, #tpu.memory_space<vmem>>
    %dma_start3A_84 = tpu.memref_squeeze %dma_start3A_83 : memref<1x128xi32, #tpu.memory_space<vmem>> -> memref<128xi32, #tpu.memory_space<vmem>>
    %dma_start3A_85 = arith.constant 0 : i32
    %dma_start3A_86 = tpu.memref_slice %arg3[%add3A, %dma_start3A_79, %dma_start3A_85] : memref<32x80x128xi32, #tpu.memory_space<hbm>> -> memref<1x1x128xi32, #tpu.memory_space<hbm>>
    %dma_start3A_87 = tpu.memref_squeeze %dma_start3A_86 : memref<1x1x128xi32, #tpu.memory_space<hbm>> -> memref<128xi32, #tpu.memory_space<hbm>>
    %dma_start3A_88 = tpu.memref_slice %arg12[%dma_start3A_81] : memref<6x!tpu.dma_semaphore, #tpu.memory_space<semaphore_mem>> -> memref<1x!tpu.dma_semaphore, #tpu.memory_space<semaphore_mem>>
    %dma_start3A_89 = tpu.memref_squeeze %dma_start3A_88 : memref<1x!tpu.dma_semaphore, #tpu.memory_space<semaphore_mem>> -> memref<!tpu.dma_semaphore, #tpu.memory_space<semaphore_mem>>
    %dma_start3A_90 = arith.constant 0 : i32
    %dma_start3A_91 = tpu.memref_slice %arg9[%dma_start3A_80, %dma_start3A_90] : memref<6x128xi32, #tpu.memory_space<vmem>> -> memref<1x128xi32, #tpu.memory_space<vmem>>
    %dma_start3A_92 = tpu.memref_squeeze %dma_start3A_91 : memref<1x128xi32, #tpu.memory_space<vmem>> -> memref<128xi32, #tpu.memory_space<vmem>>
    %dma_start3A_93 = arith.constant 0 : i32
    %dma_start3A_94 = tpu.memref_slice %arg3[%add3A, %dma_start3A_79, %dma_start3A_93] : memref<32x80x128xi32, #tpu.memory_space<hbm>> -> memref<1x1x128xi32, #tpu.memory_space<hbm>>
    %dma_start3A_95 = tpu.memref_squeeze %dma_start3A_94 : memref<1x1x128xi32, #tpu.memory_space<hbm>> -> memref<128xi32, #tpu.memory_space<hbm>>
    tpu.enqueue_dma source(%dma_start3A_95 : memref<128xi32, #tpu.memory_space<hbm>>) target(%dma_start3A_92 : memref<128xi32, #tpu.memory_space<vmem>>) target_semaphore(%dma_start3A_89 : memref<!tpu.dma_semaphore, #tpu.memory_space<semaphore_mem>>)
    %mul3A_96 = arith.constant 640 : i32
    %mul3A_97 = arith.muli %arg1, %mul3A_96 : i32
    %mul3A_98 = arith.constant 640 : i32
    %mul3A_99 = arith.muli %arg1, %mul3A_98 : i32
    "tpu.region"() ({
      %run_scoped3A = tpu.sem_alloc : memref<!tpu.dma_semaphore, #tpu.memory_space<semaphore_mem>>
      %dma_start3A_283 = arith.constant 0 : i32
      %dma_start3A_284 = tpu.memref_slice %arg7[%mul3A_99, %dma_start3A_283] : memref<10240x16xf32, #tpu.memory_space<vmem_shared>> -> memref<640x16xf32, #tpu.memory_space<vmem_shared>>
      %dma_start3A_285 = arith.constant 0 : i32
      %dma_start3A_286 = tpu.memref_slice %arg5[%mul3A_97, %dma_start3A_285] : memref<10240x16xf32, #tpu.memory_space<hbm>> -> memref<640x16xf32, #tpu.memory_space<hbm>>
      tpu.enqueue_dma source(%dma_start3A_286 : memref<640x16xf32, #tpu.memory_space<hbm>>) target(%dma_start3A_284 : memref<640x16xf32, #tpu.memory_space<vmem_shared>>) target_semaphore(%run_scoped3A : memref<!tpu.dma_semaphore, #tpu.memory_space<semaphore_mem>>)
      %dma_wait3A_287 = arith.constant 0 : i32
      %dma_wait3A_288 = tpu.memref_slice %arg7[%mul3A_99, %dma_wait3A_287] : memref<10240x16xf32, #tpu.memory_space<vmem_shared>> -> memref<640x16xf32, #tpu.memory_space<vmem_shared>>
      %dma_wait3A_289 = arith.constant 0 : i32
      %dma_wait3A_290 = tpu.memref_slice %arg5[%mul3A_97, %dma_wait3A_289] : memref<10240x16xf32, #tpu.memory_space<hbm>> -> memref<640x16xf32, #tpu.memory_space<hbm>>
      tpu.wait_dma2 semaphore(%run_scoped3A : memref<!tpu.dma_semaphore, #tpu.memory_space<semaphore_mem>>) src(%dma_wait3A_290 : memref<640x16xf32, #tpu.memory_space<hbm>>) dst(%dma_wait3A_288 : memref<640x16xf32, #tpu.memory_space<vmem_shared>>)
      tpu.yield
    }) : () -> ()
    %mul3A_100 = arith.constant 640 : i32
    %mul3A_101 = arith.muli %arg1, %mul3A_100 : i32
    %mul3A_102 = arith.constant 640 : i32
    %mul3A_103 = arith.muli %arg1, %mul3A_102 : i32
    "tpu.region"() ({
      %run_scoped3A = tpu.sem_alloc : memref<!tpu.dma_semaphore, #tpu.memory_space<semaphore_mem>>
      %dma_start3A_283 = arith.constant 0 : i32
      %dma_start3A_284 = tpu.memref_slice %arg8[%mul3A_103, %dma_start3A_283] : memref<10240x16xf32, #tpu.memory_space<vmem_shared>> -> memref<640x16xf32, #tpu.memory_space<vmem_shared>>
      %dma_start3A_285 = arith.constant 0 : i32
      %dma_start3A_286 = tpu.memref_slice %arg2[%mul3A_101, %dma_start3A_285] : memref<10240x16xf32, #tpu.memory_space<hbm>> -> memref<640x16xf32, #tpu.memory_space<hbm>>
      tpu.enqueue_dma source(%dma_start3A_286 : memref<640x16xf32, #tpu.memory_space<hbm>>) target(%dma_start3A_284 : memref<640x16xf32, #tpu.memory_space<vmem_shared>>) target_semaphore(%run_scoped3A : memref<!tpu.dma_semaphore, #tpu.memory_space<semaphore_mem>>)
      %dma_wait3A_287 = arith.constant 0 : i32
      %dma_wait3A_288 = tpu.memref_slice %arg8[%mul3A_103, %dma_wait3A_287] : memref<10240x16xf32, #tpu.memory_space<vmem_shared>> -> memref<640x16xf32, #tpu.memory_space<vmem_shared>>
      %dma_wait3A_289 = arith.constant 0 : i32
      %dma_wait3A_290 = tpu.memref_slice %arg2[%mul3A_101, %dma_wait3A_289] : memref<10240x16xf32, #tpu.memory_space<hbm>> -> memref<640x16xf32, #tpu.memory_space<hbm>>
      tpu.wait_dma2 semaphore(%run_scoped3A : memref<!tpu.dma_semaphore, #tpu.memory_space<semaphore_mem>>) src(%dma_wait3A_290 : memref<640x16xf32, #tpu.memory_space<hbm>>) dst(%dma_wait3A_288 : memref<640x16xf32, #tpu.memory_space<vmem_shared>>)
      tpu.yield
    }) : () -> ()
    %dma_wait3A = arith.constant 0 : i32
    %dma_wait3A_104 = arith.constant 0 : i32
    %dma_wait3A_105 = arith.constant 0 : i32
    %dma_wait3A_106 = tpu.memref_slice %arg4[%add3A, %dma_wait3A_104, %dma_wait3A_105] : memref<32x80x128xi32, #tpu.memory_space<hbm>> -> memref<1x80x128xi32, #tpu.memory_space<hbm>>
    %dma_wait3A_107 = tpu.memref_squeeze %dma_wait3A_106 : memref<1x80x128xi32, #tpu.memory_space<hbm>> -> memref<80x128xi32, #tpu.memory_space<hbm>>
    %dma_wait3A_108 = tpu.memref_slice %arg13[%dma_wait3A] : memref<1x!tpu.dma_semaphore, #tpu.memory_space<semaphore_mem>> -> memref<1x!tpu.dma_semaphore, #tpu.memory_space<semaphore_mem>>
    %dma_wait3A_109 = tpu.memref_squeeze %dma_wait3A_108 : memref<1x!tpu.dma_semaphore, #tpu.memory_space<semaphore_mem>> -> memref<!tpu.dma_semaphore, #tpu.memory_space<semaphore_mem>>
    %dma_wait3A_110 = arith.constant 0 : i32
    %dma_wait3A_111 = arith.constant 0 : i32
    %dma_wait3A_112 = tpu.memref_slice %arg4[%add3A, %dma_wait3A_110, %dma_wait3A_111] : memref<32x80x128xi32, #tpu.memory_space<hbm>> -> memref<1x80x128xi32, #tpu.memory_space<hbm>>
    %dma_wait3A_113 = tpu.memref_squeeze %dma_wait3A_112 : memref<1x80x128xi32, #tpu.memory_space<hbm>> -> memref<80x128xi32, #tpu.memory_space<hbm>>
    tpu.wait_dma2 semaphore(%dma_wait3A_109 : memref<!tpu.dma_semaphore, #tpu.memory_space<semaphore_mem>>) src(%dma_wait3A_113 : memref<80x128xi32, #tpu.memory_space<hbm>>) dst(%arg10 : memref<80x128xi32, #tpu.memory_space<vmem>>)
    %barrier3A = arith.constant 0 : index
    tpu.barrier barrier_id(%barrier3A)
    %dma_wait3A_114 = arith.constant 0 : i32
    %dma_wait3A_115 = arith.constant 0 : i32
    %dma_wait3A_116 = arith.constant 0 : i32
    %dma_wait3A_117 = arith.constant 0 : i32
    %dma_wait3A_118 = tpu.memref_slice %arg9[%dma_wait3A_115, %dma_wait3A_117] : memref<6x128xi32, #tpu.memory_space<vmem>> -> memref<1x128xi32, #tpu.memory_space<vmem>>
    %dma_wait3A_119 = tpu.memref_squeeze %dma_wait3A_118 : memref<1x128xi32, #tpu.memory_space<vmem>> -> memref<128xi32, #tpu.memory_space<vmem>>
    %dma_wait3A_120 = arith.constant 0 : i32
    %dma_wait3A_121 = tpu.memref_slice %arg3[%add3A, %dma_wait3A_114, %dma_wait3A_120] : memref<32x80x128xi32, #tpu.memory_space<hbm>> -> memref<1x1x128xi32, #tpu.memory_space<hbm>>
    %dma_wait3A_122 = tpu.memref_squeeze %dma_wait3A_121 : memref<1x1x128xi32, #tpu.memory_space<hbm>> -> memref<128xi32, #tpu.memory_space<hbm>>
    %dma_wait3A_123 = tpu.memref_slice %arg12[%dma_wait3A_116] : memref<6x!tpu.dma_semaphore, #tpu.memory_space<semaphore_mem>> -> memref<1x!tpu.dma_semaphore, #tpu.memory_space<semaphore_mem>>
    %dma_wait3A_124 = tpu.memref_squeeze %dma_wait3A_123 : memref<1x!tpu.dma_semaphore, #tpu.memory_space<semaphore_mem>> -> memref<!tpu.dma_semaphore, #tpu.memory_space<semaphore_mem>>
    %dma_wait3A_125 = arith.constant 0 : i32
    %dma_wait3A_126 = tpu.memref_slice %arg9[%dma_wait3A_115, %dma_wait3A_125] : memref<6x128xi32, #tpu.memory_space<vmem>> -> memref<1x128xi32, #tpu.memory_space<vmem>>
    %dma_wait3A_127 = tpu.memref_squeeze %dma_wait3A_126 : memref<1x128xi32, #tpu.memory_space<vmem>> -> memref<128xi32, #tpu.memory_space<vmem>>
    %dma_wait3A_128 = arith.constant 0 : i32
    %dma_wait3A_129 = tpu.memref_slice %arg3[%add3A, %dma_wait3A_114, %dma_wait3A_128] : memref<32x80x128xi32, #tpu.memory_space<hbm>> -> memref<1x1x128xi32, #tpu.memory_space<hbm>>
    %dma_wait3A_130 = tpu.memref_squeeze %dma_wait3A_129 : memref<1x1x128xi32, #tpu.memory_space<hbm>> -> memref<128xi32, #tpu.memory_space<hbm>>
    tpu.wait_dma2 semaphore(%dma_wait3A_124 : memref<!tpu.dma_semaphore, #tpu.memory_space<semaphore_mem>>) src(%dma_wait3A_130 : memref<128xi32, #tpu.memory_space<hbm>>) dst(%dma_wait3A_127 : memref<128xi32, #tpu.memory_space<vmem>>)
    %dma_start3A_131 = arith.constant 0 : i32
    %dma_start3A_132 = arith.constant 0 : i32
    %dma_start3A_133 = arith.constant 0 : i32
    %dma_start3A_134 = arith.constant 0 : i32
    %dma_start3A_135 = arith.constant 0 : i32
    %dma_start3A_136 = tpu.memref_slice %arg11[%dma_start3A_132, %dma_start3A_134, %dma_start3A_135] : memref<4x128x16xf32, #tpu.memory_space<vmem>> -> memref<1x128x16xf32, #tpu.memory_space<vmem>>
    %dma_start3A_137 = tpu.memref_squeeze %dma_start3A_136 : memref<1x128x16xf32, #tpu.memory_space<vmem>> -> memref<128x16xf32, #tpu.memory_space<vmem>>
    %dma_start3A_138 = arith.constant 0 : i32
    %dma_start3A_139 = tpu.memref_slice %arg9[%dma_start3A_131, %dma_start3A_138] : memref<6x128xi32, #tpu.memory_space<vmem>> -> memref<1x128xi32, #tpu.memory_space<vmem>>
    %dma_start3A_140 = tpu.memref_squeeze %dma_start3A_139 : memref<1x128xi32, #tpu.memory_space<vmem>> -> memref<128xi32, #tpu.memory_space<vmem>>
    %dma_start3A_141 = arith.constant 0 : i32
    %dma_start3A_142 = arith.constant 0 : i32
    %dma_start3A_143 = tpu.memref_slice %arg8[%dma_start3A_141, %dma_start3A_142] : memref<10240x16xf32, #tpu.memory_space<vmem_shared>> -> memref<10240x16xf32, #tpu.memory_space<vmem_shared>>
    %dma_start3A_144 = tpu.memref_slice %arg14[%dma_start3A_133] : memref<4x!tpu.dma_semaphore, #tpu.memory_space<semaphore_mem>> -> memref<1x!tpu.dma_semaphore, #tpu.memory_space<semaphore_mem>>
    %dma_start3A_145 = tpu.memref_squeeze %dma_start3A_144 : memref<1x!tpu.dma_semaphore, #tpu.memory_space<semaphore_mem>> -> memref<!tpu.dma_semaphore, #tpu.memory_space<semaphore_mem>>
    tpu.enqueue_indirect_dma source(%dma_start3A_143 : memref<10240x16xf32, #tpu.memory_space<vmem_shared>>) target(%dma_start3A_137 : memref<128x16xf32, #tpu.memory_space<vmem>>) offsets(%dma_start3A_140 : memref<128xi32, #tpu.memory_space<vmem>>) semaphore(%dma_start3A_145 : memref<!tpu.dma_semaphore, #tpu.memory_space<semaphore_mem>>)
    %dma_wait3A_146 = arith.constant 0 : i32
    %dma_wait3A_147 = arith.constant 1 : i32
    %dma_wait3A_148 = arith.constant 1 : i32
    %dma_wait3A_149 = arith.constant 0 : i32
    %dma_wait3A_150 = tpu.memref_slice %arg9[%dma_wait3A_147, %dma_wait3A_149] : memref<6x128xi32, #tpu.memory_space<vmem>> -> memref<1x128xi32, #tpu.memory_space<vmem>>
    %dma_wait3A_151 = tpu.memref_squeeze %dma_wait3A_150 : memref<1x128xi32, #tpu.memory_space<vmem>> -> memref<128xi32, #tpu.memory_space<vmem>>
    %dma_wait3A_152 = arith.constant 0 : i32
    %dma_wait3A_153 = tpu.memref_slice %arg3[%add3A, %dma_wait3A_146, %dma_wait3A_152] : memref<32x80x128xi32, #tpu.memory_space<hbm>> -> memref<1x1x128xi32, #tpu.memory_space<hbm>>
    %dma_wait3A_154 = tpu.memref_squeeze %dma_wait3A_153 : memref<1x1x128xi32, #tpu.memory_space<hbm>> -> memref<128xi32, #tpu.memory_space<hbm>>
    %dma_wait3A_155 = tpu.memref_slice %arg12[%dma_wait3A_148] : memref<6x!tpu.dma_semaphore, #tpu.memory_space<semaphore_mem>> -> memref<1x!tpu.dma_semaphore, #tpu.memory_space<semaphore_mem>>
    %dma_wait3A_156 = tpu.memref_squeeze %dma_wait3A_155 : memref<1x!tpu.dma_semaphore, #tpu.memory_space<semaphore_mem>> -> memref<!tpu.dma_semaphore, #tpu.memory_space<semaphore_mem>>
    %dma_wait3A_157 = arith.constant 0 : i32
    %dma_wait3A_158 = tpu.memref_slice %arg9[%dma_wait3A_147, %dma_wait3A_157] : memref<6x128xi32, #tpu.memory_space<vmem>> -> memref<1x128xi32, #tpu.memory_space<vmem>>
    %dma_wait3A_159 = tpu.memref_squeeze %dma_wait3A_158 : memref<1x128xi32, #tpu.memory_space<vmem>> -> memref<128xi32, #tpu.memory_space<vmem>>
    %dma_wait3A_160 = arith.constant 0 : i32
    %dma_wait3A_161 = tpu.memref_slice %arg3[%add3A, %dma_wait3A_146, %dma_wait3A_160] : memref<32x80x128xi32, #tpu.memory_space<hbm>> -> memref<1x1x128xi32, #tpu.memory_space<hbm>>
    %dma_wait3A_162 = tpu.memref_squeeze %dma_wait3A_161 : memref<1x1x128xi32, #tpu.memory_space<hbm>> -> memref<128xi32, #tpu.memory_space<hbm>>
    tpu.wait_dma2 semaphore(%dma_wait3A_156 : memref<!tpu.dma_semaphore, #tpu.memory_space<semaphore_mem>>) src(%dma_wait3A_162 : memref<128xi32, #tpu.memory_space<hbm>>) dst(%dma_wait3A_159 : memref<128xi32, #tpu.memory_space<vmem>>)
    %dma_start3A_163 = arith.constant 1 : i32
    %dma_start3A_164 = arith.constant 1 : i32
    %dma_start3A_165 = arith.constant 1 : i32
    %dma_start3A_166 = arith.constant 0 : i32
    %dma_start3A_167 = arith.constant 0 : i32
    %dma_start3A_168 = tpu.memref_slice %arg11[%dma_start3A_164, %dma_start3A_166, %dma_start3A_167] : memref<4x128x16xf32, #tpu.memory_space<vmem>> -> memref<1x128x16xf32, #tpu.memory_space<vmem>>
    %dma_start3A_169 = tpu.memref_squeeze %dma_start3A_168 : memref<1x128x16xf32, #tpu.memory_space<vmem>> -> memref<128x16xf32, #tpu.memory_space<vmem>>
    %dma_start3A_170 = arith.constant 0 : i32
    %dma_start3A_171 = tpu.memref_slice %arg9[%dma_start3A_163, %dma_start3A_170] : memref<6x128xi32, #tpu.memory_space<vmem>> -> memref<1x128xi32, #tpu.memory_space<vmem>>
    %dma_start3A_172 = tpu.memref_squeeze %dma_start3A_171 : memref<1x128xi32, #tpu.memory_space<vmem>> -> memref<128xi32, #tpu.memory_space<vmem>>
    %dma_start3A_173 = arith.constant 0 : i32
    %dma_start3A_174 = arith.constant 0 : i32
    %dma_start3A_175 = tpu.memref_slice %arg8[%dma_start3A_173, %dma_start3A_174] : memref<10240x16xf32, #tpu.memory_space<vmem_shared>> -> memref<10240x16xf32, #tpu.memory_space<vmem_shared>>
    %dma_start3A_176 = tpu.memref_slice %arg14[%dma_start3A_165] : memref<4x!tpu.dma_semaphore, #tpu.memory_space<semaphore_mem>> -> memref<1x!tpu.dma_semaphore, #tpu.memory_space<semaphore_mem>>
    %dma_start3A_177 = tpu.memref_squeeze %dma_start3A_176 : memref<1x!tpu.dma_semaphore, #tpu.memory_space<semaphore_mem>> -> memref<!tpu.dma_semaphore, #tpu.memory_space<semaphore_mem>>
    tpu.enqueue_indirect_dma source(%dma_start3A_175 : memref<10240x16xf32, #tpu.memory_space<vmem_shared>>) target(%dma_start3A_169 : memref<128x16xf32, #tpu.memory_space<vmem>>) offsets(%dma_start3A_172 : memref<128xi32, #tpu.memory_space<vmem>>) semaphore(%dma_start3A_177 : memref<!tpu.dma_semaphore, #tpu.memory_space<semaphore_mem>>)
    %dma_wait3A_178 = arith.constant 0 : i32
    %dma_wait3A_179 = arith.constant 2 : i32
    %dma_wait3A_180 = arith.constant 2 : i32
    %dma_wait3A_181 = arith.constant 0 : i32
    %dma_wait3A_182 = tpu.memref_slice %arg9[%dma_wait3A_179, %dma_wait3A_181] : memref<6x128xi32, #tpu.memory_space<vmem>> -> memref<1x128xi32, #tpu.memory_space<vmem>>
    %dma_wait3A_183 = tpu.memref_squeeze %dma_wait3A_182 : memref<1x128xi32, #tpu.memory_space<vmem>> -> memref<128xi32, #tpu.memory_space<vmem>>
    %dma_wait3A_184 = arith.constant 0 : i32
    %dma_wait3A_185 = tpu.memref_slice %arg3[%add3A, %dma_wait3A_178, %dma_wait3A_184] : memref<32x80x128xi32, #tpu.memory_space<hbm>> -> memref<1x1x128xi32, #tpu.memory_space<hbm>>
    %dma_wait3A_186 = tpu.memref_squeeze %dma_wait3A_185 : memref<1x1x128xi32, #tpu.memory_space<hbm>> -> memref<128xi32, #tpu.memory_space<hbm>>
    %dma_wait3A_187 = tpu.memref_slice %arg12[%dma_wait3A_180] : memref<6x!tpu.dma_semaphore, #tpu.memory_space<semaphore_mem>> -> memref<1x!tpu.dma_semaphore, #tpu.memory_space<semaphore_mem>>
    %dma_wait3A_188 = tpu.memref_squeeze %dma_wait3A_187 : memref<1x!tpu.dma_semaphore, #tpu.memory_space<semaphore_mem>> -> memref<!tpu.dma_semaphore, #tpu.memory_space<semaphore_mem>>
    %dma_wait3A_189 = arith.constant 0 : i32
    %dma_wait3A_190 = tpu.memref_slice %arg9[%dma_wait3A_179, %dma_wait3A_189] : memref<6x128xi32, #tpu.memory_space<vmem>> -> memref<1x128xi32, #tpu.memory_space<vmem>>
    %dma_wait3A_191 = tpu.memref_squeeze %dma_wait3A_190 : memref<1x128xi32, #tpu.memory_space<vmem>> -> memref<128xi32, #tpu.memory_space<vmem>>
    %dma_wait3A_192 = arith.constant 0 : i32
    %dma_wait3A_193 = tpu.memref_slice %arg3[%add3A, %dma_wait3A_178, %dma_wait3A_192] : memref<32x80x128xi32, #tpu.memory_space<hbm>> -> memref<1x1x128xi32, #tpu.memory_space<hbm>>
    %dma_wait3A_194 = tpu.memref_squeeze %dma_wait3A_193 : memref<1x1x128xi32, #tpu.memory_space<hbm>> -> memref<128xi32, #tpu.memory_space<hbm>>
    tpu.wait_dma2 semaphore(%dma_wait3A_188 : memref<!tpu.dma_semaphore, #tpu.memory_space<semaphore_mem>>) src(%dma_wait3A_194 : memref<128xi32, #tpu.memory_space<hbm>>) dst(%dma_wait3A_191 : memref<128xi32, #tpu.memory_space<vmem>>)
    %dma_start3A_195 = arith.constant 2 : i32
    %dma_start3A_196 = arith.constant 2 : i32
    %dma_start3A_197 = arith.constant 2 : i32
    %dma_start3A_198 = arith.constant 0 : i32
    %dma_start3A_199 = arith.constant 0 : i32
    %dma_start3A_200 = tpu.memref_slice %arg11[%dma_start3A_196, %dma_start3A_198, %dma_start3A_199] : memref<4x128x16xf32, #tpu.memory_space<vmem>> -> memref<1x128x16xf32, #tpu.memory_space<vmem>>
    %dma_start3A_201 = tpu.memref_squeeze %dma_start3A_200 : memref<1x128x16xf32, #tpu.memory_space<vmem>> -> memref<128x16xf32, #tpu.memory_space<vmem>>
    %dma_start3A_202 = arith.constant 0 : i32
    %dma_start3A_203 = tpu.memref_slice %arg9[%dma_start3A_195, %dma_start3A_202] : memref<6x128xi32, #tpu.memory_space<vmem>> -> memref<1x128xi32, #tpu.memory_space<vmem>>
    %dma_start3A_204 = tpu.memref_squeeze %dma_start3A_203 : memref<1x128xi32, #tpu.memory_space<vmem>> -> memref<128xi32, #tpu.memory_space<vmem>>
    %dma_start3A_205 = arith.constant 0 : i32
    %dma_start3A_206 = arith.constant 0 : i32
    %dma_start3A_207 = tpu.memref_slice %arg8[%dma_start3A_205, %dma_start3A_206] : memref<10240x16xf32, #tpu.memory_space<vmem_shared>> -> memref<10240x16xf32, #tpu.memory_space<vmem_shared>>
    %dma_start3A_208 = tpu.memref_slice %arg14[%dma_start3A_197] : memref<4x!tpu.dma_semaphore, #tpu.memory_space<semaphore_mem>> -> memref<1x!tpu.dma_semaphore, #tpu.memory_space<semaphore_mem>>
    %dma_start3A_209 = tpu.memref_squeeze %dma_start3A_208 : memref<1x!tpu.dma_semaphore, #tpu.memory_space<semaphore_mem>> -> memref<!tpu.dma_semaphore, #tpu.memory_space<semaphore_mem>>
    tpu.enqueue_indirect_dma source(%dma_start3A_207 : memref<10240x16xf32, #tpu.memory_space<vmem_shared>>) target(%dma_start3A_201 : memref<128x16xf32, #tpu.memory_space<vmem>>) offsets(%dma_start3A_204 : memref<128xi32, #tpu.memory_space<vmem>>) semaphore(%dma_start3A_209 : memref<!tpu.dma_semaphore, #tpu.memory_space<semaphore_mem>>)
    %scan3A = arith.constant 0 : i32
    %scan3A_210 = arith.constant 0 : i32
    %scan3A_211 = arith.constant 80 : i32
    %scan3A_212 = arith.addi %scan3A_210, %scan3A_211 : i32
    %scan3A_213 = arith.constant 1 : i32
    scf.for %scan3A_283 = %scan3A_210 to %scan3A_212 step %scan3A_213  : i32 {
      %rem3A = arith.constant 4 : i32
      %rem3A_284 = arith.remsi %scan3A_283, %rem3A : i32
      %add3A_285 = arith.constant 5 : i32
      %add3A_286 = arith.addi %scan3A_283, %add3A_285 : i32
      %lt3A = arith.constant 80 : i32
      %lt3A_287 = arith.cmpi slt, %add3A_286, %lt3A : i32
      %convert_element_type3A = arith.extui %lt3A_287 : i1 to i32
      %cond3A = arith.constant 0 : i32
      %cond3A_288 = arith.cmpi ne, %convert_element_type3A, %cond3A : i32
      scf.if %cond3A_288 {
        %add3A_321 = arith.constant 5 : i32
        %add3A_322 = arith.addi %scan3A_283, %add3A_321 : i32
        %rem3A_323 = arith.constant 6 : i32
        %rem3A_324 = arith.remsi %add3A_322, %rem3A_323 : i32
        %add3A_325 = arith.constant 5 : i32
        %add3A_326 = arith.addi %scan3A_283, %add3A_325 : i32
        %dma_start3A_327 = arith.constant 0 : i32
        %dma_start3A_328 = tpu.memref_slice %arg9[%rem3A_324, %dma_start3A_327] : memref<6x128xi32, #tpu.memory_space<vmem>> -> memref<1x128xi32, #tpu.memory_space<vmem>>
        %dma_start3A_329 = tpu.memref_squeeze %dma_start3A_328 : memref<1x128xi32, #tpu.memory_space<vmem>> -> memref<128xi32, #tpu.memory_space<vmem>>
        %dma_start3A_330 = arith.constant 0 : i32
        %dma_start3A_331 = tpu.memref_slice %arg3[%add3A, %add3A_326, %dma_start3A_330] : memref<32x80x128xi32, #tpu.memory_space<hbm>> -> memref<1x1x128xi32, #tpu.memory_space<hbm>>
        %dma_start3A_332 = tpu.memref_squeeze %dma_start3A_331 : memref<1x1x128xi32, #tpu.memory_space<hbm>> -> memref<128xi32, #tpu.memory_space<hbm>>
        %dma_start3A_333 = tpu.memref_slice %arg12[%rem3A_324] : memref<6x!tpu.dma_semaphore, #tpu.memory_space<semaphore_mem>> -> memref<1x!tpu.dma_semaphore, #tpu.memory_space<semaphore_mem>>
        %dma_start3A_334 = tpu.memref_squeeze %dma_start3A_333 : memref<1x!tpu.dma_semaphore, #tpu.memory_space<semaphore_mem>> -> memref<!tpu.dma_semaphore, #tpu.memory_space<semaphore_mem>>
        %dma_start3A_335 = arith.constant 0 : i32
        %dma_start3A_336 = tpu.memref_slice %arg9[%rem3A_324, %dma_start3A_335] : memref<6x128xi32, #tpu.memory_space<vmem>> -> memref<1x128xi32, #tpu.memory_space<vmem>>
        %dma_start3A_337 = tpu.memref_squeeze %dma_start3A_336 : memref<1x128xi32, #tpu.memory_space<vmem>> -> memref<128xi32, #tpu.memory_space<vmem>>
        %dma_start3A_338 = arith.constant 0 : i32
        %dma_start3A_339 = tpu.memref_slice %arg3[%add3A, %add3A_326, %dma_start3A_338] : memref<32x80x128xi32, #tpu.memory_space<hbm>> -> memref<1x1x128xi32, #tpu.memory_space<hbm>>
        %dma_start3A_340 = tpu.memref_squeeze %dma_start3A_339 : memref<1x1x128xi32, #tpu.memory_space<hbm>> -> memref<128xi32, #tpu.memory_space<hbm>>
        tpu.enqueue_dma source(%dma_start3A_340 : memref<128xi32, #tpu.memory_space<hbm>>) target(%dma_start3A_337 : memref<128xi32, #tpu.memory_space<vmem>>) target_semaphore(%dma_start3A_334 : memref<!tpu.dma_semaphore, #tpu.memory_space<semaphore_mem>>)
      } else {
      }
      %dma_wait3A_289 = arith.constant 0 : i32
      %dma_wait3A_290 = arith.constant 0 : i32
      %dma_wait3A_291 = arith.constant 0 : i32
      %dma_wait3A_292 = tpu.memref_slice %arg11[%rem3A_284, %dma_wait3A_290, %dma_wait3A_291] : memref<4x128x16xf32, #tpu.memory_space<vmem>> -> memref<1x128x16xf32, #tpu.memory_space<vmem>>
      %dma_wait3A_293 = tpu.memref_squeeze %dma_wait3A_292 : memref<1x128x16xf32, #tpu.memory_space<vmem>> -> memref<128x16xf32, #tpu.memory_space<vmem>>
      %dma_wait3A_294 = arith.constant 0 : i32
      %dma_wait3A_295 = tpu.memref_slice %arg9[%dma_wait3A_289, %dma_wait3A_294] : memref<6x128xi32, #tpu.memory_space<vmem>> -> memref<1x128xi32, #tpu.memory_space<vmem>>
      %dma_wait3A_296 = tpu.memref_squeeze %dma_wait3A_295 : memref<1x128xi32, #tpu.memory_space<vmem>> -> memref<128xi32, #tpu.memory_space<vmem>>
      %dma_wait3A_297 = arith.constant 0 : i32
      %dma_wait3A_298 = arith.constant 0 : i32
      %dma_wait3A_299 = tpu.memref_slice %arg8[%dma_wait3A_297, %dma_wait3A_298] : memref<10240x16xf32, #tpu.memory_space<vmem_shared>> -> memref<10240x16xf32, #tpu.memory_space<vmem_shared>>
      %dma_wait3A_300 = tpu.memref_slice %arg14[%rem3A_284] : memref<4x!tpu.dma_semaphore, #tpu.memory_space<semaphore_mem>> -> memref<1x!tpu.dma_semaphore, #tpu.memory_space<semaphore_mem>>
      %dma_wait3A_301 = tpu.memref_squeeze %dma_wait3A_300 : memref<1x!tpu.dma_semaphore, #tpu.memory_space<semaphore_mem>> -> memref<!tpu.dma_semaphore, #tpu.memory_space<semaphore_mem>>
      tpu.wait_indirect_dma semaphore(%dma_wait3A_301 : memref<!tpu.dma_semaphore, #tpu.memory_space<semaphore_mem>>) src(%dma_wait3A_299 : memref<10240x16xf32, #tpu.memory_space<vmem_shared>>) dst(%dma_wait3A_293 : memref<128x16xf32, #tpu.memory_space<vmem>>)
      %dma_start3A_302 = arith.constant 0 : i32
      %dma_start3A_303 = arith.constant 0 : i32
      %dma_start3A_304 = tpu.memref_slice %arg11[%rem3A_284, %dma_start3A_302, %dma_start3A_303] : memref<4x128x16xf32, #tpu.memory_space<vmem>> -> memref<1x128x16xf32, #tpu.memory_space<vmem>>
      %dma_start3A_305 = tpu.memref_squeeze %dma_start3A_304 : memref<1x128x16xf32, #tpu.memory_space<vmem>> -> memref<128x16xf32, #tpu.memory_space<vmem>>
      %dma_start3A_306 = arith.constant 0 : i32
      %dma_start3A_307 = tpu.memref_slice %arg10[%scan3A_283, %dma_start3A_306] : memref<80x128xi32, #tpu.memory_space<vmem>> -> memref<1x128xi32, #tpu.memory_space<vmem>>
      %dma_start3A_308 = tpu.memref_squeeze %dma_start3A_307 : memref<1x128xi32, #tpu.memory_space<vmem>> -> memref<128xi32, #tpu.memory_space<vmem>>
      %dma_start3A_309 = arith.constant 0 : i32
      %dma_start3A_310 = arith.constant 0 : i32
      %dma_start3A_311 = tpu.memref_slice %arg7[%dma_start3A_309, %dma_start3A_310] : memref<10240x16xf32, #tpu.memory_space<vmem_shared>> -> memref<10240x16xf32, #tpu.memory_space<vmem_shared>>
      %dma_start3A_312 = tpu.memref_slice %arg15[%rem3A_284] : memref<4x!tpu.dma_semaphore, #tpu.memory_space<semaphore_mem>> -> memref<1x!tpu.dma_semaphore, #tpu.memory_space<semaphore_mem>>
      %dma_start3A_313 = tpu.memref_squeeze %dma_start3A_312 : memref<1x!tpu.dma_semaphore, #tpu.memory_space<semaphore_mem>> -> memref<!tpu.dma_semaphore, #tpu.memory_space<semaphore_mem>>
      tpu.enqueue_indirect_dma source(%dma_start3A_305 : memref<128x16xf32, #tpu.memory_space<vmem>>) target(%dma_start3A_311 : memref<10240x16xf32, #tpu.memory_space<vmem_shared>>) offsets(%dma_start3A_308 : memref<128xi32, #tpu.memory_space<vmem>>) semaphore(%dma_start3A_313 : memref<!tpu.dma_semaphore, #tpu.memory_space<semaphore_mem>>) {add = true}
      %add3A_314 = arith.constant 3 : i32
      %add3A_315 = arith.addi %scan3A_283, %add3A_314 : i32
      %lt3A_316 = arith.constant 80 : i32
      %lt3A_317 = arith.cmpi slt, %add3A_315, %lt3A_316 : i32
      %convert_element_type3A_318 = arith.extui %lt3A_317 : i1 to i32
      %cond3A_319 = arith.constant 0 : i32
      %cond3A_320 = arith.cmpi ne, %convert_element_type3A_318, %cond3A_319 : i32
      scf.if %cond3A_320 {
        %add3A_321 = arith.constant 3 : i32
        %add3A_322 = arith.addi %scan3A_283, %add3A_321 : i32
        %rem3A_323 = arith.constant 4 : i32
        %rem3A_324 = arith.remsi %add3A_322, %rem3A_323 : i32
        %ge3A = arith.constant 1 : i32
        %ge3A_325 = arith.cmpi sge, %scan3A_283, %ge3A : i32
        %convert_element_type3A_326 = arith.extui %ge3A_325 : i1 to i32
        %cond3A_327 = arith.constant 0 : i32
        %cond3A_328 = arith.cmpi ne, %convert_element_type3A_326, %cond3A_327 : i32
        scf.if %cond3A_328 {
          %dma_wait3A_360 = arith.constant 0 : i32
          %dma_wait3A_361 = arith.constant 0 : i32
          %dma_wait3A_362 = arith.constant 0 : i32
          %dma_wait3A_363 = tpu.memref_slice %arg11[%rem3A_324, %dma_wait3A_361, %dma_wait3A_362] : memref<4x128x16xf32, #tpu.memory_space<vmem>> -> memref<1x128x16xf32, #tpu.memory_space<vmem>>
          %dma_wait3A_364 = tpu.memref_squeeze %dma_wait3A_363 : memref<1x128x16xf32, #tpu.memory_space<vmem>> -> memref<128x16xf32, #tpu.memory_space<vmem>>
          %dma_wait3A_365 = arith.constant 0 : i32
          %dma_wait3A_366 = tpu.memref_slice %arg10[%dma_wait3A_360, %dma_wait3A_365] : memref<80x128xi32, #tpu.memory_space<vmem>> -> memref<1x128xi32, #tpu.memory_space<vmem>>
          %dma_wait3A_367 = tpu.memref_squeeze %dma_wait3A_366 : memref<1x128xi32, #tpu.memory_space<vmem>> -> memref<128xi32, #tpu.memory_space<vmem>>
          %dma_wait3A_368 = arith.constant 0 : i32
          %dma_wait3A_369 = arith.constant 0 : i32
          %dma_wait3A_370 = tpu.memref_slice %arg7[%dma_wait3A_368, %dma_wait3A_369] : memref<10240x16xf32, #tpu.memory_space<vmem_shared>> -> memref<10240x16xf32, #tpu.memory_space<vmem_shared>>
          %dma_wait3A_371 = tpu.memref_slice %arg15[%rem3A_324] : memref<4x!tpu.dma_semaphore, #tpu.memory_space<semaphore_mem>> -> memref<1x!tpu.dma_semaphore, #tpu.memory_space<semaphore_mem>>
          %dma_wait3A_372 = tpu.memref_squeeze %dma_wait3A_371 : memref<1x!tpu.dma_semaphore, #tpu.memory_space<semaphore_mem>> -> memref<!tpu.dma_semaphore, #tpu.memory_space<semaphore_mem>>
          tpu.wait_indirect_dma semaphore(%dma_wait3A_372 : memref<!tpu.dma_semaphore, #tpu.memory_space<semaphore_mem>>) src(%dma_wait3A_364 : memref<128x16xf32, #tpu.memory_space<vmem>>) dst(%dma_wait3A_370 : memref<10240x16xf32, #tpu.memory_space<vmem_shared>>)
        } else {
        }
        %add3A_329 = arith.constant 3 : i32
        %add3A_330 = arith.addi %scan3A_283, %add3A_329 : i32
        %rem3A_331 = arith.constant 6 : i32
        %rem3A_332 = arith.remsi %add3A_330, %rem3A_331 : i32
        %dma_wait3A_333 = arith.constant 0 : i32
        %dma_wait3A_334 = arith.constant 0 : i32
        %dma_wait3A_335 = tpu.memref_slice %arg9[%rem3A_332, %dma_wait3A_334] : memref<6x128xi32, #tpu.memory_space<vmem>> -> memref<1x128xi32, #tpu.memory_space<vmem>>
        %dma_wait3A_336 = tpu.memref_squeeze %dma_wait3A_335 : memref<1x128xi32, #tpu.memory_space<vmem>> -> memref<128xi32, #tpu.memory_space<vmem>>
        %dma_wait3A_337 = arith.constant 0 : i32
        %dma_wait3A_338 = tpu.memref_slice %arg3[%add3A, %dma_wait3A_333, %dma_wait3A_337] : memref<32x80x128xi32, #tpu.memory_space<hbm>> -> memref<1x1x128xi32, #tpu.memory_space<hbm>>
        %dma_wait3A_339 = tpu.memref_squeeze %dma_wait3A_338 : memref<1x1x128xi32, #tpu.memory_space<hbm>> -> memref<128xi32, #tpu.memory_space<hbm>>
        %dma_wait3A_340 = tpu.memref_slice %arg12[%rem3A_332] : memref<6x!tpu.dma_semaphore, #tpu.memory_space<semaphore_mem>> -> memref<1x!tpu.dma_semaphore, #tpu.memory_space<semaphore_mem>>
        %dma_wait3A_341 = tpu.memref_squeeze %dma_wait3A_340 : memref<1x!tpu.dma_semaphore, #tpu.memory_space<semaphore_mem>> -> memref<!tpu.dma_semaphore, #tpu.memory_space<semaphore_mem>>
        %dma_wait3A_342 = arith.constant 0 : i32
        %dma_wait3A_343 = tpu.memref_slice %arg9[%rem3A_332, %dma_wait3A_342] : memref<6x128xi32, #tpu.memory_space<vmem>> -> memref<1x128xi32, #tpu.memory_space<vmem>>
        %dma_wait3A_344 = tpu.memref_squeeze %dma_wait3A_343 : memref<1x128xi32, #tpu.memory_space<vmem>> -> memref<128xi32, #tpu.memory_space<vmem>>
        %dma_wait3A_345 = arith.constant 0 : i32
        %dma_wait3A_346 = tpu.memref_slice %arg3[%add3A, %dma_wait3A_333, %dma_wait3A_345] : memref<32x80x128xi32, #tpu.memory_space<hbm>> -> memref<1x1x128xi32, #tpu.memory_space<hbm>>
        %dma_wait3A_347 = tpu.memref_squeeze %dma_wait3A_346 : memref<1x1x128xi32, #tpu.memory_space<hbm>> -> memref<128xi32, #tpu.memory_space<hbm>>
        tpu.wait_dma2 semaphore(%dma_wait3A_341 : memref<!tpu.dma_semaphore, #tpu.memory_space<semaphore_mem>>) src(%dma_wait3A_347 : memref<128xi32, #tpu.memory_space<hbm>>) dst(%dma_wait3A_344 : memref<128xi32, #tpu.memory_space<vmem>>)
        %dma_start3A_348 = arith.constant 0 : i32
        %dma_start3A_349 = arith.constant 0 : i32
        %dma_start3A_350 = tpu.memref_slice %arg11[%rem3A_324, %dma_start3A_348, %dma_start3A_349] : memref<4x128x16xf32, #tpu.memory_space<vmem>> -> memref<1x128x16xf32, #tpu.memory_space<vmem>>
        %dma_start3A_351 = tpu.memref_squeeze %dma_start3A_350 : memref<1x128x16xf32, #tpu.memory_space<vmem>> -> memref<128x16xf32, #tpu.memory_space<vmem>>
        %dma_start3A_352 = arith.constant 0 : i32
        %dma_start3A_353 = tpu.memref_slice %arg9[%rem3A_332, %dma_start3A_352] : memref<6x128xi32, #tpu.memory_space<vmem>> -> memref<1x128xi32, #tpu.memory_space<vmem>>
        %dma_start3A_354 = tpu.memref_squeeze %dma_start3A_353 : memref<1x128xi32, #tpu.memory_space<vmem>> -> memref<128xi32, #tpu.memory_space<vmem>>
        %dma_start3A_355 = arith.constant 0 : i32
        %dma_start3A_356 = arith.constant 0 : i32
        %dma_start3A_357 = tpu.memref_slice %arg8[%dma_start3A_355, %dma_start3A_356] : memref<10240x16xf32, #tpu.memory_space<vmem_shared>> -> memref<10240x16xf32, #tpu.memory_space<vmem_shared>>
        %dma_start3A_358 = tpu.memref_slice %arg14[%rem3A_324] : memref<4x!tpu.dma_semaphore, #tpu.memory_space<semaphore_mem>> -> memref<1x!tpu.dma_semaphore, #tpu.memory_space<semaphore_mem>>
        %dma_start3A_359 = tpu.memref_squeeze %dma_start3A_358 : memref<1x!tpu.dma_semaphore, #tpu.memory_space<semaphore_mem>> -> memref<!tpu.dma_semaphore, #tpu.memory_space<semaphore_mem>>
        tpu.enqueue_indirect_dma source(%dma_start3A_357 : memref<10240x16xf32, #tpu.memory_space<vmem_shared>>) target(%dma_start3A_351 : memref<128x16xf32, #tpu.memory_space<vmem>>) offsets(%dma_start3A_354 : memref<128xi32, #tpu.memory_space<vmem>>) semaphore(%dma_start3A_359 : memref<!tpu.dma_semaphore, #tpu.memory_space<semaphore_mem>>)
      } else {
      }
    }
    %scan3A_214 = arith.constant 80 : i32
    %dma_wait3A_215 = arith.constant 0 : i32
    %dma_wait3A_216 = arith.constant 0 : i32
    %dma_wait3A_217 = arith.constant 0 : i32
    %dma_wait3A_218 = arith.constant 0 : i32
    %dma_wait3A_219 = arith.constant 0 : i32
    %dma_wait3A_220 = tpu.memref_slice %arg11[%dma_wait3A_215, %dma_wait3A_218, %dma_wait3A_219] : memref<4x128x16xf32, #tpu.memory_space<vmem>> -> memref<1x128x16xf32, #tpu.memory_space<vmem>>
    %dma_wait3A_221 = tpu.memref_squeeze %dma_wait3A_220 : memref<1x128x16xf32, #tpu.memory_space<vmem>> -> memref<128x16xf32, #tpu.memory_space<vmem>>
    %dma_wait3A_222 = arith.constant 0 : i32
    %dma_wait3A_223 = tpu.memref_slice %arg10[%dma_wait3A_216, %dma_wait3A_222] : memref<80x128xi32, #tpu.memory_space<vmem>> -> memref<1x128xi32, #tpu.memory_space<vmem>>
    %dma_wait3A_224 = tpu.memref_squeeze %dma_wait3A_223 : memref<1x128xi32, #tpu.memory_space<vmem>> -> memref<128xi32, #tpu.memory_space<vmem>>
    %dma_wait3A_225 = arith.constant 0 : i32
    %dma_wait3A_226 = arith.constant 0 : i32
    %dma_wait3A_227 = tpu.memref_slice %arg7[%dma_wait3A_225, %dma_wait3A_226] : memref<10240x16xf32, #tpu.memory_space<vmem_shared>> -> memref<10240x16xf32, #tpu.memory_space<vmem_shared>>
    %dma_wait3A_228 = tpu.memref_slice %arg15[%dma_wait3A_217] : memref<4x!tpu.dma_semaphore, #tpu.memory_space<semaphore_mem>> -> memref<1x!tpu.dma_semaphore, #tpu.memory_space<semaphore_mem>>
    %dma_wait3A_229 = tpu.memref_squeeze %dma_wait3A_228 : memref<1x!tpu.dma_semaphore, #tpu.memory_space<semaphore_mem>> -> memref<!tpu.dma_semaphore, #tpu.memory_space<semaphore_mem>>
    tpu.wait_indirect_dma semaphore(%dma_wait3A_229 : memref<!tpu.dma_semaphore, #tpu.memory_space<semaphore_mem>>) src(%dma_wait3A_221 : memref<128x16xf32, #tpu.memory_space<vmem>>) dst(%dma_wait3A_227 : memref<10240x16xf32, #tpu.memory_space<vmem_shared>>)
    %dma_wait3A_230 = arith.constant 1 : i32
    %dma_wait3A_231 = arith.constant 0 : i32
    %dma_wait3A_232 = arith.constant 1 : i32
    %dma_wait3A_233 = arith.constant 0 : i32
    %dma_wait3A_234 = arith.constant 0 : i32
    %dma_wait3A_235 = tpu.memref_slice %arg11[%dma_wait3A_230, %dma_wait3A_233, %dma_wait3A_234] : memref<4x128x16xf32, #tpu.memory_space<vmem>> -> memref<1x128x16xf32, #tpu.memory_space<vmem>>
    %dma_wait3A_236 = tpu.memref_squeeze %dma_wait3A_235 : memref<1x128x16xf32, #tpu.memory_space<vmem>> -> memref<128x16xf32, #tpu.memory_space<vmem>>
    %dma_wait3A_237 = arith.constant 0 : i32
    %dma_wait3A_238 = tpu.memref_slice %arg10[%dma_wait3A_231, %dma_wait3A_237] : memref<80x128xi32, #tpu.memory_space<vmem>> -> memref<1x128xi32, #tpu.memory_space<vmem>>
    %dma_wait3A_239 = tpu.memref_squeeze %dma_wait3A_238 : memref<1x128xi32, #tpu.memory_space<vmem>> -> memref<128xi32, #tpu.memory_space<vmem>>
    %dma_wait3A_240 = arith.constant 0 : i32
    %dma_wait3A_241 = arith.constant 0 : i32
    %dma_wait3A_242 = tpu.memref_slice %arg7[%dma_wait3A_240, %dma_wait3A_241] : memref<10240x16xf32, #tpu.memory_space<vmem_shared>> -> memref<10240x16xf32, #tpu.memory_space<vmem_shared>>
    %dma_wait3A_243 = tpu.memref_slice %arg15[%dma_wait3A_232] : memref<4x!tpu.dma_semaphore, #tpu.memory_space<semaphore_mem>> -> memref<1x!tpu.dma_semaphore, #tpu.memory_space<semaphore_mem>>
    %dma_wait3A_244 = tpu.memref_squeeze %dma_wait3A_243 : memref<1x!tpu.dma_semaphore, #tpu.memory_space<semaphore_mem>> -> memref<!tpu.dma_semaphore, #tpu.memory_space<semaphore_mem>>
    tpu.wait_indirect_dma semaphore(%dma_wait3A_244 : memref<!tpu.dma_semaphore, #tpu.memory_space<semaphore_mem>>) src(%dma_wait3A_236 : memref<128x16xf32, #tpu.memory_space<vmem>>) dst(%dma_wait3A_242 : memref<10240x16xf32, #tpu.memory_space<vmem_shared>>)
    %dma_wait3A_245 = arith.constant 2 : i32
    %dma_wait3A_246 = arith.constant 0 : i32
    %dma_wait3A_247 = arith.constant 2 : i32
    %dma_wait3A_248 = arith.constant 0 : i32
    %dma_wait3A_249 = arith.constant 0 : i32
    %dma_wait3A_250 = tpu.memref_slice %arg11[%dma_wait3A_245, %dma_wait3A_248, %dma_wait3A_249] : memref<4x128x16xf32, #tpu.memory_space<vmem>> -> memref<1x128x16xf32, #tpu.memory_space<vmem>>
    %dma_wait3A_251 = tpu.memref_squeeze %dma_wait3A_250 : memref<1x128x16xf32, #tpu.memory_space<vmem>> -> memref<128x16xf32, #tpu.memory_space<vmem>>
    %dma_wait3A_252 = arith.constant 0 : i32
    %dma_wait3A_253 = tpu.memref_slice %arg10[%dma_wait3A_246, %dma_wait3A_252] : memref<80x128xi32, #tpu.memory_space<vmem>> -> memref<1x128xi32, #tpu.memory_space<vmem>>
    %dma_wait3A_254 = tpu.memref_squeeze %dma_wait3A_253 : memref<1x128xi32, #tpu.memory_space<vmem>> -> memref<128xi32, #tpu.memory_space<vmem>>
    %dma_wait3A_255 = arith.constant 0 : i32
    %dma_wait3A_256 = arith.constant 0 : i32
    %dma_wait3A_257 = tpu.memref_slice %arg7[%dma_wait3A_255, %dma_wait3A_256] : memref<10240x16xf32, #tpu.memory_space<vmem_shared>> -> memref<10240x16xf32, #tpu.memory_space<vmem_shared>>
    %dma_wait3A_258 = tpu.memref_slice %arg15[%dma_wait3A_247] : memref<4x!tpu.dma_semaphore, #tpu.memory_space<semaphore_mem>> -> memref<1x!tpu.dma_semaphore, #tpu.memory_space<semaphore_mem>>
    %dma_wait3A_259 = tpu.memref_squeeze %dma_wait3A_258 : memref<1x!tpu.dma_semaphore, #tpu.memory_space<semaphore_mem>> -> memref<!tpu.dma_semaphore, #tpu.memory_space<semaphore_mem>>
    tpu.wait_indirect_dma semaphore(%dma_wait3A_259 : memref<!tpu.dma_semaphore, #tpu.memory_space<semaphore_mem>>) src(%dma_wait3A_251 : memref<128x16xf32, #tpu.memory_space<vmem>>) dst(%dma_wait3A_257 : memref<10240x16xf32, #tpu.memory_space<vmem_shared>>)
    %dma_wait3A_260 = arith.constant 3 : i32
    %dma_wait3A_261 = arith.constant 0 : i32
    %dma_wait3A_262 = arith.constant 3 : i32
    %dma_wait3A_263 = arith.constant 0 : i32
    %dma_wait3A_264 = arith.constant 0 : i32
    %dma_wait3A_265 = tpu.memref_slice %arg11[%dma_wait3A_260, %dma_wait3A_263, %dma_wait3A_264] : memref<4x128x16xf32, #tpu.memory_space<vmem>> -> memref<1x128x16xf32, #tpu.memory_space<vmem>>
    %dma_wait3A_266 = tpu.memref_squeeze %dma_wait3A_265 : memref<1x128x16xf32, #tpu.memory_space<vmem>> -> memref<128x16xf32, #tpu.memory_space<vmem>>
    %dma_wait3A_267 = arith.constant 0 : i32
    %dma_wait3A_268 = tpu.memref_slice %arg10[%dma_wait3A_261, %dma_wait3A_267] : memref<80x128xi32, #tpu.memory_space<vmem>> -> memref<1x128xi32, #tpu.memory_space<vmem>>
    %dma_wait3A_269 = tpu.memref_squeeze %dma_wait3A_268 : memref<1x128xi32, #tpu.memory_space<vmem>> -> memref<128xi32, #tpu.memory_space<vmem>>
    %dma_wait3A_270 = arith.constant 0 : i32
    %dma_wait3A_271 = arith.constant 0 : i32
    %dma_wait3A_272 = tpu.memref_slice %arg7[%dma_wait3A_270, %dma_wait3A_271] : memref<10240x16xf32, #tpu.memory_space<vmem_shared>> -> memref<10240x16xf32, #tpu.memory_space<vmem_shared>>
    %dma_wait3A_273 = tpu.memref_slice %arg15[%dma_wait3A_262] : memref<4x!tpu.dma_semaphore, #tpu.memory_space<semaphore_mem>> -> memref<1x!tpu.dma_semaphore, #tpu.memory_space<semaphore_mem>>
    %dma_wait3A_274 = tpu.memref_squeeze %dma_wait3A_273 : memref<1x!tpu.dma_semaphore, #tpu.memory_space<semaphore_mem>> -> memref<!tpu.dma_semaphore, #tpu.memory_space<semaphore_mem>>
    tpu.wait_indirect_dma semaphore(%dma_wait3A_274 : memref<!tpu.dma_semaphore, #tpu.memory_space<semaphore_mem>>) src(%dma_wait3A_266 : memref<128x16xf32, #tpu.memory_space<vmem>>) dst(%dma_wait3A_272 : memref<10240x16xf32, #tpu.memory_space<vmem_shared>>)
    %barrier3A_275 = arith.constant 0 : index
    tpu.barrier barrier_id(%barrier3A_275)
    %mul3A_276 = arith.constant 640 : i32
    %mul3A_277 = arith.muli %arg1, %mul3A_276 : i32
    %mul3A_278 = arith.constant 10240 : i32
    %mul3A_279 = arith.muli %arg0, %mul3A_278 : i32
    %mul3A_280 = arith.constant 640 : i32
    %mul3A_281 = arith.muli %arg1, %mul3A_280 : i32
    %add3A_282 = arith.addi %mul3A_279, %mul3A_281 : i32
    "tpu.region"() ({
      %run_scoped3A = tpu.sem_alloc : memref<!tpu.dma_semaphore, #tpu.memory_space<semaphore_mem>>
      %dma_start3A_283 = arith.constant 0 : i32
      %dma_start3A_284 = tpu.memref_slice %arg6[%add3A_282, %dma_start3A_283] : memref<20480x16xf32, #tpu.memory_space<hbm>> -> memref<640x16xf32, #tpu.memory_space<hbm>>
      %dma_start3A_285 = arith.constant 0 : i32
      %dma_start3A_286 = tpu.memref_slice %arg7[%mul3A_277, %dma_start3A_285] : memref<10240x16xf32, #tpu.memory_space<vmem_shared>> -> memref<640x16xf32, #tpu.memory_space<vmem_shared>>
      tpu.enqueue_dma source(%dma_start3A_286 : memref<640x16xf32, #tpu.memory_space<vmem_shared>>) target(%dma_start3A_284 : memref<640x16xf32, #tpu.memory_space<hbm>>) target_semaphore(%run_scoped3A : memref<!tpu.dma_semaphore, #tpu.memory_space<semaphore_mem>>)
      %dma_wait3A_287 = arith.constant 0 : i32
      %dma_wait3A_288 = tpu.memref_slice %arg6[%add3A_282, %dma_wait3A_287] : memref<20480x16xf32, #tpu.memory_space<hbm>> -> memref<640x16xf32, #tpu.memory_space<hbm>>
      %dma_wait3A_289 = arith.constant 0 : i32
      %dma_wait3A_290 = tpu.memref_slice %arg7[%mul3A_277, %dma_wait3A_289] : memref<10240x16xf32, #tpu.memory_space<vmem_shared>> -> memref<640x16xf32, #tpu.memory_space<vmem_shared>>
      tpu.wait_dma2 semaphore(%run_scoped3A : memref<!tpu.dma_semaphore, #tpu.memory_space<semaphore_mem>>) src(%dma_wait3A_290 : memref<640x16xf32, #tpu.memory_space<vmem_shared>>) dst(%dma_wait3A_288 : memref<640x16xf32, #tpu.memory_space<hbm>>)
      tpu.yield
    }) : () -> ()
    return
  }
}

module attributes {stable_mosaic.version = 14 : i64} {
  func.func @_tc_first_body(%arg0: i32, %arg1: memref<2048x16xf32, #tpu.memory_space<vmem>>, %arg2: memref<2048x16xf32, #tpu.memory_space<vmem>>, %arg3: memref<2048x16xf32, #tpu.memory_space<vmem>>, %arg4: memref<2048x16xf32, #tpu.memory_space<vmem>>, %arg5: memref<2048x128xf32, #tpu.memory_space<vmem>>, %arg6: memref<128x128xf32, #tpu.memory_space<vmem>>, %arg7: memref<2x2048xf32, #tpu.memory_space<vmem>>, %arg8: memref<2048x128xf32, #tpu.memory_space<vmem>>) attributes {dimension_semantics = [#tpu.dimension_semantics<arbitrary>], iteration_bounds = array<i64: 5>, scalar_prefetch = 0 : i64, scratch_operands = 0 : i64, tpu.core_type = #tpu.core_type<tc>, window_params = [{transform_indices = @transform_0, window_bounds = array<i64: 2048, 16>}, {transform_indices = @transform_1, window_bounds = array<i64: 2048, 16>}, {transform_indices = @transform_2, window_bounds = array<i64: 2048, 16>}, {transform_indices = @transform_3, window_bounds = array<i64: 2048, 16>}, {transform_indices = @transform_4, window_bounds = array<i64: 2048, 128>}, {pipeline_mode = #tpu.pipeline_mode<synchronous>, transform_indices = @transform_5, window_bounds = array<i64: 128, 128>}, {transform_indices = @transform_6, window_bounds = array<i64: 2, 2048>}, {transform_indices = @transform_7, window_bounds = array<i64: 2048, 128>}]} {
    %get3A = arith.constant 0 : index
    %get3A_0 = arith.constant 0 : index
    %get3A_1 = vector.load %arg1[%get3A, %get3A_0] : memref<2048x16xf32, #tpu.memory_space<vmem>>, vector<2048x16xf32>
    %get3A_2 = arith.constant 0 : index
    %get3A_3 = arith.constant 0 : index
    %get3A_4 = vector.load %arg2[%get3A_2, %get3A_3] : memref<2048x16xf32, #tpu.memory_space<vmem>>, vector<2048x16xf32>
    %add3A = arith.addf %get3A_1, %get3A_4 : vector<2048x16xf32>
    %reduce_sum3A = arith.constant dense<0.000000e+00> : vector<2048xf32>
    %reduce_sum3A_5 = vector.multi_reduction <add>, %add3A, %reduce_sum3A [1] : vector<2048x16xf32> to vector<2048xf32>
    %mul3A = arith.constant 6.250000e-02 : f32
    %mul3A_6 = vector.broadcast %mul3A : f32 to vector<2048xf32>
    %mul3A_7 = arith.mulf %reduce_sum3A_5, %mul3A_6 : vector<2048xf32>
    %get3A_8 = arith.constant 0 : index
    %get3A_9 = arith.constant 0 : index
    %get3A_10 = vector.load %arg3[%get3A_8, %get3A_9] : memref<2048x16xf32, #tpu.memory_space<vmem>>, vector<2048x16xf32>
    %get3A_11 = arith.constant 0 : index
    %get3A_12 = arith.constant 0 : index
    %get3A_13 = vector.load %arg4[%get3A_11, %get3A_12] : memref<2048x16xf32, #tpu.memory_space<vmem>>, vector<2048x16xf32>
    %add3A_14 = arith.addf %get3A_10, %get3A_13 : vector<2048x16xf32>
    %reduce_sum3A_15 = arith.constant dense<0.000000e+00> : vector<2048xf32>
    %reduce_sum3A_16 = vector.multi_reduction <add>, %add3A_14, %reduce_sum3A_15 [1] : vector<2048x16xf32> to vector<2048xf32>
    %mul3A_17 = arith.constant 6.250000e-02 : f32
    %mul3A_18 = vector.broadcast %mul3A_17 : f32 to vector<2048xf32>
    %mul3A_19 = arith.mulf %reduce_sum3A_16, %mul3A_18 : vector<2048xf32>
    %max3A = arith.constant 1.000000e+00 : f32
    %max3A_20 = vector.broadcast %max3A : f32 to vector<2048xf32>
    %max3A_21 = arith.maximumf %mul3A_7, %max3A_20 : vector<2048xf32>
    %rsqrt3A = math.rsqrt %max3A_21 : vector<2048xf32>
    %swap3A = arith.constant 0 : index
    %swap3A_22 = arith.constant 0 : index
    %swap3A_23 = vector.load %arg7[%swap3A, %swap3A_22] : memref<2x2048xf32, #tpu.memory_space<vmem>>, vector<1x2048xf32>
    %swap3A_24 = vector.shape_cast %swap3A_23 : vector<1x2048xf32> to vector<2048xf32>
    %swap3A_25 = vector.shape_cast %rsqrt3A : vector<2048xf32> to vector<1x2048xf32>
    tpu.vector_store %arg7[%swap3A, %swap3A_22], %swap3A_25 {strides = array<i32>} : memref<2x2048xf32, #tpu.memory_space<vmem>>, vector<1x2048xf32>,
    %max3A_26 = arith.constant 1.000000e+00 : f32
    %max3A_27 = vector.broadcast %max3A_26 : f32 to vector<2048xf32>
    %max3A_28 = arith.maximumf %mul3A_19, %max3A_27 : vector<2048xf32>
    %rsqrt3A_29 = math.rsqrt %max3A_28 : vector<2048xf32>
    %swap3A_30 = arith.constant 1 : index
    %swap3A_31 = arith.constant 0 : index
    %swap3A_32 = vector.load %arg7[%swap3A_30, %swap3A_31] : memref<2x2048xf32, #tpu.memory_space<vmem>>, vector<1x2048xf32>
    %swap3A_33 = vector.shape_cast %swap3A_32 : vector<1x2048xf32> to vector<2048xf32>
    %swap3A_34 = vector.shape_cast %rsqrt3A_29 : vector<2048xf32> to vector<1x2048xf32>
    tpu.vector_store %arg7[%swap3A_30, %swap3A_31], %swap3A_34 {strides = array<i32>} : memref<2x2048xf32, #tpu.memory_space<vmem>>, vector<1x2048xf32>,
    %get3A_35 = arith.constant 0 : index
    %get3A_36 = arith.constant 0 : index
    %get3A_37 = vector.load %arg5[%get3A_35, %get3A_36] : memref<2048x128xf32, #tpu.memory_space<vmem>>, vector<2048x128xf32>
    %get3A_38 = arith.constant 0 : index
    %get3A_39 = arith.constant 0 : index
    %get3A_40 = vector.load %arg6[%get3A_38, %get3A_39] : memref<128x128xf32, #tpu.memory_space<vmem>>, vector<128x128xf32>
    %dot_general3A = arith.constant dense<0.000000e+00> : vector<2048x128xf32>
    %dot_general3A_41 = tpu.matmul %get3A_37, %get3A_40, %dot_general3A {dimension_numbers = #tpu.dot_dimension_numbers<[1], [0], [0], [1], [0, 0, 1, 1], [], []>, precision = #tpu.contract_precision<fp32>, transpose_lhs_hint = false} : vector<2048x128xf32>, vector<128x128xf32>, vector<2048x128xf32> -> vector<2048x128xf32>
    %broadcast_in_dim3A = vector.shape_cast %rsqrt3A : vector<2048xf32> to vector<2048x1xf32>
    %mul3A_42 = vector.broadcast %broadcast_in_dim3A : vector<2048x1xf32> to vector<2048x128xf32>
    %mul3A_43 = arith.mulf %dot_general3A_41, %mul3A_42 : vector<2048x128xf32>
    %swap3A_44 = arith.constant 0 : index
    %swap3A_45 = arith.constant 0 : index
    %swap3A_46 = vector.load %arg8[%swap3A_44, %swap3A_45] : memref<2048x128xf32, #tpu.memory_space<vmem>>, vector<2048x128xf32>
    tpu.vector_store %arg8[%swap3A_44, %swap3A_45], %mul3A_43 {strides = array<i32>} : memref<2048x128xf32, #tpu.memory_space<vmem>>, vector<2048x128xf32>,
    return
  }
  func.func @transform_0(%arg0: i32) -> (i32, i32) {
    %c0_i32 = arith.constant 0 : i32
    %c0_i32_0 = arith.constant 0 : i32
    return %arg0, %c0_i32 : i32, i32
  }
  func.func @transform_1(%arg0: i32) -> (i32, i32) {
    %add3A = arith.constant 5 : i32
    %add3A_0 = arith.addi %arg0, %add3A : i32
    %c0_i32 = arith.constant 0 : i32
    %c0_i32_1 = arith.constant 0 : i32
    return %add3A_0, %c0_i32 : i32, i32
  }
  func.func @transform_2(%arg0: i32) -> (i32, i32) {
    %c0_i32 = arith.constant 0 : i32
    %c0_i32_0 = arith.constant 0 : i32
    return %arg0, %c0_i32 : i32, i32
  }
  func.func @transform_3(%arg0: i32) -> (i32, i32) {
    %add3A = arith.constant 5 : i32
    %add3A_0 = arith.addi %arg0, %add3A : i32
    %c0_i32 = arith.constant 0 : i32
    %c0_i32_1 = arith.constant 0 : i32
    return %add3A_0, %c0_i32 : i32, i32
  }
  func.func @transform_4(%arg0: i32) -> (i32, i32) {
    %c0_i32 = arith.constant 0 : i32
    %c0_i32_0 = arith.constant 0 : i32
    return %arg0, %c0_i32 : i32, i32
  }
  func.func @transform_5(%arg0: i32) -> (i32, i32) {
    %c0_i32 = arith.constant 0 : i32
    %c0_i32_0 = arith.constant 0 : i32
    %c0_i32_1 = arith.constant 0 : i32
    return %c0_i32, %c0_i32_0 : i32, i32
  }
  func.func @transform_6(%arg0: i32) -> (i32, i32) {
    %c0_i32 = arith.constant 0 : i32
    %c0_i32_0 = arith.constant 0 : i32
    return %c0_i32, %arg0 : i32, i32
  }
  func.func @transform_7(%arg0: i32) -> (i32, i32) {
    %c0_i32 = arith.constant 0 : i32
    %c0_i32_0 = arith.constant 0 : i32
    return %arg0, %c0_i32 : i32, i32
  }
}

module attributes {stable_mosaic.version = 14 : i64} {
  func.func @_tc_mid_body(%arg0: i32, %arg1: memref<2x2048xf32, #tpu.memory_space<vmem>>, %arg2: memref<2048x128xf32, #tpu.memory_space<vmem>>, %arg3: memref<2048x128xf32, #tpu.memory_space<vmem>>, %arg4: memref<1x128xf32, #tpu.memory_space<vmem>>, %arg5: memref<128x128xf32, #tpu.memory_space<vmem>>, %arg6: memref<2048x128xf32, #tpu.memory_space<vmem>>) attributes {dimension_semantics = [#tpu.dimension_semantics<arbitrary>], iteration_bounds = array<i64: 5>, scalar_prefetch = 0 : i64, scratch_operands = 0 : i64, tpu.core_type = #tpu.core_type<tc>, window_params = [{transform_indices = @transform_0, window_bounds = array<i64: 2, 2048>}, {transform_indices = @transform_1, window_bounds = array<i64: 2048, 128>}, {transform_indices = @transform_2, window_bounds = array<i64: 2048, 128>}, {pipeline_mode = #tpu.pipeline_mode<synchronous>, transform_indices = @transform_3, window_bounds = array<i64: 1, 128>}, {pipeline_mode = #tpu.pipeline_mode<synchronous>, transform_indices = @transform_4, window_bounds = array<i64: 128, 128>}, {transform_indices = @transform_5, window_bounds = array<i64: 2048, 128>}]} {
    %get3A = arith.constant 0 : index
    %get3A_0 = arith.constant 0 : index
    %get3A_1 = vector.load %arg1[%get3A, %get3A_0] : memref<2x2048xf32, #tpu.memory_space<vmem>>, vector<1x2048xf32>
    %get3A_2 = vector.shape_cast %get3A_1 : vector<1x2048xf32> to vector<2048xf32>
    %get3A_3 = arith.constant 1 : index
    %get3A_4 = arith.constant 0 : index
    %get3A_5 = vector.load %arg1[%get3A_3, %get3A_4] : memref<2x2048xf32, #tpu.memory_space<vmem>>, vector<1x2048xf32>
    %get3A_6 = vector.shape_cast %get3A_5 : vector<1x2048xf32> to vector<2048xf32>
    %get3A_7 = arith.constant 0 : index
    %get3A_8 = arith.constant 0 : index
    %get3A_9 = vector.load %arg2[%get3A_7, %get3A_8] : memref<2048x128xf32, #tpu.memory_space<vmem>>, vector<2048x128xf32>
    %get3A_10 = arith.constant 0 : index
    %get3A_11 = arith.constant 0 : index
    %get3A_12 = vector.load %arg3[%get3A_10, %get3A_11] : memref<2048x128xf32, #tpu.memory_space<vmem>>, vector<2048x128xf32>
    %add3A = arith.addf %get3A_9, %get3A_12 : vector<2048x128xf32>
    %broadcast_in_dim3A = vector.shape_cast %get3A_6 : vector<2048xf32> to vector<2048x1xf32>
    %mul3A = vector.broadcast %broadcast_in_dim3A : vector<2048x1xf32> to vector<2048x128xf32>
    %mul3A_13 = arith.mulf %add3A, %mul3A : vector<2048x128xf32>
    %get3A_14 = arith.constant 0 : index
    %get3A_15 = arith.constant 0 : index
    %get3A_16 = vector.load %arg4[%get3A_14, %get3A_15] : memref<1x128xf32, #tpu.memory_space<vmem>>, vector<1x128xf32>
    %get3A_17 = vector.shape_cast %get3A_16 : vector<1x128xf32> to vector<128xf32>
    %broadcast_in_dim3A_18 = vector.shape_cast %get3A_17 : vector<128xf32> to vector<1x128xf32>
    %add3A_19 = vector.broadcast %broadcast_in_dim3A_18 : vector<1x128xf32> to vector<2048x128xf32>
    %add3A_20 = arith.addf %mul3A_13, %add3A_19 : vector<2048x128xf32>
    %max3A = arith.constant 0.000000e+00 : f32
    %max3A_21 = vector.broadcast %max3A : f32 to vector<2048x128xf32>
    %max3A_22 = arith.maximumf %add3A_20, %max3A_21 : vector<2048x128xf32>
    %get3A_23 = arith.constant 0 : index
    %get3A_24 = arith.constant 0 : index
    %get3A_25 = vector.load %arg5[%get3A_23, %get3A_24] : memref<128x128xf32, #tpu.memory_space<vmem>>, vector<128x128xf32>
    %dot_general3A = arith.constant dense<0.000000e+00> : vector<2048x128xf32>
    %dot_general3A_26 = tpu.matmul %max3A_22, %get3A_25, %dot_general3A {dimension_numbers = #tpu.dot_dimension_numbers<[1], [0], [0], [1], [0, 0, 1, 1], [], []>, precision = #tpu.contract_precision<fp32>, transpose_lhs_hint = false} : vector<2048x128xf32>, vector<128x128xf32>, vector<2048x128xf32> -> vector<2048x128xf32>
    %broadcast_in_dim3A_27 = vector.shape_cast %get3A_2 : vector<2048xf32> to vector<2048x1xf32>
    %mul3A_28 = vector.broadcast %broadcast_in_dim3A_27 : vector<2048x1xf32> to vector<2048x128xf32>
    %mul3A_29 = arith.mulf %dot_general3A_26, %mul3A_28 : vector<2048x128xf32>
    %swap3A = arith.constant 0 : index
    %swap3A_30 = arith.constant 0 : index
    %swap3A_31 = vector.load %arg6[%swap3A, %swap3A_30] : memref<2048x128xf32, #tpu.memory_space<vmem>>, vector<2048x128xf32>
    tpu.vector_store %arg6[%swap3A, %swap3A_30], %mul3A_29 {strides = array<i32>} : memref<2048x128xf32, #tpu.memory_space<vmem>>, vector<2048x128xf32>,
    return
  }
  func.func @transform_0(%arg0: i32) -> (i32, i32) {
    %c0_i32 = arith.constant 0 : i32
    %c0_i32_0 = arith.constant 0 : i32
    return %c0_i32, %arg0 : i32, i32
  }
  func.func @transform_1(%arg0: i32) -> (i32, i32) {
    %c0_i32 = arith.constant 0 : i32
    %c0_i32_0 = arith.constant 0 : i32
    return %arg0, %c0_i32 : i32, i32
  }
  func.func @transform_2(%arg0: i32) -> (i32, i32) {
    %add3A = arith.constant 5 : i32
    %add3A_0 = arith.addi %arg0, %add3A : i32
    %c0_i32 = arith.constant 0 : i32
    %c0_i32_1 = arith.constant 0 : i32
    return %add3A_0, %c0_i32 : i32, i32
  }
  func.func @transform_3(%arg0: i32) -> (i32, i32) {
    %c0_i32 = arith.constant 0 : i32
    %c0_i32_0 = arith.constant 0 : i32
    %c0_i32_1 = arith.constant 0 : i32
    return %c0_i32, %c0_i32_0 : i32, i32
  }
  func.func @transform_4(%arg0: i32) -> (i32, i32) {
    %c0_i32 = arith.constant 0 : i32
    %c0_i32_0 = arith.constant 0 : i32
    %c0_i32_1 = arith.constant 0 : i32
    return %c0_i32, %c0_i32_0 : i32, i32
  }
  func.func @transform_5(%arg0: i32) -> (i32, i32) {
    %c0_i32 = arith.constant 0 : i32
    %c0_i32_0 = arith.constant 0 : i32
    return %arg0, %c0_i32 : i32, i32
  }
}

module attributes {stable_mosaic.version = 14 : i64} {
  func.func @_tc_mid_body(%arg0: i32, %arg1: memref<2x2048xf32, #tpu.memory_space<vmem>>, %arg2: memref<2048x128xf32, #tpu.memory_space<vmem>>, %arg3: memref<2048x128xf32, #tpu.memory_space<vmem>>, %arg4: memref<1x128xf32, #tpu.memory_space<vmem>>, %arg5: memref<128x16xf32, #tpu.memory_space<vmem>>, %arg6: memref<2048x16xf32, #tpu.memory_space<vmem>>) attributes {dimension_semantics = [#tpu.dimension_semantics<arbitrary>], iteration_bounds = array<i64: 5>, scalar_prefetch = 0 : i64, scratch_operands = 0 : i64, tpu.core_type = #tpu.core_type<tc>, window_params = [{transform_indices = @transform_0, window_bounds = array<i64: 2, 2048>}, {transform_indices = @transform_1, window_bounds = array<i64: 2048, 128>}, {transform_indices = @transform_2, window_bounds = array<i64: 2048, 128>}, {pipeline_mode = #tpu.pipeline_mode<synchronous>, transform_indices = @transform_3, window_bounds = array<i64: 1, 128>}, {pipeline_mode = #tpu.pipeline_mode<synchronous>, transform_indices = @transform_4, window_bounds = array<i64: 128, 16>}, {transform_indices = @transform_5, window_bounds = array<i64: 2048, 16>}]} {
    %get3A = arith.constant 0 : index
    %get3A_0 = arith.constant 0 : index
    %get3A_1 = vector.load %arg1[%get3A, %get3A_0] : memref<2x2048xf32, #tpu.memory_space<vmem>>, vector<1x2048xf32>
    %get3A_2 = vector.shape_cast %get3A_1 : vector<1x2048xf32> to vector<2048xf32>
    %get3A_3 = arith.constant 1 : index
    %get3A_4 = arith.constant 0 : index
    %get3A_5 = vector.load %arg1[%get3A_3, %get3A_4] : memref<2x2048xf32, #tpu.memory_space<vmem>>, vector<1x2048xf32>
    %get3A_6 = vector.shape_cast %get3A_5 : vector<1x2048xf32> to vector<2048xf32>
    %get3A_7 = arith.constant 0 : index
    %get3A_8 = arith.constant 0 : index
    %get3A_9 = vector.load %arg2[%get3A_7, %get3A_8] : memref<2048x128xf32, #tpu.memory_space<vmem>>, vector<2048x128xf32>
    %get3A_10 = arith.constant 0 : index
    %get3A_11 = arith.constant 0 : index
    %get3A_12 = vector.load %arg3[%get3A_10, %get3A_11] : memref<2048x128xf32, #tpu.memory_space<vmem>>, vector<2048x128xf32>
    %add3A = arith.addf %get3A_9, %get3A_12 : vector<2048x128xf32>
    %broadcast_in_dim3A = vector.shape_cast %get3A_6 : vector<2048xf32> to vector<2048x1xf32>
    %mul3A = vector.broadcast %broadcast_in_dim3A : vector<2048x1xf32> to vector<2048x128xf32>
    %mul3A_13 = arith.mulf %add3A, %mul3A : vector<2048x128xf32>
    %get3A_14 = arith.constant 0 : index
    %get3A_15 = arith.constant 0 : index
    %get3A_16 = vector.load %arg4[%get3A_14, %get3A_15] : memref<1x128xf32, #tpu.memory_space<vmem>>, vector<1x128xf32>
    %get3A_17 = vector.shape_cast %get3A_16 : vector<1x128xf32> to vector<128xf32>
    %broadcast_in_dim3A_18 = vector.shape_cast %get3A_17 : vector<128xf32> to vector<1x128xf32>
    %add3A_19 = vector.broadcast %broadcast_in_dim3A_18 : vector<1x128xf32> to vector<2048x128xf32>
    %add3A_20 = arith.addf %mul3A_13, %add3A_19 : vector<2048x128xf32>
    %max3A = arith.constant 0.000000e+00 : f32
    %max3A_21 = vector.broadcast %max3A : f32 to vector<2048x128xf32>
    %max3A_22 = arith.maximumf %add3A_20, %max3A_21 : vector<2048x128xf32>
    %get3A_23 = arith.constant 0 : index
    %get3A_24 = arith.constant 0 : index
    %get3A_25 = vector.load %arg5[%get3A_23, %get3A_24] : memref<128x16xf32, #tpu.memory_space<vmem>>, vector<128x16xf32>
    %dot_general3A = arith.constant dense<0.000000e+00> : vector<2048x16xf32>
    %dot_general3A_26 = tpu.matmul %max3A_22, %get3A_25, %dot_general3A {dimension_numbers = #tpu.dot_dimension_numbers<[1], [0], [0], [1], [0, 0, 1, 1], [], []>, precision = #tpu.contract_precision<fp32>, transpose_lhs_hint = false} : vector<2048x128xf32>, vector<128x16xf32>, vector<2048x16xf32> -> vector<2048x16xf32>
    %broadcast_in_dim3A_27 = vector.shape_cast %get3A_2 : vector<2048xf32> to vector<2048x1xf32>
    %mul3A_28 = vector.broadcast %broadcast_in_dim3A_27 : vector<2048x1xf32> to vector<2048x16xf32>
    %mul3A_29 = arith.mulf %dot_general3A_26, %mul3A_28 : vector<2048x16xf32>
    %swap3A = arith.constant 0 : index
    %swap3A_30 = arith.constant 0 : index
    %swap3A_31 = vector.load %arg6[%swap3A, %swap3A_30] : memref<2048x16xf32, #tpu.memory_space<vmem>>, vector<2048x16xf32>
    tpu.vector_store %arg6[%swap3A, %swap3A_30], %mul3A_29 {strides = array<i32>} : memref<2048x16xf32, #tpu.memory_space<vmem>>, vector<2048x16xf32>,
    return
  }
  func.func @transform_0(%arg0: i32) -> (i32, i32) {
    %c0_i32 = arith.constant 0 : i32
    %c0_i32_0 = arith.constant 0 : i32
    return %c0_i32, %arg0 : i32, i32
  }
  func.func @transform_1(%arg0: i32) -> (i32, i32) {
    %c0_i32 = arith.constant 0 : i32
    %c0_i32_0 = arith.constant 0 : i32
    return %arg0, %c0_i32 : i32, i32
  }
  func.func @transform_2(%arg0: i32) -> (i32, i32) {
    %add3A = arith.constant 5 : i32
    %add3A_0 = arith.addi %arg0, %add3A : i32
    %c0_i32 = arith.constant 0 : i32
    %c0_i32_1 = arith.constant 0 : i32
    return %add3A_0, %c0_i32 : i32, i32
  }
  func.func @transform_3(%arg0: i32) -> (i32, i32) {
    %c0_i32 = arith.constant 0 : i32
    %c0_i32_0 = arith.constant 0 : i32
    %c0_i32_1 = arith.constant 0 : i32
    return %c0_i32, %c0_i32_0 : i32, i32
  }
  func.func @transform_4(%arg0: i32) -> (i32, i32) {
    %c0_i32 = arith.constant 0 : i32
    %c0_i32_0 = arith.constant 0 : i32
    %c0_i32_1 = arith.constant 0 : i32
    return %c0_i32, %c0_i32_0 : i32, i32
  }
  func.func @transform_5(%arg0: i32) -> (i32, i32) {
    %c0_i32 = arith.constant 0 : i32
    %c0_i32_0 = arith.constant 0 : i32
    return %arg0, %c0_i32 : i32, i32
  }
}

module attributes {stable_mosaic.version = 14 : i64} {
  func.func @_tc_mid_body(%arg0: i32, %arg1: memref<2x2048xf32, #tpu.memory_space<vmem>>, %arg2: memref<2048x16xf32, #tpu.memory_space<vmem>>, %arg3: memref<2048x16xf32, #tpu.memory_space<vmem>>, %arg4: memref<1x16xf32, #tpu.memory_space<vmem>>, %arg5: memref<16x16xf32, #tpu.memory_space<vmem>>, %arg6: memref<2048x16xf32, #tpu.memory_space<vmem>>) attributes {dimension_semantics = [#tpu.dimension_semantics<arbitrary>], iteration_bounds = array<i64: 5>, scalar_prefetch = 0 : i64, scratch_operands = 0 : i64, tpu.core_type = #tpu.core_type<tc>, window_params = [{transform_indices = @transform_0, window_bounds = array<i64: 2, 2048>}, {transform_indices = @transform_1, window_bounds = array<i64: 2048, 16>}, {transform_indices = @transform_2, window_bounds = array<i64: 2048, 16>}, {pipeline_mode = #tpu.pipeline_mode<synchronous>, transform_indices = @transform_3, window_bounds = array<i64: 1, 16>}, {pipeline_mode = #tpu.pipeline_mode<synchronous>, transform_indices = @transform_4, window_bounds = array<i64: 16, 16>}, {transform_indices = @transform_5, window_bounds = array<i64: 2048, 16>}]} {
    %get3A = arith.constant 0 : index
    %get3A_0 = arith.constant 0 : index
    %get3A_1 = vector.load %arg1[%get3A, %get3A_0] : memref<2x2048xf32, #tpu.memory_space<vmem>>, vector<1x2048xf32>
    %get3A_2 = vector.shape_cast %get3A_1 : vector<1x2048xf32> to vector<2048xf32>
    %get3A_3 = arith.constant 1 : index
    %get3A_4 = arith.constant 0 : index
    %get3A_5 = vector.load %arg1[%get3A_3, %get3A_4] : memref<2x2048xf32, #tpu.memory_space<vmem>>, vector<1x2048xf32>
    %get3A_6 = vector.shape_cast %get3A_5 : vector<1x2048xf32> to vector<2048xf32>
    %get3A_7 = arith.constant 0 : index
    %get3A_8 = arith.constant 0 : index
    %get3A_9 = vector.load %arg2[%get3A_7, %get3A_8] : memref<2048x16xf32, #tpu.memory_space<vmem>>, vector<2048x16xf32>
    %get3A_10 = arith.constant 0 : index
    %get3A_11 = arith.constant 0 : index
    %get3A_12 = vector.load %arg3[%get3A_10, %get3A_11] : memref<2048x16xf32, #tpu.memory_space<vmem>>, vector<2048x16xf32>
    %add3A = arith.addf %get3A_9, %get3A_12 : vector<2048x16xf32>
    %broadcast_in_dim3A = vector.shape_cast %get3A_6 : vector<2048xf32> to vector<2048x1xf32>
    %mul3A = vector.broadcast %broadcast_in_dim3A : vector<2048x1xf32> to vector<2048x16xf32>
    %mul3A_13 = arith.mulf %add3A, %mul3A : vector<2048x16xf32>
    %get3A_14 = arith.constant 0 : index
    %get3A_15 = arith.constant 0 : index
    %get3A_16 = vector.load %arg4[%get3A_14, %get3A_15] : memref<1x16xf32, #tpu.memory_space<vmem>>, vector<1x16xf32>
    %get3A_17 = vector.shape_cast %get3A_16 : vector<1x16xf32> to vector<16xf32>
    %broadcast_in_dim3A_18 = vector.shape_cast %get3A_17 : vector<16xf32> to vector<1x16xf32>
    %add3A_19 = vector.broadcast %broadcast_in_dim3A_18 : vector<1x16xf32> to vector<2048x16xf32>
    %add3A_20 = arith.addf %mul3A_13, %add3A_19 : vector<2048x16xf32>
    %max3A = arith.constant 0.000000e+00 : f32
    %max3A_21 = vector.broadcast %max3A : f32 to vector<2048x16xf32>
    %max3A_22 = arith.maximumf %add3A_20, %max3A_21 : vector<2048x16xf32>
    %get3A_23 = arith.constant 0 : index
    %get3A_24 = arith.constant 0 : index
    %get3A_25 = vector.load %arg5[%get3A_23, %get3A_24] : memref<16x16xf32, #tpu.memory_space<vmem>>, vector<16x16xf32>
    %dot_general3A = arith.constant dense<0.000000e+00> : vector<2048x16xf32>
    %dot_general3A_26 = tpu.matmul %max3A_22, %get3A_25, %dot_general3A {dimension_numbers = #tpu.dot_dimension_numbers<[1], [0], [0], [1], [0, 0, 1, 1], [], []>, precision = #tpu.contract_precision<fp32>, transpose_lhs_hint = false} : vector<2048x16xf32>, vector<16x16xf32>, vector<2048x16xf32> -> vector<2048x16xf32>
    %broadcast_in_dim3A_27 = vector.shape_cast %get3A_2 : vector<2048xf32> to vector<2048x1xf32>
    %mul3A_28 = vector.broadcast %broadcast_in_dim3A_27 : vector<2048x1xf32> to vector<2048x16xf32>
    %mul3A_29 = arith.mulf %dot_general3A_26, %mul3A_28 : vector<2048x16xf32>
    %swap3A = arith.constant 0 : index
    %swap3A_30 = arith.constant 0 : index
    %swap3A_31 = vector.load %arg6[%swap3A, %swap3A_30] : memref<2048x16xf32, #tpu.memory_space<vmem>>, vector<2048x16xf32>
    tpu.vector_store %arg6[%swap3A, %swap3A_30], %mul3A_29 {strides = array<i32>} : memref<2048x16xf32, #tpu.memory_space<vmem>>, vector<2048x16xf32>,
    return
  }
  func.func @transform_0(%arg0: i32) -> (i32, i32) {
    %c0_i32 = arith.constant 0 : i32
    %c0_i32_0 = arith.constant 0 : i32
    return %c0_i32, %arg0 : i32, i32
  }
  func.func @transform_1(%arg0: i32) -> (i32, i32) {
    %c0_i32 = arith.constant 0 : i32
    %c0_i32_0 = arith.constant 0 : i32
    return %arg0, %c0_i32 : i32, i32
  }
  func.func @transform_2(%arg0: i32) -> (i32, i32) {
    %add3A = arith.constant 5 : i32
    %add3A_0 = arith.addi %arg0, %add3A : i32
    %c0_i32 = arith.constant 0 : i32
    %c0_i32_1 = arith.constant 0 : i32
    return %add3A_0, %c0_i32 : i32, i32
  }
  func.func @transform_3(%arg0: i32) -> (i32, i32) {
    %c0_i32 = arith.constant 0 : i32
    %c0_i32_0 = arith.constant 0 : i32
    %c0_i32_1 = arith.constant 0 : i32
    return %c0_i32, %c0_i32_0 : i32, i32
  }
  func.func @transform_4(%arg0: i32) -> (i32, i32) {
    %c0_i32 = arith.constant 0 : i32
    %c0_i32_0 = arith.constant 0 : i32
    %c0_i32_1 = arith.constant 0 : i32
    return %c0_i32, %c0_i32_0 : i32, i32
  }
  func.func @transform_5(%arg0: i32) -> (i32, i32) {
    %c0_i32 = arith.constant 0 : i32
    %c0_i32_0 = arith.constant 0 : i32
    return %arg0, %c0_i32 : i32, i32
  }
}

module attributes {stable_mosaic.version = 14 : i64} {
  func.func @_tc_last_body(%arg0: i32, %arg1: memref<2x2048xf32, #tpu.memory_space<vmem>>, %arg2: memref<2048x16xf32, #tpu.memory_space<vmem>>, %arg3: memref<2048x16xf32, #tpu.memory_space<vmem>>, %arg4: memref<1x16xf32, #tpu.memory_space<vmem>>, %arg5: memref<2048x16xf32, #tpu.memory_space<vmem>>) attributes {dimension_semantics = [#tpu.dimension_semantics<arbitrary>], iteration_bounds = array<i64: 5>, scalar_prefetch = 0 : i64, scratch_operands = 0 : i64, tpu.core_type = #tpu.core_type<tc>, window_params = [{transform_indices = @transform_0, window_bounds = array<i64: 2, 2048>}, {transform_indices = @transform_1, window_bounds = array<i64: 2048, 16>}, {transform_indices = @transform_2, window_bounds = array<i64: 2048, 16>}, {pipeline_mode = #tpu.pipeline_mode<synchronous>, transform_indices = @transform_3, window_bounds = array<i64: 1, 16>}, {transform_indices = @transform_4, window_bounds = array<i64: 2048, 16>}]} {
    %get3A = arith.constant 1 : index
    %get3A_0 = arith.constant 0 : index
    %get3A_1 = vector.load %arg1[%get3A, %get3A_0] : memref<2x2048xf32, #tpu.memory_space<vmem>>, vector<1x2048xf32>
    %get3A_2 = vector.shape_cast %get3A_1 : vector<1x2048xf32> to vector<2048xf32>
    %get3A_3 = arith.constant 0 : index
    %get3A_4 = arith.constant 0 : index
    %get3A_5 = vector.load %arg2[%get3A_3, %get3A_4] : memref<2048x16xf32, #tpu.memory_space<vmem>>, vector<2048x16xf32>
    %get3A_6 = arith.constant 0 : index
    %get3A_7 = arith.constant 0 : index
    %get3A_8 = vector.load %arg3[%get3A_6, %get3A_7] : memref<2048x16xf32, #tpu.memory_space<vmem>>, vector<2048x16xf32>
    %add3A = arith.addf %get3A_5, %get3A_8 : vector<2048x16xf32>
    %broadcast_in_dim3A = vector.shape_cast %get3A_2 : vector<2048xf32> to vector<2048x1xf32>
    %mul3A = vector.broadcast %broadcast_in_dim3A : vector<2048x1xf32> to vector<2048x16xf32>
    %mul3A_9 = arith.mulf %add3A, %mul3A : vector<2048x16xf32>
    %get3A_10 = arith.constant 0 : index
    %get3A_11 = arith.constant 0 : index
    %get3A_12 = vector.load %arg4[%get3A_10, %get3A_11] : memref<1x16xf32, #tpu.memory_space<vmem>>, vector<1x16xf32>
    %get3A_13 = vector.shape_cast %get3A_12 : vector<1x16xf32> to vector<16xf32>
    %broadcast_in_dim3A_14 = vector.shape_cast %get3A_13 : vector<16xf32> to vector<1x16xf32>
    %add3A_15 = vector.broadcast %broadcast_in_dim3A_14 : vector<1x16xf32> to vector<2048x16xf32>
    %add3A_16 = arith.addf %mul3A_9, %add3A_15 : vector<2048x16xf32>
    %swap3A = arith.constant 0 : index
    %swap3A_17 = arith.constant 0 : index
    %swap3A_18 = vector.load %arg5[%swap3A, %swap3A_17] : memref<2048x16xf32, #tpu.memory_space<vmem>>, vector<2048x16xf32>
    tpu.vector_store %arg5[%swap3A, %swap3A_17], %add3A_16 {strides = array<i32>} : memref<2048x16xf32, #tpu.memory_space<vmem>>, vector<2048x16xf32>,
    return
  }
  func.func @transform_0(%arg0: i32) -> (i32, i32) {
    %c0_i32 = arith.constant 0 : i32
    %c0_i32_0 = arith.constant 0 : i32
    return %c0_i32, %arg0 : i32, i32
  }
  func.func @transform_1(%arg0: i32) -> (i32, i32) {
    %c0_i32 = arith.constant 0 : i32
    %c0_i32_0 = arith.constant 0 : i32
    return %arg0, %c0_i32 : i32, i32
  }
  func.func @transform_2(%arg0: i32) -> (i32, i32) {
    %add3A = arith.constant 5 : i32
    %add3A_0 = arith.addi %arg0, %add3A : i32
    %c0_i32 = arith.constant 0 : i32
    %c0_i32_1 = arith.constant 0 : i32
    return %add3A_0, %c0_i32 : i32, i32
  }
  func.func @transform_3(%arg0: i32) -> (i32, i32) {
    %c0_i32 = arith.constant 0 : i32
    %c0_i32_0 = arith.constant 0 : i32
    %c0_i32_1 = arith.constant 0 : i32
    return %c0_i32, %c0_i32_0 : i32, i32
  }
  func.func @transform_4(%arg0: i32) -> (i32, i32) {
    %c0_i32 = arith.constant 0 : i32
    %c0_i32_0 = arith.constant 0 : i32
    return %arg0, %c0_i32 : i32, i32
  }
}

</mosaic_0001>

<sc_bundles>
// kernel: kernel.13.cloned.1.call-start
scs
__scs_entry_jumppad:
0x0: {  	(pc) =	sbr.rel $0x88, $3  }
0x1: {  	(tag) =	ssettag $0x0;
	lr =	simm.s32 $0x1  }
0x2: {  	[smem:$0x3F97] =	sst lr;
	_ =	strace $0xD0000000  }
0x3: {  	_ = 	snop  }
0x4: {  	_ = 	snop  }
0x5: {  	_ = 	snop  }
0x6: {  	_ = 	snop  }
0x7: {  	_ = 	snop  }
__scs_overlays_trampoline_lowered:
0x8: {  	[smem:$0x3FA6] =	sst s0  }
0x9: {  	[smem:$0x3FA7] =	sst s1  }
0xa: {  	[smem:$0x3FA8] =	sst s2  }
0xb: {  	[smem:$0x3FA9] =	sst s3  }
0xc: {  	[smem:$0x3FAA] =	sst s4  }
0xd: {  	[smem:$0x3FAB] =	sst s5  }
0xe: {  	[smem:$0x3FAC] =	sst s6  }
0xf: {  	[smem:$0x3FAD] =	sst s7  }
0x10: {  	[smem:$0x3FAE] =	sst s8  }
0x11: {  	[smem:$0x3FAF] =	sst s9;
	s0 =	simm.s32 @!p0 $0x0  }
0x12: {  	s1 =	sld [smem:$0x3F95];
	s0 =	simm.s32 @p0 $0x1  }
0x13: {  	[smem:$0x3FB0] =	sst s0;
	s0 =	simm.s32 @!p1 $0x0  }
0x14: {  	s2 =	sld [smem:$0x3F94];
	s0 =	simm.s32 @p1 $0x1  }
0x15: {  	[smem:$0x3FB1] =	sst s0;
	s0 =	simm.s32 @!p2 $0x0  }
0x16: {  	s3 =	sld [smem:$0x3FDB];
	s0 =	simm.s32 @p2 $0x1  }
0x17: {  	s4 =	simm.s32 $0x1BF5;
	[smem:$0x3FB3] =	sst s0  }
0x18: {  	s0 =	sld [smem:$0x3F96];
	_ =	swait.ge [sflag:s4], $0x0  }
0x19: {  	s7 =	sld [smem:$0x3F97]  }
0x1a: {  	s8 =	sadd.s32 $0xFFFFE003, lr  }
0x1b: {  	s9 =	sadd.s32 $0xFFFFFEF7, lr;
	s5 =	simm.s32 $0xFFFFFFFF;
	p2 =	slt.u32 s8, $0xFFFFF086  }
0x1c: {  	p1 =	slt.u32 s9, $0xF7A;
	s5 =	simm.s32 @!p2 $0x0  }
0x1d: {  	s5 =	simm.s32 @p1 $0x1;
	p0 =	seq.s32 s7, s2  }
0x1e: {  	s7 =	smul.u32 @!p0 $0xF7A, s2;
	p2 =	seq.s32 @!p0 s5, $0x0  }
0x1f: {  	s9 =	smul.u32 $0xF7A, s1;
	s8 =	simm.s32 @!p0 $0x1BF5;
	p2 =	por !p2, p0  }
0x20: {  	[sflag:s8] =	ssyncset.s32 @!p0 $0xFFFFF086;
	s6 =	sadd.s32 @!p0 s3, s7;
	s7 =	simm.s32 @!p0 $0x108  }
0x21: {  	s3 =	sadd.s32 s3, s9;
	s6 =	sadd.s32 @!p0 $0x88, s6;
	s7 =	simm.s32 @p2 $0x1082  }
0x22: {  	[simem:s7], [sflag:s8] =	dma.local @!p0 [hbm:s6], $0xF7A  }
0x23: {  	s9 =	sor.u32 $0xD0000000, s2;
	s6 =	simm.s32 $0x108;
	_ =	swait.ge @!p0 [sflag:s8], $0x0  }
0x24: {  	s3 =	sadd.s32 $0x88, s3;
	s6 =	simm.s32 @!p1 $0x1082;
	[sflag:s4] =	ssyncset.s32 $0xFFFFF086  }
0x25: {  	[simem:s6], [sflag:s4] =	dma.local [hbm:s3], $0xF7A  }
0x26: {  	[smem:$0x3F97] =	sst s1;
	(tag) =	ssettag s2;
	_ =	strace s9  }
0x27: {  	s1 =	sld [smem:$0x3FA7]  }
0x28: {  	s2 =	sld [smem:$0x3FA8]  }
0x29: {  	s4 =	sld [smem:$0x3FAA]  }
0x2a: {  	p0 =	seq.s32 s5, $0x0;
	s5 =	sld [smem:$0x3FAB]  }
0x2b: {  	s6 =	sld [smem:$0x3FAC]  }
0x2c: {  	s7 =	sld [smem:$0x3FAD]  }
0x2d: {  	s3 =	simm.s32 $0x108;
	s8 =	sld [smem:$0x3FAE]  }
0x2e: {  	s3 =	simm.s32 @!p0 $0x1082;
	s9 =	sld [smem:$0x3FAF]  }
0x2f: {  	lr =	sadd.s32 s0, s3;
	s0 =	sld [smem:$0x3FA6]  }
0x30: {  	s3 =	sld [smem:$0x3FA9]  }
0x31: {  	[smem:$0x3FB2] =	sst s10  }
0x32: {  	s10 =	sld [smem:$0x3FB0];
	_ =	sdelay $0x3  }
0x33: {  	p0 =	seq.s32 s10, $0x1;
	s10 =	sld [smem:$0x3FB2];
	_ =	sdelay $0x3  }
0x34: {  	[smem:$0x3FB2] =	sst s10  }
0x35: {  	s10 =	sld [smem:$0x3FB1];
	_ =	sdelay $0x3  }
0x36: {  	p1 =	seq.s32 s10, $0x1;
	s10 =	sld [smem:$0x3FB2];
	_ =	sdelay $0x3  }
0x37: {  	[smem:$0x3FB2] =	sst s10  }
0x38: {  	s10 =	sld [smem:$0x3FB3]  }
0x39: {  	_ = 	snop;
	(pc) =	sbr.ind lr, $3  }
0x3a: {  	_ = 	snop  }
0x3b: {  	_ = 	snop  }
0x3c: {  	p2 =	seq.s32 s10, $0x1;
	s10 =	sld [smem:$0x3FB2]  }
0x3d: {  	_ =	shalt  }
0x3e: {  	_ =	shalt  }
0x3f: {  	_ =	shalt  }
0x40: {  	_ =	shalt  }
0x41: {  	_ =	shalt  }
0x42: {  	_ =	shalt  }
0x43: {  	_ =	shalt  }
0x44: {  	_ =	shalt  }
0x45: {  	_ =	shalt  }
0x46: {  	_ =	shalt  }
0x47: {  	_ =	shalt  }
0x48: {  	_ =	shalt  }
0x49: {  	_ =	shalt  }
0x4a: {  	_ =	shalt  }
0x4b: {  	_ =	shalt  }
0x4c: {  	_ =	shalt  }
0x4d: {  	_ =	shalt  }
0x4e: {  	_ =	shalt  }
0x4f: {  	_ =	shalt  }
0x50: {  	_ =	shalt  }
0x51: {  	_ =	shalt  }
0x52: {  	_ =	shalt  }
0x53: {  	_ =	shalt  }
0x54: {  	_ =	shalt  }
0x55: {  	_ =	shalt  }
0x56: {  	_ =	shalt  }
0x57: {  	_ =	shalt  }
0x58: {  	_ =	shalt  }
0x59: {  	_ =	shalt  }
0x5a: {  	_ =	shalt  }
0x5b: {  	_ =	shalt  }
0x5c: {  	_ =	shalt  }
0x5d: {  	_ =	shalt  }
0x5e: {  	_ =	shalt  }
0x5f: {  	_ =	shalt  }
0x60: {  	_ =	shalt  }
0x61: {  	_ =	shalt  }
0x62: {  	_ =	shalt  }
0x63: {  	_ =	shalt  }
0x64: {  	_ =	shalt  }
0x65: {  	_ =	shalt  }
0x66: {  	_ =	shalt  }
0x67: {  	_ =	shalt  }
0x68: {  	_ =	shalt  }
0x69: {  	_ =	shalt  }
0x6a: {  	_ =	shalt  }
0x6b: {  	_ =	shalt  }
0x6c: {  	_ =	shalt  }
0x6d: {  	_ =	shalt  }
0x6e: {  	_ =	shalt  }
0x6f: {  	_ =	shalt  }
0x70: {  	_ =	shalt  }
0x71: {  	_ =	shalt  }
0x72: {  	_ =	shalt  }
0x73: {  	_ =	shalt  }
0x74: {  	_ =	shalt  }
0x75: {  	_ =	shalt  }
0x76: {  	_ =	shalt  }
0x77: {  	_ =	shalt  }
0x78: {  	_ =	shalt  }
0x79: {  	_ =	shalt  }
0x7a: {  	_ =	shalt  }
0x7b: {  	_ =	shalt  }
0x7c: {  	_ =	shalt  }
0x7d: {  	_ =	shalt  }
0x7e: {  	_ =	shalt  }
0x7f: {  	_ =	shalt  }
0x80: {  	_ =	shalt  }
0x81: {  	_ =	shalt  }
0x82: {  	_ =	shalt  }
0x83: {  	_ =	shalt  }
0x84: {  	_ =	shalt  }
0x85: {  	_ =	shalt  }
0x86: {  	_ =	shalt  }
0x87: {  	_ =	shalt  }
.Lfunc_end0:
.L_simem_size_0:
called_computation_lowered:
.L_overlay_start_0:
0x88: {  	s2 =	sld [smem:$0x3FD9]  }
0x89: {  	s3 =	sld [smem:$0x3FFE];
	_ =	sdelay $0x1  }
0x8a: {  	s1 =	srdreg.scid  }
0x8b: {  	s0 =	sand.u32 $0x1, s1  }
0x8c: {  	s17 =	sshll.u32 s0, $0xA;
	s2 =	sadd.s32 s3, s2  }
0x8d: {  	s2 =	sadd.s32 s2, s17  }
0x8e: {  	[smem:$0x3FBE] =	sst s2  }
0x8f: {  	_ = 	snop  }
0x90: {  	(tm) =	ssettm $0x1  }
0x91: {  	s18 =	sld [smem:$0x3FFB];
	_ =	sdelay $0x3  }
0x92: {  	_ =	strace s18  }
0x93: {  	s2 =	sld [smem:$0x3FFC];
	_ =	sdelay $0x3  }
0x94: {  	_ =	strace s2  }
0x95: {  	s2 =	sld [smem:$0x3FFD];
	_ =	sdelay $0x3  }
0x96: {  	_ =	strace s2  }
0x97: {  	_ =	strace $0x8FFFFFFF  }
0x98: {  	s19 =	sld [smem:$0x3FDB];
	_ =	sdelay $0x1  }
0x99: {  	s20 =	simm.s32 $_scs_section_size  }
0x9a: {  	s4 =	simm.s32 $_size__tile_overlayer_lowered;
	s5 =	simm.s32 $_tile_overlayer_lowered  }
0x9b: {  	s6 =	simm.s32 $0x1BFF;
	s21 =	sshll.u32 s5, $0x1;
	s3 =	sadd.s32 s20, s19  }
0x9c: {  	s22 =	simm.s32 $0x0;
	s4 =	sshll.u32 s4, $0x1;
	s5 =	sadd.s32 s21, s3  }
0x9d: {  	[timem:s22], [sflag:s6] =	dma.local [hbm:s5], s4  }
0x9e: {  	_ =	swait.ge [sflag:s6], s4  }
0x9f: {  	s4 =	ssub.s32 $0x0, s4;
	[sflag:s6] =	ssyncset.done $0x0  }
0xa0: {  	[sflag:s6] =	ssyncadd.s32 s4;
	_ =	sdelay $0x1  }
0xa1: {  	s23 =	simm.s32 $0x1B8B  }
0xa2: {  	_ =	swait.ge [sflag:s23], $0x1  }
0xa3: {  	[sflag:s23] =	ssyncset.done $0x0  }
0xa4: {  	[sflag:s23] =	ssyncadd.s32 $0xFFFFFFFF  }
0xa5: {  	s4 =	sld [smem:$0x0]  }
0xa6: {  	s5 =	sand.u32 $0xFFFFFFFE, s1  }
0xa7: {  	p0 =	sne.s32 s1, s5  }
0xa8: {  	s5 =	sshll.u32 @p0 s5, $0xE  }
0xa9: {  	s5 =	sadd.s32 @p0 $0x11B8D, s5;
	s6 =	sshll.u32 @p0 s4, $0x11  }
0xaa: {  	s5 =	sor.u32 @p0 s6, s5  }
0xab: {  	[sflag:s5] =	ssyncadd.remote.s32 @p0 $0x1;
	_ =	sdelay $0x1  }
0xac: {  	s5 =	simm.s32 @p0 $0x1B8D  }
0xad: {  	_ =	swait.eq @p0 [sflag:s5], $0x1  }
0xae: {  	[sflag:s5] =	ssyncadd.s32 @p0 $0xFFFFFFFF  }
0xaf: {  	s6 =	sshll.u32 @!p0 s1, $0xE  }
0xb0: {  	s6 =	sor.u32 @!p0 $0x4000, s6;
	s5 =	simm.s32 @!p0 $0x1B8D  }
0xb1: {  	s4 =	sshll.u32 @!p0 s4, $0x11;
	s6 =	sadd.s32 @!p0 $0x11B8D, s6;
	_ =	swait.eq @!p0 [sflag:s5], $0x1  }
0xb2: {  	s4 =	sor.u32 @!p0 s4, s6;
	[sflag:s5] =	ssyncadd.s32 @!p0 $0xFFFFFFFF  }
0xb3: {  	s25 =	simm.s32 $0x1B8E;
	s24 =	sld [smem:$0x3FFE];
	[sflag:s4] =	ssyncadd.remote.s32 @!p0 $0x1  }
0xb4: {  	s26 =	simm.s32 $execute0_lowered;
	[smem:$0x3FD2] =	sst s25  }
0xb5: {  	s5 =	sshll.u32 s26, $0x1;
	_ =	strace $0x80000049;
	[dreg:$0x1] =	wrdreg $0xFFFFFFFF  }
0xb6: {  	s28 =	simm.s32 $_size_execute0_lowered;
	s3 =	sadd.s32 s3, s5;
	[dreg:$0x0] =	wrdreg $0x0  }
0xb7: {  	s5 =	sshll.u32 s28, $0x1;
	[dreg:$0x2] =	wrdreg s3  }
0xb8: {  	[dreg:$0x3] =	wrdreg s5  }
0xb9: {  	[dreg:$0x4] =	wrdreg $0xC0  }
0xba: {  	_ =	task [dreg:s22], $0x5FFFF  }
0xbb: {  	[dreg:$0x1] =	wrdreg $0xFFFFFFFF  }
0xbc: {  	[dreg:$0x0] =	wrdreg $0x60  }
0xbd: {  	[dreg:$0x2] =	wrdreg s24  }
0xbe: {  	[dreg:$0x3] =	wrdreg $0x0  }
0xbf: {  	[dreg:$0x4] =	wrdreg $0x28000  }
0xc0: {  	[dreg:$0x5] =	wrdreg $0x9  }
0xc1: {  	_ =	task.clear_ibuf [dreg:s22], $0x6FFFF;
	_ =	strace $0x90000049  }
0xc2: {  	s29 =	simm.s32 $0x9;
	_ =	strace $0x8000004B  }
0xc3: {  	_ =	swait.ge [sflag:s29], $0x1  }
0xc4: {  	[sflag:s29] =	ssyncadd.s32 $0xFFFFFFFF  }
0xc5: {  	_ =	strace $0x9000004B  }
0xc6: {  	_ =	sfence  }
0xc7: {  	s30 =	sld [smem:$0x0];
	_ =	sdelay $0x2  }
0xc8: {  	s31 =	sshll.u32 s1, $0xD;
	s1 =	sshrl.u32 s1, $0x2  }
0xc9: {  	s4 =	sand.u32 $0x4000, s31;
	s1 =	sadd.s32 s1, s30  }
0xca: {  	s0 =	sor.u32 s4, s0;
	s1 =	sshll.u32 s1, $0x11  }
0xcb: {  	s0 =	sor.u32 s1, s0  }
0xcc: {  	s0 =	sadd.s32 $0x8F2B, s0  }
0xcd: {  	[sflag:s0] =	ssyncadd.remote.s32 $0x1  }
0xce: {  	_ =	sfence.sel $0xFFFF  }
0xcf: {  	[dreg:$0x0] =	wrdreg $0xFFFFFFFF;
	(pc) =	sbr.abs _section_cstart, $3  }
0xd0: {  	[dreg:$0x1] =	wrdreg $0xFFFFFFFF  }
0xd1: {  	_ =	task.clear_ibuf [dreg:s22], $0x2FFFF;
	_ =	strace $0x9FFFFFFF  }
0xd2: {  	(tm) =	ssettm $0x7FFFFFFF  }
0xd3: {  	_ =	shalt  }
tec
execute0_lowered:
.L_overlay_start_1:
0x0: {  	(tag) =	ssettag $0x1  }
0x1: {  	s0 =	rddreg [dreg:$0x0]  }
0x2: {  	s13 =	stileid.u32;
	s2 =	rddreg [dreg:$0x1]  }
0x3: {  	s1 =	srdreg.scid;
	s3 =	rddreg [dreg:$0x2]  }
0x4: {  	s28 =	simm.s32 $0x80;
	s30 =	simm.s32 $0x2;
	s29 =	simm.s32 $0xE  }
0x5: {  	s31 =	simm.s32 $0xF;
	s1 =	sand.u32 $0x1, s1;
	s6 =	smul.u32 $0x2800, s13  }
0x6: {  	s4 =	sshll.u32 s13, $0x1;
	s8 =	smul.u32 $0x500, s13;
	s10 =	sadd.s32 $0xD400, s0  }
0x7: {  	s17 =	smul.u32 $0x5000, s13;
	s21 =	sshll.u32 s13, $0x6;
	s5 =	sor.u32 s1, s4  }
0x8: {  	s4 =	simm.s32 $0x0;
	s9 =	smul.u32 $0x5000, s1;
	s11 =	ssub.s32 $0x2, s1  }
0x9: {  	s1 =	smul.u32 $0x2800, s1;
	s13 =	sor.u32 $0x1C10, s21;
	s21 =	simm.s32 $0xC  }
0xa: {  	s5 =	smul.u32 $0x2800, s5;
	[smem:$0x7FF] =	sst s4;
	s7 =	sshrl.u32 s6, $0x3  }
0xb: {  	s26 =	sshrl.u32 s11, $0x1;
	s20 =	sadd.s32 s6, s2;
	s6 =	sadd.s32 s6, s3  }
0xc: {  	_ =	strace $0x8000004A;
	s7 =	sadd.s32 s7, s0;
	s8 =	sadd.s32 s8, s9  }
0xd: {  	s14 =	ssub.s32 s11, s26;
	[dreg:$0xa] =	wrdreg s20;
	s26 =	sshrl.u32 s6, $0x3  }
0xe: {  	s1 =	sadd.s32 s1, s17;
	s22 =	sadd.s32 $0x17400, s7;
	[dreg:$0xf] =	wrdreg s26  }
0xf: {  	s5 =	sshrl.u32 s5, $0x3;
	s23 =	sadd.s32 $0x1C400, s7;
	[dreg:$0xb] =	wrdreg s22  }
0x10: {  	s1 =	sor.u32 $0x280, s1;
	s24 =	smax.u32 s14, $0x1;
	[dreg:$0xc] =	wrdreg s23  }
0x11: {  	s12 =	sadd.s32 s5, s0;
	s5 =	sadd.s32 s10, s5;
	[dreg:$0xe] =	wrdreg s24  }
0x12: {  	s26 =	simm.s32 $0x1;
	s15 =	sadd.s32 $0x3400, s12;
	[dreg:$0x4] =	wrdreg s5  }
0x13: {  	s0 =	sadd.s32 s8, s0;
	s16 =	sadd.s32 $0x10, s5;
	[dreg:$0x5] =	wrdreg s15  }
0x14: {  	s25 =	sshrl.u32 s1, $0x3;
	s18 =	sadd.s32 $0x20, s5;
	[dreg:$0x6] =	wrdreg s16  }
0x15: {  	s23 =	simm.s32 $0x10;
	s19 =	sadd.s32 $0x30, s5;
	[dreg:$0x7] =	wrdreg s18  }
0x16: {  	s1 =	simm.s32 $0x3;
	s5 =	sadd.s32 $0x40, s5;
	[dreg:$0x8] =	wrdreg s19  }
0x17: {  	s22 =	simm.s32 $0xD;
	s0 =	sadd.s32 $0x2B400, s0;
	[dreg:$0x9] =	wrdreg s5  }
0x18: {  	s17 =	sadd.s32 s25, s10;
	[dreg:$0xd] =	wrdreg s0;
	s0 =	simm.s32 $0x0  }
.LBB2_1:
0x19: {  	s5 =	rddreg [dreg:$0x5]  }
0x1a: {  	s9 =	simm.s32 $0x5300;
	s19 =	rddreg [dreg:$0x4]  }
0x1b: {  	[tilespmem:s9], [sflag:$0x7] =	stream.linear.gather [hbm4b:s5+s4], $0x2800, $0x38;
	[tilespmem:$0x9B00] =	vst v63  }
0x1c: {  	s7 =	simm.s32 $0x5000;
	s20 =	rddreg [dreg:$0x6]  }
0x1d: {  	[tilespmem:s7], [sflag:$0x1] =	stream.linear.gather [hbm4b:s19+s4], $0x80, $0x38;
	[tilespmem:$0x9B00] =	vst v63  }
0x1e: {  	s8 =	simm.s32 $0x5080;
	s24 =	rddreg [dreg:$0x7]  }
0x1f: {  	[tilespmem:s8], [sflag:$0x2] =	stream.linear.gather [hbm4b:s20+s4], $0x80, $0x38;
	[tilespmem:$0x9B00] =	vst v63  }
0x20: {  	s10 =	simm.s32 $0x5100;
	s25 =	rddreg [dreg:$0x8]  }
0x21: {  	[tilespmem:s10], [sflag:$0x3] =	stream.linear.gather [hbm4b:s24+s4], $0x80, $0x38;
	[tilespmem:$0x9B00] =	vst v63  }
0x22: {  	s6 =	simm.s32 $0x5180;
	s12 =	rddreg [dreg:$0xa]  }
0x23: {  	[tilespmem:s6], [sflag:$0x4] =	stream.linear.gather [hbm4b:s25+s4], $0x80, $0x38;
	[tilespmem:$0x9B00] =	vst v63  }
0x24: {  	s11 =	simm.s32 $0x5200;
	s6 =	rddreg [dreg:$0x9]  }
0x25: {  	[tilespmem:s11], [sflag:$0x5] =	stream.linear.gather [hbm4b:s6+s4], $0x80, $0x38;
	[tilespmem:$0x9B00] =	vst v63  }
0x26: {  	s14 =	rddreg [dreg:$0xb];
	s6 =	sshrl.u32 s12, $0x3  }
0x27: {  	[spmem:s6], [sflag:s13] =	dma.local [hbm:s14], $0x500  }
0x28: {  	_ =	swait.ge [sflag:s23], $0x500  }
0x29: {  	[sflag:s23] =	ssyncset.done $0x0;
	s15 =	rddreg [dreg:$0xc]  }
0x2a: {  	s11 =	rddreg [dreg:$0xf];
	[sflag:s23] =	ssyncadd.s32 $0xFFFFFB00  }
0x2b: {  	[spmem:s11], [sflag:s13] =	dma.local [hbm:s15], $0x500  }
0x2c: {  	_ =	swait.ge [sflag:s23], $0x500  }
0x2d: {  	[sflag:s23] =	ssyncset.done $0x0  }
0x2e: {  	s16 =	simm.s32 $0x7;
	[sflag:s23] =	ssyncadd.s32 $0xFFFFFB00  }
0x2f: {  	_ =	swait.ge [sflag:s16], $0x2800  }
0x30: {  	[sflag:s16] =	ssyncset.done $0x0  }
0x31: {  	[sflag:s16] =	ssyncadd.s32 $0xFFFFD800  }
0x32: {  	[bflag:$0x0] =	sbarrier.arrive $0xFFFF  }
0x33: {  	_ =	swait.ge [sflag:s26], $0x80  }
0x34: {  	[sflag:s26] =	ssyncset.done $0x0  }
0x35: {  	s18 =	simm.s32 $0x7B00;
	[sflag:s26] =	ssyncadd.s32 $0xFFFFFF80  }
0x36: {  	[tilespmem:s18], [sflag:$0x8] =	stream.indirect.gather [spmem:s3], $0x10, s7, s28, $0xb8;
	[tilespmem:$0x9B00] =	vst v63  }
0x37: {  	p1 =	por $0x0, $0x0;
	s7 =	simm.s32 $0x5  }
0x38: {  	p0 =	por $0x0, $0x0;
	_ =	swait.ge [sflag:s30], $0x80;
	s7 =	smul.u32 @!p1 $0xAB, s7  }
0x39: {  	s19 =	simm.s32 $0x8300;
	s24 =	simm.s32 $0x0;
	[sflag:s30] =	ssyncset.done $0x0  }
0x3a: {  	s12 =	sand.u32 $0x3, s24;
	[sflag:s30] =	ssyncadd.s32 $0xFFFFFF80;
	s7 =	sshrl.u32 @!p1 s7, $0xA  }
0x3b: {  	[tilespmem:s19], [sflag:$0x9] =	stream.indirect.gather [spmem:s3], $0x10, s8, s28, $0xb8;
	[tilespmem:$0x9B00] =	vst v63  }
0x3c: {  	s20 =	simm.s32 $0x8B00;
	s14 =	sshll.u32 s12, $0xB;
	s7 =	sand.u32 @!p1 $0x3F, s7  }
0x3d: {  	s25 =	sor.u32 $0xC, s12;
	_ =	swait.ge [sflag:s1], $0x80;
	s11 =	smul.u32 @!p1 $0x6, s7  }
0x3e: {  	s12 =	sor.u32 $0x8, s12;
	s14 =	sadd.s32 $0x7B00, s14;
	[sflag:s1] =	ssyncset.done $0x0  }
0x3f: {  	s15 =	simm.s32 $0x3;
	[sflag:s1] =	ssyncadd.s32 $0xFFFFFF80;
	s11 =	ssub.s32 @!p1 $0x5, s11  }
0x40: {  	[tilespmem:s20], [sflag:$0xA] =	stream.indirect.gather [spmem:s3], $0x10, s10, s28, $0xb8;
	[tilespmem:$0x9B00] =	vst v63  }
0x41: {  	s18 =	simm.s32 @!p1 $0x0;
	s8 =	sadd.s32 $0x10, s17;
	s11 =	sand.u32 @!p1 $0xFF, s11  }
0x42: {  	s19 =	smul.u32 @!p0 $0xAB, s15;
	s7 =	simm.s32 $0x6;
	s16 =	sshll.u32 @!p1 s11, $0x7  }
0x43: {  	s10 =	simm.s32 $0x7;
	s11 =	sadd.s32 @!p1 $0x1, s11;
	s16 =	sor.u32 @!p1 $0x5000, s16  }
0x44: {  	[tilespmem:s16], [sflag:s11] =	stream.linear.gather @!p1 [hbm4b:s17+s18], $0x80, $0x38;
	[tilespmem:$0x9B00] =	vst v63  }
0x45: {  	s11 =	sand.u32 @!p0 $0x3, s15;
	s15 =	sshrl.u32 @!p0 s19, $0xA;
	_ =	swait.ge [sflag:s12], $0x800  }
0x46: {  	p1 =	por @!p0 $0x1, $0x1;
	s15 =	sand.u32 @!p0 $0x3F, s15;
	[sflag:s12] =	ssyncset.done $0x0  }
0x47: {  	p1 =	por p1, p0;
	[sflag:s12] =	ssyncadd.s32 $0xFFFFF800;
	s12 =	smul.u32 @!p0 $0x6, s15  }
0x48: {  	[spmem:s2] =	stream.indirect.scatter.add.f32 [tilespmem:s14], [sflag:s25], $0x10, s9, s28, $0xb8;
	[tilespmem:$0x9B00] =	vst v63  }
0x49: {  	s19 =	sshll.u32 @!p0 s11, $0xB;
	s14 =	sor.u32 @!p1 $0xC, s11;
	s12 =	ssub.s32 @!p0 $0x3, s12  }
0x4a: {  	s19 =	sadd.s32 @!p0 $0x7B00, s19;
	_ =	swait.ge @!p1 [sflag:s14], $0x800;
	s12 =	sand.u32 @!p0 $0xFF, s12  }
0x4b: {  	s9 =	simm.s32 $0x5380;
	[sflag:s14] =	ssyncset.done @!p1 $0x0;
	s15 =	sadd.s32 @!p0 $0x1, s12  }
0x4c: {  	s16 =	sshll.u32 @!p0 s12, $0x7;
	s12 =	simm.s32 $0x1;
	[sflag:s14] =	ssyncadd.s32 @!p1 $0xFFFFF800  }
0x4d: {  	p1 =	por $0x0, $0x0;
	s18 =	sor.u32 @!p0 $0x5000, s16;
	_ =	swait.ge @!p0 [sflag:s15], $0x80  }
0x4e: {  	s14 =	sand.u32 $0x3, s12;
	s16 =	smul.u32 @!p1 $0xAB, s7;
	[sflag:s15] =	ssyncset.done @!p0 $0x0  }
.LBB2_2:
0x4f: {  	s20 =	sshll.u32 s14, $0xB;
	[sflag:s15] =	ssyncadd.s32 @!p0 $0xFFFFFF80;
	s11 =	sor.u32 @!p0 $0x8, s11  }
0x50: {  	s15 =	smov.u32 s7;
	s7 =	smov.u32 s10;
	s24 =	smov.u32 s8  }
0x51: {  	s10 =	sadd.s32 $0x1, s10;
	s5 =	smov.u32 s9;
	s16 =	sshrl.u32 @!p1 s16, $0xA  }
0x52: {  	s25 =	simm.s32 @!p0 $0x80;
	p2 =	sne.s32 s10, $0x55;
	s16 =	sand.u32 @!p1 $0x3F, s16  }
0x53: {  	s8 =	sadd.s32 $0x10, s8;
	s9 =	sadd.s32 $0x80, s9;
	s16 =	smul.u32 @!p1 $0x6, s16  }
0x54: {  	[tilespmem:s19], [sflag:s11] =	stream.indirect.gather @!p0 [spmem:s3], $0x10, s18, s25, $0xb8;
	[tilespmem:$0x9B00] =	vst v63  }
0x55: {  	s18 =	sadd.s32 $0xFFFFFFFE, s15;
	s11 =	ssub.s32 @!p1 s15, s16;
	s16 =	sor.u32 $0xC, s14  }
0x56: {  	s19 =	sadd.s32 $0x7B00, s20;
	s14 =	sor.u32 $0x8, s14;
	s11 =	sand.u32 @!p1 $0xFF, s11  }
0x57: {  	p0 =	sgt.u32 s12, $0x4C;
	s20 =	sshll.u32 @!p1 s11, $0x7;
	s11 =	sadd.s32 @!p1 $0x1, s11  }
0x58: {  	s25 =	smul.u32 @!p0 $0xAB, s18;
	s12 =	sor.u32 @!p1 $0x5000, s20;
	s20 =	simm.s32 @!p1 $0x0  }
0x59: {  	[tilespmem:s12], [sflag:s11] =	stream.linear.gather @!p1 [hbm4b:s24+s20], $0x80, $0x38;
	[tilespmem:$0x9B00] =	vst v63  }
0x5a: {  	s11 =	sand.u32 @!p0 $0x3, s18;
	s12 =	sshrl.u32 @!p0 s25, $0xA;
	_ =	swait.ge [sflag:s14], $0x800  }
0x5b: {  	p1 =	seq.s32 @!p0 s15, $0x5;
	s12 =	sand.u32 @!p0 $0x3F, s12;
	[sflag:s14] =	ssyncset.done $0x0  }
0x5c: {  	p1 =	por p1, p0;
	s12 =	smul.u32 @!p0 $0x6, s12;
	[sflag:s14] =	ssyncadd.s32 $0xFFFFF800  }
0x5d: {  	[spmem:s2] =	stream.indirect.scatter.add.f32 [tilespmem:s19], [sflag:s16], $0x10, s5, s28, $0xb8;
	[tilespmem:$0x9B00] =	vst v63  }
0x5e: {  	s5 =	sor.u32 @!p1 $0xC, s11;
	s12 =	ssub.s32 @!p0 s18, s12;
	s19 =	sshll.u32 @!p0 s11, $0xB  }
.Ltmp0:
0x5f: {  	s12 =	sand.u32 @!p0 $0xFF, s12;
	_ =	swait.ge @!p1 [sflag:s5], $0x800;
	(pc) =	sbr.rel @p2 .LBB2_2-.Ltmp0, $4  }
0x60: {  	s15 =	sadd.s32 @!p0 $0x1, s12;
	s14 =	sshll.u32 @!p0 s12, $0x7;
	[sflag:s5] =	ssyncset.done @!p1 $0x0  }
0x61: {  	s12 =	sadd.s32 $0xFFFFFFFB, s7;
	s18 =	sor.u32 @!p0 $0x5000, s14;
	[sflag:s5] =	ssyncadd.s32 @!p1 $0xFFFFF800  }
0x62: {  	s14 =	sand.u32 $0x3, s12;
	p1 =	sgt.u32 s12, $0x4A;
	_ =	swait.ge @!p0 [sflag:s15], $0x80  }
0x63: {  	s19 =	sadd.s32 @!p0 $0x7B00, s19;
	s16 =	smul.u32 @!p1 $0xAB, s7;
	[sflag:s15] =	ssyncset.done @!p0 $0x0  }
0x64: {  	_ = 	snop  }
0x65: {  	s5 =	sshrl.u32 @!p1 s16, $0xA  }
0x66: {  	[sflag:s15] =	ssyncadd.s32 @!p0 $0xFFFFFF80;
	s5 =	sand.u32 @!p1 $0x3F, s5  }
0x67: {  	s11 =	sor.u32 @!p0 $0x8, s11;
	s15 =	simm.s32 @!p0 $0x80;
	s5 =	smul.u32 @!p1 $0x6, s5  }
0x68: {  	[tilespmem:s19], [sflag:s11] =	stream.indirect.gather @!p0 [spmem:s3], $0x10, s18, s15, $0xb8;
	[tilespmem:$0x9B00] =	vst v63  }
0x69: {  	s10 =	sshll.u32 s14, $0xB;
	s5 =	ssub.s32 @!p1 s7, s5  }
0x6a: {  	s15 =	sadd.s32 $0xFFFFFFFE, s7;
	p0 =	sgt.u32 s12, $0x4C;
	s5 =	sand.u32 @!p1 $0xFF, s5  }
0x6b: {  	s20 =	sor.u32 $0x8, s14;
	s18 =	smul.u32 @!p0 $0xAB, s15;
	s16 =	sshll.u32 @!p1 s5, $0x7  }
0x6c: {  	s5 =	sadd.s32 @!p1 $0x1, s5;
	s12 =	sor.u32 @!p1 $0x5000, s16;
	s16 =	simm.s32 @!p1 $0x0  }
0x6d: {  	[tilespmem:s12], [sflag:s5] =	stream.linear.gather @!p1 [hbm4b:s8+s16], $0x80, $0x38;
	[tilespmem:$0x9B00] =	vst v63  }
0x6e: {  	s19 =	sor.u32 $0xC, s14;
	s10 =	sadd.s32 $0x7B00, s10;
	s5 =	sand.u32 @!p0 $0x3, s15  }
0x6f: {  	s8 =	sshrl.u32 @!p0 s18, $0xA;
	p1 =	seq.s32 @!p0 s7, $0x5;
	_ =	swait.ge [sflag:s20], $0x800  }
0x70: {  	s7 =	sand.u32 @!p0 $0x3F, s8;
	p1 =	por p1, p0;
	[sflag:s20] =	ssyncset.done $0x0  }
0x71: {  	s7 =	smul.u32 @!p0 $0x6, s7;
	s8 =	sor.u32 @!p1 $0xC, s5;
	[sflag:s20] =	ssyncadd.s32 $0xFFFFF800  }
0x72: {  	[spmem:s2] =	stream.indirect.scatter.add.f32 [tilespmem:s10], [sflag:s19], $0x10, s9, s28, $0xb8;
	[tilespmem:$0x9B00] =	vst v63  }
0x73: {  	s7 =	ssub.s32 @!p0 s15, s7;
	_ =	swait.ge @!p1 [sflag:s8], $0x800  }
0x74: {  	s7 =	sand.u32 @!p0 $0xFF, s7;
	[sflag:s8] =	ssyncset.done @!p1 $0x0  }
0x75: {  	s9 =	sadd.s32 @!p0 $0x1, s7;
	[sflag:s8] =	ssyncadd.s32 @!p1 $0xFFFFF800  }
0x76: {  	s7 =	sshll.u32 @!p0 s7, $0x7;
	s8 =	sshll.u32 @!p0 s5, $0xB;
	_ =	swait.ge @!p0 [sflag:s9], $0x80  }
0x77: {  	s7 =	sor.u32 @!p0 $0x5000, s7;
	s5 =	sor.u32 @!p0 $0x8, s5;
	[sflag:s9] =	ssyncset.done @!p0 $0x0  }
0x78: {  	s8 =	sadd.s32 @!p0 $0x7B00, s8;
	[sflag:s9] =	ssyncadd.s32 @!p0 $0xFFFFFF80;
	s9 =	simm.s32 @!p0 $0x80  }
0x79: {  	[tilespmem:s8], [sflag:s5] =	stream.indirect.gather @!p0 [spmem:s3], $0x10, s7, s9, $0xb8;
	[tilespmem:$0x9B00] =	vst v63  }
0x7a: {  	_ =	swait.ge [sflag:s21], $0x800  }
0x7b: {  	[sflag:s21] =	ssyncset.done $0x0  }
0x7c: {  	[sflag:s21] =	ssyncadd.s32 $0xFFFFF800  }
0x7d: {  	_ =	swait.ge [sflag:s22], $0x800  }
0x7e: {  	[sflag:s22] =	ssyncset.done $0x0  }
0x7f: {  	[sflag:s22] =	ssyncadd.s32 $0xFFFFF800  }
0x80: {  	_ =	swait.ge [sflag:s29], $0x800  }
0x81: {  	[sflag:s29] =	ssyncset.done $0x0  }
0x82: {  	[sflag:s29] =	ssyncadd.s32 $0xFFFFF800  }
0x83: {  	_ =	swait.ge [sflag:s31], $0x800  }
0x84: {  	[sflag:s31] =	ssyncset.done $0x0  }
0x85: {  	[sflag:s31] =	ssyncadd.s32 $0xFFFFF800  }
0x86: {  	[bflag:$0x0] =	sbarrier.arrive $0xFFFF  }
0x87: {  	s24 =	rddreg [dreg:$0xd]  }
0x88: {  	[hbm:s24], [sflag:s13] =	dma.local [spmem:s6], $0x500  }
0x89: {  	_ =	swait.ge [sflag:s23], $0x500  }
0x8a: {  	s0 =	sadd.s32 $0x1, s0;
	s25 =	rddreg [dreg:$0xe]  }
0x8b: {  	p0 =	sne.s32 s0, s25  }
.Ltmp1:
0x8c: {  	_ = 	snop;
	(pc) =	sbr.rel @p0 .LBB2_1-.Ltmp1, $3  }
0x8d: {  	_ =	sdelay $0x1  }
0x8e: {  	[sflag:s23] =	ssyncset.done $0x0  }
0x8f: {  	[sflag:s23] =	ssyncadd.s32 $0xFFFFFB00  }
0x90: {  	_ =	sfence.sel $0x180000  }
0x91: {  	[bflag:$0x0] =	sbarrier.arrive $0xFFFF  }
0x92: {  	_ =	strace $0x9000004A  }
0x93: {  	s0 =	stileid.u32;
	[bflag:$0x2] =	sbarrier.arrive $0xFFFF  }
0x94: {  	p0 =	sne.s32 s0, $0x0;
	s0 =	rddreg [dreg:$0x3]  }
0x95: {  	s0 =	sadd.s32 @!p0 $0x100000, s0  }
0x96: {  	[sflag:s0] =	ssyncadd.tile.s32 @!p0 $0x1;
	_ =	shalt  }
.Lfunc_end2:
_tile_overlayer_lowered:
.L_overlay_start_2:
0x97: {  	(tag) =	ssettag $0x2  }
0x98: {  	s0 =	rddreg [dreg:$0x0];
	s2 =	stileid.u32  }
0x99: {  	s1 =	rddreg [dreg:$0x1];
	p0 =	sne.s32 s2, $0x0  }
0x9a: {  	s3 =	rddreg [dreg:$0x2];
	[bflag:$0x3] =	sbarrier.arrive $0xFFFF;
	s2 =	simm.s32 @!p0 $0x1C10  }
0x9b: {  	[timem:s3], [sflag:s2] =	dma.local @!p0 [hbm:s0], s1  }
0x9c: {  	s0 =	simm.s32 @!p0 $0x10  }
0x9d: {  	_ =	swait.ge @!p0 [sflag:s0], s1  }
0x9e: {  	s1 =	ssub.s32 @!p0 $0x0, s1;
	[sflag:s0] =	ssyncset.done @!p0 $0x0  }
0x9f: {  	[sflag:s0] =	ssyncadd.s32 @!p0 s1  }
0xa0: {  	[bflag:$0x3] =	sbarrier.arrive $0xFFFF  }
0xa1: {  	_ =	shalt  }

// kernel: kernel.16.cloned.1.call-start
scs
__scs_entry_jumppad:
0x0: {  	(pc) =	sbr.rel $0x88, $3  }
0x1: {  	(tag) =	ssettag $0x0;
	lr =	simm.s32 $0x1  }
0x2: {  	[smem:$0x3F97] =	sst lr;
	_ =	strace $0xD0000000  }
0x3: {  	_ = 	snop  }
0x4: {  	_ = 	snop  }
0x5: {  	_ = 	snop  }
0x6: {  	_ = 	snop  }
0x7: {  	_ = 	snop  }
__scs_overlays_trampoline_lowered:
0x8: {  	[smem:$0x3FA6] =	sst s0  }
0x9: {  	[smem:$0x3FA7] =	sst s1  }
0xa: {  	[smem:$0x3FA8] =	sst s2  }
0xb: {  	[smem:$0x3FA9] =	sst s3  }
0xc: {  	[smem:$0x3FAA] =	sst s4  }
0xd: {  	[smem:$0x3FAB] =	sst s5  }
0xe: {  	[smem:$0x3FAC] =	sst s6  }
0xf: {  	[smem:$0x3FAD] =	sst s7  }
0x10: {  	[smem:$0x3FAE] =	sst s8  }
0x11: {  	[smem:$0x3FAF] =	sst s9;
	s0 =	simm.s32 @!p0 $0x0  }
0x12: {  	s1 =	sld [smem:$0x3F95];
	s0 =	simm.s32 @p0 $0x1  }
0x13: {  	[smem:$0x3FB0] =	sst s0;
	s0 =	simm.s32 @!p1 $0x0  }
0x14: {  	s2 =	sld [smem:$0x3F94];
	s0 =	simm.s32 @p1 $0x1  }
0x15: {  	[smem:$0x3FB1] =	sst s0;
	s0 =	simm.s32 @!p2 $0x0  }
0x16: {  	s3 =	sld [smem:$0x3FDB];
	s0 =	simm.s32 @p2 $0x1  }
0x17: {  	s4 =	simm.s32 $0x1BF5;
	[smem:$0x3FB3] =	sst s0  }
0x18: {  	s0 =	sld [smem:$0x3F96];
	_ =	swait.ge [sflag:s4], $0x0  }
0x19: {  	s7 =	sld [smem:$0x3F97]  }
0x1a: {  	s8 =	sadd.s32 $0xFFFFE003, lr  }
0x1b: {  	s9 =	sadd.s32 $0xFFFFFEF7, lr;
	s5 =	simm.s32 $0xFFFFFFFF;
	p2 =	slt.u32 s8, $0xFFFFF086  }
0x1c: {  	p1 =	slt.u32 s9, $0xF7A;
	s5 =	simm.s32 @!p2 $0x0  }
0x1d: {  	s5 =	simm.s32 @p1 $0x1;
	p0 =	seq.s32 s7, s2  }
0x1e: {  	s7 =	smul.u32 @!p0 $0xF7A, s2;
	p2 =	seq.s32 @!p0 s5, $0x0  }
0x1f: {  	s9 =	smul.u32 $0xF7A, s1;
	s8 =	simm.s32 @!p0 $0x1BF5;
	p2 =	por !p2, p0  }
0x20: {  	[sflag:s8] =	ssyncset.s32 @!p0 $0xFFFFF086;
	s6 =	sadd.s32 @!p0 s3, s7;
	s7 =	simm.s32 @!p0 $0x108  }
0x21: {  	s3 =	sadd.s32 s3, s9;
	s6 =	sadd.s32 @!p0 $0x88, s6;
	s7 =	simm.s32 @p2 $0x1082  }
0x22: {  	[simem:s7], [sflag:s8] =	dma.local @!p0 [hbm:s6], $0xF7A  }
0x23: {  	s9 =	sor.u32 $0xD0000000, s2;
	s6 =	simm.s32 $0x108;
	_ =	swait.ge @!p0 [sflag:s8], $0x0  }
0x24: {  	s3 =	sadd.s32 $0x88, s3;
	s6 =	simm.s32 @!p1 $0x1082;
	[sflag:s4] =	ssyncset.s32 $0xFFFFF086  }
0x25: {  	[simem:s6], [sflag:s4] =	dma.local [hbm:s3], $0xF7A  }
0x26: {  	[smem:$0x3F97] =	sst s1;
	(tag) =	ssettag s2;
	_ =	strace s9  }
0x27: {  	s1 =	sld [smem:$0x3FA7]  }
0x28: {  	s2 =	sld [smem:$0x3FA8]  }
0x29: {  	s4 =	sld [smem:$0x3FAA]  }
0x2a: {  	p0 =	seq.s32 s5, $0x0;
	s5 =	sld [smem:$0x3FAB]  }
0x2b: {  	s6 =	sld [smem:$0x3FAC]  }
0x2c: {  	s7 =	sld [smem:$0x3FAD]  }
0x2d: {  	s3 =	simm.s32 $0x108;
	s8 =	sld [smem:$0x3FAE]  }
0x2e: {  	s3 =	simm.s32 @!p0 $0x1082;
	s9 =	sld [smem:$0x3FAF]  }
0x2f: {  	lr =	sadd.s32 s0, s3;
	s0 =	sld [smem:$0x3FA6]  }
0x30: {  	s3 =	sld [smem:$0x3FA9]  }
0x31: {  	[smem:$0x3FB2] =	sst s10  }
0x32: {  	s10 =	sld [smem:$0x3FB0];
	_ =	sdelay $0x3  }
0x33: {  	p0 =	seq.s32 s10, $0x1;
	s10 =	sld [smem:$0x3FB2];
	_ =	sdelay $0x3  }
0x34: {  	[smem:$0x3FB2] =	sst s10  }
0x35: {  	s10 =	sld [smem:$0x3FB1];
	_ =	sdelay $0x3  }
0x36: {  	p1 =	seq.s32 s10, $0x1;
	s10 =	sld [smem:$0x3FB2];
	_ =	sdelay $0x3  }
0x37: {  	[smem:$0x3FB2] =	sst s10  }
0x38: {  	s10 =	sld [smem:$0x3FB3]  }
0x39: {  	_ = 	snop;
	(pc) =	sbr.ind lr, $3  }
0x3a: {  	_ = 	snop  }
0x3b: {  	_ = 	snop  }
0x3c: {  	p2 =	seq.s32 s10, $0x1;
	s10 =	sld [smem:$0x3FB2]  }
0x3d: {  	_ =	shalt  }
0x3e: {  	_ =	shalt  }
0x3f: {  	_ =	shalt  }
0x40: {  	_ =	shalt  }
0x41: {  	_ =	shalt  }
0x42: {  	_ =	shalt  }
0x43: {  	_ =	shalt  }
0x44: {  	_ =	shalt  }
0x45: {  	_ =	shalt  }
0x46: {  	_ =	shalt  }
0x47: {  	_ =	shalt  }
0x48: {  	_ =	shalt  }
0x49: {  	_ =	shalt  }
0x4a: {  	_ =	shalt  }
0x4b: {  	_ =	shalt  }
0x4c: {  	_ =	shalt  }
0x4d: {  	_ =	shalt  }
0x4e: {  	_ =	shalt  }
0x4f: {  	_ =	shalt  }
0x50: {  	_ =	shalt  }
0x51: {  	_ =	shalt  }
0x52: {  	_ =	shalt  }
0x53: {  	_ =	shalt  }
0x54: {  	_ =	shalt  }
0x55: {  	_ =	shalt  }
0x56: {  	_ =	shalt  }
0x57: {  	_ =	shalt  }
0x58: {  	_ =	shalt  }
0x59: {  	_ =	shalt  }
0x5a: {  	_ =	shalt  }
0x5b: {  	_ =	shalt  }
0x5c: {  	_ =	shalt  }
0x5d: {  	_ =	shalt  }
0x5e: {  	_ =	shalt  }
0x5f: {  	_ =	shalt  }
0x60: {  	_ =	shalt  }
0x61: {  	_ =	shalt  }
0x62: {  	_ =	shalt  }
0x63: {  	_ =	shalt  }
0x64: {  	_ =	shalt  }
0x65: {  	_ =	shalt  }
0x66: {  	_ =	shalt  }
0x67: {  	_ =	shalt  }
0x68: {  	_ =	shalt  }
0x69: {  	_ =	shalt  }
0x6a: {  	_ =	shalt  }
0x6b: {  	_ =	shalt  }
0x6c: {  	_ =	shalt  }
0x6d: {  	_ =	shalt  }
0x6e: {  	_ =	shalt  }
0x6f: {  	_ =	shalt  }
0x70: {  	_ =	shalt  }
0x71: {  	_ =	shalt  }
0x72: {  	_ =	shalt  }
0x73: {  	_ =	shalt  }
0x74: {  	_ =	shalt  }
0x75: {  	_ =	shalt  }
0x76: {  	_ =	shalt  }
0x77: {  	_ =	shalt  }
0x78: {  	_ =	shalt  }
0x79: {  	_ =	shalt  }
0x7a: {  	_ =	shalt  }
0x7b: {  	_ =	shalt  }
0x7c: {  	_ =	shalt  }
0x7d: {  	_ =	shalt  }
0x7e: {  	_ =	shalt  }
0x7f: {  	_ =	shalt  }
0x80: {  	_ =	shalt  }
0x81: {  	_ =	shalt  }
0x82: {  	_ =	shalt  }
0x83: {  	_ =	shalt  }
0x84: {  	_ =	shalt  }
0x85: {  	_ =	shalt  }
0x86: {  	_ =	shalt  }
0x87: {  	_ =	shalt  }
.Lfunc_end0:
.L_simem_size_0:
called_computation.1_lowered:
.L_overlay_start_0:
0x88: {  	s2 =	sld [smem:$0x3FD9]  }
0x89: {  	s3 =	sld [smem:$0x3FFE];
	_ =	sdelay $0x1  }
0x8a: {  	s1 =	srdreg.scid  }
0x8b: {  	s0 =	sand.u32 $0x1, s1  }
0x8c: {  	s16 =	sshll.u32 s0, $0xA;
	s2 =	sadd.s32 s3, s2  }
0x8d: {  	s2 =	sadd.s32 s2, s16  }
0x8e: {  	[smem:$0x3FBE] =	sst s2  }
0x8f: {  	_ = 	snop  }
0x90: {  	(tm) =	ssettm $0x1  }
0x91: {  	s17 =	sld [smem:$0x3FFB];
	_ =	sdelay $0x3  }
0x92: {  	_ =	strace s17  }
0x93: {  	s2 =	sld [smem:$0x3FFC];
	_ =	sdelay $0x3  }
0x94: {  	_ =	strace s2  }
0x95: {  	s2 =	sld [smem:$0x3FFD];
	_ =	sdelay $0x3  }
0x96: {  	_ =	strace s2  }
0x97: {  	_ =	strace $0x8FFFFFFF  }
0x98: {  	s18 =	sld [smem:$0x3FDB];
	_ =	sdelay $0x1  }
0x99: {  	s19 =	simm.s32 $_scs_section_size  }
0x9a: {  	s4 =	simm.s32 $_size__tile_overlayer_lowered;
	s5 =	simm.s32 $_tile_overlayer_lowered  }
0x9b: {  	s22 =	simm.s32 $0x1BFF;
	s21 =	sshll.u32 s5, $0x1;
	s2 =	sadd.s32 s19, s18  }
0x9c: {  	s6 =	simm.s32 $0x0;
	s20 =	sshll.u32 s4, $0x1;
	s4 =	sadd.s32 s21, s2  }
0x9d: {  	[timem:s6], [sflag:s22] =	dma.local [hbm:s4], s20  }
0x9e: {  	_ =	swait.ge [sflag:s22], s20  }
0x9f: {  	s3 =	ssub.s32 $0x0, s20;
	[sflag:s22] =	ssyncset.done $0x0  }
0xa0: {  	[sflag:s22] =	ssyncadd.s32 s3;
	_ =	sdelay $0x1  }
0xa1: {  	s23 =	simm.s32 $0x1B8B  }
0xa2: {  	_ =	swait.ge [sflag:s23], $0x1  }
0xa3: {  	[sflag:s23] =	ssyncset.done $0x0  }
0xa4: {  	s25 =	simm.s32 $0x1B8E;
	s24 =	sld [smem:$0x3FFE];
	[sflag:s23] =	ssyncadd.s32 $0xFFFFFFFF  }
0xa5: {  	s26 =	simm.s32 $execute0_lowered;
	[smem:$0x3FD2] =	sst s25  }
0xa6: {  	s4 =	sshll.u32 s26, $0x1;
	_ =	strace $0x80000046;
	[dreg:$0x1] =	wrdreg $0xFFFFFFFF  }
0xa7: {  	s28 =	simm.s32 $_size_execute0_lowered;
	s2 =	sadd.s32 s2, s4;
	[dreg:$0x0] =	wrdreg $0x0  }
0xa8: {  	s4 =	sshll.u32 s28, $0x1;
	[dreg:$0x2] =	wrdreg s2  }
0xa9: {  	[dreg:$0x3] =	wrdreg s4  }
0xaa: {  	[dreg:$0x4] =	wrdreg $0xC0  }
0xab: {  	_ =	task [dreg:s6], $0x5FFFF  }
0xac: {  	[dreg:$0x1] =	wrdreg $0xFFFFFFFF  }
0xad: {  	[dreg:$0x0] =	wrdreg $0x60  }
0xae: {  	[dreg:$0x2] =	wrdreg s24  }
0xaf: {  	[dreg:$0x3] =	wrdreg $0x0  }
0xb0: {  	[dreg:$0x4] =	wrdreg $0x28000  }
0xb1: {  	[dreg:$0x5] =	wrdreg $0xA  }
0xb2: {  	_ =	task.clear_ibuf [dreg:s6], $0x6FFFF;
	_ =	strace $0x90000046  }
0xb3: {  	s29 =	simm.s32 $0xA;
	_ =	strace $0x80000048  }
0xb4: {  	_ =	swait.ge [sflag:s29], $0x1  }
0xb5: {  	[sflag:s29] =	ssyncadd.s32 $0xFFFFFFFF  }
0xb6: {  	_ =	strace $0x90000048  }
0xb7: {  	_ =	sfence  }
0xb8: {  	s30 =	sld [smem:$0x0];
	_ =	sdelay $0x2  }
0xb9: {  	s31 =	sshll.u32 s1, $0xD;
	s1 =	sshrl.u32 s1, $0x2  }
0xba: {  	s3 =	sand.u32 $0x4000, s31;
	s1 =	sadd.s32 s1, s30  }
0xbb: {  	s0 =	sor.u32 s3, s0;
	s1 =	sshll.u32 s1, $0x11  }
0xbc: {  	s0 =	sor.u32 s1, s0  }
0xbd: {  	s0 =	sadd.s32 $0x8F2B, s0  }
0xbe: {  	[sflag:s0] =	ssyncadd.remote.s32 $0x1  }
0xbf: {  	_ =	sfence.sel $0xFFFF  }
0xc0: {  	[dreg:$0x0] =	wrdreg $0xFFFFFFFF;
	(pc) =	sbr.abs _section_cstart, $3  }
0xc1: {  	[dreg:$0x1] =	wrdreg $0xFFFFFFFF  }
0xc2: {  	_ =	task.clear_ibuf [dreg:s6], $0x2FFFF;
	_ =	strace $0x9FFFFFFF  }
0xc3: {  	(tm) =	ssettm $0x7FFFFFFF  }
tec
execute0_lowered:
.L_overlay_start_1:
0x0: {  	(tag) =	ssettag $0x1  }
0x1: {  	s0 =	rddreg [dreg:$0x0]  }
0x2: {  	s13 =	stileid.u32;
	s2 =	rddreg [dreg:$0x1]  }
0x3: {  	s1 =	srdreg.scid;
	s3 =	rddreg [dreg:$0x2]  }
0x4: {  	s28 =	simm.s32 $0x80;
	s30 =	simm.s32 $0x2;
	s29 =	simm.s32 $0xE  }
0x5: {  	s31 =	simm.s32 $0xF;
	s1 =	sand.u32 $0x1, s1;
	s6 =	smul.u32 $0x2800, s13  }
0x6: {  	s4 =	sshll.u32 s13, $0x1;
	s8 =	smul.u32 $0x500, s13;
	s10 =	sadd.s32 $0x3400, s0  }
0x7: {  	s17 =	smul.u32 $0x5000, s13;
	s21 =	sshll.u32 s13, $0x6;
	s5 =	sor.u32 s1, s4  }
0x8: {  	s4 =	simm.s32 $0x0;
	s9 =	smul.u32 $0x5000, s1;
	s11 =	ssub.s32 $0x2, s1  }
0x9: {  	s1 =	smul.u32 $0x2800, s1;
	s13 =	sor.u32 $0x1C10, s21;
	s21 =	simm.s32 $0xC  }
0xa: {  	s5 =	smul.u32 $0x2800, s5;
	[smem:$0x7FF] =	sst s4;
	s7 =	sshrl.u32 s6, $0x3  }
0xb: {  	s26 =	sshrl.u32 s11, $0x1;
	s20 =	sadd.s32 s6, s2;
	s6 =	sadd.s32 s6, s3  }
0xc: {  	_ =	strace $0x80000047;
	s7 =	sadd.s32 s7, s0;
	s8 =	sadd.s32 s8, s9  }
0xd: {  	s14 =	ssub.s32 s11, s26;
	[dreg:$0xa] =	wrdreg s20;
	s26 =	sshrl.u32 s6, $0x3  }
0xe: {  	s1 =	sadd.s32 s1, s17;
	s22 =	sadd.s32 $0x17400, s7;
	[dreg:$0xf] =	wrdreg s26  }
0xf: {  	s5 =	sshrl.u32 s5, $0x3;
	s23 =	sadd.s32 $0x1C400, s7;
	[dreg:$0xb] =	wrdreg s22  }
0x10: {  	s1 =	sor.u32 $0x280, s1;
	s24 =	smax.u32 s14, $0x1;
	[dreg:$0xc] =	wrdreg s23  }
0x11: {  	s12 =	sadd.s32 s5, s0;
	s5 =	sadd.s32 s10, s5;
	[dreg:$0xe] =	wrdreg s24  }
0x12: {  	s26 =	simm.s32 $0x1;
	s15 =	sadd.s32 $0xD400, s12;
	[dreg:$0x4] =	wrdreg s5  }
0x13: {  	s0 =	sadd.s32 s8, s0;
	s16 =	sadd.s32 $0x10, s5;
	[dreg:$0x5] =	wrdreg s15  }
0x14: {  	s25 =	sshrl.u32 s1, $0x3;
	s18 =	sadd.s32 $0x20, s5;
	[dreg:$0x6] =	wrdreg s16  }
0x15: {  	s23 =	simm.s32 $0x10;
	s19 =	sadd.s32 $0x30, s5;
	[dreg:$0x7] =	wrdreg s18  }
0x16: {  	s1 =	simm.s32 $0x3;
	s5 =	sadd.s32 $0x40, s5;
	[dreg:$0x8] =	wrdreg s19  }
0x17: {  	s22 =	simm.s32 $0xD;
	s0 =	sadd.s32 $0x21400, s0;
	[dreg:$0x9] =	wrdreg s5  }
0x18: {  	s17 =	sadd.s32 s25, s10;
	[dreg:$0xd] =	wrdreg s0;
	s0 =	simm.s32 $0x0  }
.LBB2_1:
0x19: {  	s5 =	rddreg [dreg:$0x5]  }
0x1a: {  	s9 =	simm.s32 $0x5300;
	s19 =	rddreg [dreg:$0x4]  }
0x1b: {  	[tilespmem:s9], [sflag:$0x7] =	stream.linear.gather [hbm4b:s5+s4], $0x2800, $0x38;
	[tilespmem:$0x9B00] =	vst v63  }
0x1c: {  	s7 =	simm.s32 $0x5000;
	s20 =	rddreg [dreg:$0x6]  }
0x1d: {  	[tilespmem:s7], [sflag:$0x1] =	stream.linear.gather [hbm4b:s19+s4], $0x80, $0x38;
	[tilespmem:$0x9B00] =	vst v63  }
0x1e: {  	s8 =	simm.s32 $0x5080;
	s24 =	rddreg [dreg:$0x7]  }
0x1f: {  	[tilespmem:s8], [sflag:$0x2] =	stream.linear.gather [hbm4b:s20+s4], $0x80, $0x38;
	[tilespmem:$0x9B00] =	vst v63  }
0x20: {  	s10 =	simm.s32 $0x5100;
	s25 =	rddreg [dreg:$0x8]  }
0x21: {  	[tilespmem:s10], [sflag:$0x3] =	stream.linear.gather [hbm4b:s24+s4], $0x80, $0x38;
	[tilespmem:$0x9B00] =	vst v63  }
0x22: {  	s6 =	simm.s32 $0x5180;
	s12 =	rddreg [dreg:$0xa]  }
0x23: {  	[tilespmem:s6], [sflag:$0x4] =	stream.linear.gather [hbm4b:s25+s4], $0x80, $0x38;
	[tilespmem:$0x9B00] =	vst v63  }
0x24: {  	s11 =	simm.s32 $0x5200;
	s6 =	rddreg [dreg:$0x9]  }
0x25: {  	[tilespmem:s11], [sflag:$0x5] =	stream.linear.gather [hbm4b:s6+s4], $0x80, $0x38;
	[tilespmem:$0x9B00] =	vst v63  }
0x26: {  	s14 =	rddreg [dreg:$0xb];
	s6 =	sshrl.u32 s12, $0x3  }
0x27: {  	[spmem:s6], [sflag:s13] =	dma.local [hbm:s14], $0x500  }
0x28: {  	_ =	swait.ge [sflag:s23], $0x500  }
0x29: {  	[sflag:s23] =	ssyncset.done $0x0;
	s15 =	rddreg [dreg:$0xc]  }
0x2a: {  	s11 =	rddreg [dreg:$0xf];
	[sflag:s23] =	ssyncadd.s32 $0xFFFFFB00  }
0x2b: {  	[spmem:s11], [sflag:s13] =	dma.local [hbm:s15], $0x500  }
0x2c: {  	_ =	swait.ge [sflag:s23], $0x500  }
0x2d: {  	[sflag:s23] =	ssyncset.done $0x0  }
0x2e: {  	s16 =	simm.s32 $0x7;
	[sflag:s23] =	ssyncadd.s32 $0xFFFFFB00  }
0x2f: {  	_ =	swait.ge [sflag:s16], $0x2800  }
0x30: {  	[sflag:s16] =	ssyncset.done $0x0  }
0x31: {  	[sflag:s16] =	ssyncadd.s32 $0xFFFFD800  }
0x32: {  	[bflag:$0x0] =	sbarrier.arrive $0xFFFF  }
0x33: {  	_ =	swait.ge [sflag:s26], $0x80  }
0x34: {  	[sflag:s26] =	ssyncset.done $0x0  }
0x35: {  	s18 =	simm.s32 $0x7B00;
	[sflag:s26] =	ssyncadd.s32 $0xFFFFFF80  }
0x36: {  	[tilespmem:s18], [sflag:$0x8] =	stream.indirect.gather [spmem:s3], $0x10, s7, s28, $0xb8;
	[tilespmem:$0x9B00] =	vst v63  }
0x37: {  	p1 =	por $0x0, $0x0;
	s7 =	simm.s32 $0x5  }
0x38: {  	p0 =	por $0x0, $0x0;
	_ =	swait.ge [sflag:s30], $0x80;
	s7 =	smul.u32 @!p1 $0xAB, s7  }
0x39: {  	s19 =	simm.s32 $0x8300;
	s24 =	simm.s32 $0x0;
	[sflag:s30] =	ssyncset.done $0x0  }
0x3a: {  	s12 =	sand.u32 $0x3, s24;
	[sflag:s30] =	ssyncadd.s32 $0xFFFFFF80;
	s7 =	sshrl.u32 @!p1 s7, $0xA  }
0x3b: {  	[tilespmem:s19], [sflag:$0x9] =	stream.indirect.gather [spmem:s3], $0x10, s8, s28, $0xb8;
	[tilespmem:$0x9B00] =	vst v63  }
0x3c: {  	s20 =	simm.s32 $0x8B00;
	s14 =	sshll.u32 s12, $0xB;
	s7 =	sand.u32 @!p1 $0x3F, s7  }
0x3d: {  	s25 =	sor.u32 $0xC, s12;
	_ =	swait.ge [sflag:s1], $0x80;
	s11 =	smul.u32 @!p1 $0x6, s7  }
0x3e: {  	s12 =	sor.u32 $0x8, s12;
	s14 =	sadd.s32 $0x7B00, s14;
	[sflag:s1] =	ssyncset.done $0x0  }
0x3f: {  	s15 =	simm.s32 $0x3;
	[sflag:s1] =	ssyncadd.s32 $0xFFFFFF80;
	s11 =	ssub.s32 @!p1 $0x5, s11  }
0x40: {  	[tilespmem:s20], [sflag:$0xA] =	stream.indirect.gather [spmem:s3], $0x10, s10, s28, $0xb8;
	[tilespmem:$0x9B00] =	vst v63  }
0x41: {  	s18 =	simm.s32 @!p1 $0x0;
	s8 =	sadd.s32 $0x10, s17;
	s11 =	sand.u32 @!p1 $0xFF, s11  }
0x42: {  	s19 =	smul.u32 @!p0 $0xAB, s15;
	s7 =	simm.s32 $0x6;
	s16 =	sshll.u32 @!p1 s11, $0x7  }
0x43: {  	s10 =	simm.s32 $0x7;
	s11 =	sadd.s32 @!p1 $0x1, s11;
	s16 =	sor.u32 @!p1 $0x5000, s16  }
0x44: {  	[tilespmem:s16], [sflag:s11] =	stream.linear.gather @!p1 [hbm4b:s17+s18], $0x80, $0x38;
	[tilespmem:$0x9B00] =	vst v63  }
0x45: {  	s11 =	sand.u32 @!p0 $0x3, s15;
	s15 =	sshrl.u32 @!p0 s19, $0xA;
	_ =	swait.ge [sflag:s12], $0x800  }
0x46: {  	p1 =	por @!p0 $0x1, $0x1;
	s15 =	sand.u32 @!p0 $0x3F, s15;
	[sflag:s12] =	ssyncset.done $0x0  }
0x47: {  	p1 =	por p1, p0;
	[sflag:s12] =	ssyncadd.s32 $0xFFFFF800;
	s12 =	smul.u32 @!p0 $0x6, s15  }
0x48: {  	[spmem:s2] =	stream.indirect.scatter.add.f32 [tilespmem:s14], [sflag:s25], $0x10, s9, s28, $0xb8;
	[tilespmem:$0x9B00] =	vst v63  }
0x49: {  	s19 =	sshll.u32 @!p0 s11, $0xB;
	s14 =	sor.u32 @!p1 $0xC, s11;
	s12 =	ssub.s32 @!p0 $0x3, s12  }
0x4a: {  	s19 =	sadd.s32 @!p0 $0x7B00, s19;
	_ =	swait.ge @!p1 [sflag:s14], $0x800;
	s12 =	sand.u32 @!p0 $0xFF, s12  }
0x4b: {  	s9 =	simm.s32 $0x5380;
	[sflag:s14] =	ssyncset.done @!p1 $0x0;
	s15 =	sadd.s32 @!p0 $0x1, s12  }
0x4c: {  	s16 =	sshll.u32 @!p0 s12, $0x7;
	s12 =	simm.s32 $0x1;
	[sflag:s14] =	ssyncadd.s32 @!p1 $0xFFFFF800  }
0x4d: {  	p1 =	por $0x0, $0x0;
	s18 =	sor.u32 @!p0 $0x5000, s16;
	_ =	swait.ge @!p0 [sflag:s15], $0x80  }
0x4e: {  	s14 =	sand.u32 $0x3, s12;
	s16 =	smul.u32 @!p1 $0xAB, s7;
	[sflag:s15] =	ssyncset.done @!p0 $0x0  }
.LBB2_2:
0x4f: {  	s20 =	sshll.u32 s14, $0xB;
	[sflag:s15] =	ssyncadd.s32 @!p0 $0xFFFFFF80;
	s11 =	sor.u32 @!p0 $0x8, s11  }
0x50: {  	s15 =	smov.u32 s7;
	s7 =	smov.u32 s10;
	s24 =	smov.u32 s8  }
0x51: {  	s10 =	sadd.s32 $0x1, s10;
	s5 =	smov.u32 s9;
	s16 =	sshrl.u32 @!p1 s16, $0xA  }
0x52: {  	s25 =	simm.s32 @!p0 $0x80;
	p2 =	sne.s32 s10, $0x55;
	s16 =	sand.u32 @!p1 $0x3F, s16  }
0x53: {  	s8 =	sadd.s32 $0x10, s8;
	s9 =	sadd.s32 $0x80, s9;
	s16 =	smul.u32 @!p1 $0x6, s16  }
0x54: {  	[tilespmem:s19], [sflag:s11] =	stream.indirect.gather @!p0 [spmem:s3], $0x10, s18, s25, $0xb8;
	[tilespmem:$0x9B00] =	vst v63  }
0x55: {  	s18 =	sadd.s32 $0xFFFFFFFE, s15;
	s11 =	ssub.s32 @!p1 s15, s16;
	s16 =	sor.u32 $0xC, s14  }
0x56: {  	s19 =	sadd.s32 $0x7B00, s20;
	s14 =	sor.u32 $0x8, s14;
	s11 =	sand.u32 @!p1 $0xFF, s11  }
0x57: {  	p0 =	sgt.u32 s12, $0x4C;
	s20 =	sshll.u32 @!p1 s11, $0x7;
	s11 =	sadd.s32 @!p1 $0x1, s11  }
0x58: {  	s25 =	smul.u32 @!p0 $0xAB, s18;
	s12 =	sor.u32 @!p1 $0x5000, s20;
	s20 =	simm.s32 @!p1 $0x0  }
0x59: {  	[tilespmem:s12], [sflag:s11] =	stream.linear.gather @!p1 [hbm4b:s24+s20], $0x80, $0x38;
	[tilespmem:$0x9B00] =	vst v63  }
0x5a: {  	s11 =	sand.u32 @!p0 $0x3, s18;
	s12 =	sshrl.u32 @!p0 s25, $0xA;
	_ =	swait.ge [sflag:s14], $0x800  }
0x5b: {  	p1 =	seq.s32 @!p0 s15, $0x5;
	s12 =	sand.u32 @!p0 $0x3F, s12;
	[sflag:s14] =	ssyncset.done $0x0  }
0x5c: {  	p1 =	por p1, p0;
	s12 =	smul.u32 @!p0 $0x6, s12;
	[sflag:s14] =	ssyncadd.s32 $0xFFFFF800  }
0x5d: {  	[spmem:s2] =	stream.indirect.scatter.add.f32 [tilespmem:s19], [sflag:s16], $0x10, s5, s28, $0xb8;
	[tilespmem:$0x9B00] =	vst v63  }
0x5e: {  	s5 =	sor.u32 @!p1 $0xC, s11;
	s12 =	ssub.s32 @!p0 s18, s12;
	s19 =	sshll.u32 @!p0 s11, $0xB  }
.Ltmp0:
0x5f: {  	s12 =	sand.u32 @!p0 $0xFF, s12;
	_ =	swait.ge @!p1 [sflag:s5], $0x800;
	(pc) =	sbr.rel @p2 .LBB2_2-.Ltmp0, $4  }
0x60: {  	s15 =	sadd.s32 @!p0 $0x1, s12;
	s14 =	sshll.u32 @!p0 s12, $0x7;
	[sflag:s5] =	ssyncset.done @!p1 $0x0  }
0x61: {  	s12 =	sadd.s32 $0xFFFFFFFB, s7;
	s18 =	sor.u32 @!p0 $0x5000, s14;
	[sflag:s5] =	ssyncadd.s32 @!p1 $0xFFFFF800  }
0x62: {  	s14 =	sand.u32 $0x3, s12;
	p1 =	sgt.u32 s12, $0x4A;
	_ =	swait.ge @!p0 [sflag:s15], $0x80  }
0x63: {  	s19 =	sadd.s32 @!p0 $0x7B00, s19;
	s16 =	smul.u32 @!p1 $0xAB, s7;
	[sflag:s15] =	ssyncset.done @!p0 $0x0  }
0x64: {  	_ = 	snop  }
0x65: {  	s5 =	sshrl.u32 @!p1 s16, $0xA  }
0x66: {  	[sflag:s15] =	ssyncadd.s32 @!p0 $0xFFFFFF80;
	s5 =	sand.u32 @!p1 $0x3F, s5  }
0x67: {  	s11 =	sor.u32 @!p0 $0x8, s11;
	s15 =	simm.s32 @!p0 $0x80;
	s5 =	smul.u32 @!p1 $0x6, s5  }
0x68: {  	[tilespmem:s19], [sflag:s11] =	stream.indirect.gather @!p0 [spmem:s3], $0x10, s18, s15, $0xb8;
	[tilespmem:$0x9B00] =	vst v63  }
0x69: {  	s10 =	sshll.u32 s14, $0xB;
	s5 =	ssub.s32 @!p1 s7, s5  }
0x6a: {  	s15 =	sadd.s32 $0xFFFFFFFE, s7;
	p0 =	sgt.u32 s12, $0x4C;
	s5 =	sand.u32 @!p1 $0xFF, s5  }
0x6b: {  	s20 =	sor.u32 $0x8, s14;
	s18 =	smul.u32 @!p0 $0xAB, s15;
	s16 =	sshll.u32 @!p1 s5, $0x7  }
0x6c: {  	s5 =	sadd.s32 @!p1 $0x1, s5;
	s12 =	sor.u32 @!p1 $0x5000, s16;
	s16 =	simm.s32 @!p1 $0x0  }
0x6d: {  	[tilespmem:s12], [sflag:s5] =	stream.linear.gather @!p1 [hbm4b:s8+s16], $0x80, $0x38;
	[tilespmem:$0x9B00] =	vst v63  }
0x6e: {  	s19 =	sor.u32 $0xC, s14;
	s10 =	sadd.s32 $0x7B00, s10;
	s5 =	sand.u32 @!p0 $0x3, s15  }
0x6f: {  	s8 =	sshrl.u32 @!p0 s18, $0xA;
	p1 =	seq.s32 @!p0 s7, $0x5;
	_ =	swait.ge [sflag:s20], $0x800  }
0x70: {  	s7 =	sand.u32 @!p0 $0x3F, s8;
	p1 =	por p1, p0;
	[sflag:s20] =	ssyncset.done $0x0  }
0x71: {  	s7 =	smul.u32 @!p0 $0x6, s7;
	s8 =	sor.u32 @!p1 $0xC, s5;
	[sflag:s20] =	ssyncadd.s32 $0xFFFFF800  }
0x72: {  	[spmem:s2] =	stream.indirect.scatter.add.f32 [tilespmem:s10], [sflag:s19], $0x10, s9, s28, $0xb8;
	[tilespmem:$0x9B00] =	vst v63  }
0x73: {  	s7 =	ssub.s32 @!p0 s15, s7;
	_ =	swait.ge @!p1 [sflag:s8], $0x800  }
0x74: {  	s7 =	sand.u32 @!p0 $0xFF, s7;
	[sflag:s8] =	ssyncset.done @!p1 $0x0  }
0x75: {  	s9 =	sadd.s32 @!p0 $0x1, s7;
	[sflag:s8] =	ssyncadd.s32 @!p1 $0xFFFFF800  }
0x76: {  	s7 =	sshll.u32 @!p0 s7, $0x7;
	s8 =	sshll.u32 @!p0 s5, $0xB;
	_ =	swait.ge @!p0 [sflag:s9], $0x80  }
0x77: {  	s7 =	sor.u32 @!p0 $0x5000, s7;
	s5 =	sor.u32 @!p0 $0x8, s5;
	[sflag:s9] =	ssyncset.done @!p0 $0x0  }
0x78: {  	s8 =	sadd.s32 @!p0 $0x7B00, s8;
	[sflag:s9] =	ssyncadd.s32 @!p0 $0xFFFFFF80;
	s9 =	simm.s32 @!p0 $0x80  }
0x79: {  	[tilespmem:s8], [sflag:s5] =	stream.indirect.gather @!p0 [spmem:s3], $0x10, s7, s9, $0xb8;
	[tilespmem:$0x9B00] =	vst v63  }
0x7a: {  	_ =	swait.ge [sflag:s21], $0x800  }
0x7b: {  	[sflag:s21] =	ssyncset.done $0x0  }
0x7c: {  	[sflag:s21] =	ssyncadd.s32 $0xFFFFF800  }
0x7d: {  	_ =	swait.ge [sflag:s22], $0x800  }
0x7e: {  	[sflag:s22] =	ssyncset.done $0x0  }
0x7f: {  	[sflag:s22] =	ssyncadd.s32 $0xFFFFF800  }
0x80: {  	_ =	swait.ge [sflag:s29], $0x800  }
0x81: {  	[sflag:s29] =	ssyncset.done $0x0  }
0x82: {  	[sflag:s29] =	ssyncadd.s32 $0xFFFFF800  }
0x83: {  	_ =	swait.ge [sflag:s31], $0x800  }
0x84: {  	[sflag:s31] =	ssyncset.done $0x0  }
0x85: {  	[sflag:s31] =	ssyncadd.s32 $0xFFFFF800  }
0x86: {  	[bflag:$0x0] =	sbarrier.arrive $0xFFFF  }
0x87: {  	s24 =	rddreg [dreg:$0xd]  }
0x88: {  	[hbm:s24], [sflag:s13] =	dma.local [spmem:s6], $0x500  }
0x89: {  	_ =	swait.ge [sflag:s23], $0x500  }
0x8a: {  	s0 =	sadd.s32 $0x1, s0;
	s25 =	rddreg [dreg:$0xe]  }
0x8b: {  	p0 =	sne.s32 s0, s25  }
.Ltmp1:
0x8c: {  	_ = 	snop;
	(pc) =	sbr.rel @p0 .LBB2_1-.Ltmp1, $3  }
0x8d: {  	_ =	sdelay $0x1  }
0x8e: {  	[sflag:s23] =	ssyncset.done $0x0  }
0x8f: {  	[sflag:s23] =	ssyncadd.s32 $0xFFFFFB00  }
0x90: {  	_ =	sfence.sel $0x180000  }
0x91: {  	[bflag:$0x0] =	sbarrier.arrive $0xFFFF  }
0x92: {  	_ =	strace $0x90000047  }
0x93: {  	s0 =	stileid.u32;
	[bflag:$0x2] =	sbarrier.arrive $0xFFFF  }
0x94: {  	p0 =	sne.s32 s0, $0x0;
	s0 =	rddreg [dreg:$0x3]  }
0x95: {  	s0 =	sadd.s32 @!p0 $0x100000, s0  }
0x96: {  	[sflag:s0] =	ssyncadd.tile.s32 @!p0 $0x1;
	_ =	shalt  }
.Lfunc_end2:
_tile_overlayer_lowered:
.L_overlay_start_2:
0x97: {  	(tag) =	ssettag $0x2  }
0x98: {  	s0 =	rddreg [dreg:$0x0];
	s2 =	stileid.u32  }
0x99: {  	s1 =	rddreg [dreg:$0x1];
	p0 =	sne.s32 s2, $0x0  }
0x9a: {  	s3 =	rddreg [dreg:$0x2];
	[bflag:$0x3] =	sbarrier.arrive $0xFFFF;
	s2 =	simm.s32 @!p0 $0x1C10  }
0x9b: {  	[timem:s3], [sflag:s2] =	dma.local @!p0 [hbm:s0], s1  }
0x9c: {  	s0 =	simm.s32 @!p0 $0x10  }
0x9d: {  	_ =	swait.ge @!p0 [sflag:s0], s1  }
0x9e: {  	s1 =	ssub.s32 @!p0 $0x0, s1;
	[sflag:s0] =	ssyncset.done @!p0 $0x0  }
0x9f: {  	[sflag:s0] =	ssyncadd.s32 @!p0 s1  }
0xa0: {  	[bflag:$0x3] =	sbarrier.arrive $0xFFFF  }
0xa1: {  	_ =	shalt  }

// kernel: kernel.19.cloned.1.call-start
scs
__scs_entry_jumppad:
0x0: {  	(pc) =	sbr.rel $0x88, $3  }
0x1: {  	(tag) =	ssettag $0x0;
	lr =	simm.s32 $0x1  }
0x2: {  	[smem:$0x3F97] =	sst lr;
	_ =	strace $0xD0000000  }
0x3: {  	_ = 	snop  }
0x4: {  	_ = 	snop  }
0x5: {  	_ = 	snop  }
0x6: {  	_ = 	snop  }
0x7: {  	_ = 	snop  }
__scs_overlays_trampoline_lowered:
0x8: {  	[smem:$0x3FA6] =	sst s0  }
0x9: {  	[smem:$0x3FA7] =	sst s1  }
0xa: {  	[smem:$0x3FA8] =	sst s2  }
0xb: {  	[smem:$0x3FA9] =	sst s3  }
0xc: {  	[smem:$0x3FAA] =	sst s4  }
0xd: {  	[smem:$0x3FAB] =	sst s5  }
0xe: {  	[smem:$0x3FAC] =	sst s6  }
0xf: {  	[smem:$0x3FAD] =	sst s7  }
0x10: {  	[smem:$0x3FAE] =	sst s8  }
0x11: {  	[smem:$0x3FAF] =	sst s9;
	s0 =	simm.s32 @!p0 $0x0  }
0x12: {  	s1 =	sld [smem:$0x3F95];
	s0 =	simm.s32 @p0 $0x1  }
0x13: {  	[smem:$0x3FB0] =	sst s0;
	s0 =	simm.s32 @!p1 $0x0  }
0x14: {  	s2 =	sld [smem:$0x3F94];
	s0 =	simm.s32 @p1 $0x1  }
0x15: {  	[smem:$0x3FB1] =	sst s0;
	s0 =	simm.s32 @!p2 $0x0  }
0x16: {  	s3 =	sld [smem:$0x3FDB];
	s0 =	simm.s32 @p2 $0x1  }
0x17: {  	s4 =	simm.s32 $0x1BF5;
	[smem:$0x3FB3] =	sst s0  }
0x18: {  	s0 =	sld [smem:$0x3F96];
	_ =	swait.ge [sflag:s4], $0x0  }
0x19: {  	s7 =	sld [smem:$0x3F97]  }
0x1a: {  	s8 =	sadd.s32 $0xFFFFE003, lr  }
0x1b: {  	s9 =	sadd.s32 $0xFFFFFEF7, lr;
	s5 =	simm.s32 $0xFFFFFFFF;
	p2 =	slt.u32 s8, $0xFFFFF086  }
0x1c: {  	p1 =	slt.u32 s9, $0xF7A;
	s5 =	simm.s32 @!p2 $0x0  }
0x1d: {  	s5 =	simm.s32 @p1 $0x1;
	p0 =	seq.s32 s7, s2  }
0x1e: {  	s7 =	smul.u32 @!p0 $0xF7A, s2;
	p2 =	seq.s32 @!p0 s5, $0x0  }
0x1f: {  	s9 =	smul.u32 $0xF7A, s1;
	s8 =	simm.s32 @!p0 $0x1BF5;
	p2 =	por !p2, p0  }
0x20: {  	[sflag:s8] =	ssyncset.s32 @!p0 $0xFFFFF086;
	s6 =	sadd.s32 @!p0 s3, s7;
	s7 =	simm.s32 @!p0 $0x108  }
0x21: {  	s3 =	sadd.s32 s3, s9;
	s6 =	sadd.s32 @!p0 $0x88, s6;
	s7 =	simm.s32 @p2 $0x1082  }
0x22: {  	[simem:s7], [sflag:s8] =	dma.local @!p0 [hbm:s6], $0xF7A  }
0x23: {  	s9 =	sor.u32 $0xD0000000, s2;
	s6 =	simm.s32 $0x108;
	_ =	swait.ge @!p0 [sflag:s8], $0x0  }
0x24: {  	s3 =	sadd.s32 $0x88, s3;
	s6 =	simm.s32 @!p1 $0x1082;
	[sflag:s4] =	ssyncset.s32 $0xFFFFF086  }
0x25: {  	[simem:s6], [sflag:s4] =	dma.local [hbm:s3], $0xF7A  }
0x26: {  	[smem:$0x3F97] =	sst s1;
	(tag) =	ssettag s2;
	_ =	strace s9  }
0x27: {  	s1 =	sld [smem:$0x3FA7]  }
0x28: {  	s2 =	sld [smem:$0x3FA8]  }
0x29: {  	s4 =	sld [smem:$0x3FAA]  }
0x2a: {  	p0 =	seq.s32 s5, $0x0;
	s5 =	sld [smem:$0x3FAB]  }
0x2b: {  	s6 =	sld [smem:$0x3FAC]  }
0x2c: {  	s7 =	sld [smem:$0x3FAD]  }
0x2d: {  	s3 =	simm.s32 $0x108;
	s8 =	sld [smem:$0x3FAE]  }
0x2e: {  	s3 =	simm.s32 @!p0 $0x1082;
	s9 =	sld [smem:$0x3FAF]  }
0x2f: {  	lr =	sadd.s32 s0, s3;
	s0 =	sld [smem:$0x3FA6]  }
0x30: {  	s3 =	sld [smem:$0x3FA9]  }
0x31: {  	[smem:$0x3FB2] =	sst s10  }
0x32: {  	s10 =	sld [smem:$0x3FB0];
	_ =	sdelay $0x3  }
0x33: {  	p0 =	seq.s32 s10, $0x1;
	s10 =	sld [smem:$0x3FB2];
	_ =	sdelay $0x3  }
0x34: {  	[smem:$0x3FB2] =	sst s10  }
0x35: {  	s10 =	sld [smem:$0x3FB1];
	_ =	sdelay $0x3  }
0x36: {  	p1 =	seq.s32 s10, $0x1;
	s10 =	sld [smem:$0x3FB2];
	_ =	sdelay $0x3  }
0x37: {  	[smem:$0x3FB2] =	sst s10  }
0x38: {  	s10 =	sld [smem:$0x3FB3]  }
0x39: {  	_ = 	snop;
	(pc) =	sbr.ind lr, $3  }
0x3a: {  	_ = 	snop  }
0x3b: {  	_ = 	snop  }
0x3c: {  	p2 =	seq.s32 s10, $0x1;
	s10 =	sld [smem:$0x3FB2]  }
0x3d: {  	_ =	shalt  }
0x3e: {  	_ =	shalt  }
0x3f: {  	_ =	shalt  }
0x40: {  	_ =	shalt  }
0x41: {  	_ =	shalt  }
0x42: {  	_ =	shalt  }
0x43: {  	_ =	shalt  }
0x44: {  	_ =	shalt  }
0x45: {  	_ =	shalt  }
0x46: {  	_ =	shalt  }
0x47: {  	_ =	shalt  }
0x48: {  	_ =	shalt  }
0x49: {  	_ =	shalt  }
0x4a: {  	_ =	shalt  }
0x4b: {  	_ =	shalt  }
0x4c: {  	_ =	shalt  }
0x4d: {  	_ =	shalt  }
0x4e: {  	_ =	shalt  }
0x4f: {  	_ =	shalt  }
0x50: {  	_ =	shalt  }
0x51: {  	_ =	shalt  }
0x52: {  	_ =	shalt  }
0x53: {  	_ =	shalt  }
0x54: {  	_ =	shalt  }
0x55: {  	_ =	shalt  }
0x56: {  	_ =	shalt  }
0x57: {  	_ =	shalt  }
0x58: {  	_ =	shalt  }
0x59: {  	_ =	shalt  }
0x5a: {  	_ =	shalt  }
0x5b: {  	_ =	shalt  }
0x5c: {  	_ =	shalt  }
0x5d: {  	_ =	shalt  }
0x5e: {  	_ =	shalt  }
0x5f: {  	_ =	shalt  }
0x60: {  	_ =	shalt  }
0x61: {  	_ =	shalt  }
0x62: {  	_ =	shalt  }
0x63: {  	_ =	shalt  }
0x64: {  	_ =	shalt  }
0x65: {  	_ =	shalt  }
0x66: {  	_ =	shalt  }
0x67: {  	_ =	shalt  }
0x68: {  	_ =	shalt  }
0x69: {  	_ =	shalt  }
0x6a: {  	_ =	shalt  }
0x6b: {  	_ =	shalt  }
0x6c: {  	_ =	shalt  }
0x6d: {  	_ =	shalt  }
0x6e: {  	_ =	shalt  }
0x6f: {  	_ =	shalt  }
0x70: {  	_ =	shalt  }
0x71: {  	_ =	shalt  }
0x72: {  	_ =	shalt  }
0x73: {  	_ =	shalt  }
0x74: {  	_ =	shalt  }
0x75: {  	_ =	shalt  }
0x76: {  	_ =	shalt  }
0x77: {  	_ =	shalt  }
0x78: {  	_ =	shalt  }
0x79: {  	_ =	shalt  }
0x7a: {  	_ =	shalt  }
0x7b: {  	_ =	shalt  }
0x7c: {  	_ =	shalt  }
0x7d: {  	_ =	shalt  }
0x7e: {  	_ =	shalt  }
0x7f: {  	_ =	shalt  }
0x80: {  	_ =	shalt  }
0x81: {  	_ =	shalt  }
0x82: {  	_ =	shalt  }
0x83: {  	_ =	shalt  }
0x84: {  	_ =	shalt  }
0x85: {  	_ =	shalt  }
0x86: {  	_ =	shalt  }
0x87: {  	_ =	shalt  }
.Lfunc_end0:
.L_simem_size_0:
called_computation.2_lowered:
.L_overlay_start_0:
0x88: {  	s2 =	sld [smem:$0x3FD9]  }
0x89: {  	s3 =	sld [smem:$0x3FFE];
	_ =	sdelay $0x1  }
0x8a: {  	s1 =	srdreg.scid  }
0x8b: {  	s0 =	sand.u32 $0x1, s1  }
0x8c: {  	s16 =	sshll.u32 s0, $0xA;
	s2 =	sadd.s32 s3, s2  }
0x8d: {  	s2 =	sadd.s32 s2, s16  }
0x8e: {  	[smem:$0x3FBE] =	sst s2  }
0x8f: {  	_ = 	snop  }
0x90: {  	(tm) =	ssettm $0x1  }
0x91: {  	s17 =	sld [smem:$0x3FFB];
	_ =	sdelay $0x3  }
0x92: {  	_ =	strace s17  }
0x93: {  	s2 =	sld [smem:$0x3FFC];
	_ =	sdelay $0x3  }
0x94: {  	_ =	strace s2  }
0x95: {  	s2 =	sld [smem:$0x3FFD];
	_ =	sdelay $0x3  }
0x96: {  	_ =	strace s2  }
0x97: {  	_ =	strace $0x8FFFFFFF  }
0x98: {  	s18 =	sld [smem:$0x3FDB];
	_ =	sdelay $0x1  }
0x99: {  	s19 =	simm.s32 $_scs_section_size  }
0x9a: {  	s4 =	simm.s32 $_size__tile_overlayer_lowered;
	s5 =	simm.s32 $_tile_overlayer_lowered  }
0x9b: {  	s22 =	simm.s32 $0x1BFF;
	s21 =	sshll.u32 s5, $0x1;
	s2 =	sadd.s32 s19, s18  }
0x9c: {  	s6 =	simm.s32 $0x0;
	s20 =	sshll.u32 s4, $0x1;
	s4 =	sadd.s32 s21, s2  }
0x9d: {  	[timem:s6], [sflag:s22] =	dma.local [hbm:s4], s20  }
0x9e: {  	_ =	swait.ge [sflag:s22], s20  }
0x9f: {  	s3 =	ssub.s32 $0x0, s20;
	[sflag:s22] =	ssyncset.done $0x0  }
0xa0: {  	[sflag:s22] =	ssyncadd.s32 s3;
	_ =	sdelay $0x1  }
0xa1: {  	s23 =	simm.s32 $0x1B8B  }
0xa2: {  	_ =	swait.ge [sflag:s23], $0x1  }
0xa3: {  	[sflag:s23] =	ssyncset.done $0x0  }
0xa4: {  	s25 =	simm.s32 $0x1B8E;
	s24 =	sld [smem:$0x3FFE];
	[sflag:s23] =	ssyncadd.s32 $0xFFFFFFFF  }
0xa5: {  	s26 =	simm.s32 $execute0_lowered;
	[smem:$0x3FD2] =	sst s25  }
0xa6: {  	s4 =	sshll.u32 s26, $0x1;
	_ =	strace $0x8000004C;
	[dreg:$0x1] =	wrdreg $0xFFFFFFFF  }
0xa7: {  	s28 =	simm.s32 $_size_execute0_lowered;
	s2 =	sadd.s32 s2, s4;
	[dreg:$0x0] =	wrdreg $0x0  }
0xa8: {  	s4 =	sshll.u32 s28, $0x1;
	[dreg:$0x2] =	wrdreg s2  }
0xa9: {  	[dreg:$0x3] =	wrdreg s4  }
0xaa: {  	[dreg:$0x4] =	wrdreg $0xC0  }
0xab: {  	_ =	task [dreg:s6], $0x5FFFF  }
0xac: {  	[dreg:$0x1] =	wrdreg $0xFFFFFFFF  }
0xad: {  	[dreg:$0x0] =	wrdreg $0x60  }
0xae: {  	[dreg:$0x2] =	wrdreg s24  }
0xaf: {  	[dreg:$0x3] =	wrdreg $0x0  }
0xb0: {  	[dreg:$0x4] =	wrdreg $0x9  }
0xb1: {  	_ =	task.clear_ibuf [dreg:s6], $0x5FFFF;
	_ =	strace $0x9000004C  }
0xb2: {  	s29 =	simm.s32 $0x9;
	_ =	strace $0x8000004E  }
0xb3: {  	_ =	swait.ge [sflag:s29], $0x1  }
0xb4: {  	[sflag:s29] =	ssyncadd.s32 $0xFFFFFFFF  }
0xb5: {  	_ =	strace $0x9000004E  }
0xb6: {  	_ =	sfence  }
0xb7: {  	s30 =	sld [smem:$0x0];
	_ =	sdelay $0x2  }
0xb8: {  	s31 =	sshll.u32 s1, $0xD;
	s1 =	sshrl.u32 s1, $0x2  }
0xb9: {  	s3 =	sand.u32 $0x4000, s31;
	s1 =	sadd.s32 s1, s30  }
0xba: {  	s0 =	sor.u32 s3, s0;
	s1 =	sshll.u32 s1, $0x11  }
0xbb: {  	s0 =	sor.u32 s1, s0  }
0xbc: {  	s0 =	sadd.s32 $0x8F2B, s0  }
0xbd: {  	[sflag:s0] =	ssyncadd.remote.s32 $0x1  }
0xbe: {  	_ =	sfence.sel $0xFFFF  }
0xbf: {  	[dreg:$0x0] =	wrdreg $0xFFFFFFFF;
	(pc) =	sbr.abs _section_cstart, $3  }
0xc0: {  	[dreg:$0x1] =	wrdreg $0xFFFFFFFF  }
0xc1: {  	_ =	task.clear_ibuf [dreg:s6], $0x2FFFF;
	_ =	strace $0x9FFFFFFF  }
0xc2: {  	(tm) =	ssettm $0x7FFFFFFF  }
0xc3: {  	_ =	shalt  }
tec
execute0_lowered:
.L_overlay_start_1:
0x0: {  	(tag) =	ssettag $0x1  }
0x1: {  	s0 =	srdreg.scid  }
0x2: {  	s12 =	stileid.u32;
	s5 =	rddreg [dreg:$0x0]  }
0x3: {  	s2 =	rddreg [dreg:$0x1];
	s3 =	simm.s32 $0x0;
	s28 =	simm.s32 $0x2  }
0x4: {  	s30 =	simm.s32 $0x3;
	s0 =	sand.u32 $0x1, s0;
	s6 =	smul.u32 $0x14000, s12  }
0x5: {  	s1 =	sshll.u32 s12, $0x1;
	[smem:$0x7FF] =	sst s3;
	s7 =	smul.u32 $0x2800, s12  }
0x6: {  	s4 =	sadd.s32 $0x1C400, s5;
	s9 =	sadd.s32 $0x3400, s5;
	s21 =	smul.u32 $0x5000, s12  }
0x7: {  	s25 =	sshll.u32 s12, $0x6;
	s1 =	sor.u32 s0, s1;
	s8 =	smul.u32 $0x28000, s0  }
0x8: {  	_ =	strace $0x8000004D;
	s18 =	ssub.s32 $0x2, s0;
	s0 =	smul.u32 $0x2800, s0  }
0x9: {  	s12 =	sor.u32 $0x1C10, s25;
	s25 =	simm.s32 $0x40;
	s1 =	smul.u32 $0x2800, s1  }
0xa: {  	s11 =	sshrl.u32 s6, $0x3;
	s19 =	sshrl.u32 s18, $0x1;
	s6 =	sadd.s32 s6, s2  }
0xb: {  	s7 =	sadd.s32 s7, s8;
	s11 =	sadd.s32 s11, s5;
	s8 =	ssub.s32 s18, s19  }
0xc: {  	s0 =	sadd.s32 s0, s21;
	s21 =	sshrl.u32 s6, $0x3;
	s19 =	simm.s32 $0xE  }
0xd: {  	s1 =	sshrl.u32 s1, $0x3;
	s7 =	sadd.s32 s7, s5;
	s26 =	sadd.s32 $0x44400, s11  }
0xe: {  	s0 =	sor.u32 $0x140, s0;
	s31 =	smax.u32 s8, $0x1;
	[dreg:$0x9] =	wrdreg s26  }
0xf: {  	s10 =	sadd.s32 s1, s5;
	s20 =	sadd.s32 s9, s1;
	[dreg:$0xb] =	wrdreg s31  }
0x10: {  	s29 =	sadd.s32 $0x6C400, s7;
	s0 =	sshrl.u32 s0, $0x3;
	[dreg:$0x3] =	wrdreg s20  }
0x11: {  	s1 =	simm.s32 $0xC;
	s10 =	sadd.s32 $0xD400, s10;
	[dreg:$0xa] =	wrdreg s29  }
0x12: {  	s26 =	simm.s32 $0x0;
	s22 =	sadd.s32 $0x8, s20;
	[dreg:$0x4] =	wrdreg s10  }
0x13: {  	s23 =	sadd.s32 $0x10, s20;
	s24 =	sadd.s32 $0x18, s20;
	[dreg:$0x5] =	wrdreg s22  }
0x14: {  	s5 =	sadd.s32 $0x20, s20;
	s15 =	sadd.s32 s0, s9;
	[dreg:$0x6] =	wrdreg s23  }
0x15: {  	s0 =	simm.s32 $0xD;
	s20 =	simm.s32 $0xF;
	[dreg:$0x7] =	wrdreg s24  }
0x16: {  	[dreg:$0x8] =	wrdreg s5;
	s22 =	simm.s32 $0x10;
	s24 =	simm.s32 $0x1  }
.LBB2_1:
0x17: {  	s5 =	rddreg [dreg:$0x4]  }
0x18: {  	s6 =	simm.s32 $0x14180;
	s9 =	rddreg [dreg:$0x3]  }
0x19: {  	[tilespmem:s6], [sflag:$0x7] =	stream.linear.gather [hbm4b:s5+s3], $0x2800, $0x38;
	[tilespmem:$0x1E980] =	vst v63  }
0x1a: {  	s7 =	simm.s32 $0x14000;
	s10 =	rddreg [dreg:$0x5]  }
0x1b: {  	[tilespmem:s7], [sflag:$0x1] =	stream.linear.gather [hbm4b:s9+s3], $0x40, $0x38;
	[tilespmem:$0x1E980] =	vst v63  }
0x1c: {  	s8 =	simm.s32 $0x14040;
	s11 =	rddreg [dreg:$0x6]  }
0x1d: {  	[tilespmem:s8], [sflag:$0x2] =	stream.linear.gather [hbm4b:s10+s3], $0x40, $0x38;
	[tilespmem:$0x1E980] =	vst v63  }
0x1e: {  	s13 =	rddreg [dreg:$0x7];
	s9 =	simm.s32 $0x14080  }
0x1f: {  	[tilespmem:s9], [sflag:$0x3] =	stream.linear.gather [hbm4b:s11+s3], $0x40, $0x38;
	[tilespmem:$0x1E980] =	vst v63  }
0x20: {  	s14 =	rddreg [dreg:$0x8];
	s10 =	simm.s32 $0x140C0  }
0x21: {  	[tilespmem:s10], [sflag:$0x4] =	stream.linear.gather [hbm4b:s13+s3], $0x40, $0x38;
	[tilespmem:$0x1E980] =	vst v63  }
0x22: {  	s16 =	simm.s32 $0x14100;
	s17 =	rddreg [dreg:$0x9]  }
0x23: {  	[tilespmem:s16], [sflag:$0x5] =	stream.linear.gather [hbm4b:s14+s3], $0x40, $0x38;
	[tilespmem:$0x1E980] =	vst v63  }
0x24: {  	[spmem:s21], [sflag:s12] =	dma.local [hbm:s17], $0x2800  }
0x25: {  	_ =	swait.ge [sflag:s22], $0x2800  }
0x26: {  	[sflag:s22] =	ssyncset.done $0x0  }
0x27: {  	s18 =	simm.s32 $0x7;
	[sflag:s22] =	ssyncadd.s32 $0xFFFFD800  }
0x28: {  	_ =	swait.ge [sflag:s18], $0x2800  }
0x29: {  	[sflag:s18] =	ssyncset.done $0x0  }
0x2a: {  	[sflag:s18] =	ssyncadd.s32 $0xFFFFD800  }
0x2b: {  	[bflag:$0x0] =	sbarrier.arrive $0xFFFF  }
0x2c: {  	_ =	swait.ge [sflag:s24], $0x40  }
0x2d: {  	[sflag:s24] =	ssyncset.done $0x0  }
0x2e: {  	s23 =	simm.s32 $0x16980;
	[sflag:s24] =	ssyncadd.s32 $0xFFFFFFC0  }
0x2f: {  	[tilespmem:s23], [sflag:$0x8] =	stream.indirect.gather [hbm4b:s4+s25], $0x80, s7, s25, $0xb8;
	[tilespmem:$0x1E980] =	vst v63  }
0x30: {  	_ =	swait.ge [sflag:s28], $0x40  }
0x31: {  	p1 =	por $0x0, $0x0;
	s7 =	simm.s32 $0x5;
	[sflag:s28] =	ssyncset.done $0x0  }
0x32: {  	s10 =	simm.s32 $0x18980;
	s7 =	smul.u32 @!p1 $0xAB, s7;
	[sflag:s28] =	ssyncadd.s32 $0xFFFFFFC0  }
0x33: {  	[tilespmem:s10], [sflag:$0x9] =	stream.indirect.gather [hbm4b:s4+s25], $0x80, s8, s25, $0xb8;
	[tilespmem:$0x1E980] =	vst v63  }
0x34: {  	_ =	swait.ge [sflag:s30], $0x40  }
0x35: {  	s29 =	simm.s32 $0x6;
	s7 =	sshrl.u32 @!p1 s7, $0xA;
	[sflag:s30] =	ssyncset.done $0x0  }
0x36: {  	s11 =	simm.s32 $0x1A980;
	s7 =	sand.u32 @!p1 $0x3F, s7;
	[sflag:s30] =	ssyncadd.s32 $0xFFFFFFC0  }
0x37: {  	[tilespmem:s11], [sflag:$0xA] =	stream.indirect.gather [hbm4b:s4+s25], $0x80, s9, s25, $0xb8;
	[tilespmem:$0x1E980] =	vst v63  }
0x38: {  	s31 =	sadd.s32 $0x8, s15;
	s13 =	simm.s32 $0x0;
	s9 =	smul.u32 @!p1 $0x6, s7  }
0x39: {  	p0 =	por $0x0, $0x0;
	s16 =	simm.s32 @!p1 $0x0;
	s8 =	sand.u32 $0x3, s13  }
0x3a: {  	s14 =	sshll.u32 s8, $0xD;
	s18 =	sor.u32 $0xC, s8;
	s9 =	ssub.s32 @!p1 $0x5, s9  }
0x3b: {  	s23 =	sor.u32 $0x8, s8;
	s10 =	sadd.s32 $0x16980, s14;
	s9 =	sand.u32 @!p1 $0xFF, s9  }
0x3c: {  	s7 =	simm.s32 $0x7;
	s11 =	simm.s32 $0x3;
	s13 =	sshll.u32 @!p1 s9, $0x6  }
0x3d: {  	s17 =	smul.u32 @!p0 $0xAB, s11;
	s9 =	sadd.s32 @!p1 $0x1, s9;
	s13 =	sor.u32 @!p1 $0x14000, s13  }
0x3e: {  	[tilespmem:s13], [sflag:s9] =	stream.linear.gather @!p1 [hbm4b:s15+s16], $0x40, $0x38;
	[tilespmem:$0x1E980] =	vst v63  }
0x3f: {  	s8 =	sand.u32 @!p0 $0x3, s11;
	s11 =	sshrl.u32 @!p0 s17, $0xA;
	_ =	swait.ge [sflag:s23], $0x2000  }
0x40: {  	s11 =	sand.u32 @!p0 $0x3F, s11;
	p1 =	por @!p0 $0x1, $0x1;
	[sflag:s23] =	ssyncset.done $0x0  }
0x41: {  	s11 =	smul.u32 @!p0 $0x6, s11;
	p1 =	por p1, p0;
	[sflag:s23] =	ssyncadd.s32 $0xFFFFE000  }
0x42: {  	[spmem:s2] =	stream.indirect.scatter.add.f32 [tilespmem:s10], [sflag:s18], $0x80, s6, s25, $0xb8;
	[tilespmem:$0x1E980] =	vst v63  }
0x43: {  	s13 =	sshll.u32 @!p0 s8, $0xD;
	s9 =	ssub.s32 @!p0 $0x3, s11;
	s10 =	sor.u32 @!p1 $0xC, s8  }
0x44: {  	s13 =	sadd.s32 @!p0 $0x16980, s13;
	s9 =	sand.u32 @!p0 $0xFF, s9;
	_ =	swait.ge @!p1 [sflag:s10], $0x2000  }
0x45: {  	s16 =	sadd.s32 @!p0 $0x1, s9;
	s11 =	sshll.u32 @!p0 s9, $0x6;
	[sflag:s10] =	ssyncset.done @!p1 $0x0  }
0x46: {  	s9 =	simm.s32 $0x1;
	s6 =	simm.s32 $0x141C0;
	[sflag:s10] =	ssyncadd.s32 @!p1 $0xFFFFE000  }
0x47: {  	s11 =	sor.u32 @!p0 $0x14000, s11;
	p1 =	por $0x0, $0x0;
	_ =	swait.ge @!p0 [sflag:s16], $0x40  }
0x48: {  	s10 =	sand.u32 $0x3, s9;
	s17 =	smul.u32 @!p1 $0xAB, s29;
	[sflag:s16] =	ssyncset.done @!p0 $0x0  }
.LBB2_2:
0x49: {  	s14 =	sshll.u32 s10, $0xD;
	[sflag:s16] =	ssyncadd.s32 @!p0 $0xFFFFFFC0;
	s8 =	sor.u32 @!p0 $0x8, s8  }
0x4a: {  	s16 =	smov.u32 s29;
	s29 =	smov.u32 s7;
	s18 =	smov.u32 s31  }
0x4b: {  	s7 =	sadd.s32 $0x1, s7;
	s5 =	smov.u32 s6;
	s17 =	sshrl.u32 @!p1 s17, $0xA  }
0x4c: {  	s23 =	simm.s32 @!p0 $0x40;
	p2 =	sne.s32 s7, $0xA5;
	s17 =	sand.u32 @!p1 $0x3F, s17  }
0x4d: {  	s31 =	sadd.s32 $0x8, s31;
	s6 =	sadd.s32 $0x40, s6;
	s17 =	smul.u32 @!p1 $0x6, s17  }
0x4e: {  	[tilespmem:s13], [sflag:s8] =	stream.indirect.gather @!p0 [hbm4b:s4+s23], $0x80, s11, s23, $0xb8;
	[tilespmem:$0x1E980] =	vst v63  }
0x4f: {  	s11 =	sor.u32 $0xC, s10;
	s13 =	sadd.s32 $0xFFFFFFFE, s16;
	s8 =	ssub.s32 @!p1 s16, s17  }
0x50: {  	s14 =	sadd.s32 $0x16980, s14;
	s10 =	sor.u32 $0x8, s10;
	s8 =	sand.u32 @!p1 $0xFF, s8  }
0x51: {  	p0 =	sgt.u32 s9, $0x9C;
	s17 =	sshll.u32 @!p1 s8, $0x6;
	s8 =	sadd.s32 @!p1 $0x1, s8  }
0x52: {  	s23 =	smul.u32 @!p0 $0xAB, s13;
	s9 =	sor.u32 @!p1 $0x14000, s17;
	s17 =	simm.s32 @!p1 $0x0  }
0x53: {  	[tilespmem:s9], [sflag:s8] =	stream.linear.gather @!p1 [hbm4b:s18+s17], $0x40, $0x38;
	[tilespmem:$0x1E980] =	vst v63  }
0x54: {  	s8 =	sand.u32 @!p0 $0x3, s13;
	s9 =	sshrl.u32 @!p0 s23, $0xA;
	_ =	swait.ge [sflag:s10], $0x2000  }
0x55: {  	p1 =	seq.s32 @!p0 s16, $0x5;
	s9 =	sand.u32 @!p0 $0x3F, s9;
	[sflag:s10] =	ssyncset.done $0x0  }
0x56: {  	p1 =	por p1, p0;
	s9 =	smul.u32 @!p0 $0x6, s9;
	[sflag:s10] =	ssyncadd.s32 $0xFFFFE000  }
0x57: {  	[spmem:s2] =	stream.indirect.scatter.add.f32 [tilespmem:s14], [sflag:s11], $0x80, s5, s25, $0xb8;
	[tilespmem:$0x1E980] =	vst v63  }
0x58: {  	s5 =	sor.u32 @!p1 $0xC, s8;
	s9 =	ssub.s32 @!p0 s13, s9;
	s13 =	sshll.u32 @!p0 s8, $0xD  }
.Ltmp0:
0x59: {  	s9 =	sand.u32 @!p0 $0xFF, s9;
	_ =	swait.ge @!p1 [sflag:s5], $0x2000;
	(pc) =	sbr.rel @p2 .LBB2_2-.Ltmp0, $4  }
0x5a: {  	s16 =	sadd.s32 @!p0 $0x1, s9;
	s10 =	sshll.u32 @!p0 s9, $0x6;
	[sflag:s5] =	ssyncset.done @!p1 $0x0  }
0x5b: {  	s9 =	sadd.s32 $0xFFFFFFFB, s29;
	s11 =	sor.u32 @!p0 $0x14000, s10;
	[sflag:s5] =	ssyncadd.s32 @!p1 $0xFFFFE000  }
0x5c: {  	s10 =	sand.u32 $0x3, s9;
	p1 =	sgt.u32 s9, $0x9A;
	_ =	swait.ge @!p0 [sflag:s16], $0x40  }
0x5d: {  	s13 =	sadd.s32 @!p0 $0x16980, s13;
	s17 =	smul.u32 @!p1 $0xAB, s29;
	[sflag:s16] =	ssyncset.done @!p0 $0x0  }
0x5e: {  	_ = 	snop  }
0x5f: {  	s5 =	sshrl.u32 @!p1 s17, $0xA  }
0x60: {  	s7 =	sshll.u32 s10, $0xD;
	[sflag:s16] =	ssyncadd.s32 @!p0 $0xFFFFFFC0;
	s5 =	sand.u32 @!p1 $0x3F, s5  }
0x61: {  	s8 =	sor.u32 @!p0 $0x8, s8;
	s14 =	simm.s32 @!p0 $0x40;
	s5 =	smul.u32 @!p1 $0x6, s5  }
0x62: {  	[tilespmem:s13], [sflag:s8] =	stream.indirect.gather @!p0 [hbm4b:s4+s14], $0x80, s11, s14, $0xb8;
	[tilespmem:$0x1E980] =	vst v63  }
0x63: {  	s18 =	sor.u32 $0xC, s10;
	s23 =	sor.u32 $0x8, s10;
	s5 =	ssub.s32 @!p1 s29, s5  }
0x64: {  	s11 =	sadd.s32 $0xFFFFFFFE, s29;
	p0 =	sgt.u32 s9, $0x9C;
	s5 =	sand.u32 @!p1 $0xFF, s5  }
0x65: {  	s7 =	sadd.s32 $0x16980, s7;
	s14 =	smul.u32 @!p0 $0xAB, s11;
	s13 =	sshll.u32 @!p1 s5, $0x6  }
0x66: {  	s5 =	sadd.s32 @!p1 $0x1, s5;
	s9 =	sor.u32 @!p1 $0x14000, s13;
	s13 =	simm.s32 @!p1 $0x0  }
0x67: {  	[tilespmem:s9], [sflag:s5] =	stream.linear.gather @!p1 [hbm4b:s31+s13], $0x40, $0x38;
	[tilespmem:$0x1E980] =	vst v63  }
0x68: {  	s5 =	sand.u32 @!p0 $0x3, s11;
	s9 =	sshrl.u32 @!p0 s14, $0xA;
	_ =	swait.ge [sflag:s23], $0x2000  }
0x69: {  	p1 =	seq.s32 @!p0 s29, $0x5;
	s9 =	sand.u32 @!p0 $0x3F, s9;
	[sflag:s23] =	ssyncset.done $0x0  }
0x6a: {  	p1 =	por p1, p0;
	s9 =	smul.u32 @!p0 $0x6, s9;
	[sflag:s23] =	ssyncadd.s32 $0xFFFFE000  }
0x6b: {  	[spmem:s2] =	stream.indirect.scatter.add.f32 [tilespmem:s7], [sflag:s18], $0x80, s6, s25, $0xb8;
	[tilespmem:$0x1E980] =	vst v63  }
0x6c: {  	s6 =	sor.u32 @!p1 $0xC, s5  }
0x6d: {  	s7 =	ssub.s32 @!p0 s11, s9;
	_ =	swait.ge @!p1 [sflag:s6], $0x2000  }
0x6e: {  	s7 =	sand.u32 @!p0 $0xFF, s7;
	[sflag:s6] =	ssyncset.done @!p1 $0x0  }
0x6f: {  	s8 =	sadd.s32 @!p0 $0x1, s7;
	[sflag:s6] =	ssyncadd.s32 @!p1 $0xFFFFE000  }
0x70: {  	s7 =	sshll.u32 @!p0 s7, $0x6;
	s6 =	sshll.u32 @!p0 s5, $0xD;
	_ =	swait.ge @!p0 [sflag:s8], $0x40  }
0x71: {  	s7 =	sor.u32 @!p0 $0x14000, s7;
	s5 =	sor.u32 @!p0 $0x8, s5;
	[sflag:s8] =	ssyncset.done @!p0 $0x0  }
0x72: {  	s6 =	sadd.s32 @!p0 $0x16980, s6;
	[sflag:s8] =	ssyncadd.s32 @!p0 $0xFFFFFFC0;
	s8 =	simm.s32 @!p0 $0x40  }
0x73: {  	[tilespmem:s6], [sflag:s5] =	stream.indirect.gather @!p0 [hbm4b:s4+s8], $0x80, s7, s8, $0xb8;
	[tilespmem:$0x1E980] =	vst v63  }
0x74: {  	_ =	swait.ge [sflag:s1], $0x2000  }
0x75: {  	[sflag:s1] =	ssyncset.done $0x0  }
0x76: {  	[sflag:s1] =	ssyncadd.s32 $0xFFFFE000  }
0x77: {  	_ =	swait.ge [sflag:s0], $0x2000  }
0x78: {  	[sflag:s0] =	ssyncset.done $0x0  }
0x79: {  	[sflag:s0] =	ssyncadd.s32 $0xFFFFE000  }
0x7a: {  	_ =	swait.ge [sflag:s19], $0x2000  }
0x7b: {  	[sflag:s19] =	ssyncset.done $0x0  }
0x7c: {  	[sflag:s19] =	ssyncadd.s32 $0xFFFFE000  }
0x7d: {  	_ =	swait.ge [sflag:s20], $0x2000  }
0x7e: {  	[sflag:s20] =	ssyncset.done $0x0  }
0x7f: {  	[sflag:s20] =	ssyncadd.s32 $0xFFFFE000  }
0x80: {  	[bflag:$0x0] =	sbarrier.arrive $0xFFFF  }
0x81: {  	s29 =	rddreg [dreg:$0xa]  }
0x82: {  	[hbm:s29], [sflag:s12] =	dma.local [spmem:s21], $0x2800  }
0x83: {  	_ =	swait.ge [sflag:s22], $0x2800  }
0x84: {  	s26 =	sadd.s32 $0x1, s26;
	s31 =	rddreg [dreg:$0xb]  }
0x85: {  	p0 =	sne.s32 s26, s31  }
.Ltmp1:
0x86: {  	_ = 	snop;
	(pc) =	sbr.rel @p0 .LBB2_1-.Ltmp1, $3  }
0x87: {  	_ =	sdelay $0x1  }
0x88: {  	[sflag:s22] =	ssyncset.done $0x0  }
0x89: {  	[sflag:s22] =	ssyncadd.s32 $0xFFFFD800  }
0x8a: {  	_ =	sfence.sel $0x180000  }
0x8b: {  	[bflag:$0x0] =	sbarrier.arrive $0xFFFF  }
0x8c: {  	_ =	strace $0x9000004D  }
0x8d: {  	s0 =	stileid.u32;
	[bflag:$0x2] =	sbarrier.arrive $0xFFFF  }
0x8e: {  	p0 =	sne.s32 s0, $0x0;
	s0 =	rddreg [dreg:$0x2]  }
0x8f: {  	s0 =	sadd.s32 @!p0 $0x100000, s0  }
0x90: {  	[sflag:s0] =	ssyncadd.tile.s32 @!p0 $0x1;
	_ =	shalt  }
.Lfunc_end2:
_tile_overlayer_lowered:
.L_overlay_start_2:
0x91: {  	(tag) =	ssettag $0x2  }
0x92: {  	s0 =	rddreg [dreg:$0x0];
	s2 =	stileid.u32  }
0x93: {  	s1 =	rddreg [dreg:$0x1];
	p0 =	sne.s32 s2, $0x0  }
0x94: {  	s3 =	rddreg [dreg:$0x2];
	[bflag:$0x3] =	sbarrier.arrive $0xFFFF;
	s2 =	simm.s32 @!p0 $0x1C10  }
0x95: {  	[timem:s3], [sflag:s2] =	dma.local @!p0 [hbm:s0], s1  }
0x96: {  	s0 =	simm.s32 @!p0 $0x10  }
0x97: {  	_ =	swait.ge @!p0 [sflag:s0], s1  }
0x98: {  	s1 =	ssub.s32 @!p0 $0x0, s1;
	[sflag:s0] =	ssyncset.done @!p0 $0x0  }
0x99: {  	[sflag:s0] =	ssyncadd.s32 @!p0 s1  }
0x9a: {  	[bflag:$0x3] =	sbarrier.arrive $0xFFFF  }
0x9b: {  	_ =	shalt  }

// kernel: kernel.22.cloned.1.call-start
scs
__scs_entry_jumppad:
0x0: {  	(pc) =	sbr.rel $0x88, $3  }
0x1: {  	(tag) =	ssettag $0x0;
	lr =	simm.s32 $0x1  }
0x2: {  	[smem:$0x3F97] =	sst lr;
	_ =	strace $0xD0000000  }
0x3: {  	_ = 	snop  }
0x4: {  	_ = 	snop  }
0x5: {  	_ = 	snop  }
0x6: {  	_ = 	snop  }
0x7: {  	_ = 	snop  }
__scs_overlays_trampoline_lowered:
0x8: {  	[smem:$0x3FA6] =	sst s0  }
0x9: {  	[smem:$0x3FA7] =	sst s1  }
0xa: {  	[smem:$0x3FA8] =	sst s2  }
0xb: {  	[smem:$0x3FA9] =	sst s3  }
0xc: {  	[smem:$0x3FAA] =	sst s4  }
0xd: {  	[smem:$0x3FAB] =	sst s5  }
0xe: {  	[smem:$0x3FAC] =	sst s6  }
0xf: {  	[smem:$0x3FAD] =	sst s7  }
0x10: {  	[smem:$0x3FAE] =	sst s8  }
0x11: {  	[smem:$0x3FAF] =	sst s9;
	s0 =	simm.s32 @!p0 $0x0  }
0x12: {  	s1 =	sld [smem:$0x3F95];
	s0 =	simm.s32 @p0 $0x1  }
0x13: {  	[smem:$0x3FB0] =	sst s0;
	s0 =	simm.s32 @!p1 $0x0  }
0x14: {  	s2 =	sld [smem:$0x3F94];
	s0 =	simm.s32 @p1 $0x1  }
0x15: {  	[smem:$0x3FB1] =	sst s0;
	s0 =	simm.s32 @!p2 $0x0  }
0x16: {  	s3 =	sld [smem:$0x3FDB];
	s0 =	simm.s32 @p2 $0x1  }
0x17: {  	s4 =	simm.s32 $0x1BF5;
	[smem:$0x3FB3] =	sst s0  }
0x18: {  	s0 =	sld [smem:$0x3F96];
	_ =	swait.ge [sflag:s4], $0x0  }
0x19: {  	s7 =	sld [smem:$0x3F97]  }
0x1a: {  	s8 =	sadd.s32 $0xFFFFE003, lr  }
0x1b: {  	s9 =	sadd.s32 $0xFFFFFEF7, lr;
	s5 =	simm.s32 $0xFFFFFFFF;
	p2 =	slt.u32 s8, $0xFFFFF086  }
0x1c: {  	p1 =	slt.u32 s9, $0xF7A;
	s5 =	simm.s32 @!p2 $0x0  }
0x1d: {  	s5 =	simm.s32 @p1 $0x1;
	p0 =	seq.s32 s7, s2  }
0x1e: {  	s7 =	smul.u32 @!p0 $0xF7A, s2;
	p2 =	seq.s32 @!p0 s5, $0x0  }
0x1f: {  	s9 =	smul.u32 $0xF7A, s1;
	s8 =	simm.s32 @!p0 $0x1BF5;
	p2 =	por !p2, p0  }
0x20: {  	[sflag:s8] =	ssyncset.s32 @!p0 $0xFFFFF086;
	s6 =	sadd.s32 @!p0 s3, s7;
	s7 =	simm.s32 @!p0 $0x108  }
0x21: {  	s3 =	sadd.s32 s3, s9;
	s6 =	sadd.s32 @!p0 $0x88, s6;
	s7 =	simm.s32 @p2 $0x1082  }
0x22: {  	[simem:s7], [sflag:s8] =	dma.local @!p0 [hbm:s6], $0xF7A  }
0x23: {  	s9 =	sor.u32 $0xD0000000, s2;
	s6 =	simm.s32 $0x108;
	_ =	swait.ge @!p0 [sflag:s8], $0x0  }
0x24: {  	s3 =	sadd.s32 $0x88, s3;
	s6 =	simm.s32 @!p1 $0x1082;
	[sflag:s4] =	ssyncset.s32 $0xFFFFF086  }
0x25: {  	[simem:s6], [sflag:s4] =	dma.local [hbm:s3], $0xF7A  }
0x26: {  	[smem:$0x3F97] =	sst s1;
	(tag) =	ssettag s2;
	_ =	strace s9  }
0x27: {  	s1 =	sld [smem:$0x3FA7]  }
0x28: {  	s2 =	sld [smem:$0x3FA8]  }
0x29: {  	s4 =	sld [smem:$0x3FAA]  }
0x2a: {  	p0 =	seq.s32 s5, $0x0;
	s5 =	sld [smem:$0x3FAB]  }
0x2b: {  	s6 =	sld [smem:$0x3FAC]  }
0x2c: {  	s7 =	sld [smem:$0x3FAD]  }
0x2d: {  	s3 =	simm.s32 $0x108;
	s8 =	sld [smem:$0x3FAE]  }
0x2e: {  	s3 =	simm.s32 @!p0 $0x1082;
	s9 =	sld [smem:$0x3FAF]  }
0x2f: {  	lr =	sadd.s32 s0, s3;
	s0 =	sld [smem:$0x3FA6]  }
0x30: {  	s3 =	sld [smem:$0x3FA9]  }
0x31: {  	[smem:$0x3FB2] =	sst s10  }
0x32: {  	s10 =	sld [smem:$0x3FB0];
	_ =	sdelay $0x3  }
0x33: {  	p0 =	seq.s32 s10, $0x1;
	s10 =	sld [smem:$0x3FB2];
	_ =	sdelay $0x3  }
0x34: {  	[smem:$0x3FB2] =	sst s10  }
0x35: {  	s10 =	sld [smem:$0x3FB1];
	_ =	sdelay $0x3  }
0x36: {  	p1 =	seq.s32 s10, $0x1;
	s10 =	sld [smem:$0x3FB2];
	_ =	sdelay $0x3  }
0x37: {  	[smem:$0x3FB2] =	sst s10  }
0x38: {  	s10 =	sld [smem:$0x3FB3]  }
0x39: {  	_ = 	snop;
	(pc) =	sbr.ind lr, $3  }
0x3a: {  	_ = 	snop  }
0x3b: {  	_ = 	snop  }
0x3c: {  	p2 =	seq.s32 s10, $0x1;
	s10 =	sld [smem:$0x3FB2]  }
0x3d: {  	_ =	shalt  }
0x3e: {  	_ =	shalt  }
0x3f: {  	_ =	shalt  }
0x40: {  	_ =	shalt  }
0x41: {  	_ =	shalt  }
0x42: {  	_ =	shalt  }
0x43: {  	_ =	shalt  }
0x44: {  	_ =	shalt  }
0x45: {  	_ =	shalt  }
0x46: {  	_ =	shalt  }
0x47: {  	_ =	shalt  }
0x48: {  	_ =	shalt  }
0x49: {  	_ =	shalt  }
0x4a: {  	_ =	shalt  }
0x4b: {  	_ =	shalt  }
0x4c: {  	_ =	shalt  }
0x4d: {  	_ =	shalt  }
0x4e: {  	_ =	shalt  }
0x4f: {  	_ =	shalt  }
0x50: {  	_ =	shalt  }
0x51: {  	_ =	shalt  }
0x52: {  	_ =	shalt  }
0x53: {  	_ =	shalt  }
0x54: {  	_ =	shalt  }
0x55: {  	_ =	shalt  }
0x56: {  	_ =	shalt  }
0x57: {  	_ =	shalt  }
0x58: {  	_ =	shalt  }
0x59: {  	_ =	shalt  }
0x5a: {  	_ =	shalt  }
0x5b: {  	_ =	shalt  }
0x5c: {  	_ =	shalt  }
0x5d: {  	_ =	shalt  }
0x5e: {  	_ =	shalt  }
0x5f: {  	_ =	shalt  }
0x60: {  	_ =	shalt  }
0x61: {  	_ =	shalt  }
0x62: {  	_ =	shalt  }
0x63: {  	_ =	shalt  }
0x64: {  	_ =	shalt  }
0x65: {  	_ =	shalt  }
0x66: {  	_ =	shalt  }
0x67: {  	_ =	shalt  }
0x68: {  	_ =	shalt  }
0x69: {  	_ =	shalt  }
0x6a: {  	_ =	shalt  }
0x6b: {  	_ =	shalt  }
0x6c: {  	_ =	shalt  }
0x6d: {  	_ =	shalt  }
0x6e: {  	_ =	shalt  }
0x6f: {  	_ =	shalt  }
0x70: {  	_ =	shalt  }
0x71: {  	_ =	shalt  }
0x72: {  	_ =	shalt  }
0x73: {  	_ =	shalt  }
0x74: {  	_ =	shalt  }
0x75: {  	_ =	shalt  }
0x76: {  	_ =	shalt  }
0x77: {  	_ =	shalt  }
0x78: {  	_ =	shalt  }
0x79: {  	_ =	shalt  }
0x7a: {  	_ =	shalt  }
0x7b: {  	_ =	shalt  }
0x7c: {  	_ =	shalt  }
0x7d: {  	_ =	shalt  }
0x7e: {  	_ =	shalt  }
0x7f: {  	_ =	shalt  }
0x80: {  	_ =	shalt  }
0x81: {  	_ =	shalt  }
0x82: {  	_ =	shalt  }
0x83: {  	_ =	shalt  }
0x84: {  	_ =	shalt  }
0x85: {  	_ =	shalt  }
0x86: {  	_ =	shalt  }
0x87: {  	_ =	shalt  }
.Lfunc_end0:
.L_simem_size_0:
called_computation.3_lowered:
.L_overlay_start_0:
0x88: {  	s2 =	sld [smem:$0x3FD9]  }
0x89: {  	s3 =	sld [smem:$0x3FFE];
	_ =	sdelay $0x1  }
0x8a: {  	s1 =	srdreg.scid  }
0x8b: {  	s0 =	sand.u32 $0x1, s1  }
0x8c: {  	s16 =	sshll.u32 s0, $0xA;
	s2 =	sadd.s32 s3, s2  }
0x8d: {  	s2 =	sadd.s32 s2, s16  }
0x8e: {  	[smem:$0x3FBE] =	sst s2  }
0x8f: {  	_ = 	snop  }
0x90: {  	(tm) =	ssettm $0x1  }
0x91: {  	s17 =	sld [smem:$0x3FFB];
	_ =	sdelay $0x3  }
0x92: {  	_ =	strace s17  }
0x93: {  	s2 =	sld [smem:$0x3FFC];
	_ =	sdelay $0x3  }
0x94: {  	_ =	strace s2  }
0x95: {  	s2 =	sld [smem:$0x3FFD];
	_ =	sdelay $0x3  }
0x96: {  	_ =	strace s2  }
0x97: {  	_ =	strace $0x8FFFFFFF  }
0x98: {  	s18 =	sld [smem:$0x3FDB];
	_ =	sdelay $0x1  }
0x99: {  	s19 =	simm.s32 $_scs_section_size  }
0x9a: {  	s4 =	simm.s32 $_size__tile_overlayer_lowered;
	s5 =	simm.s32 $_tile_overlayer_lowered  }
0x9b: {  	s22 =	simm.s32 $0x1BFF;
	s21 =	sshll.u32 s5, $0x1;
	s2 =	sadd.s32 s19, s18  }
0x9c: {  	s6 =	simm.s32 $0x0;
	s20 =	sshll.u32 s4, $0x1;
	s4 =	sadd.s32 s21, s2  }
0x9d: {  	[timem:s6], [sflag:s22] =	dma.local [hbm:s4], s20  }
0x9e: {  	_ =	swait.ge [sflag:s22], s20  }
0x9f: {  	s3 =	ssub.s32 $0x0, s20;
	[sflag:s22] =	ssyncset.done $0x0  }
0xa0: {  	[sflag:s22] =	ssyncadd.s32 s3;
	_ =	sdelay $0x1  }
0xa1: {  	s23 =	simm.s32 $0x1B8B  }
0xa2: {  	_ =	swait.ge [sflag:s23], $0x1  }
0xa3: {  	[sflag:s23] =	ssyncset.done $0x0  }
0xa4: {  	s25 =	simm.s32 $0x1B8E;
	s24 =	sld [smem:$0x3FFE];
	[sflag:s23] =	ssyncadd.s32 $0xFFFFFFFF  }
0xa5: {  	s26 =	simm.s32 $execute0_lowered;
	[smem:$0x3FD2] =	sst s25  }
0xa6: {  	s4 =	sshll.u32 s26, $0x1;
	_ =	strace $0x8000004F;
	[dreg:$0x1] =	wrdreg $0xFFFFFFFF  }
0xa7: {  	s28 =	simm.s32 $_size_execute0_lowered;
	s2 =	sadd.s32 s2, s4;
	[dreg:$0x0] =	wrdreg $0x0  }
0xa8: {  	s4 =	sshll.u32 s28, $0x1;
	[dreg:$0x2] =	wrdreg s2  }
0xa9: {  	[dreg:$0x3] =	wrdreg s4  }
0xaa: {  	[dreg:$0x4] =	wrdreg $0xC0  }
0xab: {  	_ =	task [dreg:s6], $0x5FFFF  }
0xac: {  	[dreg:$0x1] =	wrdreg $0xFFFFFFFF  }
0xad: {  	[dreg:$0x0] =	wrdreg $0x60  }
0xae: {  	[dreg:$0x2] =	wrdreg s24  }
0xaf: {  	[dreg:$0x3] =	wrdreg $0x0  }
0xb0: {  	[dreg:$0x4] =	wrdreg $0x9  }
0xb1: {  	_ =	task.clear_ibuf [dreg:s6], $0x5FFFF;
	_ =	strace $0x9000004F  }
0xb2: {  	s29 =	simm.s32 $0x9;
	_ =	strace $0x80000051  }
0xb3: {  	_ =	swait.ge [sflag:s29], $0x1  }
0xb4: {  	[sflag:s29] =	ssyncadd.s32 $0xFFFFFFFF  }
0xb5: {  	_ =	strace $0x90000051  }
0xb6: {  	_ =	sfence  }
0xb7: {  	s30 =	sld [smem:$0x0];
	_ =	sdelay $0x2  }
0xb8: {  	s31 =	sshll.u32 s1, $0xD;
	s1 =	sshrl.u32 s1, $0x2  }
0xb9: {  	s3 =	sand.u32 $0x4000, s31;
	s1 =	sadd.s32 s1, s30  }
0xba: {  	s0 =	sor.u32 s3, s0;
	s1 =	sshll.u32 s1, $0x11  }
0xbb: {  	s0 =	sor.u32 s1, s0  }
0xbc: {  	s0 =	sadd.s32 $0x8F2B, s0  }
0xbd: {  	[sflag:s0] =	ssyncadd.remote.s32 $0x1  }
0xbe: {  	_ =	sfence.sel $0xFFFF  }
0xbf: {  	[dreg:$0x0] =	wrdreg $0xFFFFFFFF;
	(pc) =	sbr.abs _section_cstart, $3  }
0xc0: {  	[dreg:$0x1] =	wrdreg $0xFFFFFFFF  }
0xc1: {  	_ =	task.clear_ibuf [dreg:s6], $0x2FFFF;
	_ =	strace $0x9FFFFFFF  }
0xc2: {  	(tm) =	ssettm $0x7FFFFFFF  }
0xc3: {  	_ =	shalt  }
tec
execute0_lowered:
.L_overlay_start_1:
0x0: {  	(tag) =	ssettag $0x1  }
0x1: {  	s0 =	srdreg.scid  }
0x2: {  	s12 =	stileid.u32;
	s5 =	rddreg [dreg:$0x0]  }
0x3: {  	s2 =	rddreg [dreg:$0x1];
	s3 =	simm.s32 $0x0;
	s28 =	simm.s32 $0x2  }
0x4: {  	s30 =	simm.s32 $0x3;
	s0 =	sand.u32 $0x1, s0;
	s6 =	smul.u32 $0x14000, s12  }
0x5: {  	s1 =	sshll.u32 s12, $0x1;
	[smem:$0x7FF] =	sst s3;
	s7 =	smul.u32 $0x2800, s12  }
0x6: {  	s4 =	sadd.s32 $0x1C400, s5;
	s9 =	sadd.s32 $0x3400, s5;
	s21 =	smul.u32 $0x5000, s12  }
0x7: {  	s25 =	sshll.u32 s12, $0x6;
	s1 =	sor.u32 s0, s1;
	s8 =	smul.u32 $0x28000, s0  }
0x8: {  	_ =	strace $0x80000050;
	s18 =	ssub.s32 $0x2, s0;
	s0 =	smul.u32 $0x2800, s0  }
0x9: {  	s12 =	sor.u32 $0x1C10, s25;
	s25 =	simm.s32 $0x40;
	s1 =	smul.u32 $0x2800, s1  }
0xa: {  	s11 =	sshrl.u32 s6, $0x3;
	s19 =	sshrl.u32 s18, $0x1;
	s6 =	sadd.s32 s6, s2  }
0xb: {  	s7 =	sadd.s32 s7, s8;
	s11 =	sadd.s32 s11, s5;
	s8 =	ssub.s32 s18, s19  }
0xc: {  	s0 =	sadd.s32 s0, s21;
	s21 =	sshrl.u32 s6, $0x3;
	s19 =	simm.s32 $0xE  }
0xd: {  	s1 =	sshrl.u32 s1, $0x3;
	s7 =	sadd.s32 s7, s5;
	s26 =	sadd.s32 $0x44400, s11  }
0xe: {  	s0 =	sor.u32 $0x140, s0;
	s31 =	smax.u32 s8, $0x1;
	[dreg:$0x9] =	wrdreg s26  }
0xf: {  	s10 =	sadd.s32 s1, s5;
	s20 =	sadd.s32 s9, s1;
	[dreg:$0xb] =	wrdreg s31  }
0x10: {  	s29 =	sadd.s32 $0x6C400, s7;
	s0 =	sshrl.u32 s0, $0x3;
	[dreg:$0x3] =	wrdreg s20  }
0x11: {  	s1 =	simm.s32 $0xC;
	s10 =	sadd.s32 $0xD400, s10;
	[dreg:$0xa] =	wrdreg s29  }
0x12: {  	s26 =	simm.s32 $0x0;
	s22 =	sadd.s32 $0x8, s20;
	[dreg:$0x4] =	wrdreg s10  }
0x13: {  	s23 =	sadd.s32 $0x10, s20;
	s24 =	sadd.s32 $0x18, s20;
	[dreg:$0x5] =	wrdreg s22  }
0x14: {  	s5 =	sadd.s32 $0x20, s20;
	s15 =	sadd.s32 s0, s9;
	[dreg:$0x6] =	wrdreg s23  }
0x15: {  	s0 =	simm.s32 $0xD;
	s20 =	simm.s32 $0xF;
	[dreg:$0x7] =	wrdreg s24  }
0x16: {  	[dreg:$0x8] =	wrdreg s5;
	s22 =	simm.s32 $0x10;
	s24 =	simm.s32 $0x1  }
.LBB2_1:
0x17: {  	s5 =	rddreg [dreg:$0x4]  }
0x18: {  	s6 =	simm.s32 $0x14180;
	s9 =	rddreg [dreg:$0x3]  }
0x19: {  	[tilespmem:s6], [sflag:$0x7] =	stream.linear.gather [hbm4b:s5+s3], $0x2800, $0x38;
	[tilespmem:$0x1E980] =	vst v63  }
0x1a: {  	s7 =	simm.s32 $0x14000;
	s10 =	rddreg [dreg:$0x5]  }
0x1b: {  	[tilespmem:s7], [sflag:$0x1] =	stream.linear.gather [hbm4b:s9+s3], $0x40, $0x38;
	[tilespmem:$0x1E980] =	vst v63  }
0x1c: {  	s8 =	simm.s32 $0x14040;
	s11 =	rddreg [dreg:$0x6]  }
0x1d: {  	[tilespmem:s8], [sflag:$0x2] =	stream.linear.gather [hbm4b:s10+s3], $0x40, $0x38;
	[tilespmem:$0x1E980] =	vst v63  }
0x1e: {  	s13 =	rddreg [dreg:$0x7];
	s9 =	simm.s32 $0x14080  }
0x1f: {  	[tilespmem:s9], [sflag:$0x3] =	stream.linear.gather [hbm4b:s11+s3], $0x40, $0x38;
	[tilespmem:$0x1E980] =	vst v63  }
0x20: {  	s14 =	rddreg [dreg:$0x8];
	s10 =	simm.s32 $0x140C0  }
0x21: {  	[tilespmem:s10], [sflag:$0x4] =	stream.linear.gather [hbm4b:s13+s3], $0x40, $0x38;
	[tilespmem:$0x1E980] =	vst v63  }
0x22: {  	s16 =	simm.s32 $0x14100;
	s17 =	rddreg [dreg:$0x9]  }
0x23: {  	[tilespmem:s16], [sflag:$0x5] =	stream.linear.gather [hbm4b:s14+s3], $0x40, $0x38;
	[tilespmem:$0x1E980] =	vst v63  }
0x24: {  	[spmem:s21], [sflag:s12] =	dma.local [hbm:s17], $0x2800  }
0x25: {  	_ =	swait.ge [sflag:s22], $0x2800  }
0x26: {  	[sflag:s22] =	ssyncset.done $0x0  }
0x27: {  	s18 =	simm.s32 $0x7;
	[sflag:s22] =	ssyncadd.s32 $0xFFFFD800  }
0x28: {  	_ =	swait.ge [sflag:s18], $0x2800  }
0x29: {  	[sflag:s18] =	ssyncset.done $0x0  }
0x2a: {  	[sflag:s18] =	ssyncadd.s32 $0xFFFFD800  }
0x2b: {  	[bflag:$0x0] =	sbarrier.arrive $0xFFFF  }
0x2c: {  	_ =	swait.ge [sflag:s24], $0x40  }
0x2d: {  	[sflag:s24] =	ssyncset.done $0x0  }
0x2e: {  	s23 =	simm.s32 $0x16980;
	[sflag:s24] =	ssyncadd.s32 $0xFFFFFFC0  }
0x2f: {  	[tilespmem:s23], [sflag:$0x8] =	stream.indirect.gather [hbm4b:s4+s25], $0x80, s7, s25, $0xb8;
	[tilespmem:$0x1E980] =	vst v63  }
0x30: {  	_ =	swait.ge [sflag:s28], $0x40  }
0x31: {  	p1 =	por $0x0, $0x0;
	s7 =	simm.s32 $0x5;
	[sflag:s28] =	ssyncset.done $0x0  }
0x32: {  	s10 =	simm.s32 $0x18980;
	s7 =	smul.u32 @!p1 $0xAB, s7;
	[sflag:s28] =	ssyncadd.s32 $0xFFFFFFC0  }
0x33: {  	[tilespmem:s10], [sflag:$0x9] =	stream.indirect.gather [hbm4b:s4+s25], $0x80, s8, s25, $0xb8;
	[tilespmem:$0x1E980] =	vst v63  }
0x34: {  	_ =	swait.ge [sflag:s30], $0x40  }
0x35: {  	s29 =	simm.s32 $0x6;
	s7 =	sshrl.u32 @!p1 s7, $0xA;
	[sflag:s30] =	ssyncset.done $0x0  }
0x36: {  	s11 =	simm.s32 $0x1A980;
	s7 =	sand.u32 @!p1 $0x3F, s7;
	[sflag:s30] =	ssyncadd.s32 $0xFFFFFFC0  }
0x37: {  	[tilespmem:s11], [sflag:$0xA] =	stream.indirect.gather [hbm4b:s4+s25], $0x80, s9, s25, $0xb8;
	[tilespmem:$0x1E980] =	vst v63  }
0x38: {  	s31 =	sadd.s32 $0x8, s15;
	s13 =	simm.s32 $0x0;
	s9 =	smul.u32 @!p1 $0x6, s7  }
0x39: {  	p0 =	por $0x0, $0x0;
	s16 =	simm.s32 @!p1 $0x0;
	s8 =	sand.u32 $0x3, s13  }
0x3a: {  	s14 =	sshll.u32 s8, $0xD;
	s18 =	sor.u32 $0xC, s8;
	s9 =	ssub.s32 @!p1 $0x5, s9  }
0x3b: {  	s23 =	sor.u32 $0x8, s8;
	s10 =	sadd.s32 $0x16980, s14;
	s9 =	sand.u32 @!p1 $0xFF, s9  }
0x3c: {  	s7 =	simm.s32 $0x7;
	s11 =	simm.s32 $0x3;
	s13 =	sshll.u32 @!p1 s9, $0x6  }
0x3d: {  	s17 =	smul.u32 @!p0 $0xAB, s11;
	s9 =	sadd.s32 @!p1 $0x1, s9;
	s13 =	sor.u32 @!p1 $0x14000, s13  }
0x3e: {  	[tilespmem:s13], [sflag:s9] =	stream.linear.gather @!p1 [hbm4b:s15+s16], $0x40, $0x38;
	[tilespmem:$0x1E980] =	vst v63  }
0x3f: {  	s8 =	sand.u32 @!p0 $0x3, s11;
	s11 =	sshrl.u32 @!p0 s17, $0xA;
	_ =	swait.ge [sflag:s23], $0x2000  }
0x40: {  	s11 =	sand.u32 @!p0 $0x3F, s11;
	p1 =	por @!p0 $0x1, $0x1;
	[sflag:s23] =	ssyncset.done $0x0  }
0x41: {  	s11 =	smul.u32 @!p0 $0x6, s11;
	p1 =	por p1, p0;
	[sflag:s23] =	ssyncadd.s32 $0xFFFFE000  }
0x42: {  	[spmem:s2] =	stream.indirect.scatter.add.f32 [tilespmem:s10], [sflag:s18], $0x80, s6, s25, $0xb8;
	[tilespmem:$0x1E980] =	vst v63  }
0x43: {  	s13 =	sshll.u32 @!p0 s8, $0xD;
	s9 =	ssub.s32 @!p0 $0x3, s11;
	s10 =	sor.u32 @!p1 $0xC, s8  }
0x44: {  	s13 =	sadd.s32 @!p0 $0x16980, s13;
	s9 =	sand.u32 @!p0 $0xFF, s9;
	_ =	swait.ge @!p1 [sflag:s10], $0x2000  }
0x45: {  	s16 =	sadd.s32 @!p0 $0x1, s9;
	s11 =	sshll.u32 @!p0 s9, $0x6;
	[sflag:s10] =	ssyncset.done @!p1 $0x0  }
0x46: {  	s9 =	simm.s32 $0x1;
	s6 =	simm.s32 $0x141C0;
	[sflag:s10] =	ssyncadd.s32 @!p1 $0xFFFFE000  }
0x47: {  	s11 =	sor.u32 @!p0 $0x14000, s11;
	p1 =	por $0x0, $0x0;
	_ =	swait.ge @!p0 [sflag:s16], $0x40  }
0x48: {  	s10 =	sand.u32 $0x3, s9;
	s17 =	smul.u32 @!p1 $0xAB, s29;
	[sflag:s16] =	ssyncset.done @!p0 $0x0  }
.LBB2_2:
0x49: {  	s14 =	sshll.u32 s10, $0xD;
	[sflag:s16] =	ssyncadd.s32 @!p0 $0xFFFFFFC0;
	s8 =	sor.u32 @!p0 $0x8, s8  }
0x4a: {  	s16 =	smov.u32 s29;
	s29 =	smov.u32 s7;
	s18 =	smov.u32 s31  }
0x4b: {  	s7 =	sadd.s32 $0x1, s7;
	s5 =	smov.u32 s6;
	s17 =	sshrl.u32 @!p1 s17, $0xA  }
0x4c: {  	s23 =	simm.s32 @!p0 $0x40;
	p2 =	sne.s32 s7, $0xA5;
	s17 =	sand.u32 @!p1 $0x3F, s17  }
0x4d: {  	s31 =	sadd.s32 $0x8, s31;
	s6 =	sadd.s32 $0x40, s6;
	s17 =	smul.u32 @!p1 $0x6, s17  }
0x4e: {  	[tilespmem:s13], [sflag:s8] =	stream.indirect.gather @!p0 [hbm4b:s4+s23], $0x80, s11, s23, $0xb8;
	[tilespmem:$0x1E980] =	vst v63  }
0x4f: {  	s11 =	sor.u32 $0xC, s10;
	s13 =	sadd.s32 $0xFFFFFFFE, s16;
	s8 =	ssub.s32 @!p1 s16, s17  }
0x50: {  	s14 =	sadd.s32 $0x16980, s14;
	s10 =	sor.u32 $0x8, s10;
	s8 =	sand.u32 @!p1 $0xFF, s8  }
0x51: {  	p0 =	sgt.u32 s9, $0x9C;
	s17 =	sshll.u32 @!p1 s8, $0x6;
	s8 =	sadd.s32 @!p1 $0x1, s8  }
0x52: {  	s23 =	smul.u32 @!p0 $0xAB, s13;
	s9 =	sor.u32 @!p1 $0x14000, s17;
	s17 =	simm.s32 @!p1 $0x0  }
0x53: {  	[tilespmem:s9], [sflag:s8] =	stream.linear.gather @!p1 [hbm4b:s18+s17], $0x40, $0x38;
	[tilespmem:$0x1E980] =	vst v63  }
0x54: {  	s8 =	sand.u32 @!p0 $0x3, s13;
	s9 =	sshrl.u32 @!p0 s23, $0xA;
	_ =	swait.ge [sflag:s10], $0x2000  }
0x55: {  	p1 =	seq.s32 @!p0 s16, $0x5;
	s9 =	sand.u32 @!p0 $0x3F, s9;
	[sflag:s10] =	ssyncset.done $0x0  }
0x56: {  	p1 =	por p1, p0;
	s9 =	smul.u32 @!p0 $0x6, s9;
	[sflag:s10] =	ssyncadd.s32 $0xFFFFE000  }
0x57: {  	[spmem:s2] =	stream.indirect.scatter.add.f32 [tilespmem:s14], [sflag:s11], $0x80, s5, s25, $0xb8;
	[tilespmem:$0x1E980] =	vst v63  }
0x58: {  	s5 =	sor.u32 @!p1 $0xC, s8;
	s9 =	ssub.s32 @!p0 s13, s9;
	s13 =	sshll.u32 @!p0 s8, $0xD  }
.Ltmp0:
0x59: {  	s9 =	sand.u32 @!p0 $0xFF, s9;
	_ =	swait.ge @!p1 [sflag:s5], $0x2000;
	(pc) =	sbr.rel @p2 .LBB2_2-.Ltmp0, $4  }
0x5a: {  	s16 =	sadd.s32 @!p0 $0x1, s9;
	s10 =	sshll.u32 @!p0 s9, $0x6;
	[sflag:s5] =	ssyncset.done @!p1 $0x0  }
0x5b: {  	s9 =	sadd.s32 $0xFFFFFFFB, s29;
	s11 =	sor.u32 @!p0 $0x14000, s10;
	[sflag:s5] =	ssyncadd.s32 @!p1 $0xFFFFE000  }
0x5c: {  	s10 =	sand.u32 $0x3, s9;
	p1 =	sgt.u32 s9, $0x9A;
	_ =	swait.ge @!p0 [sflag:s16], $0x40  }
0x5d: {  	s13 =	sadd.s32 @!p0 $0x16980, s13;
	s17 =	smul.u32 @!p1 $0xAB, s29;
	[sflag:s16] =	ssyncset.done @!p0 $0x0  }
0x5e: {  	_ = 	snop  }
0x5f: {  	s5 =	sshrl.u32 @!p1 s17, $0xA  }
0x60: {  	s7 =	sshll.u32 s10, $0xD;
	[sflag:s16] =	ssyncadd.s32 @!p0 $0xFFFFFFC0;
	s5 =	sand.u32 @!p1 $0x3F, s5  }
0x61: {  	s8 =	sor.u32 @!p0 $0x8, s8;
	s14 =	simm.s32 @!p0 $0x40;
	s5 =	smul.u32 @!p1 $0x6, s5  }
0x62: {  	[tilespmem:s13], [sflag:s8] =	stream.indirect.gather @!p0 [hbm4b:s4+s14], $0x80, s11, s14, $0xb8;
	[tilespmem:$0x1E980] =	vst v63  }
0x63: {  	s18 =	sor.u32 $0xC, s10;
	s23 =	sor.u32 $0x8, s10;
	s5 =	ssub.s32 @!p1 s29, s5  }
0x64: {  	s11 =	sadd.s32 $0xFFFFFFFE, s29;
	p0 =	sgt.u32 s9, $0x9C;
	s5 =	sand.u32 @!p1 $0xFF, s5  }
0x65: {  	s7 =	sadd.s32 $0x16980, s7;
	s14 =	smul.u32 @!p0 $0xAB, s11;
	s13 =	sshll.u32 @!p1 s5, $0x6  }
0x66: {  	s5 =	sadd.s32 @!p1 $0x1, s5;
	s9 =	sor.u32 @!p1 $0x14000, s13;
	s13 =	simm.s32 @!p1 $0x0  }
0x67: {  	[tilespmem:s9], [sflag:s5] =	stream.linear.gather @!p1 [hbm4b:s31+s13], $0x40, $0x38;
	[tilespmem:$0x1E980] =	vst v63  }
0x68: {  	s5 =	sand.u32 @!p0 $0x3, s11;
	s9 =	sshrl.u32 @!p0 s14, $0xA;
	_ =	swait.ge [sflag:s23], $0x2000  }
0x69: {  	p1 =	seq.s32 @!p0 s29, $0x5;
	s9 =	sand.u32 @!p0 $0x3F, s9;
	[sflag:s23] =	ssyncset.done $0x0  }
0x6a: {  	p1 =	por p1, p0;
	s9 =	smul.u32 @!p0 $0x6, s9;
	[sflag:s23] =	ssyncadd.s32 $0xFFFFE000  }
0x6b: {  	[spmem:s2] =	stream.indirect.scatter.add.f32 [tilespmem:s7], [sflag:s18], $0x80, s6, s25, $0xb8;
	[tilespmem:$0x1E980] =	vst v63  }
0x6c: {  	s6 =	sor.u32 @!p1 $0xC, s5  }
0x6d: {  	s7 =	ssub.s32 @!p0 s11, s9;
	_ =	swait.ge @!p1 [sflag:s6], $0x2000  }
0x6e: {  	s7 =	sand.u32 @!p0 $0xFF, s7;
	[sflag:s6] =	ssyncset.done @!p1 $0x0  }
0x6f: {  	s8 =	sadd.s32 @!p0 $0x1, s7;
	[sflag:s6] =	ssyncadd.s32 @!p1 $0xFFFFE000  }
0x70: {  	s7 =	sshll.u32 @!p0 s7, $0x6;
	s6 =	sshll.u32 @!p0 s5, $0xD;
	_ =	swait.ge @!p0 [sflag:s8], $0x40  }
0x71: {  	s7 =	sor.u32 @!p0 $0x14000, s7;
	s5 =	sor.u32 @!p0 $0x8, s5;
	[sflag:s8] =	ssyncset.done @!p0 $0x0  }
0x72: {  	s6 =	sadd.s32 @!p0 $0x16980, s6;
	[sflag:s8] =	ssyncadd.s32 @!p0 $0xFFFFFFC0;
	s8 =	simm.s32 @!p0 $0x40  }
0x73: {  	[tilespmem:s6], [sflag:s5] =	stream.indirect.gather @!p0 [hbm4b:s4+s8], $0x80, s7, s8, $0xb8;
	[tilespmem:$0x1E980] =	vst v63  }
0x74: {  	_ =	swait.ge [sflag:s1], $0x2000  }
0x75: {  	[sflag:s1] =	ssyncset.done $0x0  }
0x76: {  	[sflag:s1] =	ssyncadd.s32 $0xFFFFE000  }
0x77: {  	_ =	swait.ge [sflag:s0], $0x2000  }
0x78: {  	[sflag:s0] =	ssyncset.done $0x0  }
0x79: {  	[sflag:s0] =	ssyncadd.s32 $0xFFFFE000  }
0x7a: {  	_ =	swait.ge [sflag:s19], $0x2000  }
0x7b: {  	[sflag:s19] =	ssyncset.done $0x0  }
0x7c: {  	[sflag:s19] =	ssyncadd.s32 $0xFFFFE000  }
0x7d: {  	_ =	swait.ge [sflag:s20], $0x2000  }
0x7e: {  	[sflag:s20] =	ssyncset.done $0x0  }
0x7f: {  	[sflag:s20] =	ssyncadd.s32 $0xFFFFE000  }
0x80: {  	[bflag:$0x0] =	sbarrier.arrive $0xFFFF  }
0x81: {  	s29 =	rddreg [dreg:$0xa]  }
0x82: {  	[hbm:s29], [sflag:s12] =	dma.local [spmem:s21], $0x2800  }
0x83: {  	_ =	swait.ge [sflag:s22], $0x2800  }
0x84: {  	s26 =	sadd.s32 $0x1, s26;
	s31 =	rddreg [dreg:$0xb]  }
0x85: {  	p0 =	sne.s32 s26, s31  }
.Ltmp1:
0x86: {  	_ = 	snop;
	(pc) =	sbr.rel @p0 .LBB2_1-.Ltmp1, $3  }
0x87: {  	_ =	sdelay $0x1  }
0x88: {  	[sflag:s22] =	ssyncset.done $0x0  }
0x89: {  	[sflag:s22] =	ssyncadd.s32 $0xFFFFD800  }
0x8a: {  	_ =	sfence.sel $0x180000  }
0x8b: {  	[bflag:$0x0] =	sbarrier.arrive $0xFFFF  }
0x8c: {  	_ =	strace $0x90000050  }
0x8d: {  	s0 =	stileid.u32;
	[bflag:$0x2] =	sbarrier.arrive $0xFFFF  }
0x8e: {  	p0 =	sne.s32 s0, $0x0;
	s0 =	rddreg [dreg:$0x2]  }
0x8f: {  	s0 =	sadd.s32 @!p0 $0x100000, s0  }
0x90: {  	[sflag:s0] =	ssyncadd.tile.s32 @!p0 $0x1;
	_ =	shalt  }
.Lfunc_end2:
_tile_overlayer_lowered:
.L_overlay_start_2:
0x91: {  	(tag) =	ssettag $0x2  }
0x92: {  	s0 =	rddreg [dreg:$0x0];
	s2 =	stileid.u32  }
0x93: {  	s1 =	rddreg [dreg:$0x1];
	p0 =	sne.s32 s2, $0x0  }
0x94: {  	s3 =	rddreg [dreg:$0x2];
	[bflag:$0x3] =	sbarrier.arrive $0xFFFF;
	s2 =	simm.s32 @!p0 $0x1C10  }
0x95: {  	[timem:s3], [sflag:s2] =	dma.local @!p0 [hbm:s0], s1  }
0x96: {  	s0 =	simm.s32 @!p0 $0x10  }
0x97: {  	_ =	swait.ge @!p0 [sflag:s0], s1  }
0x98: {  	s1 =	ssub.s32 @!p0 $0x0, s1;
	[sflag:s0] =	ssyncset.done @!p0 $0x0  }
0x99: {  	[sflag:s0] =	ssyncadd.s32 @!p0 s1  }
0x9a: {  	[bflag:$0x3] =	sbarrier.arrive $0xFFFF  }
0x9b: {  	_ =	shalt  }

// kernel: kernel.25.cloned.1.call-start
scs
__scs_entry_jumppad:
0x0: {  	(pc) =	sbr.rel $0x88, $3  }
0x1: {  	(tag) =	ssettag $0x0;
	lr =	simm.s32 $0x1  }
0x2: {  	[smem:$0x3F97] =	sst lr;
	_ =	strace $0xD0000000  }
0x3: {  	_ = 	snop  }
0x4: {  	_ = 	snop  }
0x5: {  	_ = 	snop  }
0x6: {  	_ = 	snop  }
0x7: {  	_ = 	snop  }
__scs_overlays_trampoline_lowered:
0x8: {  	[smem:$0x3FA6] =	sst s0  }
0x9: {  	[smem:$0x3FA7] =	sst s1  }
0xa: {  	[smem:$0x3FA8] =	sst s2  }
0xb: {  	[smem:$0x3FA9] =	sst s3  }
0xc: {  	[smem:$0x3FAA] =	sst s4  }
0xd: {  	[smem:$0x3FAB] =	sst s5  }
0xe: {  	[smem:$0x3FAC] =	sst s6  }
0xf: {  	[smem:$0x3FAD] =	sst s7  }
0x10: {  	[smem:$0x3FAE] =	sst s8  }
0x11: {  	[smem:$0x3FAF] =	sst s9;
	s0 =	simm.s32 @!p0 $0x0  }
0x12: {  	s1 =	sld [smem:$0x3F95];
	s0 =	simm.s32 @p0 $0x1  }
0x13: {  	[smem:$0x3FB0] =	sst s0;
	s0 =	simm.s32 @!p1 $0x0  }
0x14: {  	s2 =	sld [smem:$0x3F94];
	s0 =	simm.s32 @p1 $0x1  }
0x15: {  	[smem:$0x3FB1] =	sst s0;
	s0 =	simm.s32 @!p2 $0x0  }
0x16: {  	s3 =	sld [smem:$0x3FDB];
	s0 =	simm.s32 @p2 $0x1  }
0x17: {  	s4 =	simm.s32 $0x1BF5;
	[smem:$0x3FB3] =	sst s0  }
0x18: {  	s0 =	sld [smem:$0x3F96];
	_ =	swait.ge [sflag:s4], $0x0  }
0x19: {  	s7 =	sld [smem:$0x3F97]  }
0x1a: {  	s8 =	sadd.s32 $0xFFFFE003, lr  }
0x1b: {  	s9 =	sadd.s32 $0xFFFFFEF7, lr;
	s5 =	simm.s32 $0xFFFFFFFF;
	p2 =	slt.u32 s8, $0xFFFFF086  }
0x1c: {  	p1 =	slt.u32 s9, $0xF7A;
	s5 =	simm.s32 @!p2 $0x0  }
0x1d: {  	s5 =	simm.s32 @p1 $0x1;
	p0 =	seq.s32 s7, s2  }
0x1e: {  	s7 =	smul.u32 @!p0 $0xF7A, s2;
	p2 =	seq.s32 @!p0 s5, $0x0  }
0x1f: {  	s9 =	smul.u32 $0xF7A, s1;
	s8 =	simm.s32 @!p0 $0x1BF5;
	p2 =	por !p2, p0  }
0x20: {  	[sflag:s8] =	ssyncset.s32 @!p0 $0xFFFFF086;
	s6 =	sadd.s32 @!p0 s3, s7;
	s7 =	simm.s32 @!p0 $0x108  }
0x21: {  	s3 =	sadd.s32 s3, s9;
	s6 =	sadd.s32 @!p0 $0x88, s6;
	s7 =	simm.s32 @p2 $0x1082  }
0x22: {  	[simem:s7], [sflag:s8] =	dma.local @!p0 [hbm:s6], $0xF7A  }
0x23: {  	s9 =	sor.u32 $0xD0000000, s2;
	s6 =	simm.s32 $0x108;
	_ =	swait.ge @!p0 [sflag:s8], $0x0  }
0x24: {  	s3 =	sadd.s32 $0x88, s3;
	s6 =	simm.s32 @!p1 $0x1082;
	[sflag:s4] =	ssyncset.s32 $0xFFFFF086  }
0x25: {  	[simem:s6], [sflag:s4] =	dma.local [hbm:s3], $0xF7A  }
0x26: {  	[smem:$0x3F97] =	sst s1;
	(tag) =	ssettag s2;
	_ =	strace s9  }
0x27: {  	s1 =	sld [smem:$0x3FA7]  }
0x28: {  	s2 =	sld [smem:$0x3FA8]  }
0x29: {  	s4 =	sld [smem:$0x3FAA]  }
0x2a: {  	p0 =	seq.s32 s5, $0x0;
	s5 =	sld [smem:$0x3FAB]  }
0x2b: {  	s6 =	sld [smem:$0x3FAC]  }
0x2c: {  	s7 =	sld [smem:$0x3FAD]  }
0x2d: {  	s3 =	simm.s32 $0x108;
	s8 =	sld [smem:$0x3FAE]  }
0x2e: {  	s3 =	simm.s32 @!p0 $0x1082;
	s9 =	sld [smem:$0x3FAF]  }
0x2f: {  	lr =	sadd.s32 s0, s3;
	s0 =	sld [smem:$0x3FA6]  }
0x30: {  	s3 =	sld [smem:$0x3FA9]  }
0x31: {  	[smem:$0x3FB2] =	sst s10  }
0x32: {  	s10 =	sld [smem:$0x3FB0];
	_ =	sdelay $0x3  }
0x33: {  	p0 =	seq.s32 s10, $0x1;
	s10 =	sld [smem:$0x3FB2];
	_ =	sdelay $0x3  }
0x34: {  	[smem:$0x3FB2] =	sst s10  }
0x35: {  	s10 =	sld [smem:$0x3FB1];
	_ =	sdelay $0x3  }
0x36: {  	p1 =	seq.s32 s10, $0x1;
	s10 =	sld [smem:$0x3FB2];
	_ =	sdelay $0x3  }
0x37: {  	[smem:$0x3FB2] =	sst s10  }
0x38: {  	s10 =	sld [smem:$0x3FB3]  }
0x39: {  	_ = 	snop;
	(pc) =	sbr.ind lr, $3  }
0x3a: {  	_ = 	snop  }
0x3b: {  	_ = 	snop  }
0x3c: {  	p2 =	seq.s32 s10, $0x1;
	s10 =	sld [smem:$0x3FB2]  }
0x3d: {  	_ =	shalt  }
0x3e: {  	_ =	shalt  }
0x3f: {  	_ =	shalt  }
0x40: {  	_ =	shalt  }
0x41: {  	_ =	shalt  }
0x42: {  	_ =	shalt  }
0x43: {  	_ =	shalt  }
0x44: {  	_ =	shalt  }
0x45: {  	_ =	shalt  }
0x46: {  	_ =	shalt  }
0x47: {  	_ =	shalt  }
0x48: {  	_ =	shalt  }
0x49: {  	_ =	shalt  }
0x4a: {  	_ =	shalt  }
0x4b: {  	_ =	shalt  }
0x4c: {  	_ =	shalt  }
0x4d: {  	_ =	shalt  }
0x4e: {  	_ =	shalt  }
0x4f: {  	_ =	shalt  }
0x50: {  	_ =	shalt  }
0x51: {  	_ =	shalt  }
0x52: {  	_ =	shalt  }
0x53: {  	_ =	shalt  }
0x54: {  	_ =	shalt  }
0x55: {  	_ =	shalt  }
0x56: {  	_ =	shalt  }
0x57: {  	_ =	shalt  }
0x58: {  	_ =	shalt  }
0x59: {  	_ =	shalt  }
0x5a: {  	_ =	shalt  }
0x5b: {  	_ =	shalt  }
0x5c: {  	_ =	shalt  }
0x5d: {  	_ =	shalt  }
0x5e: {  	_ =	shalt  }
0x5f: {  	_ =	shalt  }
0x60: {  	_ =	shalt  }
0x61: {  	_ =	shalt  }
0x62: {  	_ =	shalt  }
0x63: {  	_ =	shalt  }
0x64: {  	_ =	shalt  }
0x65: {  	_ =	shalt  }
0x66: {  	_ =	shalt  }
0x67: {  	_ =	shalt  }
0x68: {  	_ =	shalt  }
0x69: {  	_ =	shalt  }
0x6a: {  	_ =	shalt  }
0x6b: {  	_ =	shalt  }
0x6c: {  	_ =	shalt  }
0x6d: {  	_ =	shalt  }
0x6e: {  	_ =	shalt  }
0x6f: {  	_ =	shalt  }
0x70: {  	_ =	shalt  }
0x71: {  	_ =	shalt  }
0x72: {  	_ =	shalt  }
0x73: {  	_ =	shalt  }
0x74: {  	_ =	shalt  }
0x75: {  	_ =	shalt  }
0x76: {  	_ =	shalt  }
0x77: {  	_ =	shalt  }
0x78: {  	_ =	shalt  }
0x79: {  	_ =	shalt  }
0x7a: {  	_ =	shalt  }
0x7b: {  	_ =	shalt  }
0x7c: {  	_ =	shalt  }
0x7d: {  	_ =	shalt  }
0x7e: {  	_ =	shalt  }
0x7f: {  	_ =	shalt  }
0x80: {  	_ =	shalt  }
0x81: {  	_ =	shalt  }
0x82: {  	_ =	shalt  }
0x83: {  	_ =	shalt  }
0x84: {  	_ =	shalt  }
0x85: {  	_ =	shalt  }
0x86: {  	_ =	shalt  }
0x87: {  	_ =	shalt  }
.Lfunc_end0:
.L_simem_size_0:
called_computation.4_lowered:
.L_overlay_start_0:
0x88: {  	s2 =	sld [smem:$0x3FD9]  }
0x89: {  	s3 =	sld [smem:$0x3FFE];
	_ =	sdelay $0x1  }
0x8a: {  	s1 =	srdreg.scid  }
0x8b: {  	s0 =	sand.u32 $0x1, s1  }
0x8c: {  	s16 =	sshll.u32 s0, $0xA;
	s2 =	sadd.s32 s3, s2  }
0x8d: {  	s2 =	sadd.s32 s2, s16  }
0x8e: {  	[smem:$0x3FBE] =	sst s2  }
0x8f: {  	_ = 	snop  }
0x90: {  	(tm) =	ssettm $0x1  }
0x91: {  	s17 =	sld [smem:$0x3FFB];
	_ =	sdelay $0x3  }
0x92: {  	_ =	strace s17  }
0x93: {  	s2 =	sld [smem:$0x3FFC];
	_ =	sdelay $0x3  }
0x94: {  	_ =	strace s2  }
0x95: {  	s2 =	sld [smem:$0x3FFD];
	_ =	sdelay $0x3  }
0x96: {  	_ =	strace s2  }
0x97: {  	_ =	strace $0x8FFFFFFF  }
0x98: {  	s18 =	sld [smem:$0x3FDB];
	_ =	sdelay $0x1  }
0x99: {  	s19 =	simm.s32 $_scs_section_size  }
0x9a: {  	s4 =	simm.s32 $_size__tile_overlayer_lowered;
	s5 =	simm.s32 $_tile_overlayer_lowered  }
0x9b: {  	s22 =	simm.s32 $0x1BFF;
	s21 =	sshll.u32 s5, $0x1;
	s2 =	sadd.s32 s19, s18  }
0x9c: {  	s6 =	simm.s32 $0x0;
	s20 =	sshll.u32 s4, $0x1;
	s4 =	sadd.s32 s21, s2  }
0x9d: {  	[timem:s6], [sflag:s22] =	dma.local [hbm:s4], s20  }
0x9e: {  	_ =	swait.ge [sflag:s22], s20  }
0x9f: {  	s3 =	ssub.s32 $0x0, s20;
	[sflag:s22] =	ssyncset.done $0x0  }
0xa0: {  	[sflag:s22] =	ssyncadd.s32 s3;
	_ =	sdelay $0x1  }
0xa1: {  	s23 =	simm.s32 $0x1B8B  }
0xa2: {  	_ =	swait.ge [sflag:s23], $0x1  }
0xa3: {  	[sflag:s23] =	ssyncset.done $0x0  }
0xa4: {  	s25 =	simm.s32 $0x1B8E;
	s24 =	sld [smem:$0x3FFE];
	[sflag:s23] =	ssyncadd.s32 $0xFFFFFFFF  }
0xa5: {  	s26 =	simm.s32 $execute0_lowered;
	[smem:$0x3FD2] =	sst s25  }
0xa6: {  	s4 =	sshll.u32 s26, $0x1;
	_ =	strace $0x80000052;
	[dreg:$0x1] =	wrdreg $0xFFFFFFFF  }
0xa7: {  	s28 =	simm.s32 $_size_execute0_lowered;
	s2 =	sadd.s32 s2, s4;
	[dreg:$0x0] =	wrdreg $0x0  }
0xa8: {  	s4 =	sshll.u32 s28, $0x1;
	[dreg:$0x2] =	wrdreg s2  }
0xa9: {  	[dreg:$0x3] =	wrdreg s4  }
0xaa: {  	[dreg:$0x4] =	wrdreg $0xC0  }
0xab: {  	_ =	task [dreg:s6], $0x5FFFF  }
0xac: {  	[dreg:$0x1] =	wrdreg $0xFFFFFFFF  }
0xad: {  	[dreg:$0x0] =	wrdreg $0x60  }
0xae: {  	[dreg:$0x2] =	wrdreg s24  }
0xaf: {  	[dreg:$0x3] =	wrdreg $0x0  }
0xb0: {  	[dreg:$0x4] =	wrdreg $0x28000  }
0xb1: {  	[dreg:$0x5] =	wrdreg $0x9  }
0xb2: {  	_ =	task.clear_ibuf [dreg:s6], $0x6FFFF;
	_ =	strace $0x90000052  }
0xb3: {  	s29 =	simm.s32 $0x9;
	_ =	strace $0x80000054  }
0xb4: {  	_ =	swait.ge [sflag:s29], $0x1  }
0xb5: {  	[sflag:s29] =	ssyncadd.s32 $0xFFFFFFFF  }
0xb6: {  	_ =	strace $0x90000054  }
0xb7: {  	_ =	sfence  }
0xb8: {  	s30 =	sld [smem:$0x0];
	_ =	sdelay $0x2  }
0xb9: {  	s31 =	sshll.u32 s1, $0xD;
	s1 =	sshrl.u32 s1, $0x2  }
0xba: {  	s3 =	sand.u32 $0x4000, s31;
	s1 =	sadd.s32 s1, s30  }
0xbb: {  	s0 =	sor.u32 s3, s0;
	s1 =	sshll.u32 s1, $0x11  }
0xbc: {  	s0 =	sor.u32 s1, s0  }
0xbd: {  	s0 =	sadd.s32 $0x8F2B, s0  }
0xbe: {  	[sflag:s0] =	ssyncadd.remote.s32 $0x1  }
0xbf: {  	_ =	sfence.sel $0xFFFF  }
0xc0: {  	[dreg:$0x0] =	wrdreg $0xFFFFFFFF;
	(pc) =	sbr.abs _section_cstart, $3  }
0xc1: {  	[dreg:$0x1] =	wrdreg $0xFFFFFFFF  }
0xc2: {  	_ =	task.clear_ibuf [dreg:s6], $0x2FFFF;
	_ =	strace $0x9FFFFFFF  }
0xc3: {  	(tm) =	ssettm $0x7FFFFFFF  }
tec
execute0_lowered:
.L_overlay_start_1:
0x0: {  	(tag) =	ssettag $0x1  }
0x1: {  	s0 =	rddreg [dreg:$0x0]  }
0x2: {  	s13 =	stileid.u32;
	s2 =	rddreg [dreg:$0x1]  }
0x3: {  	s1 =	srdreg.scid;
	s3 =	rddreg [dreg:$0x2]  }
0x4: {  	s28 =	simm.s32 $0x80;
	s30 =	simm.s32 $0x2;
	s29 =	simm.s32 $0xE  }
0x5: {  	s31 =	simm.s32 $0xF;
	s1 =	sand.u32 $0x1, s1;
	s6 =	smul.u32 $0x2800, s13  }
0x6: {  	s4 =	sshll.u32 s13, $0x1;
	s8 =	smul.u32 $0x500, s13;
	s10 =	sadd.s32 $0x3400, s0  }
0x7: {  	s17 =	smul.u32 $0x5000, s13;
	s21 =	sshll.u32 s13, $0x6;
	s5 =	sor.u32 s1, s4  }
0x8: {  	s4 =	simm.s32 $0x0;
	s9 =	smul.u32 $0x5000, s1;
	s11 =	ssub.s32 $0x2, s1  }
0x9: {  	s1 =	smul.u32 $0x2800, s1;
	s13 =	sor.u32 $0x1C10, s21;
	s21 =	simm.s32 $0xC  }
0xa: {  	s5 =	smul.u32 $0x2800, s5;
	[smem:$0x7FF] =	sst s4;
	s7 =	sshrl.u32 s6, $0x3  }
0xb: {  	s26 =	sshrl.u32 s11, $0x1;
	s20 =	sadd.s32 s6, s2;
	s6 =	sadd.s32 s6, s3  }
0xc: {  	_ =	strace $0x80000053;
	s7 =	sadd.s32 s7, s0;
	s8 =	sadd.s32 s8, s9  }
0xd: {  	s14 =	ssub.s32 s11, s26;
	[dreg:$0xa] =	wrdreg s20;
	s26 =	sshrl.u32 s6, $0x3  }
0xe: {  	s1 =	sadd.s32 s1, s17;
	s22 =	sadd.s32 $0x17400, s7;
	[dreg:$0xf] =	wrdreg s26  }
0xf: {  	s5 =	sshrl.u32 s5, $0x3;
	s23 =	sadd.s32 $0x1C400, s7;
	[dreg:$0xb] =	wrdreg s22  }
0x10: {  	s1 =	sor.u32 $0x280, s1;
	s24 =	smax.u32 s14, $0x1;
	[dreg:$0xc] =	wrdreg s23  }
0x11: {  	s12 =	sadd.s32 s5, s0;
	s5 =	sadd.s32 s10, s5;
	[dreg:$0xe] =	wrdreg s24  }
0x12: {  	s26 =	simm.s32 $0x1;
	s15 =	sadd.s32 $0xD400, s12;
	[dreg:$0x4] =	wrdreg s5  }
0x13: {  	s0 =	sadd.s32 s8, s0;
	s16 =	sadd.s32 $0x10, s5;
	[dreg:$0x5] =	wrdreg s15  }
0x14: {  	s25 =	sshrl.u32 s1, $0x3;
	s18 =	sadd.s32 $0x20, s5;
	[dreg:$0x6] =	wrdreg s16  }
0x15: {  	s23 =	simm.s32 $0x10;
	s19 =	sadd.s32 $0x30, s5;
	[dreg:$0x7] =	wrdreg s18  }
0x16: {  	s1 =	simm.s32 $0x3;
	s5 =	sadd.s32 $0x40, s5;
	[dreg:$0x8] =	wrdreg s19  }
0x17: {  	s22 =	simm.s32 $0xD;
	s0 =	sadd.s32 $0x21400, s0;
	[dreg:$0x9] =	wrdreg s5  }
0x18: {  	s17 =	sadd.s32 s25, s10;
	[dreg:$0xd] =	wrdreg s0;
	s0 =	simm.s32 $0x0  }
.LBB2_1:
0x19: {  	s5 =	rddreg [dreg:$0x5]  }
0x1a: {  	s9 =	simm.s32 $0x5300;
	s19 =	rddreg [dreg:$0x4]  }
0x1b: {  	[tilespmem:s9], [sflag:$0x7] =	stream.linear.gather [hbm4b:s5+s4], $0x2800, $0x38;
	[tilespmem:$0x9B00] =	vst v63  }
0x1c: {  	s7 =	simm.s32 $0x5000;
	s20 =	rddreg [dreg:$0x6]  }
0x1d: {  	[tilespmem:s7], [sflag:$0x1] =	stream.linear.gather [hbm4b:s19+s4], $0x80, $0x38;
	[tilespmem:$0x9B00] =	vst v63  }
0x1e: {  	s8 =	simm.s32 $0x5080;
	s24 =	rddreg [dreg:$0x7]  }
0x1f: {  	[tilespmem:s8], [sflag:$0x2] =	stream.linear.gather [hbm4b:s20+s4], $0x80, $0x38;
	[tilespmem:$0x9B00] =	vst v63  }
0x20: {  	s10 =	simm.s32 $0x5100;
	s25 =	rddreg [dreg:$0x8]  }
0x21: {  	[tilespmem:s10], [sflag:$0x3] =	stream.linear.gather [hbm4b:s24+s4], $0x80, $0x38;
	[tilespmem:$0x9B00] =	vst v63  }
0x22: {  	s6 =	simm.s32 $0x5180;
	s12 =	rddreg [dreg:$0xa]  }
0x23: {  	[tilespmem:s6], [sflag:$0x4] =	stream.linear.gather [hbm4b:s25+s4], $0x80, $0x38;
	[tilespmem:$0x9B00] =	vst v63  }
0x24: {  	s11 =	simm.s32 $0x5200;
	s6 =	rddreg [dreg:$0x9]  }
0x25: {  	[tilespmem:s11], [sflag:$0x5] =	stream.linear.gather [hbm4b:s6+s4], $0x80, $0x38;
	[tilespmem:$0x9B00] =	vst v63  }
0x26: {  	s14 =	rddreg [dreg:$0xb];
	s6 =	sshrl.u32 s12, $0x3  }
0x27: {  	[spmem:s6], [sflag:s13] =	dma.local [hbm:s14], $0x500  }
0x28: {  	_ =	swait.ge [sflag:s23], $0x500  }
0x29: {  	[sflag:s23] =	ssyncset.done $0x0;
	s15 =	rddreg [dreg:$0xc]  }
0x2a: {  	s11 =	rddreg [dreg:$0xf];
	[sflag:s23] =	ssyncadd.s32 $0xFFFFFB00  }
0x2b: {  	[spmem:s11], [sflag:s13] =	dma.local [hbm:s15], $0x500  }
0x2c: {  	_ =	swait.ge [sflag:s23], $0x500  }
0x2d: {  	[sflag:s23] =	ssyncset.done $0x0  }
0x2e: {  	s16 =	simm.s32 $0x7;
	[sflag:s23] =	ssyncadd.s32 $0xFFFFFB00  }
0x2f: {  	_ =	swait.ge [sflag:s16], $0x2800  }
0x30: {  	[sflag:s16] =	ssyncset.done $0x0  }
0x31: {  	[sflag:s16] =	ssyncadd.s32 $0xFFFFD800  }
0x32: {  	[bflag:$0x0] =	sbarrier.arrive $0xFFFF  }
0x33: {  	_ =	swait.ge [sflag:s26], $0x80  }
0x34: {  	[sflag:s26] =	ssyncset.done $0x0  }
0x35: {  	s18 =	simm.s32 $0x7B00;
	[sflag:s26] =	ssyncadd.s32 $0xFFFFFF80  }
0x36: {  	[tilespmem:s18], [sflag:$0x8] =	stream.indirect.gather [spmem:s3], $0x10, s7, s28, $0xb8;
	[tilespmem:$0x9B00] =	vst v63  }
0x37: {  	p1 =	por $0x0, $0x0;
	s7 =	simm.s32 $0x5  }
0x38: {  	p0 =	por $0x0, $0x0;
	_ =	swait.ge [sflag:s30], $0x80;
	s7 =	smul.u32 @!p1 $0xAB, s7  }
0x39: {  	s19 =	simm.s32 $0x8300;
	s24 =	simm.s32 $0x0;
	[sflag:s30] =	ssyncset.done $0x0  }
0x3a: {  	s12 =	sand.u32 $0x3, s24;
	[sflag:s30] =	ssyncadd.s32 $0xFFFFFF80;
	s7 =	sshrl.u32 @!p1 s7, $0xA  }
0x3b: {  	[tilespmem:s19], [sflag:$0x9] =	stream.indirect.gather [spmem:s3], $0x10, s8, s28, $0xb8;
	[tilespmem:$0x9B00] =	vst v63  }
0x3c: {  	s20 =	simm.s32 $0x8B00;
	s14 =	sshll.u32 s12, $0xB;
	s7 =	sand.u32 @!p1 $0x3F, s7  }
0x3d: {  	s25 =	sor.u32 $0xC, s12;
	_ =	swait.ge [sflag:s1], $0x80;
	s11 =	smul.u32 @!p1 $0x6, s7  }
0x3e: {  	s12 =	sor.u32 $0x8, s12;
	s14 =	sadd.s32 $0x7B00, s14;
	[sflag:s1] =	ssyncset.done $0x0  }
0x3f: {  	s15 =	simm.s32 $0x3;
	[sflag:s1] =	ssyncadd.s32 $0xFFFFFF80;
	s11 =	ssub.s32 @!p1 $0x5, s11  }
0x40: {  	[tilespmem:s20], [sflag:$0xA] =	stream.indirect.gather [spmem:s3], $0x10, s10, s28, $0xb8;
	[tilespmem:$0x9B00] =	vst v63  }
0x41: {  	s18 =	simm.s32 @!p1 $0x0;
	s8 =	sadd.s32 $0x10, s17;
	s11 =	sand.u32 @!p1 $0xFF, s11  }
0x42: {  	s19 =	smul.u32 @!p0 $0xAB, s15;
	s7 =	simm.s32 $0x6;
	s16 =	sshll.u32 @!p1 s11, $0x7  }
0x43: {  	s10 =	simm.s32 $0x7;
	s11 =	sadd.s32 @!p1 $0x1, s11;
	s16 =	sor.u32 @!p1 $0x5000, s16  }
0x44: {  	[tilespmem:s16], [sflag:s11] =	stream.linear.gather @!p1 [hbm4b:s17+s18], $0x80, $0x38;
	[tilespmem:$0x9B00] =	vst v63  }
0x45: {  	s11 =	sand.u32 @!p0 $0x3, s15;
	s15 =	sshrl.u32 @!p0 s19, $0xA;
	_ =	swait.ge [sflag:s12], $0x800  }
0x46: {  	p1 =	por @!p0 $0x1, $0x1;
	s15 =	sand.u32 @!p0 $0x3F, s15;
	[sflag:s12] =	ssyncset.done $0x0  }
0x47: {  	p1 =	por p1, p0;
	[sflag:s12] =	ssyncadd.s32 $0xFFFFF800;
	s12 =	smul.u32 @!p0 $0x6, s15  }
0x48: {  	[spmem:s2] =	stream.indirect.scatter.add.f32 [tilespmem:s14], [sflag:s25], $0x10, s9, s28, $0xb8;
	[tilespmem:$0x9B00] =	vst v63  }
0x49: {  	s19 =	sshll.u32 @!p0 s11, $0xB;
	s14 =	sor.u32 @!p1 $0xC, s11;
	s12 =	ssub.s32 @!p0 $0x3, s12  }
0x4a: {  	s19 =	sadd.s32 @!p0 $0x7B00, s19;
	_ =	swait.ge @!p1 [sflag:s14], $0x800;
	s12 =	sand.u32 @!p0 $0xFF, s12  }
0x4b: {  	s9 =	simm.s32 $0x5380;
	[sflag:s14] =	ssyncset.done @!p1 $0x0;
	s15 =	sadd.s32 @!p0 $0x1, s12  }
0x4c: {  	s16 =	sshll.u32 @!p0 s12, $0x7;
	s12 =	simm.s32 $0x1;
	[sflag:s14] =	ssyncadd.s32 @!p1 $0xFFFFF800  }
0x4d: {  	p1 =	por $0x0, $0x0;
	s18 =	sor.u32 @!p0 $0x5000, s16;
	_ =	swait.ge @!p0 [sflag:s15], $0x80  }
0x4e: {  	s14 =	sand.u32 $0x3, s12;
	s16 =	smul.u32 @!p1 $0xAB, s7;
	[sflag:s15] =	ssyncset.done @!p0 $0x0  }
.LBB2_2:
0x4f: {  	s20 =	sshll.u32 s14, $0xB;
	[sflag:s15] =	ssyncadd.s32 @!p0 $0xFFFFFF80;
	s11 =	sor.u32 @!p0 $0x8, s11  }
0x50: {  	s15 =	smov.u32 s7;
	s7 =	smov.u32 s10;
	s24 =	smov.u32 s8  }
0x51: {  	s10 =	sadd.s32 $0x1, s10;
	s5 =	smov.u32 s9;
	s16 =	sshrl.u32 @!p1 s16, $0xA  }
0x52: {  	s25 =	simm.s32 @!p0 $0x80;
	p2 =	sne.s32 s10, $0x55;
	s16 =	sand.u32 @!p1 $0x3F, s16  }
0x53: {  	s8 =	sadd.s32 $0x10, s8;
	s9 =	sadd.s32 $0x80, s9;
	s16 =	smul.u32 @!p1 $0x6, s16  }
0x54: {  	[tilespmem:s19], [sflag:s11] =	stream.indirect.gather @!p0 [spmem:s3], $0x10, s18, s25, $0xb8;
	[tilespmem:$0x9B00] =	vst v63  }
0x55: {  	s18 =	sadd.s32 $0xFFFFFFFE, s15;
	s11 =	ssub.s32 @!p1 s15, s16;
	s16 =	sor.u32 $0xC, s14  }
0x56: {  	s19 =	sadd.s32 $0x7B00, s20;
	s14 =	sor.u32 $0x8, s14;
	s11 =	sand.u32 @!p1 $0xFF, s11  }
0x57: {  	p0 =	sgt.u32 s12, $0x4C;
	s20 =	sshll.u32 @!p1 s11, $0x7;
	s11 =	sadd.s32 @!p1 $0x1, s11  }
0x58: {  	s25 =	smul.u32 @!p0 $0xAB, s18;
	s12 =	sor.u32 @!p1 $0x5000, s20;
	s20 =	simm.s32 @!p1 $0x0  }
0x59: {  	[tilespmem:s12], [sflag:s11] =	stream.linear.gather @!p1 [hbm4b:s24+s20], $0x80, $0x38;
	[tilespmem:$0x9B00] =	vst v63  }
0x5a: {  	s11 =	sand.u32 @!p0 $0x3, s18;
	s12 =	sshrl.u32 @!p0 s25, $0xA;
	_ =	swait.ge [sflag:s14], $0x800  }
0x5b: {  	p1 =	seq.s32 @!p0 s15, $0x5;
	s12 =	sand.u32 @!p0 $0x3F, s12;
	[sflag:s14] =	ssyncset.done $0x0  }
0x5c: {  	p1 =	por p1, p0;
	s12 =	smul.u32 @!p0 $0x6, s12;
	[sflag:s14] =	ssyncadd.s32 $0xFFFFF800  }
0x5d: {  	[spmem:s2] =	stream.indirect.scatter.add.f32 [tilespmem:s19], [sflag:s16], $0x10, s5, s28, $0xb8;
	[tilespmem:$0x9B00] =	vst v63  }
0x5e: {  	s5 =	sor.u32 @!p1 $0xC, s11;
	s12 =	ssub.s32 @!p0 s18, s12;
	s19 =	sshll.u32 @!p0 s11, $0xB  }
.Ltmp0:
0x5f: {  	s12 =	sand.u32 @!p0 $0xFF, s12;
	_ =	swait.ge @!p1 [sflag:s5], $0x800;
	(pc) =	sbr.rel @p2 .LBB2_2-.Ltmp0, $4  }
0x60: {  	s15 =	sadd.s32 @!p0 $0x1, s12;
	s14 =	sshll.u32 @!p0 s12, $0x7;
	[sflag:s5] =	ssyncset.done @!p1 $0x0  }
0x61: {  	s12 =	sadd.s32 $0xFFFFFFFB, s7;
	s18 =	sor.u32 @!p0 $0x5000, s14;
	[sflag:s5] =	ssyncadd.s32 @!p1 $0xFFFFF800  }
0x62: {  	s14 =	sand.u32 $0x3, s12;
	p1 =	sgt.u32 s12, $0x4A;
	_ =	swait.ge @!p0 [sflag:s15], $0x80  }
0x63: {  	s19 =	sadd.s32 @!p0 $0x7B00, s19;
	s16 =	smul.u32 @!p1 $0xAB, s7;
	[sflag:s15] =	ssyncset.done @!p0 $0x0  }
0x64: {  	_ = 	snop  }
0x65: {  	s5 =	sshrl.u32 @!p1 s16, $0xA  }
0x66: {  	[sflag:s15] =	ssyncadd.s32 @!p0 $0xFFFFFF80;
	s5 =	sand.u32 @!p1 $0x3F, s5  }
0x67: {  	s11 =	sor.u32 @!p0 $0x8, s11;
	s15 =	simm.s32 @!p0 $0x80;
	s5 =	smul.u32 @!p1 $0x6, s5  }
0x68: {  	[tilespmem:s19], [sflag:s11] =	stream.indirect.gather @!p0 [spmem:s3], $0x10, s18, s15, $0xb8;
	[tilespmem:$0x9B00] =	vst v63  }
0x69: {  	s10 =	sshll.u32 s14, $0xB;
	s5 =	ssub.s32 @!p1 s7, s5  }
0x6a: {  	s15 =	sadd.s32 $0xFFFFFFFE, s7;
	p0 =	sgt.u32 s12, $0x4C;
	s5 =	sand.u32 @!p1 $0xFF, s5  }
0x6b: {  	s20 =	sor.u32 $0x8, s14;
	s18 =	smul.u32 @!p0 $0xAB, s15;
	s16 =	sshll.u32 @!p1 s5, $0x7  }
0x6c: {  	s5 =	sadd.s32 @!p1 $0x1, s5;
	s12 =	sor.u32 @!p1 $0x5000, s16;
	s16 =	simm.s32 @!p1 $0x0  }
0x6d: {  	[tilespmem:s12], [sflag:s5] =	stream.linear.gather @!p1 [hbm4b:s8+s16], $0x80, $0x38;
	[tilespmem:$0x9B00] =	vst v63  }
0x6e: {  	s19 =	sor.u32 $0xC, s14;
	s10 =	sadd.s32 $0x7B00, s10;
	s5 =	sand.u32 @!p0 $0x3, s15  }
0x6f: {  	s8 =	sshrl.u32 @!p0 s18, $0xA;
	p1 =	seq.s32 @!p0 s7, $0x5;
	_ =	swait.ge [sflag:s20], $0x800  }
0x70: {  	s7 =	sand.u32 @!p0 $0x3F, s8;
	p1 =	por p1, p0;
	[sflag:s20] =	ssyncset.done $0x0  }
0x71: {  	s7 =	smul.u32 @!p0 $0x6, s7;
	s8 =	sor.u32 @!p1 $0xC, s5;
	[sflag:s20] =	ssyncadd.s32 $0xFFFFF800  }
0x72: {  	[spmem:s2] =	stream.indirect.scatter.add.f32 [tilespmem:s10], [sflag:s19], $0x10, s9, s28, $0xb8;
	[tilespmem:$0x9B00] =	vst v63  }
0x73: {  	s7 =	ssub.s32 @!p0 s15, s7;
	_ =	swait.ge @!p1 [sflag:s8], $0x800  }
0x74: {  	s7 =	sand.u32 @!p0 $0xFF, s7;
	[sflag:s8] =	ssyncset.done @!p1 $0x0  }
0x75: {  	s9 =	sadd.s32 @!p0 $0x1, s7;
	[sflag:s8] =	ssyncadd.s32 @!p1 $0xFFFFF800  }
0x76: {  	s7 =	sshll.u32 @!p0 s7, $0x7;
	s8 =	sshll.u32 @!p0 s5, $0xB;
	_ =	swait.ge @!p0 [sflag:s9], $0x80  }
0x77: {  	s7 =	sor.u32 @!p0 $0x5000, s7;
	s5 =	sor.u32 @!p0 $0x8, s5;
	[sflag:s9] =	ssyncset.done @!p0 $0x0  }
0x78: {  	s8 =	sadd.s32 @!p0 $0x7B00, s8;
	[sflag:s9] =	ssyncadd.s32 @!p0 $0xFFFFFF80;
	s9 =	simm.s32 @!p0 $0x80  }
0x79: {  	[tilespmem:s8], [sflag:s5] =	stream.indirect.gather @!p0 [spmem:s3], $0x10, s7, s9, $0xb8;
	[tilespmem:$0x9B00] =	vst v63  }
0x7a: {  	_ =	swait.ge [sflag:s21], $0x800  }
0x7b: {  	[sflag:s21] =	ssyncset.done $0x0  }
0x7c: {  	[sflag:s21] =	ssyncadd.s32 $0xFFFFF800  }
0x7d: {  	_ =	swait.ge [sflag:s22], $0x800  }
0x7e: {  	[sflag:s22] =	ssyncset.done $0x0  }
0x7f: {  	[sflag:s22] =	ssyncadd.s32 $0xFFFFF800  }
0x80: {  	_ =	swait.ge [sflag:s29], $0x800  }
0x81: {  	[sflag:s29] =	ssyncset.done $0x0  }
0x82: {  	[sflag:s29] =	ssyncadd.s32 $0xFFFFF800  }
0x83: {  	_ =	swait.ge [sflag:s31], $0x800  }
0x84: {  	[sflag:s31] =	ssyncset.done $0x0  }
0x85: {  	[sflag:s31] =	ssyncadd.s32 $0xFFFFF800  }
0x86: {  	[bflag:$0x0] =	sbarrier.arrive $0xFFFF  }
0x87: {  	s24 =	rddreg [dreg:$0xd]  }
0x88: {  	[hbm:s24], [sflag:s13] =	dma.local [spmem:s6], $0x500  }
0x89: {  	_ =	swait.ge [sflag:s23], $0x500  }
0x8a: {  	s0 =	sadd.s32 $0x1, s0;
	s25 =	rddreg [dreg:$0xe]  }
0x8b: {  	p0 =	sne.s32 s0, s25  }
.Ltmp1:
0x8c: {  	_ = 	snop;
	(pc) =	sbr.rel @p0 .LBB2_1-.Ltmp1, $3  }
0x8d: {  	_ =	sdelay $0x1  }
0x8e: {  	[sflag:s23] =	ssyncset.done $0x0  }
0x8f: {  	[sflag:s23] =	ssyncadd.s32 $0xFFFFFB00  }
0x90: {  	_ =	sfence.sel $0x180000  }
0x91: {  	[bflag:$0x0] =	sbarrier.arrive $0xFFFF  }
0x92: {  	_ =	strace $0x90000053  }
0x93: {  	s0 =	stileid.u32;
	[bflag:$0x2] =	sbarrier.arrive $0xFFFF  }
0x94: {  	p0 =	sne.s32 s0, $0x0;
	s0 =	rddreg [dreg:$0x3]  }
0x95: {  	s0 =	sadd.s32 @!p0 $0x100000, s0  }
0x96: {  	[sflag:s0] =	ssyncadd.tile.s32 @!p0 $0x1;
	_ =	shalt  }
.Lfunc_end2:
_tile_overlayer_lowered:
.L_overlay_start_2:
0x97: {  	(tag) =	ssettag $0x2  }
0x98: {  	s0 =	rddreg [dreg:$0x0];
	s2 =	stileid.u32  }
0x99: {  	s1 =	rddreg [dreg:$0x1];
	p0 =	sne.s32 s2, $0x0  }
0x9a: {  	s3 =	rddreg [dreg:$0x2];
	[bflag:$0x3] =	sbarrier.arrive $0xFFFF;
	s2 =	simm.s32 @!p0 $0x1C10  }
0x9b: {  	[timem:s3], [sflag:s2] =	dma.local @!p0 [hbm:s0], s1  }
0x9c: {  	s0 =	simm.s32 @!p0 $0x10  }
0x9d: {  	_ =	swait.ge @!p0 [sflag:s0], s1  }
0x9e: {  	s1 =	ssub.s32 @!p0 $0x0, s1;
	[sflag:s0] =	ssyncset.done @!p0 $0x0  }
0x9f: {  	[sflag:s0] =	ssyncadd.s32 @!p0 s1  }
0xa0: {  	[bflag:$0x3] =	sbarrier.arrive $0xFFFF  }
0xa1: {  	_ =	shalt  }

// kernel: kernel.28.cloned.1.call-start
scs
__scs_entry_jumppad:
0x0: {  	(pc) =	sbr.rel $0x88, $3  }
0x1: {  	(tag) =	ssettag $0x0;
	lr =	simm.s32 $0x1  }
0x2: {  	[smem:$0x3F97] =	sst lr;
	_ =	strace $0xD0000000  }
0x3: {  	_ = 	snop  }
0x4: {  	_ = 	snop  }
0x5: {  	_ = 	snop  }
0x6: {  	_ = 	snop  }
0x7: {  	_ = 	snop  }
__scs_overlays_trampoline_lowered:
0x8: {  	[smem:$0x3FA6] =	sst s0  }
0x9: {  	[smem:$0x3FA7] =	sst s1  }
0xa: {  	[smem:$0x3FA8] =	sst s2  }
0xb: {  	[smem:$0x3FA9] =	sst s3  }
0xc: {  	[smem:$0x3FAA] =	sst s4  }
0xd: {  	[smem:$0x3FAB] =	sst s5  }
0xe: {  	[smem:$0x3FAC] =	sst s6  }
0xf: {  	[smem:$0x3FAD] =	sst s7  }
0x10: {  	[smem:$0x3FAE] =	sst s8  }
0x11: {  	[smem:$0x3FAF] =	sst s9;
	s0 =	simm.s32 @!p0 $0x0  }
0x12: {  	s1 =	sld [smem:$0x3F95];
	s0 =	simm.s32 @p0 $0x1  }
0x13: {  	[smem:$0x3FB0] =	sst s0;
	s0 =	simm.s32 @!p1 $0x0  }
0x14: {  	s2 =	sld [smem:$0x3F94];
	s0 =	simm.s32 @p1 $0x1  }
0x15: {  	[smem:$0x3FB1] =	sst s0;
	s0 =	simm.s32 @!p2 $0x0  }
0x16: {  	s3 =	sld [smem:$0x3FDB];
	s0 =	simm.s32 @p2 $0x1  }
0x17: {  	s4 =	simm.s32 $0x1BF5;
	[smem:$0x3FB3] =	sst s0  }
0x18: {  	s0 =	sld [smem:$0x3F96];
	_ =	swait.ge [sflag:s4], $0x0  }
0x19: {  	s7 =	sld [smem:$0x3F97]  }
0x1a: {  	s8 =	sadd.s32 $0xFFFFE003, lr  }
0x1b: {  	s9 =	sadd.s32 $0xFFFFFEF7, lr;
	s5 =	simm.s32 $0xFFFFFFFF;
	p2 =	slt.u32 s8, $0xFFFFF086  }
0x1c: {  	p1 =	slt.u32 s9, $0xF7A;
	s5 =	simm.s32 @!p2 $0x0  }
0x1d: {  	s5 =	simm.s32 @p1 $0x1;
	p0 =	seq.s32 s7, s2  }
0x1e: {  	s7 =	smul.u32 @!p0 $0xF7A, s2;
	p2 =	seq.s32 @!p0 s5, $0x0  }
0x1f: {  	s9 =	smul.u32 $0xF7A, s1;
	s8 =	simm.s32 @!p0 $0x1BF5;
	p2 =	por !p2, p0  }
0x20: {  	[sflag:s8] =	ssyncset.s32 @!p0 $0xFFFFF086;
	s6 =	sadd.s32 @!p0 s3, s7;
	s7 =	simm.s32 @!p0 $0x108  }
0x21: {  	s3 =	sadd.s32 s3, s9;
	s6 =	sadd.s32 @!p0 $0x88, s6;
	s7 =	simm.s32 @p2 $0x1082  }
0x22: {  	[simem:s7], [sflag:s8] =	dma.local @!p0 [hbm:s6], $0xF7A  }
0x23: {  	s9 =	sor.u32 $0xD0000000, s2;
	s6 =	simm.s32 $0x108;
	_ =	swait.ge @!p0 [sflag:s8], $0x0  }
0x24: {  	s3 =	sadd.s32 $0x88, s3;
	s6 =	simm.s32 @!p1 $0x1082;
	[sflag:s4] =	ssyncset.s32 $0xFFFFF086  }
0x25: {  	[simem:s6], [sflag:s4] =	dma.local [hbm:s3], $0xF7A  }
0x26: {  	[smem:$0x3F97] =	sst s1;
	(tag) =	ssettag s2;
	_ =	strace s9  }
0x27: {  	s1 =	sld [smem:$0x3FA7]  }
0x28: {  	s2 =	sld [smem:$0x3FA8]  }
0x29: {  	s4 =	sld [smem:$0x3FAA]  }
0x2a: {  	p0 =	seq.s32 s5, $0x0;
	s5 =	sld [smem:$0x3FAB]  }
0x2b: {  	s6 =	sld [smem:$0x3FAC]  }
0x2c: {  	s7 =	sld [smem:$0x3FAD]  }
0x2d: {  	s3 =	simm.s32 $0x108;
	s8 =	sld [smem:$0x3FAE]  }
0x2e: {  	s3 =	simm.s32 @!p0 $0x1082;
	s9 =	sld [smem:$0x3FAF]  }
0x2f: {  	lr =	sadd.s32 s0, s3;
	s0 =	sld [smem:$0x3FA6]  }
0x30: {  	s3 =	sld [smem:$0x3FA9]  }
0x31: {  	[smem:$0x3FB2] =	sst s10  }
0x32: {  	s10 =	sld [smem:$0x3FB0];
	_ =	sdelay $0x3  }
0x33: {  	p0 =	seq.s32 s10, $0x1;
	s10 =	sld [smem:$0x3FB2];
	_ =	sdelay $0x3  }
0x34: {  	[smem:$0x3FB2] =	sst s10  }
0x35: {  	s10 =	sld [smem:$0x3FB1];
	_ =	sdelay $0x3  }
0x36: {  	p1 =	seq.s32 s10, $0x1;
	s10 =	sld [smem:$0x3FB2];
	_ =	sdelay $0x3  }
0x37: {  	[smem:$0x3FB2] =	sst s10  }
0x38: {  	s10 =	sld [smem:$0x3FB3]  }
0x39: {  	_ = 	snop;
	(pc) =	sbr.ind lr, $3  }
0x3a: {  	_ = 	snop  }
0x3b: {  	_ = 	snop  }
0x3c: {  	p2 =	seq.s32 s10, $0x1;
	s10 =	sld [smem:$0x3FB2]  }
0x3d: {  	_ =	shalt  }
0x3e: {  	_ =	shalt  }
0x3f: {  	_ =	shalt  }
0x40: {  	_ =	shalt  }
0x41: {  	_ =	shalt  }
0x42: {  	_ =	shalt  }
0x43: {  	_ =	shalt  }
0x44: {  	_ =	shalt  }
0x45: {  	_ =	shalt  }
0x46: {  	_ =	shalt  }
0x47: {  	_ =	shalt  }
0x48: {  	_ =	shalt  }
0x49: {  	_ =	shalt  }
0x4a: {  	_ =	shalt  }
0x4b: {  	_ =	shalt  }
0x4c: {  	_ =	shalt  }
0x4d: {  	_ =	shalt  }
0x4e: {  	_ =	shalt  }
0x4f: {  	_ =	shalt  }
0x50: {  	_ =	shalt  }
0x51: {  	_ =	shalt  }
0x52: {  	_ =	shalt  }
0x53: {  	_ =	shalt  }
0x54: {  	_ =	shalt  }
0x55: {  	_ =	shalt  }
0x56: {  	_ =	shalt  }
0x57: {  	_ =	shalt  }
0x58: {  	_ =	shalt  }
0x59: {  	_ =	shalt  }
0x5a: {  	_ =	shalt  }
0x5b: {  	_ =	shalt  }
0x5c: {  	_ =	shalt  }
0x5d: {  	_ =	shalt  }
0x5e: {  	_ =	shalt  }
0x5f: {  	_ =	shalt  }
0x60: {  	_ =	shalt  }
0x61: {  	_ =	shalt  }
0x62: {  	_ =	shalt  }
0x63: {  	_ =	shalt  }
0x64: {  	_ =	shalt  }
0x65: {  	_ =	shalt  }
0x66: {  	_ =	shalt  }
0x67: {  	_ =	shalt  }
0x68: {  	_ =	shalt  }
0x69: {  	_ =	shalt  }
0x6a: {  	_ =	shalt  }
0x6b: {  	_ =	shalt  }
0x6c: {  	_ =	shalt  }
0x6d: {  	_ =	shalt  }
0x6e: {  	_ =	shalt  }
0x6f: {  	_ =	shalt  }
0x70: {  	_ =	shalt  }
0x71: {  	_ =	shalt  }
0x72: {  	_ =	shalt  }
0x73: {  	_ =	shalt  }
0x74: {  	_ =	shalt  }
0x75: {  	_ =	shalt  }
0x76: {  	_ =	shalt  }
0x77: {  	_ =	shalt  }
0x78: {  	_ =	shalt  }
0x79: {  	_ =	shalt  }
0x7a: {  	_ =	shalt  }
0x7b: {  	_ =	shalt  }
0x7c: {  	_ =	shalt  }
0x7d: {  	_ =	shalt  }
0x7e: {  	_ =	shalt  }
0x7f: {  	_ =	shalt  }
0x80: {  	_ =	shalt  }
0x81: {  	_ =	shalt  }
0x82: {  	_ =	shalt  }
0x83: {  	_ =	shalt  }
0x84: {  	_ =	shalt  }
0x85: {  	_ =	shalt  }
0x86: {  	_ =	shalt  }
0x87: {  	_ =	shalt  }
.Lfunc_end0:
.L_simem_size_0:
called_computation.5_lowered:
.L_overlay_start_0:
0x88: {  	s2 =	sld [smem:$0x3FD9]  }
0x89: {  	s3 =	sld [smem:$0x3FFE];
	_ =	sdelay $0x1  }
0x8a: {  	s1 =	srdreg.scid  }
0x8b: {  	s0 =	sand.u32 $0x1, s1  }
0x8c: {  	s16 =	sshll.u32 s0, $0xA;
	s2 =	sadd.s32 s3, s2  }
0x8d: {  	s2 =	sadd.s32 s2, s16  }
0x8e: {  	[smem:$0x3FBE] =	sst s2  }
0x8f: {  	_ = 	snop  }
0x90: {  	(tm) =	ssettm $0x1  }
0x91: {  	s17 =	sld [smem:$0x3FFB];
	_ =	sdelay $0x3  }
0x92: {  	_ =	strace s17  }
0x93: {  	s2 =	sld [smem:$0x3FFC];
	_ =	sdelay $0x3  }
0x94: {  	_ =	strace s2  }
0x95: {  	s2 =	sld [smem:$0x3FFD];
	_ =	sdelay $0x3  }
0x96: {  	_ =	strace s2  }
0x97: {  	_ =	strace $0x8FFFFFFF  }
0x98: {  	s18 =	sld [smem:$0x3FDB];
	_ =	sdelay $0x1  }
0x99: {  	s19 =	simm.s32 $_scs_section_size  }
0x9a: {  	s4 =	simm.s32 $_size__tile_overlayer_lowered;
	s5 =	simm.s32 $_tile_overlayer_lowered  }
0x9b: {  	s22 =	simm.s32 $0x1BFF;
	s21 =	sshll.u32 s5, $0x1;
	s2 =	sadd.s32 s19, s18  }
0x9c: {  	s6 =	simm.s32 $0x0;
	s20 =	sshll.u32 s4, $0x1;
	s4 =	sadd.s32 s21, s2  }
0x9d: {  	[timem:s6], [sflag:s22] =	dma.local [hbm:s4], s20  }
0x9e: {  	_ =	swait.ge [sflag:s22], s20  }
0x9f: {  	s3 =	ssub.s32 $0x0, s20;
	[sflag:s22] =	ssyncset.done $0x0  }
0xa0: {  	[sflag:s22] =	ssyncadd.s32 s3;
	_ =	sdelay $0x1  }
0xa1: {  	s23 =	simm.s32 $0x1B8B  }
0xa2: {  	_ =	swait.ge [sflag:s23], $0x1  }
0xa3: {  	[sflag:s23] =	ssyncset.done $0x0  }
0xa4: {  	s25 =	simm.s32 $0x1B8E;
	s24 =	sld [smem:$0x3FFE];
	[sflag:s23] =	ssyncadd.s32 $0xFFFFFFFF  }
0xa5: {  	s26 =	simm.s32 $execute0_lowered;
	[smem:$0x3FD2] =	sst s25  }
0xa6: {  	s4 =	sshll.u32 s26, $0x1;
	_ =	strace $0x80000055;
	[dreg:$0x1] =	wrdreg $0xFFFFFFFF  }
0xa7: {  	s28 =	simm.s32 $_size_execute0_lowered;
	s2 =	sadd.s32 s2, s4;
	[dreg:$0x0] =	wrdreg $0x0  }
0xa8: {  	s4 =	sshll.u32 s28, $0x1;
	[dreg:$0x2] =	wrdreg s2  }
0xa9: {  	[dreg:$0x3] =	wrdreg s4  }
0xaa: {  	[dreg:$0x4] =	wrdreg $0xC0  }
0xab: {  	_ =	task [dreg:s6], $0x5FFFF  }
0xac: {  	[dreg:$0x1] =	wrdreg $0xFFFFFFFF  }
0xad: {  	[dreg:$0x0] =	wrdreg $0x60  }
0xae: {  	[dreg:$0x2] =	wrdreg s24  }
0xaf: {  	[dreg:$0x3] =	wrdreg $0x0  }
0xb0: {  	[dreg:$0x4] =	wrdreg $0x28000  }
0xb1: {  	[dreg:$0x5] =	wrdreg $0x9  }
0xb2: {  	_ =	task.clear_ibuf [dreg:s6], $0x6FFFF;
	_ =	strace $0x90000055  }
0xb3: {  	s29 =	simm.s32 $0x9;
	_ =	strace $0x80000057  }
0xb4: {  	_ =	swait.ge [sflag:s29], $0x1  }
0xb5: {  	[sflag:s29] =	ssyncadd.s32 $0xFFFFFFFF  }
0xb6: {  	_ =	strace $0x90000057  }
0xb7: {  	_ =	sfence  }
0xb8: {  	s30 =	sld [smem:$0x0];
	_ =	sdelay $0x2  }
0xb9: {  	s31 =	sshll.u32 s1, $0xD;
	s1 =	sshrl.u32 s1, $0x2  }
0xba: {  	s3 =	sand.u32 $0x4000, s31;
	s1 =	sadd.s32 s1, s30  }
0xbb: {  	s0 =	sor.u32 s3, s0;
	s1 =	sshll.u32 s1, $0x11  }
0xbc: {  	s0 =	sor.u32 s1, s0  }
0xbd: {  	s0 =	sadd.s32 $0x8F2B, s0  }
0xbe: {  	[sflag:s0] =	ssyncadd.remote.s32 $0x1  }
0xbf: {  	_ =	sfence.sel $0xFFFF  }
0xc0: {  	[dreg:$0x0] =	wrdreg $0xFFFFFFFF;
	(pc) =	sbr.abs _section_cstart, $3  }
0xc1: {  	[dreg:$0x1] =	wrdreg $0xFFFFFFFF  }
0xc2: {  	_ =	task.clear_ibuf [dreg:s6], $0x2FFFF;
	_ =	strace $0x9FFFFFFF  }
0xc3: {  	(tm) =	ssettm $0x7FFFFFFF  }
tec
execute0_lowered:
.L_overlay_start_1:
0x0: {  	(tag) =	ssettag $0x1  }
0x1: {  	s0 =	rddreg [dreg:$0x0]  }
0x2: {  	s13 =	stileid.u32;
	s2 =	rddreg [dreg:$0x1]  }
0x3: {  	s1 =	srdreg.scid;
	s3 =	rddreg [dreg:$0x2]  }
0x4: {  	s28 =	simm.s32 $0x80;
	s30 =	simm.s32 $0x2;
	s29 =	simm.s32 $0xE  }
0x5: {  	s31 =	simm.s32 $0xF;
	s1 =	sand.u32 $0x1, s1;
	s6 =	smul.u32 $0x2800, s13  }
0x6: {  	s4 =	sshll.u32 s13, $0x1;
	s8 =	smul.u32 $0x500, s13;
	s10 =	sadd.s32 $0x3400, s0  }
0x7: {  	s17 =	smul.u32 $0x5000, s13;
	s21 =	sshll.u32 s13, $0x6;
	s5 =	sor.u32 s1, s4  }
0x8: {  	s4 =	simm.s32 $0x0;
	s9 =	smul.u32 $0x5000, s1;
	s11 =	ssub.s32 $0x2, s1  }
0x9: {  	s1 =	smul.u32 $0x2800, s1;
	s13 =	sor.u32 $0x1C10, s21;
	s21 =	simm.s32 $0xC  }
0xa: {  	s5 =	smul.u32 $0x2800, s5;
	[smem:$0x7FF] =	sst s4;
	s7 =	sshrl.u32 s6, $0x3  }
0xb: {  	s26 =	sshrl.u32 s11, $0x1;
	s20 =	sadd.s32 s6, s2;
	s6 =	sadd.s32 s6, s3  }
0xc: {  	_ =	strace $0x80000056;
	s7 =	sadd.s32 s7, s0;
	s8 =	sadd.s32 s8, s9  }
0xd: {  	s14 =	ssub.s32 s11, s26;
	[dreg:$0xa] =	wrdreg s20;
	s26 =	sshrl.u32 s6, $0x3  }
0xe: {  	s1 =	sadd.s32 s1, s17;
	s22 =	sadd.s32 $0x17400, s7;
	[dreg:$0xf] =	wrdreg s26  }
0xf: {  	s5 =	sshrl.u32 s5, $0x3;
	s23 =	sadd.s32 $0x1C400, s7;
	[dreg:$0xb] =	wrdreg s22  }
0x10: {  	s1 =	sor.u32 $0x280, s1;
	s24 =	smax.u32 s14, $0x1;
	[dreg:$0xc] =	wrdreg s23  }
0x11: {  	s12 =	sadd.s32 s5, s0;
	s5 =	sadd.s32 s10, s5;
	[dreg:$0xe] =	wrdreg s24  }
0x12: {  	s26 =	simm.s32 $0x1;
	s15 =	sadd.s32 $0xD400, s12;
	[dreg:$0x4] =	wrdreg s5  }
0x13: {  	s0 =	sadd.s32 s8, s0;
	s16 =	sadd.s32 $0x10, s5;
	[dreg:$0x5] =	wrdreg s15  }
0x14: {  	s25 =	sshrl.u32 s1, $0x3;
	s18 =	sadd.s32 $0x20, s5;
	[dreg:$0x6] =	wrdreg s16  }
0x15: {  	s23 =	simm.s32 $0x10;
	s19 =	sadd.s32 $0x30, s5;
	[dreg:$0x7] =	wrdreg s18  }
0x16: {  	s1 =	simm.s32 $0x3;
	s5 =	sadd.s32 $0x40, s5;
	[dreg:$0x8] =	wrdreg s19  }
0x17: {  	s22 =	simm.s32 $0xD;
	s0 =	sadd.s32 $0x21400, s0;
	[dreg:$0x9] =	wrdreg s5  }
0x18: {  	s17 =	sadd.s32 s25, s10;
	[dreg:$0xd] =	wrdreg s0;
	s0 =	simm.s32 $0x0  }
.LBB2_1:
0x19: {  	s5 =	rddreg [dreg:$0x5]  }
0x1a: {  	s9 =	simm.s32 $0x5300;
	s19 =	rddreg [dreg:$0x4]  }
0x1b: {  	[tilespmem:s9], [sflag:$0x7] =	stream.linear.gather [hbm4b:s5+s4], $0x2800, $0x38;
	[tilespmem:$0x9B00] =	vst v63  }
0x1c: {  	s7 =	simm.s32 $0x5000;
	s20 =	rddreg [dreg:$0x6]  }
0x1d: {  	[tilespmem:s7], [sflag:$0x1] =	stream.linear.gather [hbm4b:s19+s4], $0x80, $0x38;
	[tilespmem:$0x9B00] =	vst v63  }
0x1e: {  	s8 =	simm.s32 $0x5080;
	s24 =	rddreg [dreg:$0x7]  }
0x1f: {  	[tilespmem:s8], [sflag:$0x2] =	stream.linear.gather [hbm4b:s20+s4], $0x80, $0x38;
	[tilespmem:$0x9B00] =	vst v63  }
0x20: {  	s10 =	simm.s32 $0x5100;
	s25 =	rddreg [dreg:$0x8]  }
0x21: {  	[tilespmem:s10], [sflag:$0x3] =	stream.linear.gather [hbm4b:s24+s4], $0x80, $0x38;
	[tilespmem:$0x9B00] =	vst v63  }
0x22: {  	s6 =	simm.s32 $0x5180;
	s12 =	rddreg [dreg:$0xa]  }
0x23: {  	[tilespmem:s6], [sflag:$0x4] =	stream.linear.gather [hbm4b:s25+s4], $0x80, $0x38;
	[tilespmem:$0x9B00] =	vst v63  }
0x24: {  	s11 =	simm.s32 $0x5200;
	s6 =	rddreg [dreg:$0x9]  }
0x25: {  	[tilespmem:s11], [sflag:$0x5] =	stream.linear.gather [hbm4b:s6+s4], $0x80, $0x38;
	[tilespmem:$0x9B00] =	vst v63  }
0x26: {  	s14 =	rddreg [dreg:$0xb];
	s6 =	sshrl.u32 s12, $0x3  }
0x27: {  	[spmem:s6], [sflag:s13] =	dma.local [hbm:s14], $0x500  }
0x28: {  	_ =	swait.ge [sflag:s23], $0x500  }
0x29: {  	[sflag:s23] =	ssyncset.done $0x0;
	s15 =	rddreg [dreg:$0xc]  }
0x2a: {  	s11 =	rddreg [dreg:$0xf];
	[sflag:s23] =	ssyncadd.s32 $0xFFFFFB00  }
0x2b: {  	[spmem:s11], [sflag:s13] =	dma.local [hbm:s15], $0x500  }
0x2c: {  	_ =	swait.ge [sflag:s23], $0x500  }
0x2d: {  	[sflag:s23] =	ssyncset.done $0x0  }
0x2e: {  	s16 =	simm.s32 $0x7;
	[sflag:s23] =	ssyncadd.s32 $0xFFFFFB00  }
0x2f: {  	_ =	swait.ge [sflag:s16], $0x2800  }
0x30: {  	[sflag:s16] =	ssyncset.done $0x0  }
0x31: {  	[sflag:s16] =	ssyncadd.s32 $0xFFFFD800  }
0x32: {  	[bflag:$0x0] =	sbarrier.arrive $0xFFFF  }
0x33: {  	_ =	swait.ge [sflag:s26], $0x80  }
0x34: {  	[sflag:s26] =	ssyncset.done $0x0  }
0x35: {  	s18 =	simm.s32 $0x7B00;
	[sflag:s26] =	ssyncadd.s32 $0xFFFFFF80  }
0x36: {  	[tilespmem:s18], [sflag:$0x8] =	stream.indirect.gather [spmem:s3], $0x10, s7, s28, $0xb8;
	[tilespmem:$0x9B00] =	vst v63  }
0x37: {  	p1 =	por $0x0, $0x0;
	s7 =	simm.s32 $0x5  }
0x38: {  	p0 =	por $0x0, $0x0;
	_ =	swait.ge [sflag:s30], $0x80;
	s7 =	smul.u32 @!p1 $0xAB, s7  }
0x39: {  	s19 =	simm.s32 $0x8300;
	s24 =	simm.s32 $0x0;
	[sflag:s30] =	ssyncset.done $0x0  }
0x3a: {  	s12 =	sand.u32 $0x3, s24;
	[sflag:s30] =	ssyncadd.s32 $0xFFFFFF80;
	s7 =	sshrl.u32 @!p1 s7, $0xA  }
0x3b: {  	[tilespmem:s19], [sflag:$0x9] =	stream.indirect.gather [spmem:s3], $0x10, s8, s28, $0xb8;
	[tilespmem:$0x9B00] =	vst v63  }
0x3c: {  	s20 =	simm.s32 $0x8B00;
	s14 =	sshll.u32 s12, $0xB;
	s7 =	sand.u32 @!p1 $0x3F, s7  }
0x3d: {  	s25 =	sor.u32 $0xC, s12;
	_ =	swait.ge [sflag:s1], $0x80;
	s11 =	smul.u32 @!p1 $0x6, s7  }
0x3e: {  	s12 =	sor.u32 $0x8, s12;
	s14 =	sadd.s32 $0x7B00, s14;
	[sflag:s1] =	ssyncset.done $0x0  }
0x3f: {  	s15 =	simm.s32 $0x3;
	[sflag:s1] =	ssyncadd.s32 $0xFFFFFF80;
	s11 =	ssub.s32 @!p1 $0x5, s11  }
0x40: {  	[tilespmem:s20], [sflag:$0xA] =	stream.indirect.gather [spmem:s3], $0x10, s10, s28, $0xb8;
	[tilespmem:$0x9B00] =	vst v63  }
0x41: {  	s18 =	simm.s32 @!p1 $0x0;
	s8 =	sadd.s32 $0x10, s17;
	s11 =	sand.u32 @!p1 $0xFF, s11  }
0x42: {  	s19 =	smul.u32 @!p0 $0xAB, s15;
	s7 =	simm.s32 $0x6;
	s16 =	sshll.u32 @!p1 s11, $0x7  }
0x43: {  	s10 =	simm.s32 $0x7;
	s11 =	sadd.s32 @!p1 $0x1, s11;
	s16 =	sor.u32 @!p1 $0x5000, s16  }
0x44: {  	[tilespmem:s16], [sflag:s11] =	stream.linear.gather @!p1 [hbm4b:s17+s18], $0x80, $0x38;
	[tilespmem:$0x9B00] =	vst v63  }
0x45: {  	s11 =	sand.u32 @!p0 $0x3, s15;
	s15 =	sshrl.u32 @!p0 s19, $0xA;
	_ =	swait.ge [sflag:s12], $0x800  }
0x46: {  	p1 =	por @!p0 $0x1, $0x1;
	s15 =	sand.u32 @!p0 $0x3F, s15;
	[sflag:s12] =	ssyncset.done $0x0  }
0x47: {  	p1 =	por p1, p0;
	[sflag:s12] =	ssyncadd.s32 $0xFFFFF800;
	s12 =	smul.u32 @!p0 $0x6, s15  }
0x48: {  	[spmem:s2] =	stream.indirect.scatter.add.f32 [tilespmem:s14], [sflag:s25], $0x10, s9, s28, $0xb8;
	[tilespmem:$0x9B00] =	vst v63  }
0x49: {  	s19 =	sshll.u32 @!p0 s11, $0xB;
	s14 =	sor.u32 @!p1 $0xC, s11;
	s12 =	ssub.s32 @!p0 $0x3, s12  }
0x4a: {  	s19 =	sadd.s32 @!p0 $0x7B00, s19;
	_ =	swait.ge @!p1 [sflag:s14], $0x800;
	s12 =	sand.u32 @!p0 $0xFF, s12  }
0x4b: {  	s9 =	simm.s32 $0x5380;
	[sflag:s14] =	ssyncset.done @!p1 $0x0;
	s15 =	sadd.s32 @!p0 $0x1, s12  }
0x4c: {  	s16 =	sshll.u32 @!p0 s12, $0x7;
	s12 =	simm.s32 $0x1;
	[sflag:s14] =	ssyncadd.s32 @!p1 $0xFFFFF800  }
0x4d: {  	p1 =	por $0x0, $0x0;
	s18 =	sor.u32 @!p0 $0x5000, s16;
	_ =	swait.ge @!p0 [sflag:s15], $0x80  }
0x4e: {  	s14 =	sand.u32 $0x3, s12;
	s16 =	smul.u32 @!p1 $0xAB, s7;
	[sflag:s15] =	ssyncset.done @!p0 $0x0  }
.LBB2_2:
0x4f: {  	s20 =	sshll.u32 s14, $0xB;
	[sflag:s15] =	ssyncadd.s32 @!p0 $0xFFFFFF80;
	s11 =	sor.u32 @!p0 $0x8, s11  }
0x50: {  	s15 =	smov.u32 s7;
	s7 =	smov.u32 s10;
	s24 =	smov.u32 s8  }
0x51: {  	s10 =	sadd.s32 $0x1, s10;
	s5 =	smov.u32 s9;
	s16 =	sshrl.u32 @!p1 s16, $0xA  }
0x52: {  	s25 =	simm.s32 @!p0 $0x80;
	p2 =	sne.s32 s10, $0x55;
	s16 =	sand.u32 @!p1 $0x3F, s16  }
0x53: {  	s8 =	sadd.s32 $0x10, s8;
	s9 =	sadd.s32 $0x80, s9;
	s16 =	smul.u32 @!p1 $0x6, s16  }
0x54: {  	[tilespmem:s19], [sflag:s11] =	stream.indirect.gather @!p0 [spmem:s3], $0x10, s18, s25, $0xb8;
	[tilespmem:$0x9B00] =	vst v63  }
0x55: {  	s18 =	sadd.s32 $0xFFFFFFFE, s15;
	s11 =	ssub.s32 @!p1 s15, s16;
	s16 =	sor.u32 $0xC, s14  }
0x56: {  	s19 =	sadd.s32 $0x7B00, s20;
	s14 =	sor.u32 $0x8, s14;
	s11 =	sand.u32 @!p1 $0xFF, s11  }
0x57: {  	p0 =	sgt.u32 s12, $0x4C;
	s20 =	sshll.u32 @!p1 s11, $0x7;
	s11 =	sadd.s32 @!p1 $0x1, s11  }
0x58: {  	s25 =	smul.u32 @!p0 $0xAB, s18;
	s12 =	sor.u32 @!p1 $0x5000, s20;
	s20 =	simm.s32 @!p1 $0x0  }
0x59: {  	[tilespmem:s12], [sflag:s11] =	stream.linear.gather @!p1 [hbm4b:s24+s20], $0x80, $0x38;
	[tilespmem:$0x9B00] =	vst v63  }
0x5a: {  	s11 =	sand.u32 @!p0 $0x3, s18;
	s12 =	sshrl.u32 @!p0 s25, $0xA;
	_ =	swait.ge [sflag:s14], $0x800  }
0x5b: {  	p1 =	seq.s32 @!p0 s15, $0x5;
	s12 =	sand.u32 @!p0 $0x3F, s12;
	[sflag:s14] =	ssyncset.done $0x0  }
0x5c: {  	p1 =	por p1, p0;
	s12 =	smul.u32 @!p0 $0x6, s12;
	[sflag:s14] =	ssyncadd.s32 $0xFFFFF800  }
0x5d: {  	[spmem:s2] =	stream.indirect.scatter.add.f32 [tilespmem:s19], [sflag:s16], $0x10, s5, s28, $0xb8;
	[tilespmem:$0x9B00] =	vst v63  }
0x5e: {  	s5 =	sor.u32 @!p1 $0xC, s11;
	s12 =	ssub.s32 @!p0 s18, s12;
	s19 =	sshll.u32 @!p0 s11, $0xB  }
.Ltmp0:
0x5f: {  	s12 =	sand.u32 @!p0 $0xFF, s12;
	_ =	swait.ge @!p1 [sflag:s5], $0x800;
	(pc) =	sbr.rel @p2 .LBB2_2-.Ltmp0, $4  }
0x60: {  	s15 =	sadd.s32 @!p0 $0x1, s12;
	s14 =	sshll.u32 @!p0 s12, $0x7;
	[sflag:s5] =	ssyncset.done @!p1 $0x0  }
0x61: {  	s12 =	sadd.s32 $0xFFFFFFFB, s7;
	s18 =	sor.u32 @!p0 $0x5000, s14;
	[sflag:s5] =	ssyncadd.s32 @!p1 $0xFFFFF800  }
0x62: {  	s14 =	sand.u32 $0x3, s12;
	p1 =	sgt.u32 s12, $0x4A;
	_ =	swait.ge @!p0 [sflag:s15], $0x80  }
0x63: {  	s19 =	sadd.s32 @!p0 $0x7B00, s19;
	s16 =	smul.u32 @!p1 $0xAB, s7;
	[sflag:s15] =	ssyncset.done @!p0 $0x0  }
0x64: {  	_ = 	snop  }
0x65: {  	s5 =	sshrl.u32 @!p1 s16, $0xA  }
0x66: {  	[sflag:s15] =	ssyncadd.s32 @!p0 $0xFFFFFF80;
	s5 =	sand.u32 @!p1 $0x3F, s5  }
0x67: {  	s11 =	sor.u32 @!p0 $0x8, s11;
	s15 =	simm.s32 @!p0 $0x80;
	s5 =	smul.u32 @!p1 $0x6, s5  }
0x68: {  	[tilespmem:s19], [sflag:s11] =	stream.indirect.gather @!p0 [spmem:s3], $0x10, s18, s15, $0xb8;
	[tilespmem:$0x9B00] =	vst v63  }
0x69: {  	s10 =	sshll.u32 s14, $0xB;
	s5 =	ssub.s32 @!p1 s7, s5  }
0x6a: {  	s15 =	sadd.s32 $0xFFFFFFFE, s7;
	p0 =	sgt.u32 s12, $0x4C;
	s5 =	sand.u32 @!p1 $0xFF, s5  }
0x6b: {  	s20 =	sor.u32 $0x8, s14;
	s18 =	smul.u32 @!p0 $0xAB, s15;
	s16 =	sshll.u32 @!p1 s5, $0x7  }
0x6c: {  	s5 =	sadd.s32 @!p1 $0x1, s5;
	s12 =	sor.u32 @!p1 $0x5000, s16;
	s16 =	simm.s32 @!p1 $0x0  }
0x6d: {  	[tilespmem:s12], [sflag:s5] =	stream.linear.gather @!p1 [hbm4b:s8+s16], $0x80, $0x38;
	[tilespmem:$0x9B00] =	vst v63  }
0x6e: {  	s19 =	sor.u32 $0xC, s14;
	s10 =	sadd.s32 $0x7B00, s10;
	s5 =	sand.u32 @!p0 $0x3, s15  }
0x6f: {  	s8 =	sshrl.u32 @!p0 s18, $0xA;
	p1 =	seq.s32 @!p0 s7, $0x5;
	_ =	swait.ge [sflag:s20], $0x800  }
0x70: {  	s7 =	sand.u32 @!p0 $0x3F, s8;
	p1 =	por p1, p0;
	[sflag:s20] =	ssyncset.done $0x0  }
0x71: {  	s7 =	smul.u32 @!p0 $0x6, s7;
	s8 =	sor.u32 @!p1 $0xC, s5;
	[sflag:s20] =	ssyncadd.s32 $0xFFFFF800  }
0x72: {  	[spmem:s2] =	stream.indirect.scatter.add.f32 [tilespmem:s10], [sflag:s19], $0x10, s9, s28, $0xb8;
	[tilespmem:$0x9B00] =	vst v63  }
0x73: {  	s7 =	ssub.s32 @!p0 s15, s7;
	_ =	swait.ge @!p1 [sflag:s8], $0x800  }
0x74: {  	s7 =	sand.u32 @!p0 $0xFF, s7;
	[sflag:s8] =	ssyncset.done @!p1 $0x0  }
0x75: {  	s9 =	sadd.s32 @!p0 $0x1, s7;
	[sflag:s8] =	ssyncadd.s32 @!p1 $0xFFFFF800  }
0x76: {  	s7 =	sshll.u32 @!p0 s7, $0x7;
	s8 =	sshll.u32 @!p0 s5, $0xB;
	_ =	swait.ge @!p0 [sflag:s9], $0x80  }
0x77: {  	s7 =	sor.u32 @!p0 $0x5000, s7;
	s5 =	sor.u32 @!p0 $0x8, s5;
	[sflag:s9] =	ssyncset.done @!p0 $0x0  }
0x78: {  	s8 =	sadd.s32 @!p0 $0x7B00, s8;
	[sflag:s9] =	ssyncadd.s32 @!p0 $0xFFFFFF80;
	s9 =	simm.s32 @!p0 $0x80  }
0x79: {  	[tilespmem:s8], [sflag:s5] =	stream.indirect.gather @!p0 [spmem:s3], $0x10, s7, s9, $0xb8;
	[tilespmem:$0x9B00] =	vst v63  }
0x7a: {  	_ =	swait.ge [sflag:s21], $0x800  }
0x7b: {  	[sflag:s21] =	ssyncset.done $0x0  }
0x7c: {  	[sflag:s21] =	ssyncadd.s32 $0xFFFFF800  }
0x7d: {  	_ =	swait.ge [sflag:s22], $0x800  }
0x7e: {  	[sflag:s22] =	ssyncset.done $0x0  }
0x7f: {  	[sflag:s22] =	ssyncadd.s32 $0xFFFFF800  }
0x80: {  	_ =	swait.ge [sflag:s29], $0x800  }
0x81: {  	[sflag:s29] =	ssyncset.done $0x0  }
0x82: {  	[sflag:s29] =	ssyncadd.s32 $0xFFFFF800  }
0x83: {  	_ =	swait.ge [sflag:s31], $0x800  }
0x84: {  	[sflag:s31] =	ssyncset.done $0x0  }
0x85: {  	[sflag:s31] =	ssyncadd.s32 $0xFFFFF800  }
0x86: {  	[bflag:$0x0] =	sbarrier.arrive $0xFFFF  }
0x87: {  	s24 =	rddreg [dreg:$0xd]  }
0x88: {  	[hbm:s24], [sflag:s13] =	dma.local [spmem:s6], $0x500  }
0x89: {  	_ =	swait.ge [sflag:s23], $0x500  }
0x8a: {  	s0 =	sadd.s32 $0x1, s0;
	s25 =	rddreg [dreg:$0xe]  }
0x8b: {  	p0 =	sne.s32 s0, s25  }
.Ltmp1:
0x8c: {  	_ = 	snop;
	(pc) =	sbr.rel @p0 .LBB2_1-.Ltmp1, $3  }
0x8d: {  	_ =	sdelay $0x1  }
0x8e: {  	[sflag:s23] =	ssyncset.done $0x0  }
0x8f: {  	[sflag:s23] =	ssyncadd.s32 $0xFFFFFB00  }
0x90: {  	_ =	sfence.sel $0x180000  }
0x91: {  	[bflag:$0x0] =	sbarrier.arrive $0xFFFF  }
0x92: {  	_ =	strace $0x90000056  }
0x93: {  	s0 =	stileid.u32;
	[bflag:$0x2] =	sbarrier.arrive $0xFFFF  }
0x94: {  	p0 =	sne.s32 s0, $0x0;
	s0 =	rddreg [dreg:$0x3]  }
0x95: {  	s0 =	sadd.s32 @!p0 $0x100000, s0  }
0x96: {  	[sflag:s0] =	ssyncadd.tile.s32 @!p0 $0x1;
	_ =	shalt  }
.Lfunc_end2:
_tile_overlayer_lowered:
.L_overlay_start_2:
0x97: {  	(tag) =	ssettag $0x2  }
0x98: {  	s0 =	rddreg [dreg:$0x0];
	s2 =	stileid.u32  }
0x99: {  	s1 =	rddreg [dreg:$0x1];
	p0 =	sne.s32 s2, $0x0  }
0x9a: {  	s3 =	rddreg [dreg:$0x2];
	[bflag:$0x3] =	sbarrier.arrive $0xFFFF;
	s2 =	simm.s32 @!p0 $0x1C10  }
0x9b: {  	[timem:s3], [sflag:s2] =	dma.local @!p0 [hbm:s0], s1  }
0x9c: {  	s0 =	simm.s32 @!p0 $0x10  }
0x9d: {  	_ =	swait.ge @!p0 [sflag:s0], s1  }
0x9e: {  	s1 =	ssub.s32 @!p0 $0x0, s1;
	[sflag:s0] =	ssyncset.done @!p0 $0x0  }
0x9f: {  	[sflag:s0] =	ssyncadd.s32 @!p0 s1  }
0xa0: {  	[bflag:$0x3] =	sbarrier.arrive $0xFFFF  }
0xa1: {  	_ =	shalt  }

</sc_bundles>
